<compile_context>
chip_gen: v7x
topology: tpu7x:2x2x1
jax: 0.10.2.dev20260603
libtpu: 0.0.44.dev20260713+nightly
codegen_flags: <defaults>
</compile_context>

<pallas_src>
import functools

import jax
import jax.numpy as jnp
from jax import lax
from jax.experimental import pallas as pl
from jax.experimental.pallas import tpu as pltpu
from jax.experimental.pallas import tpu_sc as plsc

_N = 10000
_D = 128
_E = 320000

_NW = 32
_C = 128
_K = 80
_EPAD = _NW * _K * _C
_NPAD = 10112
_RPW = _NPAD // 16

_f32 = jnp.float32


def _sc_spmm():
    scratch = [
        pltpu.VMEM((_K, _C), jnp.int32),
        pltpu.VMEM((2, _C), jnp.int32),
        pltpu.VMEM((2, _C), jnp.int32),
        pltpu.VMEM((2, _C, _D), _f32),
        pltpu.VMEM_SHARED((_NPAD, _D), _f32),
        pltpu.SemaphoreType.DMA,
        pltpu.SemaphoreType.DMA,
    ]

    def body(h_hbm, pk_hbm, agg_out, pk_v, sidx, didx, rb, agg_sh,
             gsem0, gsem1):
        c = lax.axis_index("c")
        s = lax.axis_index("s")
        wid = s * 2 + c
        base = s * _RPW
        gsems = (gsem0, gsem1)

        pltpu.sync_copy(pk_hbm.at[wid], pk_v)

        def zrow(i, carry):
            for j in range(_D // 16):
                rb[0, i, pl.ds(j * 16, 16)] = jnp.zeros((16,), _f32)
            return carry
        lax.fori_loop(0, _C, zrow, 0)

        def zagg(k, carry):
            pltpu.sync_copy(rb.at[0], agg_sh.at[pl.ds(base + k * _C, _C)])
            return carry
        lax.fori_loop(0, _RPW // _C, zagg, 0)
        rem = _RPW % _C
        if rem:
            pltpu.sync_copy(rb.at[0, pl.ds(0, rem)],
                            agg_sh.at[pl.ds(base + _RPW - rem, rem)])

        plsc.subcore_barrier()

        def unpack(g, b):
            for j in range(_C // 16):
                v = pk_v[g, pl.ds(j * 16, 16)]
                sidx[b, pl.ds(j * 16, 16)] = v & 0xFFFF
                didx[b, pl.ds(j * 16, 16)] = v >> 16

        def start_gather(b):
            pltpu.async_copy(h_hbm.at[sidx.at[b]], rb.at[b], gsems[b])

        def wait_gather(b):
            pltpu.make_async_copy(h_hbm.at[sidx.at[b]], rb.at[b],
                                  gsems[b]).wait()

        def scatter(b):
            pltpu.sync_copy(rb.at[b], agg_sh.at[didx.at[b]], add=True)

        for b in (0, 1):
            unpack(b, b)
            start_gather(b)

        def pair(p, carry):
            g = p * 2
            for b in (0, 1):
                wait_gather(b)
                scatter(b)
                unpack(g + b + 2, b)
                start_gather(b)
            return carry
        lax.fori_loop(0, (_K - 2) // 2, pair, 0)

        for b in (0, 1):
            wait_gather(b)
            scatter(b)

        plsc.subcore_barrier()

        pltpu.sync_copy(agg_sh.at[pl.ds(base, _RPW)],
                        agg_out.at[c, pl.ds(base, _RPW)])

    return pl.kernel(
        body,
        out_type=jax.ShapeDtypeStruct((2, _NPAD, _D), _f32),
        mesh=plsc.VectorSubcoreMesh(core_axis_name="c", subcore_axis_name="s"),
        scratch_types=scratch,
    )


def _sc_spmm_deg():
    scratch = [
        pltpu.VMEM((_K, _C), jnp.int32),
        pltpu.VMEM((2, _C), jnp.int32),
        pltpu.VMEM((2, _C), jnp.int32),
        pltpu.VMEM((2, _C, _D), _f32),
        pltpu.VMEM_SHARED((_NPAD, _D), _f32),
        pltpu.SemaphoreType.DMA,
        pltpu.SemaphoreType.DMA,
    ]

    def body(h_hbm, pk_hbm, agg_out, deg_out, pk_v, sidx, didx, rb, agg_sh,
             gsem0, gsem1):
        c = lax.axis_index("c")
        s = lax.axis_index("s")
        wid = s * 2 + c
        base = s * _RPW
        gsems = (gsem0, gsem1)

        pltpu.sync_copy(pk_hbm.at[wid], pk_v)

        def z01(i, carry):
            for j in range(_D // 16):
                rb[0, i, pl.ds(j * 16, 16)] = jnp.zeros((16,), _f32)
                rb[1, i, pl.ds(j * 16, 16)] = jnp.ones((16,), _f32)
            return carry
        lax.fori_loop(0, _C, z01, 0)

        def zagg(k, carry):
            pltpu.sync_copy(rb.at[0], agg_sh.at[pl.ds(base + k * _C, _C)])
            return carry

        def zero_acc():
            lax.fori_loop(0, _RPW // _C, zagg, 0)
            rem = _RPW % _C
            if rem:
                pltpu.sync_copy(rb.at[0, pl.ds(0, rem)],
                                agg_sh.at[pl.ds(base + _RPW - rem, rem)])

        zero_acc()
        plsc.subcore_barrier()

        def unpack_dst(g, carry):
            for j in range(_C // 16):
                didx[0, pl.ds(j * 16, 16)] = pk_v[g, pl.ds(j * 16, 16)] >> 16
            return carry

        def deg_chunk(g, carry):
            unpack_dst(g, carry)
            pltpu.sync_copy(rb.at[1], agg_sh.at[didx.at[0]], add=True)
            return carry
        lax.fori_loop(0, _K, deg_chunk, 0)

        plsc.subcore_barrier()
        pltpu.sync_copy(agg_sh.at[pl.ds(base, _RPW)],
                        deg_out.at[c, pl.ds(base, _RPW)])
        zero_acc()
        plsc.subcore_barrier()

        def unpack(g, b):
            for j in range(_C // 16):
                v = pk_v[g, pl.ds(j * 16, 16)]
                sidx[b, pl.ds(j * 16, 16)] = v & 0xFFFF
                didx[b, pl.ds(j * 16, 16)] = v >> 16

        def start_gather(b):
            pltpu.async_copy(h_hbm.at[sidx.at[b]], rb.at[b], gsems[b])

        def wait_gather(b):
            pltpu.make_async_copy(h_hbm.at[sidx.at[b]], rb.at[b],
                                  gsems[b]).wait()

        def scatter(b):
            pltpu.sync_copy(rb.at[b], agg_sh.at[didx.at[b]], add=True)

        for b in (0, 1):
            unpack(b, b)
            start_gather(b)

        def pair(p, carry):
            g = p * 2
            for b in (0, 1):
                wait_gather(b)
                scatter(b)
                unpack(g + b + 2, b)
                start_gather(b)
            return carry
        lax.fori_loop(0, (_K - 2) // 2, pair, 0)

        for b in (0, 1):
            wait_gather(b)
            scatter(b)

        plsc.subcore_barrier()
        pltpu.sync_copy(agg_sh.at[pl.ds(base, _RPW)],
                        agg_out.at[c, pl.ds(base, _RPW)])

    return pl.kernel(
        body,
        out_type=(jax.ShapeDtypeStruct((2, _NPAD, _D), _f32),
                  jax.ShapeDtypeStruct((2, _NPAD, _D), _f32)),
        mesh=plsc.VectorSubcoreMesh(core_axis_name="c", subcore_axis_name="s"),
        scratch_types=scratch,
    )


_GRID = 25
_BR = _N // _GRID


def _row_spec():
    return pl.BlockSpec((_BR, _D), lambda i: (i, 0))


def _w_spec():
    return pl.BlockSpec((_D, _D), lambda i: (0, 0))


def _b_spec():
    return pl.BlockSpec((1, _D), lambda i: (0, 0))


def _agg_spec():
    return pl.BlockSpec((2, _BR, _D), lambda i: (0, i, 0))


def _deg_spec():
    return pl.BlockSpec((2, _BR, _D), lambda i: (0, i, 0))


def _tc_y0(x, W0, b0):
    def body(xr, w0r, b0r, y0r):
        y0r[...] = jnp.dot(xr[...], w0r[...],
                           preferred_element_type=_f32) + b0r[...]

    return pl.pallas_call(
        body,
        grid=(_GRID,),
        in_specs=[_row_spec(), _w_spec(), _b_spec()],
        out_specs=_row_spec(),
        out_shape=jax.ShapeDtypeStruct((_N, _D), _f32),
    )(x, W0, b0.reshape(1, _D))


def _tc_comb(relu, y0, aggp, degp, W1, b1):
    def body(y0r, aggr, degr, w1r, b1r, xo):
        av = aggr[...]
        agg = av[0] + av[1]
        dv = degr[...]
        deg = dv[0, :, 0:1] + dv[1, :, 0:1]
        m = agg / jnp.maximum(deg, 1.0)
        x = (y0r[...] + jnp.dot(m, w1r[...], preferred_element_type=_f32)
             + b1r[...] * jnp.where(deg > 0.0, 1.0, 0.0))
        if relu:
            x = jnp.maximum(x, 0.0)
        xo[...] = x

    return pl.pallas_call(
        body,
        grid=(_GRID,),
        in_specs=[_row_spec(), _agg_spec(), _deg_spec(),
                  _w_spec(), _b_spec()],
        out_specs=_row_spec(),
        out_shape=jax.ShapeDtypeStruct((_N, _D), _f32),
    )(y0, aggp, degp, W1, b1.reshape(1, _D))


def _tc_final(y0, aggp, degp, W1, b1, res):
    def body(y0r, aggr, degr, w1r, b1r, resr, outr):
        av = aggr[...]
        agg = av[0] + av[1]
        dv = degr[...]
        deg = dv[0, :, 0:1] + dv[1, :, 0:1]
        m = agg / jnp.maximum(deg, 1.0)
        x = (y0r[...] + jnp.dot(m, w1r[...], preferred_element_type=_f32)
             + b1r[...] * jnp.where(deg > 0.0, 1.0, 0.0) + resr[...])
        outr[...] = jnp.maximum(x, 0.0)

    return pl.pallas_call(
        body,
        grid=(_GRID,),
        in_specs=[_row_spec(), _agg_spec(), _deg_spec(),
                  _w_spec(), _b_spec(), _row_spec()],
        out_specs=_row_spec(),
        out_shape=jax.ShapeDtypeStruct((_N, _D), _f32),
    )(y0, aggp, degp, W1, b1.reshape(1, _D), res)


@jax.jit
def kernel(features, edges, dis, W0_0, b0_0, W1_0, b1_0,
           W0_1, b0_1, W1_1, b1_1, W0_2, b0_2, W1_2, b1_2):
    del dis
    src = edges[0]
    dst = edges[1]
    padlen = _EPAD - _E
    ar = jnp.arange(padlen, dtype=jnp.int32)
    src_p = jnp.concatenate([src, ar % _N])
    dst_p = jnp.concatenate([dst, _N + (ar % (_NPAD - _N))])
    pk_r = (src_p + dst_p * 65536).reshape(_NW, _K, _C)

    aggp0, degp = _sc_spmm_deg()(features, pk_r)
    y00 = _tc_y0(features, W0_0, b0_0)
    x1 = _tc_comb(False, y00, aggp0, degp, W1_0, b1_0)
    aggp1 = _sc_spmm()(x1, pk_r)
    y01 = _tc_y0(x1, W0_1, b0_1)
    x2 = _tc_comb(True, y01, aggp1, degp, W1_1, b1_1)
    aggp2 = _sc_spmm()(x2, pk_r)
    y02 = _tc_y0(x2, W0_2, b0_2)
    return _tc_final(y02, aggp2, degp, W1_2, b1_2, features)

# --- scband reference (transcript-rebuilt; emitter-appended) ---
"""Pipeline reference for scband-features2-features-residual-79328045957691 (READ-ONLY COPY).

The authoritative reference and input builder live on the scoring server;
editing this copy changes nothing except your own understanding.
"""

import jax, jax.numpy as jnp
import numpy as np

N = 10000
E = 320000
D = 128


def _gc(x, src, dst, W0, b0, W1, b1):
    # pytorch3d-style GraphConv with degree normalization (GraphConvNorm):
    # out = w0(x) + (sum over incoming edges of w1(x_src)) / degree(dst)
    y0 = x @ W0 + b0
    msg = (x @ W1 + b1)[src]
    agg = jax.ops.segment_sum(msg, dst, num_segments=N)
    deg = jnp.maximum(jnp.bincount(dst, length=N), 1).astype(x.dtype)
    return y0 + agg / deg[:, None]


def setup_inputs(seed: int = 0):
    key = jax.random.key(seed)
    ks = jax.random.split(key, 16)
    inp = {}
    inp['features'] = jax.random.normal(ks[0], (N, D), dtype=jnp.float32)
    inp['edges'] = jax.random.randint(ks[1], (2, E), 0, N, dtype=jnp.int32)
    inp['dis'] = jax.random.normal(ks[2], (E,), dtype=jnp.float32)
    s = 1.0 / np.sqrt(D)
    for li in range(3):
        inp['W0_%d' % li] = jax.random.normal(ks[3 + 4 * li], (D, D), dtype=jnp.float32) * s
        inp['b0_%d' % li] = jnp.zeros((D,), dtype=jnp.float32)
        inp['W1_%d' % li] = jax.random.normal(ks[4 + 4 * li], (D, D), dtype=jnp.float32) * s
        inp['b1_%d' % li] = jnp.zeros((D,), dtype=jnp.float32)
    return inp


def reference(features, edges, dis, W0_0, b0_0, W1_0, b1_0, W0_1, b0_1, W1_1, b1_1, W0_2, b0_2, W1_2, b1_2):
    # Features2FeaturesResidual.forward: norm layers and self.linear are defined
    # but never applied in the original forward, so they are omitted here.
    # dis is passed through to GraphConvNorm which ignores it.
    src, dst = edges[0], edges[1]
    res = features
    x = _gc(features, src, dst, W0_0, b0_0, W1_0, b1_0)  # gconv_first, no relu
    x = jax.nn.relu(_gc(x, src, dst, W0_1, b0_1, W1_1, b1_1))  # hidden 1
    x = jax.nn.relu(_gc(x, src, dst, W0_2, b0_2, W1_2, b1_2) + res)  # hidden 2 (last) + residual
    return x

if __name__ == "__main__":
    import jax
    _d = setup_inputs()
    print(jax.jit(kernel)(*tuple(_d.values())))

</pallas_src>

<mosaic_0001>
#map = affine_map<(d0, d1) -> (0, 0)>
#map1 = affine_map<(d0, d1) -> (0, 0, 0)>
module attributes {stable_mosaic.version = 14 : i64} {
  func.func @body(%arg0: i32, %arg1: i32, %arg2: memref<10000x128xf32, #tpu.memory_space<hbm>>, %arg3: memref<32x80x128xi32, #tpu.memory_space<hbm>>, %arg4: memref<2x10112x128xf32, #tpu.memory_space<hbm>>, %arg5: memref<80x128xi32, #tpu.memory_space<vmem>>, %arg6: memref<2x128xi32, #tpu.memory_space<vmem>>, %arg7: memref<2x128xi32, #tpu.memory_space<vmem>>, %arg8: memref<2x128x128xf32, #tpu.memory_space<vmem>>, %arg9: memref<10112x128xf32, #tpu.memory_space<vmem_shared>>, %arg10: memref<!tpu.dma_semaphore, #tpu.memory_space<semaphore_mem>>, %arg11: memref<!tpu.dma_semaphore, #tpu.memory_space<semaphore_mem>>) attributes {dimension_semantics = [#tpu.dimension_semantics<core_parallel>, #tpu.dimension_semantics<subcore_parallel>], iteration_bounds = array<i64: 2, 16>, scalar_prefetch = 0 : i64, scratch_operands = 7 : i64, tpu.core_type = #tpu.core_type<sc_vector_subcore>, window_params = [{transform_indices = #map}, {transform_indices = #map1}, {transform_indices = #map1}]} {
    %mul3A = arith.constant 2 : i32
    %mul3A_0 = arith.muli %arg1, %mul3A : i32
    %add3A = arith.addi %mul3A_0, %arg0 : i32
    %mul3A_1 = arith.constant 632 : i32
    %mul3A_2 = arith.muli %arg1, %mul3A_1 : i32
    "tpu.region"() ({
      %run_scoped3A_438 = tpu.sem_alloc : memref<!tpu.dma_semaphore, #tpu.memory_space<semaphore_mem>>
      %dma_start3A_439 = arith.constant 0 : i32
      %dma_start3A_440 = arith.constant 0 : i32
      %dma_start3A_441 = tpu.memref_slice %arg3[%add3A, %dma_start3A_439, %dma_start3A_440] : memref<32x80x128xi32, #tpu.memory_space<hbm>> -> memref<1x80x128xi32, #tpu.memory_space<hbm>>
      %dma_start3A_442 = tpu.memref_squeeze %dma_start3A_441 : memref<1x80x128xi32, #tpu.memory_space<hbm>> -> memref<80x128xi32, #tpu.memory_space<hbm>>
      %dma_start3A_443 = arith.constant 0 : i32
      %dma_start3A_444 = arith.constant 0 : i32
      %dma_start3A_445 = tpu.memref_slice %arg3[%add3A, %dma_start3A_443, %dma_start3A_444] : memref<32x80x128xi32, #tpu.memory_space<hbm>> -> memref<1x80x128xi32, #tpu.memory_space<hbm>>
      %dma_start3A_446 = tpu.memref_squeeze %dma_start3A_445 : memref<1x80x128xi32, #tpu.memory_space<hbm>> -> memref<80x128xi32, #tpu.memory_space<hbm>>
      tpu.enqueue_dma source(%dma_start3A_446 : memref<80x128xi32, #tpu.memory_space<hbm>>) target(%arg5 : memref<80x128xi32, #tpu.memory_space<vmem>>) target_semaphore(%run_scoped3A_438 : memref<!tpu.dma_semaphore, #tpu.memory_space<semaphore_mem>>)
      %dma_wait3A_447 = arith.constant 0 : i32
      %dma_wait3A_448 = arith.constant 0 : i32
      %dma_wait3A_449 = tpu.memref_slice %arg3[%add3A, %dma_wait3A_447, %dma_wait3A_448] : memref<32x80x128xi32, #tpu.memory_space<hbm>> -> memref<1x80x128xi32, #tpu.memory_space<hbm>>
      %dma_wait3A_450 = tpu.memref_squeeze %dma_wait3A_449 : memref<1x80x128xi32, #tpu.memory_space<hbm>> -> memref<80x128xi32, #tpu.memory_space<hbm>>
      %dma_wait3A_451 = arith.constant 0 : i32
      %dma_wait3A_452 = arith.constant 0 : i32
      %dma_wait3A_453 = tpu.memref_slice %arg3[%add3A, %dma_wait3A_451, %dma_wait3A_452] : memref<32x80x128xi32, #tpu.memory_space<hbm>> -> memref<1x80x128xi32, #tpu.memory_space<hbm>>
      %dma_wait3A_454 = tpu.memref_squeeze %dma_wait3A_453 : memref<1x80x128xi32, #tpu.memory_space<hbm>> -> memref<80x128xi32, #tpu.memory_space<hbm>>
      tpu.wait_dma2 semaphore(%run_scoped3A_438 : memref<!tpu.dma_semaphore, #tpu.memory_space<semaphore_mem>>) src(%dma_wait3A_454 : memref<80x128xi32, #tpu.memory_space<hbm>>) dst(%arg5 : memref<80x128xi32, #tpu.memory_space<vmem>>)
      tpu.yield
    }) : () -> ()
    %scan3A = arith.constant 0 : i32
    %scan3A_3 = arith.constant 0 : i32
    %scan3A_4 = arith.constant 128 : i32
    %scan3A_5 = arith.addi %scan3A_3, %scan3A_4 : i32
    %scan3A_6 = arith.constant 1 : i32
    scf.for %scan3A_438 = %scan3A_3 to %scan3A_5 step %scan3A_6  : i32 {
      %broadcast_in_dim3A = arith.constant 0.000000e+00 : f32
      %broadcast_in_dim3A_439 = vector.broadcast %broadcast_in_dim3A : f32 to vector<16xf32>
      %swap3A_440 = arith.constant 0 : i32
      %swap3A_441 = arith.index_cast %swap3A_440 : i32 to index
      %swap3A_442 = arith.index_cast %scan3A_438 : i32 to index
      %swap3A_443 = arith.constant 0 : index
      %swap3A_444 = tpu.vector_load %arg8[%swap3A_441, %swap3A_442, %swap3A_443] {strides = array<i32>} : memref<2x128x128xf32, #tpu.memory_space<vmem>>, vector<1x1x16xf32>,
      %swap3A_445 = vector.shape_cast %swap3A_444 : vector<1x1x16xf32> to vector<16xf32>
      %swap3A_446 = vector.shape_cast %broadcast_in_dim3A_439 : vector<16xf32> to vector<1x1x16xf32>
      tpu.vector_store %arg8[%swap3A_441, %swap3A_442, %swap3A_443], %swap3A_446 {strides = array<i32>} : memref<2x128x128xf32, #tpu.memory_space<vmem>>, vector<1x1x16xf32>,
      %broadcast_in_dim3A_447 = arith.constant 0.000000e+00 : f32
      %broadcast_in_dim3A_448 = vector.broadcast %broadcast_in_dim3A_447 : f32 to vector<16xf32>
      %swap3A_449 = arith.constant 0 : i32
      %swap3A_450 = arith.index_cast %swap3A_449 : i32 to index
      %swap3A_451 = arith.index_cast %scan3A_438 : i32 to index
      %swap3A_452 = arith.constant 16 : index
      %swap3A_453 = tpu.vector_load %arg8[%swap3A_450, %swap3A_451, %swap3A_452] {strides = array<i32>} : memref<2x128x128xf32, #tpu.memory_space<vmem>>, vector<1x1x16xf32>,
      %swap3A_454 = vector.shape_cast %swap3A_453 : vector<1x1x16xf32> to vector<16xf32>
      %swap3A_455 = vector.shape_cast %broadcast_in_dim3A_448 : vector<16xf32> to vector<1x1x16xf32>
      tpu.vector_store %arg8[%swap3A_450, %swap3A_451, %swap3A_452], %swap3A_455 {strides = array<i32>} : memref<2x128x128xf32, #tpu.memory_space<vmem>>, vector<1x1x16xf32>,
      %broadcast_in_dim3A_456 = arith.constant 0.000000e+00 : f32
      %broadcast_in_dim3A_457 = vector.broadcast %broadcast_in_dim3A_456 : f32 to vector<16xf32>
      %swap3A_458 = arith.constant 0 : i32
      %swap3A_459 = arith.index_cast %swap3A_458 : i32 to index
      %swap3A_460 = arith.index_cast %scan3A_438 : i32 to index
      %swap3A_461 = arith.constant 32 : index
      %swap3A_462 = tpu.vector_load %arg8[%swap3A_459, %swap3A_460, %swap3A_461] {strides = array<i32>} : memref<2x128x128xf32, #tpu.memory_space<vmem>>, vector<1x1x16xf32>,
      %swap3A_463 = vector.shape_cast %swap3A_462 : vector<1x1x16xf32> to vector<16xf32>
      %swap3A_464 = vector.shape_cast %broadcast_in_dim3A_457 : vector<16xf32> to vector<1x1x16xf32>
      tpu.vector_store %arg8[%swap3A_459, %swap3A_460, %swap3A_461], %swap3A_464 {strides = array<i32>} : memref<2x128x128xf32, #tpu.memory_space<vmem>>, vector<1x1x16xf32>,
      %broadcast_in_dim3A_465 = arith.constant 0.000000e+00 : f32
      %broadcast_in_dim3A_466 = vector.broadcast %broadcast_in_dim3A_465 : f32 to vector<16xf32>
      %swap3A_467 = arith.constant 0 : i32
      %swap3A_468 = arith.index_cast %swap3A_467 : i32 to index
      %swap3A_469 = arith.index_cast %scan3A_438 : i32 to index
      %swap3A_470 = arith.constant 48 : index
      %swap3A_471 = tpu.vector_load %arg8[%swap3A_468, %swap3A_469, %swap3A_470] {strides = array<i32>} : memref<2x128x128xf32, #tpu.memory_space<vmem>>, vector<1x1x16xf32>,
      %swap3A_472 = vector.shape_cast %swap3A_471 : vector<1x1x16xf32> to vector<16xf32>
      %swap3A_473 = vector.shape_cast %broadcast_in_dim3A_466 : vector<16xf32> to vector<1x1x16xf32>
      tpu.vector_store %arg8[%swap3A_468, %swap3A_469, %swap3A_470], %swap3A_473 {strides = array<i32>} : memref<2x128x128xf32, #tpu.memory_space<vmem>>, vector<1x1x16xf32>,
      %broadcast_in_dim3A_474 = arith.constant 0.000000e+00 : f32
      %broadcast_in_dim3A_475 = vector.broadcast %broadcast_in_dim3A_474 : f32 to vector<16xf32>
      %swap3A_476 = arith.constant 0 : i32
      %swap3A_477 = arith.index_cast %swap3A_476 : i32 to index
      %swap3A_478 = arith.index_cast %scan3A_438 : i32 to index
      %swap3A_479 = arith.constant 64 : index
      %swap3A_480 = tpu.vector_load %arg8[%swap3A_477, %swap3A_478, %swap3A_479] {strides = array<i32>} : memref<2x128x128xf32, #tpu.memory_space<vmem>>, vector<1x1x16xf32>,
      %swap3A_481 = vector.shape_cast %swap3A_480 : vector<1x1x16xf32> to vector<16xf32>
      %swap3A_482 = vector.shape_cast %broadcast_in_dim3A_475 : vector<16xf32> to vector<1x1x16xf32>
      tpu.vector_store %arg8[%swap3A_477, %swap3A_478, %swap3A_479], %swap3A_482 {strides = array<i32>} : memref<2x128x128xf32, #tpu.memory_space<vmem>>, vector<1x1x16xf32>,
      %broadcast_in_dim3A_483 = arith.constant 0.000000e+00 : f32
      %broadcast_in_dim3A_484 = vector.broadcast %broadcast_in_dim3A_483 : f32 to vector<16xf32>
      %swap3A_485 = arith.constant 0 : i32
      %swap3A_486 = arith.index_cast %swap3A_485 : i32 to index
      %swap3A_487 = arith.index_cast %scan3A_438 : i32 to index
      %swap3A_488 = arith.constant 80 : index
      %swap3A_489 = tpu.vector_load %arg8[%swap3A_486, %swap3A_487, %swap3A_488] {strides = array<i32>} : memref<2x128x128xf32, #tpu.memory_space<vmem>>, vector<1x1x16xf32>,
      %swap3A_490 = vector.shape_cast %swap3A_489 : vector<1x1x16xf32> to vector<16xf32>
      %swap3A_491 = vector.shape_cast %broadcast_in_dim3A_484 : vector<16xf32> to vector<1x1x16xf32>
      tpu.vector_store %arg8[%swap3A_486, %swap3A_487, %swap3A_488], %swap3A_491 {strides = array<i32>} : memref<2x128x128xf32, #tpu.memory_space<vmem>>, vector<1x1x16xf32>,
      %broadcast_in_dim3A_492 = arith.constant 0.000000e+00 : f32
      %broadcast_in_dim3A_493 = vector.broadcast %broadcast_in_dim3A_492 : f32 to vector<16xf32>
      %swap3A_494 = arith.constant 0 : i32
      %swap3A_495 = arith.index_cast %swap3A_494 : i32 to index
      %swap3A_496 = arith.index_cast %scan3A_438 : i32 to index
      %swap3A_497 = arith.constant 96 : index
      %swap3A_498 = tpu.vector_load %arg8[%swap3A_495, %swap3A_496, %swap3A_497] {strides = array<i32>} : memref<2x128x128xf32, #tpu.memory_space<vmem>>, vector<1x1x16xf32>,
      %swap3A_499 = vector.shape_cast %swap3A_498 : vector<1x1x16xf32> to vector<16xf32>
      %swap3A_500 = vector.shape_cast %broadcast_in_dim3A_493 : vector<16xf32> to vector<1x1x16xf32>
      tpu.vector_store %arg8[%swap3A_495, %swap3A_496, %swap3A_497], %swap3A_500 {strides = array<i32>} : memref<2x128x128xf32, #tpu.memory_space<vmem>>, vector<1x1x16xf32>,
      %broadcast_in_dim3A_501 = arith.constant 0.000000e+00 : f32
      %broadcast_in_dim3A_502 = vector.broadcast %broadcast_in_dim3A_501 : f32 to vector<16xf32>
      %swap3A_503 = arith.constant 0 : i32
      %swap3A_504 = arith.index_cast %swap3A_503 : i32 to index
      %swap3A_505 = arith.index_cast %scan3A_438 : i32 to index
      %swap3A_506 = arith.constant 112 : index
      %swap3A_507 = tpu.vector_load %arg8[%swap3A_504, %swap3A_505, %swap3A_506] {strides = array<i32>} : memref<2x128x128xf32, #tpu.memory_space<vmem>>, vector<1x1x16xf32>,
      %swap3A_508 = vector.shape_cast %swap3A_507 : vector<1x1x16xf32> to vector<16xf32>
      %swap3A_509 = vector.shape_cast %broadcast_in_dim3A_502 : vector<16xf32> to vector<1x1x16xf32>
      tpu.vector_store %arg8[%swap3A_504, %swap3A_505, %swap3A_506], %swap3A_509 {strides = array<i32>} : memref<2x128x128xf32, #tpu.memory_space<vmem>>, vector<1x1x16xf32>,
    }
    %scan3A_7 = arith.constant 128 : i32
    %scan3A_8 = arith.constant 0 : i32
    %scan3A_9 = arith.constant 0 : i32
    %scan3A_10 = arith.constant 4 : i32
    %scan3A_11 = arith.addi %scan3A_9, %scan3A_10 : i32
    %scan3A_12 = arith.constant 1 : i32
    scf.for %scan3A_438 = %scan3A_9 to %scan3A_11 step %scan3A_12  : i32 {
      %mul3A_439 = arith.constant 128 : i32
      %mul3A_440 = arith.muli %scan3A_438, %mul3A_439 : i32
      %add3A_441 = arith.addi %mul3A_2, %mul3A_440 : i32
      %run_scoped3A_442 = arith.constant 0 : i32
      "tpu.region"() ({
        %run_scoped3A_443 = tpu.sem_alloc : memref<!tpu.dma_semaphore, #tpu.memory_space<semaphore_mem>>
        %dma_start3A_444 = arith.constant 0 : i32
        %dma_start3A_445 = arith.constant 0 : i32
        %dma_start3A_446 = tpu.memref_slice %arg8[%run_scoped3A_442, %dma_start3A_444, %dma_start3A_445] : memref<2x128x128xf32, #tpu.memory_space<vmem>> -> memref<1x128x128xf32, #tpu.memory_space<vmem>>
        %dma_start3A_447 = tpu.memref_squeeze %dma_start3A_446 : memref<1x128x128xf32, #tpu.memory_space<vmem>> -> memref<128x128xf32, #tpu.memory_space<vmem>>
        %dma_start3A_448 = arith.constant 0 : i32
        %dma_start3A_449 = tpu.memref_slice %arg9[%add3A_441, %dma_start3A_448] : memref<10112x128xf32, #tpu.memory_space<vmem_shared>> -> memref<128x128xf32, #tpu.memory_space<vmem_shared>>
        %dma_start3A_450 = arith.constant 0 : i32
        %dma_start3A_451 = tpu.memref_slice %arg9[%add3A_441, %dma_start3A_450] : memref<10112x128xf32, #tpu.memory_space<vmem_shared>> -> memref<128x128xf32, #tpu.memory_space<vmem_shared>>
        %dma_start3A_452 = arith.constant 0 : i32
        %dma_start3A_453 = arith.constant 0 : i32
        %dma_start3A_454 = tpu.memref_slice %arg8[%run_scoped3A_442, %dma_start3A_452, %dma_start3A_453] : memref<2x128x128xf32, #tpu.memory_space<vmem>> -> memref<1x128x128xf32, #tpu.memory_space<vmem>>
        %dma_start3A_455 = tpu.memref_squeeze %dma_start3A_454 : memref<1x128x128xf32, #tpu.memory_space<vmem>> -> memref<128x128xf32, #tpu.memory_space<vmem>>
        tpu.enqueue_dma source(%dma_start3A_455 : memref<128x128xf32, #tpu.memory_space<vmem>>) target(%dma_start3A_451 : memref<128x128xf32, #tpu.memory_space<vmem_shared>>) target_semaphore(%run_scoped3A_443 : memref<!tpu.dma_semaphore, #tpu.memory_space<semaphore_mem>>)
        %dma_wait3A_456 = arith.constant 0 : i32
        %dma_wait3A_457 = arith.constant 0 : i32
        %dma_wait3A_458 = tpu.memref_slice %arg8[%run_scoped3A_442, %dma_wait3A_456, %dma_wait3A_457] : memref<2x128x128xf32, #tpu.memory_space<vmem>> -> memref<1x128x128xf32, #tpu.memory_space<vmem>>
        %dma_wait3A_459 = tpu.memref_squeeze %dma_wait3A_458 : memref<1x128x128xf32, #tpu.memory_space<vmem>> -> memref<128x128xf32, #tpu.memory_space<vmem>>
        %dma_wait3A_460 = arith.constant 0 : i32
        %dma_wait3A_461 = tpu.memref_slice %arg9[%add3A_441, %dma_wait3A_460] : memref<10112x128xf32, #tpu.memory_space<vmem_shared>> -> memref<128x128xf32, #tpu.memory_space<vmem_shared>>
        %dma_wait3A_462 = arith.constant 0 : i32
        %dma_wait3A_463 = tpu.memref_slice %arg9[%add3A_441, %dma_wait3A_462] : memref<10112x128xf32, #tpu.memory_space<vmem_shared>> -> memref<128x128xf32, #tpu.memory_space<vmem_shared>>
        %dma_wait3A_464 = arith.constant 0 : i32
        %dma_wait3A_465 = arith.constant 0 : i32
        %dma_wait3A_466 = tpu.memref_slice %arg8[%run_scoped3A_442, %dma_wait3A_464, %dma_wait3A_465] : memref<2x128x128xf32, #tpu.memory_space<vmem>> -> memref<1x128x128xf32, #tpu.memory_space<vmem>>
        %dma_wait3A_467 = tpu.memref_squeeze %dma_wait3A_466 : memref<1x128x128xf32, #tpu.memory_space<vmem>> -> memref<128x128xf32, #tpu.memory_space<vmem>>
        tpu.wait_dma2 semaphore(%run_scoped3A_443 : memref<!tpu.dma_semaphore, #tpu.memory_space<semaphore_mem>>) src(%dma_wait3A_467 : memref<128x128xf32, #tpu.memory_space<vmem>>) dst(%dma_wait3A_463 : memref<128x128xf32, #tpu.memory_space<vmem_shared>>)
        tpu.yield
      }) : () -> ()
    }
    %scan3A_13 = arith.constant 4 : i32
    %add3A_14 = arith.constant 632 : i32
    %add3A_15 = arith.addi %mul3A_2, %add3A_14 : i32
    %sub3A = arith.constant 120 : i32
    %sub3A_16 = arith.subi %add3A_15, %sub3A : i32
    %run_scoped3A = arith.constant 0 : i32
    "tpu.region"() ({
      %run_scoped3A_438 = tpu.sem_alloc : memref<!tpu.dma_semaphore, #tpu.memory_space<semaphore_mem>>
      %dma_start3A_439 = arith.constant 0 : i32
      %dma_start3A_440 = arith.constant 0 : i32
      %dma_start3A_441 = tpu.memref_slice %arg8[%run_scoped3A, %dma_start3A_439, %dma_start3A_440] : memref<2x128x128xf32, #tpu.memory_space<vmem>> -> memref<1x120x128xf32, #tpu.memory_space<vmem>>
      %dma_start3A_442 = tpu.memref_squeeze %dma_start3A_441 : memref<1x120x128xf32, #tpu.memory_space<vmem>> -> memref<120x128xf32, #tpu.memory_space<vmem>>
      %dma_start3A_443 = arith.constant 0 : i32
      %dma_start3A_444 = tpu.memref_slice %arg9[%sub3A_16, %dma_start3A_443] : memref<10112x128xf32, #tpu.memory_space<vmem_shared>> -> memref<120x128xf32, #tpu.memory_space<vmem_shared>>
      %dma_start3A_445 = arith.constant 0 : i32
      %dma_start3A_446 = tpu.memref_slice %arg9[%sub3A_16, %dma_start3A_445] : memref<10112x128xf32, #tpu.memory_space<vmem_shared>> -> memref<120x128xf32, #tpu.memory_space<vmem_shared>>
      %dma_start3A_447 = arith.constant 0 : i32
      %dma_start3A_448 = arith.constant 0 : i32
      %dma_start3A_449 = tpu.memref_slice %arg8[%run_scoped3A, %dma_start3A_447, %dma_start3A_448] : memref<2x128x128xf32, #tpu.memory_space<vmem>> -> memref<1x120x128xf32, #tpu.memory_space<vmem>>
      %dma_start3A_450 = tpu.memref_squeeze %dma_start3A_449 : memref<1x120x128xf32, #tpu.memory_space<vmem>> -> memref<120x128xf32, #tpu.memory_space<vmem>>
      tpu.enqueue_dma source(%dma_start3A_450 : memref<120x128xf32, #tpu.memory_space<vmem>>) target(%dma_start3A_446 : memref<120x128xf32, #tpu.memory_space<vmem_shared>>) target_semaphore(%run_scoped3A_438 : memref<!tpu.dma_semaphore, #tpu.memory_space<semaphore_mem>>)
      %dma_wait3A_451 = arith.constant 0 : i32
      %dma_wait3A_452 = arith.constant 0 : i32
      %dma_wait3A_453 = tpu.memref_slice %arg8[%run_scoped3A, %dma_wait3A_451, %dma_wait3A_452] : memref<2x128x128xf32, #tpu.memory_space<vmem>> -> memref<1x120x128xf32, #tpu.memory_space<vmem>>
      %dma_wait3A_454 = tpu.memref_squeeze %dma_wait3A_453 : memref<1x120x128xf32, #tpu.memory_space<vmem>> -> memref<120x128xf32, #tpu.memory_space<vmem>>
      %dma_wait3A_455 = arith.constant 0 : i32
      %dma_wait3A_456 = tpu.memref_slice %arg9[%sub3A_16, %dma_wait3A_455] : memref<10112x128xf32, #tpu.memory_space<vmem_shared>> -> memref<120x128xf32, #tpu.memory_space<vmem_shared>>
      %dma_wait3A_457 = arith.constant 0 : i32
      %dma_wait3A_458 = tpu.memref_slice %arg9[%sub3A_16, %dma_wait3A_457] : memref<10112x128xf32, #tpu.memory_space<vmem_shared>> -> memref<120x128xf32, #tpu.memory_space<vmem_shared>>
      %dma_wait3A_459 = arith.constant 0 : i32
      %dma_wait3A_460 = arith.constant 0 : i32
      %dma_wait3A_461 = tpu.memref_slice %arg8[%run_scoped3A, %dma_wait3A_459, %dma_wait3A_460] : memref<2x128x128xf32, #tpu.memory_space<vmem>> -> memref<1x120x128xf32, #tpu.memory_space<vmem>>
      %dma_wait3A_462 = tpu.memref_squeeze %dma_wait3A_461 : memref<1x120x128xf32, #tpu.memory_space<vmem>> -> memref<120x128xf32, #tpu.memory_space<vmem>>
      tpu.wait_dma2 semaphore(%run_scoped3A_438 : memref<!tpu.dma_semaphore, #tpu.memory_space<semaphore_mem>>) src(%dma_wait3A_462 : memref<120x128xf32, #tpu.memory_space<vmem>>) dst(%dma_wait3A_458 : memref<120x128xf32, #tpu.memory_space<vmem_shared>>)
      tpu.yield
    }) : () -> ()
    %barrier3A = arith.constant 0 : index
    tpu.barrier barrier_id(%barrier3A)
    %get3A = arith.constant 0 : i32
    %get3A_17 = arith.index_cast %get3A : i32 to index
    %get3A_18 = arith.constant 0 : index
    %get3A_19 = tpu.vector_load %arg5[%get3A_17, %get3A_18] {strides = array<i32>} : memref<80x128xi32, #tpu.memory_space<vmem>>, vector<1x16xi32>,
    %get3A_20 = vector.shape_cast %get3A_19 : vector<1x16xi32> to vector<16xi32>
    %and3A = arith.constant 65535 : i32
    %and3A_21 = vector.broadcast %and3A : i32 to vector<16xi32>
    %and3A_22 = arith.andi %get3A_20, %and3A_21 : vector<16xi32>
    %swap3A = arith.constant 0 : i32
    %swap3A_23 = arith.index_cast %swap3A : i32 to index
    %swap3A_24 = arith.constant 0 : index
    %swap3A_25 = tpu.vector_load %arg6[%swap3A_23, %swap3A_24] {strides = array<i32>} : memref<2x128xi32, #tpu.memory_space<vmem>>, vector<1x16xi32>,
    %swap3A_26 = vector.shape_cast %swap3A_25 : vector<1x16xi32> to vector<16xi32>
    %swap3A_27 = vector.shape_cast %and3A_22 : vector<16xi32> to vector<1x16xi32>
    tpu.vector_store %arg6[%swap3A_23, %swap3A_24], %swap3A_27 {strides = array<i32>} : memref<2x128xi32, #tpu.memory_space<vmem>>, vector<1x16xi32>,
    %shift_right_arithmetic3A = arith.constant 16 : i32
    %shift_right_arithmetic3A_28 = vector.broadcast %shift_right_arithmetic3A : i32 to vector<16xi32>
    %shift_right_arithmetic3A_29 = arith.shrsi %get3A_20, %shift_right_arithmetic3A_28 : vector<16xi32>
    %swap3A_30 = arith.constant 0 : i32
    %swap3A_31 = arith.index_cast %swap3A_30 : i32 to index
    %swap3A_32 = arith.constant 0 : index
    %swap3A_33 = tpu.vector_load %arg7[%swap3A_31, %swap3A_32] {strides = array<i32>} : memref<2x128xi32, #tpu.memory_space<vmem>>, vector<1x16xi32>,
    %swap3A_34 = vector.shape_cast %swap3A_33 : vector<1x16xi32> to vector<16xi32>
    %swap3A_35 = vector.shape_cast %shift_right_arithmetic3A_29 : vector<16xi32> to vector<1x16xi32>
    tpu.vector_store %arg7[%swap3A_31, %swap3A_32], %swap3A_35 {strides = array<i32>} : memref<2x128xi32, #tpu.memory_space<vmem>>, vector<1x16xi32>,
    %get3A_36 = arith.constant 0 : i32
    %get3A_37 = arith.index_cast %get3A_36 : i32 to index
    %get3A_38 = arith.constant 16 : index
    %get3A_39 = tpu.vector_load %arg5[%get3A_37, %get3A_38] {strides = array<i32>} : memref<80x128xi32, #tpu.memory_space<vmem>>, vector<1x16xi32>,
    %get3A_40 = vector.shape_cast %get3A_39 : vector<1x16xi32> to vector<16xi32>
    %and3A_41 = arith.constant 65535 : i32
    %and3A_42 = vector.broadcast %and3A_41 : i32 to vector<16xi32>
    %and3A_43 = arith.andi %get3A_40, %and3A_42 : vector<16xi32>
    %swap3A_44 = arith.constant 0 : i32
    %swap3A_45 = arith.index_cast %swap3A_44 : i32 to index
    %swap3A_46 = arith.constant 16 : index
    %swap3A_47 = tpu.vector_load %arg6[%swap3A_45, %swap3A_46] {strides = array<i32>} : memref<2x128xi32, #tpu.memory_space<vmem>>, vector<1x16xi32>,
    %swap3A_48 = vector.shape_cast %swap3A_47 : vector<1x16xi32> to vector<16xi32>
    %swap3A_49 = vector.shape_cast %and3A_43 : vector<16xi32> to vector<1x16xi32>
    tpu.vector_store %arg6[%swap3A_45, %swap3A_46], %swap3A_49 {strides = array<i32>} : memref<2x128xi32, #tpu.memory_space<vmem>>, vector<1x16xi32>,
    %shift_right_arithmetic3A_50 = arith.constant 16 : i32
    %shift_right_arithmetic3A_51 = vector.broadcast %shift_right_arithmetic3A_50 : i32 to vector<16xi32>
    %shift_right_arithmetic3A_52 = arith.shrsi %get3A_40, %shift_right_arithmetic3A_51 : vector<16xi32>
    %swap3A_53 = arith.constant 0 : i32
    %swap3A_54 = arith.index_cast %swap3A_53 : i32 to index
    %swap3A_55 = arith.constant 16 : index
    %swap3A_56 = tpu.vector_load %arg7[%swap3A_54, %swap3A_55] {strides = array<i32>} : memref<2x128xi32, #tpu.memory_space<vmem>>, vector<1x16xi32>,
    %swap3A_57 = vector.shape_cast %swap3A_56 : vector<1x16xi32> to vector<16xi32>
    %swap3A_58 = vector.shape_cast %shift_right_arithmetic3A_52 : vector<16xi32> to vector<1x16xi32>
    tpu.vector_store %arg7[%swap3A_54, %swap3A_55], %swap3A_58 {strides = array<i32>} : memref<2x128xi32, #tpu.memory_space<vmem>>, vector<1x16xi32>,
    %get3A_59 = arith.constant 0 : i32
    %get3A_60 = arith.index_cast %get3A_59 : i32 to index
    %get3A_61 = arith.constant 32 : index
    %get3A_62 = tpu.vector_load %arg5[%get3A_60, %get3A_61] {strides = array<i32>} : memref<80x128xi32, #tpu.memory_space<vmem>>, vector<1x16xi32>,
    %get3A_63 = vector.shape_cast %get3A_62 : vector<1x16xi32> to vector<16xi32>
    %and3A_64 = arith.constant 65535 : i32
    %and3A_65 = vector.broadcast %and3A_64 : i32 to vector<16xi32>
    %and3A_66 = arith.andi %get3A_63, %and3A_65 : vector<16xi32>
    %swap3A_67 = arith.constant 0 : i32
    %swap3A_68 = arith.index_cast %swap3A_67 : i32 to index
    %swap3A_69 = arith.constant 32 : index
    %swap3A_70 = tpu.vector_load %arg6[%swap3A_68, %swap3A_69] {strides = array<i32>} : memref<2x128xi32, #tpu.memory_space<vmem>>, vector<1x16xi32>,
    %swap3A_71 = vector.shape_cast %swap3A_70 : vector<1x16xi32> to vector<16xi32>
    %swap3A_72 = vector.shape_cast %and3A_66 : vector<16xi32> to vector<1x16xi32>
    tpu.vector_store %arg6[%swap3A_68, %swap3A_69], %swap3A_72 {strides = array<i32>} : memref<2x128xi32, #tpu.memory_space<vmem>>, vector<1x16xi32>,
    %shift_right_arithmetic3A_73 = arith.constant 16 : i32
    %shift_right_arithmetic3A_74 = vector.broadcast %shift_right_arithmetic3A_73 : i32 to vector<16xi32>
    %shift_right_arithmetic3A_75 = arith.shrsi %get3A_63, %shift_right_arithmetic3A_74 : vector<16xi32>
    %swap3A_76 = arith.constant 0 : i32
    %swap3A_77 = arith.index_cast %swap3A_76 : i32 to index
    %swap3A_78 = arith.constant 32 : index
    %swap3A_79 = tpu.vector_load %arg7[%swap3A_77, %swap3A_78] {strides = array<i32>} : memref<2x128xi32, #tpu.memory_space<vmem>>, vector<1x16xi32>,
    %swap3A_80 = vector.shape_cast %swap3A_79 : vector<1x16xi32> to vector<16xi32>
    %swap3A_81 = vector.shape_cast %shift_right_arithmetic3A_75 : vector<16xi32> to vector<1x16xi32>
    tpu.vector_store %arg7[%swap3A_77, %swap3A_78], %swap3A_81 {strides = array<i32>} : memref<2x128xi32, #tpu.memory_space<vmem>>, vector<1x16xi32>,
    %get3A_82 = arith.constant 0 : i32
    %get3A_83 = arith.index_cast %get3A_82 : i32 to index
    %get3A_84 = arith.constant 48 : index
    %get3A_85 = tpu.vector_load %arg5[%get3A_83, %get3A_84] {strides = array<i32>} : memref<80x128xi32, #tpu.memory_space<vmem>>, vector<1x16xi32>,
    %get3A_86 = vector.shape_cast %get3A_85 : vector<1x16xi32> to vector<16xi32>
    %and3A_87 = arith.constant 65535 : i32
    %and3A_88 = vector.broadcast %and3A_87 : i32 to vector<16xi32>
    %and3A_89 = arith.andi %get3A_86, %and3A_88 : vector<16xi32>
    %swap3A_90 = arith.constant 0 : i32
    %swap3A_91 = arith.index_cast %swap3A_90 : i32 to index
    %swap3A_92 = arith.constant 48 : index
    %swap3A_93 = tpu.vector_load %arg6[%swap3A_91, %swap3A_92] {strides = array<i32>} : memref<2x128xi32, #tpu.memory_space<vmem>>, vector<1x16xi32>,
    %swap3A_94 = vector.shape_cast %swap3A_93 : vector<1x16xi32> to vector<16xi32>
    %swap3A_95 = vector.shape_cast %and3A_89 : vector<16xi32> to vector<1x16xi32>
    tpu.vector_store %arg6[%swap3A_91, %swap3A_92], %swap3A_95 {strides = array<i32>} : memref<2x128xi32, #tpu.memory_space<vmem>>, vector<1x16xi32>,
    %shift_right_arithmetic3A_96 = arith.constant 16 : i32
    %shift_right_arithmetic3A_97 = vector.broadcast %shift_right_arithmetic3A_96 : i32 to vector<16xi32>
    %shift_right_arithmetic3A_98 = arith.shrsi %get3A_86, %shift_right_arithmetic3A_97 : vector<16xi32>
    %swap3A_99 = arith.constant 0 : i32
    %swap3A_100 = arith.index_cast %swap3A_99 : i32 to index
    %swap3A_101 = arith.constant 48 : index
    %swap3A_102 = tpu.vector_load %arg7[%swap3A_100, %swap3A_101] {strides = array<i32>} : memref<2x128xi32, #tpu.memory_space<vmem>>, vector<1x16xi32>,
    %swap3A_103 = vector.shape_cast %swap3A_102 : vector<1x16xi32> to vector<16xi32>
    %swap3A_104 = vector.shape_cast %shift_right_arithmetic3A_98 : vector<16xi32> to vector<1x16xi32>
    tpu.vector_store %arg7[%swap3A_100, %swap3A_101], %swap3A_104 {strides = array<i32>} : memref<2x128xi32, #tpu.memory_space<vmem>>, vector<1x16xi32>,
    %get3A_105 = arith.constant 0 : i32
    %get3A_106 = arith.index_cast %get3A_105 : i32 to index
    %get3A_107 = arith.constant 64 : index
    %get3A_108 = tpu.vector_load %arg5[%get3A_106, %get3A_107] {strides = array<i32>} : memref<80x128xi32, #tpu.memory_space<vmem>>, vector<1x16xi32>,
    %get3A_109 = vector.shape_cast %get3A_108 : vector<1x16xi32> to vector<16xi32>
    %and3A_110 = arith.constant 65535 : i32
    %and3A_111 = vector.broadcast %and3A_110 : i32 to vector<16xi32>
    %and3A_112 = arith.andi %get3A_109, %and3A_111 : vector<16xi32>
    %swap3A_113 = arith.constant 0 : i32
    %swap3A_114 = arith.index_cast %swap3A_113 : i32 to index
    %swap3A_115 = arith.constant 64 : index
    %swap3A_116 = tpu.vector_load %arg6[%swap3A_114, %swap3A_115] {strides = array<i32>} : memref<2x128xi32, #tpu.memory_space<vmem>>, vector<1x16xi32>,
    %swap3A_117 = vector.shape_cast %swap3A_116 : vector<1x16xi32> to vector<16xi32>
    %swap3A_118 = vector.shape_cast %and3A_112 : vector<16xi32> to vector<1x16xi32>
    tpu.vector_store %arg6[%swap3A_114, %swap3A_115], %swap3A_118 {strides = array<i32>} : memref<2x128xi32, #tpu.memory_space<vmem>>, vector<1x16xi32>,
    %shift_right_arithmetic3A_119 = arith.constant 16 : i32
    %shift_right_arithmetic3A_120 = vector.broadcast %shift_right_arithmetic3A_119 : i32 to vector<16xi32>
    %shift_right_arithmetic3A_121 = arith.shrsi %get3A_109, %shift_right_arithmetic3A_120 : vector<16xi32>
    %swap3A_122 = arith.constant 0 : i32
    %swap3A_123 = arith.index_cast %swap3A_122 : i32 to index
    %swap3A_124 = arith.constant 64 : index
    %swap3A_125 = tpu.vector_load %arg7[%swap3A_123, %swap3A_124] {strides = array<i32>} : memref<2x128xi32, #tpu.memory_space<vmem>>, vector<1x16xi32>,
    %swap3A_126 = vector.shape_cast %swap3A_125 : vector<1x16xi32> to vector<16xi32>
    %swap3A_127 = vector.shape_cast %shift_right_arithmetic3A_121 : vector<16xi32> to vector<1x16xi32>
    tpu.vector_store %arg7[%swap3A_123, %swap3A_124], %swap3A_127 {strides = array<i32>} : memref<2x128xi32, #tpu.memory_space<vmem>>, vector<1x16xi32>,
    %get3A_128 = arith.constant 0 : i32
    %get3A_129 = arith.index_cast %get3A_128 : i32 to index
    %get3A_130 = arith.constant 80 : index
    %get3A_131 = tpu.vector_load %arg5[%get3A_129, %get3A_130] {strides = array<i32>} : memref<80x128xi32, #tpu.memory_space<vmem>>, vector<1x16xi32>,
    %get3A_132 = vector.shape_cast %get3A_131 : vector<1x16xi32> to vector<16xi32>
    %and3A_133 = arith.constant 65535 : i32
    %and3A_134 = vector.broadcast %and3A_133 : i32 to vector<16xi32>
    %and3A_135 = arith.andi %get3A_132, %and3A_134 : vector<16xi32>
    %swap3A_136 = arith.constant 0 : i32
    %swap3A_137 = arith.index_cast %swap3A_136 : i32 to index
    %swap3A_138 = arith.constant 80 : index
    %swap3A_139 = tpu.vector_load %arg6[%swap3A_137, %swap3A_138] {strides = array<i32>} : memref<2x128xi32, #tpu.memory_space<vmem>>, vector<1x16xi32>,
    %swap3A_140 = vector.shape_cast %swap3A_139 : vector<1x16xi32> to vector<16xi32>
    %swap3A_141 = vector.shape_cast %and3A_135 : vector<16xi32> to vector<1x16xi32>
    tpu.vector_store %arg6[%swap3A_137, %swap3A_138], %swap3A_141 {strides = array<i32>} : memref<2x128xi32, #tpu.memory_space<vmem>>, vector<1x16xi32>,
    %shift_right_arithmetic3A_142 = arith.constant 16 : i32
    %shift_right_arithmetic3A_143 = vector.broadcast %shift_right_arithmetic3A_142 : i32 to vector<16xi32>
    %shift_right_arithmetic3A_144 = arith.shrsi %get3A_132, %shift_right_arithmetic3A_143 : vector<16xi32>
    %swap3A_145 = arith.constant 0 : i32
    %swap3A_146 = arith.index_cast %swap3A_145 : i32 to index
    %swap3A_147 = arith.constant 80 : index
    %swap3A_148 = tpu.vector_load %arg7[%swap3A_146, %swap3A_147] {strides = array<i32>} : memref<2x128xi32, #tpu.memory_space<vmem>>, vector<1x16xi32>,
    %swap3A_149 = vector.shape_cast %swap3A_148 : vector<1x16xi32> to vector<16xi32>
    %swap3A_150 = vector.shape_cast %shift_right_arithmetic3A_144 : vector<16xi32> to vector<1x16xi32>
    tpu.vector_store %arg7[%swap3A_146, %swap3A_147], %swap3A_150 {strides = array<i32>} : memref<2x128xi32, #tpu.memory_space<vmem>>, vector<1x16xi32>,
    %get3A_151 = arith.constant 0 : i32
    %get3A_152 = arith.index_cast %get3A_151 : i32 to index
    %get3A_153 = arith.constant 96 : index
    %get3A_154 = tpu.vector_load %arg5[%get3A_152, %get3A_153] {strides = array<i32>} : memref<80x128xi32, #tpu.memory_space<vmem>>, vector<1x16xi32>,
    %get3A_155 = vector.shape_cast %get3A_154 : vector<1x16xi32> to vector<16xi32>
    %and3A_156 = arith.constant 65535 : i32
    %and3A_157 = vector.broadcast %and3A_156 : i32 to vector<16xi32>
    %and3A_158 = arith.andi %get3A_155, %and3A_157 : vector<16xi32>
    %swap3A_159 = arith.constant 0 : i32
    %swap3A_160 = arith.index_cast %swap3A_159 : i32 to index
    %swap3A_161 = arith.constant 96 : index
    %swap3A_162 = tpu.vector_load %arg6[%swap3A_160, %swap3A_161] {strides = array<i32>} : memref<2x128xi32, #tpu.memory_space<vmem>>, vector<1x16xi32>,
    %swap3A_163 = vector.shape_cast %swap3A_162 : vector<1x16xi32> to vector<16xi32>
    %swap3A_164 = vector.shape_cast %and3A_158 : vector<16xi32> to vector<1x16xi32>
    tpu.vector_store %arg6[%swap3A_160, %swap3A_161], %swap3A_164 {strides = array<i32>} : memref<2x128xi32, #tpu.memory_space<vmem>>, vector<1x16xi32>,
    %shift_right_arithmetic3A_165 = arith.constant 16 : i32
    %shift_right_arithmetic3A_166 = vector.broadcast %shift_right_arithmetic3A_165 : i32 to vector<16xi32>
    %shift_right_arithmetic3A_167 = arith.shrsi %get3A_155, %shift_right_arithmetic3A_166 : vector<16xi32>
    %swap3A_168 = arith.constant 0 : i32
    %swap3A_169 = arith.index_cast %swap3A_168 : i32 to index
    %swap3A_170 = arith.constant 96 : index
    %swap3A_171 = tpu.vector_load %arg7[%swap3A_169, %swap3A_170] {strides = array<i32>} : memref<2x128xi32, #tpu.memory_space<vmem>>, vector<1x16xi32>,
    %swap3A_172 = vector.shape_cast %swap3A_171 : vector<1x16xi32> to vector<16xi32>
    %swap3A_173 = vector.shape_cast %shift_right_arithmetic3A_167 : vector<16xi32> to vector<1x16xi32>
    tpu.vector_store %arg7[%swap3A_169, %swap3A_170], %swap3A_173 {strides = array<i32>} : memref<2x128xi32, #tpu.memory_space<vmem>>, vector<1x16xi32>,
    %get3A_174 = arith.constant 0 : i32
    %get3A_175 = arith.index_cast %get3A_174 : i32 to index
    %get3A_176 = arith.constant 112 : index
    %get3A_177 = tpu.vector_load %arg5[%get3A_175, %get3A_176] {strides = array<i32>} : memref<80x128xi32, #tpu.memory_space<vmem>>, vector<1x16xi32>,
    %get3A_178 = vector.shape_cast %get3A_177 : vector<1x16xi32> to vector<16xi32>
    %and3A_179 = arith.constant 65535 : i32
    %and3A_180 = vector.broadcast %and3A_179 : i32 to vector<16xi32>
    %and3A_181 = arith.andi %get3A_178, %and3A_180 : vector<16xi32>
    %swap3A_182 = arith.constant 0 : i32
    %swap3A_183 = arith.index_cast %swap3A_182 : i32 to index
    %swap3A_184 = arith.constant 112 : index
    %swap3A_185 = tpu.vector_load %arg6[%swap3A_183, %swap3A_184] {strides = array<i32>} : memref<2x128xi32, #tpu.memory_space<vmem>>, vector<1x16xi32>,
    %swap3A_186 = vector.shape_cast %swap3A_185 : vector<1x16xi32> to vector<16xi32>
    %swap3A_187 = vector.shape_cast %and3A_181 : vector<16xi32> to vector<1x16xi32>
    tpu.vector_store %arg6[%swap3A_183, %swap3A_184], %swap3A_187 {strides = array<i32>} : memref<2x128xi32, #tpu.memory_space<vmem>>, vector<1x16xi32>,
    %shift_right_arithmetic3A_188 = arith.constant 16 : i32
    %shift_right_arithmetic3A_189 = vector.broadcast %shift_right_arithmetic3A_188 : i32 to vector<16xi32>
    %shift_right_arithmetic3A_190 = arith.shrsi %get3A_178, %shift_right_arithmetic3A_189 : vector<16xi32>
    %swap3A_191 = arith.constant 0 : i32
    %swap3A_192 = arith.index_cast %swap3A_191 : i32 to index
    %swap3A_193 = arith.constant 112 : index
    %swap3A_194 = tpu.vector_load %arg7[%swap3A_192, %swap3A_193] {strides = array<i32>} : memref<2x128xi32, #tpu.memory_space<vmem>>, vector<1x16xi32>,
    %swap3A_195 = vector.shape_cast %swap3A_194 : vector<1x16xi32> to vector<16xi32>
    %swap3A_196 = vector.shape_cast %shift_right_arithmetic3A_190 : vector<16xi32> to vector<1x16xi32>
    tpu.vector_store %arg7[%swap3A_192, %swap3A_193], %swap3A_196 {strides = array<i32>} : memref<2x128xi32, #tpu.memory_space<vmem>>, vector<1x16xi32>,
    %dma_start3A = arith.constant 0 : i32
    %dma_start3A_197 = arith.constant 0 : i32
    %dma_start3A_198 = arith.constant 0 : i32
    %dma_start3A_199 = arith.constant 0 : i32
    %dma_start3A_200 = tpu.memref_slice %arg8[%dma_start3A_197, %dma_start3A_198, %dma_start3A_199] : memref<2x128x128xf32, #tpu.memory_space<vmem>> -> memref<1x128x128xf32, #tpu.memory_space<vmem>>
    %dma_start3A_201 = tpu.memref_squeeze %dma_start3A_200 : memref<1x128x128xf32, #tpu.memory_space<vmem>> -> memref<128x128xf32, #tpu.memory_space<vmem>>
    %dma_start3A_202 = arith.constant 0 : i32
    %dma_start3A_203 = tpu.memref_slice %arg6[%dma_start3A, %dma_start3A_202] : memref<2x128xi32, #tpu.memory_space<vmem>> -> memref<1x128xi32, #tpu.memory_space<vmem>>
    %dma_start3A_204 = tpu.memref_squeeze %dma_start3A_203 : memref<1x128xi32, #tpu.memory_space<vmem>> -> memref<128xi32, #tpu.memory_space<vmem>>
    %dma_start3A_205 = arith.constant 0 : i32
    %dma_start3A_206 = arith.constant 0 : i32
    %dma_start3A_207 = tpu.memref_slice %arg2[%dma_start3A_205, %dma_start3A_206] : memref<10000x128xf32, #tpu.memory_space<hbm>> -> memref<10000x128xf32, #tpu.memory_space<hbm>>
    tpu.enqueue_indirect_dma source(%dma_start3A_207 : memref<10000x128xf32, #tpu.memory_space<hbm>>) target(%dma_start3A_201 : memref<128x128xf32, #tpu.memory_space<vmem>>) offsets(%dma_start3A_204 : memref<128xi32, #tpu.memory_space<vmem>>) semaphore(%arg10 : memref<!tpu.dma_semaphore, #tpu.memory_space<semaphore_mem>>)
    %get3A_208 = arith.constant 1 : i32
    %get3A_209 = arith.index_cast %get3A_208 : i32 to index
    %get3A_210 = arith.constant 0 : index
    %get3A_211 = tpu.vector_load %arg5[%get3A_209, %get3A_210] {strides = array<i32>} : memref<80x128xi32, #tpu.memory_space<vmem>>, vector<1x16xi32>,
    %get3A_212 = vector.shape_cast %get3A_211 : vector<1x16xi32> to vector<16xi32>
    %and3A_213 = arith.constant 65535 : i32
    %and3A_214 = vector.broadcast %and3A_213 : i32 to vector<16xi32>
    %and3A_215 = arith.andi %get3A_212, %and3A_214 : vector<16xi32>
    %swap3A_216 = arith.constant 1 : i32
    %swap3A_217 = arith.index_cast %swap3A_216 : i32 to index
    %swap3A_218 = arith.constant 0 : index
    %swap3A_219 = tpu.vector_load %arg6[%swap3A_217, %swap3A_218] {strides = array<i32>} : memref<2x128xi32, #tpu.memory_space<vmem>>, vector<1x16xi32>,
    %swap3A_220 = vector.shape_cast %swap3A_219 : vector<1x16xi32> to vector<16xi32>
    %swap3A_221 = vector.shape_cast %and3A_215 : vector<16xi32> to vector<1x16xi32>
    tpu.vector_store %arg6[%swap3A_217, %swap3A_218], %swap3A_221 {strides = array<i32>} : memref<2x128xi32, #tpu.memory_space<vmem>>, vector<1x16xi32>,
    %shift_right_arithmetic3A_222 = arith.constant 16 : i32
    %shift_right_arithmetic3A_223 = vector.broadcast %shift_right_arithmetic3A_222 : i32 to vector<16xi32>
    %shift_right_arithmetic3A_224 = arith.shrsi %get3A_212, %shift_right_arithmetic3A_223 : vector<16xi32>
    %swap3A_225 = arith.constant 1 : i32
    %swap3A_226 = arith.index_cast %swap3A_225 : i32 to index
    %swap3A_227 = arith.constant 0 : index
    %swap3A_228 = tpu.vector_load %arg7[%swap3A_226, %swap3A_227] {strides = array<i32>} : memref<2x128xi32, #tpu.memory_space<vmem>>, vector<1x16xi32>,
    %swap3A_229 = vector.shape_cast %swap3A_228 : vector<1x16xi32> to vector<16xi32>
    %swap3A_230 = vector.shape_cast %shift_right_arithmetic3A_224 : vector<16xi32> to vector<1x16xi32>
    tpu.vector_store %arg7[%swap3A_226, %swap3A_227], %swap3A_230 {strides = array<i32>} : memref<2x128xi32, #tpu.memory_space<vmem>>, vector<1x16xi32>,
    %get3A_231 = arith.constant 1 : i32
    %get3A_232 = arith.index_cast %get3A_231 : i32 to index
    %get3A_233 = arith.constant 16 : index
    %get3A_234 = tpu.vector_load %arg5[%get3A_232, %get3A_233] {strides = array<i32>} : memref<80x128xi32, #tpu.memory_space<vmem>>, vector<1x16xi32>,
    %get3A_235 = vector.shape_cast %get3A_234 : vector<1x16xi32> to vector<16xi32>
    %and3A_236 = arith.constant 65535 : i32
    %and3A_237 = vector.broadcast %and3A_236 : i32 to vector<16xi32>
    %and3A_238 = arith.andi %get3A_235, %and3A_237 : vector<16xi32>
    %swap3A_239 = arith.constant 1 : i32
    %swap3A_240 = arith.index_cast %swap3A_239 : i32 to index
    %swap3A_241 = arith.constant 16 : index
    %swap3A_242 = tpu.vector_load %arg6[%swap3A_240, %swap3A_241] {strides = array<i32>} : memref<2x128xi32, #tpu.memory_space<vmem>>, vector<1x16xi32>,
    %swap3A_243 = vector.shape_cast %swap3A_242 : vector<1x16xi32> to vector<16xi32>
    %swap3A_244 = vector.shape_cast %and3A_238 : vector<16xi32> to vector<1x16xi32>
    tpu.vector_store %arg6[%swap3A_240, %swap3A_241], %swap3A_244 {strides = array<i32>} : memref<2x128xi32, #tpu.memory_space<vmem>>, vector<1x16xi32>,
    %shift_right_arithmetic3A_245 = arith.constant 16 : i32
    %shift_right_arithmetic3A_246 = vector.broadcast %shift_right_arithmetic3A_245 : i32 to vector<16xi32>
    %shift_right_arithmetic3A_247 = arith.shrsi %get3A_235, %shift_right_arithmetic3A_246 : vector<16xi32>
    %swap3A_248 = arith.constant 1 : i32
    %swap3A_249 = arith.index_cast %swap3A_248 : i32 to index
    %swap3A_250 = arith.constant 16 : index
    %swap3A_251 = tpu.vector_load %arg7[%swap3A_249, %swap3A_250] {strides = array<i32>} : memref<2x128xi32, #tpu.memory_space<vmem>>, vector<1x16xi32>,
    %swap3A_252 = vector.shape_cast %swap3A_251 : vector<1x16xi32> to vector<16xi32>
    %swap3A_253 = vector.shape_cast %shift_right_arithmetic3A_247 : vector<16xi32> to vector<1x16xi32>
    tpu.vector_store %arg7[%swap3A_249, %swap3A_250], %swap3A_253 {strides = array<i32>} : memref<2x128xi32, #tpu.memory_space<vmem>>, vector<1x16xi32>,
    %get3A_254 = arith.constant 1 : i32
    %get3A_255 = arith.index_cast %get3A_254 : i32 to index
    %get3A_256 = arith.constant 32 : index
    %get3A_257 = tpu.vector_load %arg5[%get3A_255, %get3A_256] {strides = array<i32>} : memref<80x128xi32, #tpu.memory_space<vmem>>, vector<1x16xi32>,
    %get3A_258 = vector.shape_cast %get3A_257 : vector<1x16xi32> to vector<16xi32>
    %and3A_259 = arith.constant 65535 : i32
    %and3A_260 = vector.broadcast %and3A_259 : i32 to vector<16xi32>
    %and3A_261 = arith.andi %get3A_258, %and3A_260 : vector<16xi32>
    %swap3A_262 = arith.constant 1 : i32
    %swap3A_263 = arith.index_cast %swap3A_262 : i32 to index
    %swap3A_264 = arith.constant 32 : index
    %swap3A_265 = tpu.vector_load %arg6[%swap3A_263, %swap3A_264] {strides = array<i32>} : memref<2x128xi32, #tpu.memory_space<vmem>>, vector<1x16xi32>,
    %swap3A_266 = vector.shape_cast %swap3A_265 : vector<1x16xi32> to vector<16xi32>
    %swap3A_267 = vector.shape_cast %and3A_261 : vector<16xi32> to vector<1x16xi32>
    tpu.vector_store %arg6[%swap3A_263, %swap3A_264], %swap3A_267 {strides = array<i32>} : memref<2x128xi32, #tpu.memory_space<vmem>>, vector<1x16xi32>,
    %shift_right_arithmetic3A_268 = arith.constant 16 : i32
    %shift_right_arithmetic3A_269 = vector.broadcast %shift_right_arithmetic3A_268 : i32 to vector<16xi32>
    %shift_right_arithmetic3A_270 = arith.shrsi %get3A_258, %shift_right_arithmetic3A_269 : vector<16xi32>
    %swap3A_271 = arith.constant 1 : i32
    %swap3A_272 = arith.index_cast %swap3A_271 : i32 to index
    %swap3A_273 = arith.constant 32 : index
    %swap3A_274 = tpu.vector_load %arg7[%swap3A_272, %swap3A_273] {strides = array<i32>} : memref<2x128xi32, #tpu.memory_space<vmem>>, vector<1x16xi32>,
    %swap3A_275 = vector.shape_cast %swap3A_274 : vector<1x16xi32> to vector<16xi32>
    %swap3A_276 = vector.shape_cast %shift_right_arithmetic3A_270 : vector<16xi32> to vector<1x16xi32>
    tpu.vector_store %arg7[%swap3A_272, %swap3A_273], %swap3A_276 {strides = array<i32>} : memref<2x128xi32, #tpu.memory_space<vmem>>, vector<1x16xi32>,
    %get3A_277 = arith.constant 1 : i32
    %get3A_278 = arith.index_cast %get3A_277 : i32 to index
    %get3A_279 = arith.constant 48 : index
    %get3A_280 = tpu.vector_load %arg5[%get3A_278, %get3A_279] {strides = array<i32>} : memref<80x128xi32, #tpu.memory_space<vmem>>, vector<1x16xi32>,
    %get3A_281 = vector.shape_cast %get3A_280 : vector<1x16xi32> to vector<16xi32>
    %and3A_282 = arith.constant 65535 : i32
    %and3A_283 = vector.broadcast %and3A_282 : i32 to vector<16xi32>
    %and3A_284 = arith.andi %get3A_281, %and3A_283 : vector<16xi32>
    %swap3A_285 = arith.constant 1 : i32
    %swap3A_286 = arith.index_cast %swap3A_285 : i32 to index
    %swap3A_287 = arith.constant 48 : index
    %swap3A_288 = tpu.vector_load %arg6[%swap3A_286, %swap3A_287] {strides = array<i32>} : memref<2x128xi32, #tpu.memory_space<vmem>>, vector<1x16xi32>,
    %swap3A_289 = vector.shape_cast %swap3A_288 : vector<1x16xi32> to vector<16xi32>
    %swap3A_290 = vector.shape_cast %and3A_284 : vector<16xi32> to vector<1x16xi32>
    tpu.vector_store %arg6[%swap3A_286, %swap3A_287], %swap3A_290 {strides = array<i32>} : memref<2x128xi32, #tpu.memory_space<vmem>>, vector<1x16xi32>,
    %shift_right_arithmetic3A_291 = arith.constant 16 : i32
    %shift_right_arithmetic3A_292 = vector.broadcast %shift_right_arithmetic3A_291 : i32 to vector<16xi32>
    %shift_right_arithmetic3A_293 = arith.shrsi %get3A_281, %shift_right_arithmetic3A_292 : vector<16xi32>
    %swap3A_294 = arith.constant 1 : i32
    %swap3A_295 = arith.index_cast %swap3A_294 : i32 to index
    %swap3A_296 = arith.constant 48 : index
    %swap3A_297 = tpu.vector_load %arg7[%swap3A_295, %swap3A_296] {strides = array<i32>} : memref<2x128xi32, #tpu.memory_space<vmem>>, vector<1x16xi32>,
    %swap3A_298 = vector.shape_cast %swap3A_297 : vector<1x16xi32> to vector<16xi32>
    %swap3A_299 = vector.shape_cast %shift_right_arithmetic3A_293 : vector<16xi32> to vector<1x16xi32>
    tpu.vector_store %arg7[%swap3A_295, %swap3A_296], %swap3A_299 {strides = array<i32>} : memref<2x128xi32, #tpu.memory_space<vmem>>, vector<1x16xi32>,
    %get3A_300 = arith.constant 1 : i32
    %get3A_301 = arith.index_cast %get3A_300 : i32 to index
    %get3A_302 = arith.constant 64 : index
    %get3A_303 = tpu.vector_load %arg5[%get3A_301, %get3A_302] {strides = array<i32>} : memref<80x128xi32, #tpu.memory_space<vmem>>, vector<1x16xi32>,
    %get3A_304 = vector.shape_cast %get3A_303 : vector<1x16xi32> to vector<16xi32>
    %and3A_305 = arith.constant 65535 : i32
    %and3A_306 = vector.broadcast %and3A_305 : i32 to vector<16xi32>
    %and3A_307 = arith.andi %get3A_304, %and3A_306 : vector<16xi32>
    %swap3A_308 = arith.constant 1 : i32
    %swap3A_309 = arith.index_cast %swap3A_308 : i32 to index
    %swap3A_310 = arith.constant 64 : index
    %swap3A_311 = tpu.vector_load %arg6[%swap3A_309, %swap3A_310] {strides = array<i32>} : memref<2x128xi32, #tpu.memory_space<vmem>>, vector<1x16xi32>,
    %swap3A_312 = vector.shape_cast %swap3A_311 : vector<1x16xi32> to vector<16xi32>
    %swap3A_313 = vector.shape_cast %and3A_307 : vector<16xi32> to vector<1x16xi32>
    tpu.vector_store %arg6[%swap3A_309, %swap3A_310], %swap3A_313 {strides = array<i32>} : memref<2x128xi32, #tpu.memory_space<vmem>>, vector<1x16xi32>,
    %shift_right_arithmetic3A_314 = arith.constant 16 : i32
    %shift_right_arithmetic3A_315 = vector.broadcast %shift_right_arithmetic3A_314 : i32 to vector<16xi32>
    %shift_right_arithmetic3A_316 = arith.shrsi %get3A_304, %shift_right_arithmetic3A_315 : vector<16xi32>
    %swap3A_317 = arith.constant 1 : i32
    %swap3A_318 = arith.index_cast %swap3A_317 : i32 to index
    %swap3A_319 = arith.constant 64 : index
    %swap3A_320 = tpu.vector_load %arg7[%swap3A_318, %swap3A_319] {strides = array<i32>} : memref<2x128xi32, #tpu.memory_space<vmem>>, vector<1x16xi32>,
    %swap3A_321 = vector.shape_cast %swap3A_320 : vector<1x16xi32> to vector<16xi32>
    %swap3A_322 = vector.shape_cast %shift_right_arithmetic3A_316 : vector<16xi32> to vector<1x16xi32>
    tpu.vector_store %arg7[%swap3A_318, %swap3A_319], %swap3A_322 {strides = array<i32>} : memref<2x128xi32, #tpu.memory_space<vmem>>, vector<1x16xi32>,
    %get3A_323 = arith.constant 1 : i32
    %get3A_324 = arith.index_cast %get3A_323 : i32 to index
    %get3A_325 = arith.constant 80 : index
    %get3A_326 = tpu.vector_load %arg5[%get3A_324, %get3A_325] {strides = array<i32>} : memref<80x128xi32, #tpu.memory_space<vmem>>, vector<1x16xi32>,
    %get3A_327 = vector.shape_cast %get3A_326 : vector<1x16xi32> to vector<16xi32>
    %and3A_328 = arith.constant 65535 : i32
    %and3A_329 = vector.broadcast %and3A_328 : i32 to vector<16xi32>
    %and3A_330 = arith.andi %get3A_327, %and3A_329 : vector<16xi32>
    %swap3A_331 = arith.constant 1 : i32
    %swap3A_332 = arith.index_cast %swap3A_331 : i32 to index
    %swap3A_333 = arith.constant 80 : index
    %swap3A_334 = tpu.vector_load %arg6[%swap3A_332, %swap3A_333] {strides = array<i32>} : memref<2x128xi32, #tpu.memory_space<vmem>>, vector<1x16xi32>,
    %swap3A_335 = vector.shape_cast %swap3A_334 : vector<1x16xi32> to vector<16xi32>
    %swap3A_336 = vector.shape_cast %and3A_330 : vector<16xi32> to vector<1x16xi32>
    tpu.vector_store %arg6[%swap3A_332, %swap3A_333], %swap3A_336 {strides = array<i32>} : memref<2x128xi32, #tpu.memory_space<vmem>>, vector<1x16xi32>,
    %shift_right_arithmetic3A_337 = arith.constant 16 : i32
    %shift_right_arithmetic3A_338 = vector.broadcast %shift_right_arithmetic3A_337 : i32 to vector<16xi32>
    %shift_right_arithmetic3A_339 = arith.shrsi %get3A_327, %shift_right_arithmetic3A_338 : vector<16xi32>
    %swap3A_340 = arith.constant 1 : i32
    %swap3A_341 = arith.index_cast %swap3A_340 : i32 to index
    %swap3A_342 = arith.constant 80 : index
    %swap3A_343 = tpu.vector_load %arg7[%swap3A_341, %swap3A_342] {strides = array<i32>} : memref<2x128xi32, #tpu.memory_space<vmem>>, vector<1x16xi32>,
    %swap3A_344 = vector.shape_cast %swap3A_343 : vector<1x16xi32> to vector<16xi32>
    %swap3A_345 = vector.shape_cast %shift_right_arithmetic3A_339 : vector<16xi32> to vector<1x16xi32>
    tpu.vector_store %arg7[%swap3A_341, %swap3A_342], %swap3A_345 {strides = array<i32>} : memref<2x128xi32, #tpu.memory_space<vmem>>, vector<1x16xi32>,
    %get3A_346 = arith.constant 1 : i32
    %get3A_347 = arith.index_cast %get3A_346 : i32 to index
    %get3A_348 = arith.constant 96 : index
    %get3A_349 = tpu.vector_load %arg5[%get3A_347, %get3A_348] {strides = array<i32>} : memref<80x128xi32, #tpu.memory_space<vmem>>, vector<1x16xi32>,
    %get3A_350 = vector.shape_cast %get3A_349 : vector<1x16xi32> to vector<16xi32>
    %and3A_351 = arith.constant 65535 : i32
    %and3A_352 = vector.broadcast %and3A_351 : i32 to vector<16xi32>
    %and3A_353 = arith.andi %get3A_350, %and3A_352 : vector<16xi32>
    %swap3A_354 = arith.constant 1 : i32
    %swap3A_355 = arith.index_cast %swap3A_354 : i32 to index
    %swap3A_356 = arith.constant 96 : index
    %swap3A_357 = tpu.vector_load %arg6[%swap3A_355, %swap3A_356] {strides = array<i32>} : memref<2x128xi32, #tpu.memory_space<vmem>>, vector<1x16xi32>,
    %swap3A_358 = vector.shape_cast %swap3A_357 : vector<1x16xi32> to vector<16xi32>
    %swap3A_359 = vector.shape_cast %and3A_353 : vector<16xi32> to vector<1x16xi32>
    tpu.vector_store %arg6[%swap3A_355, %swap3A_356], %swap3A_359 {strides = array<i32>} : memref<2x128xi32, #tpu.memory_space<vmem>>, vector<1x16xi32>,
    %shift_right_arithmetic3A_360 = arith.constant 16 : i32
    %shift_right_arithmetic3A_361 = vector.broadcast %shift_right_arithmetic3A_360 : i32 to vector<16xi32>
    %shift_right_arithmetic3A_362 = arith.shrsi %get3A_350, %shift_right_arithmetic3A_361 : vector<16xi32>
    %swap3A_363 = arith.constant 1 : i32
    %swap3A_364 = arith.index_cast %swap3A_363 : i32 to index
    %swap3A_365 = arith.constant 96 : index
    %swap3A_366 = tpu.vector_load %arg7[%swap3A_364, %swap3A_365] {strides = array<i32>} : memref<2x128xi32, #tpu.memory_space<vmem>>, vector<1x16xi32>,
    %swap3A_367 = vector.shape_cast %swap3A_366 : vector<1x16xi32> to vector<16xi32>
    %swap3A_368 = vector.shape_cast %shift_right_arithmetic3A_362 : vector<16xi32> to vector<1x16xi32>
    tpu.vector_store %arg7[%swap3A_364, %swap3A_365], %swap3A_368 {strides = array<i32>} : memref<2x128xi32, #tpu.memory_space<vmem>>, vector<1x16xi32>,
    %get3A_369 = arith.constant 1 : i32
    %get3A_370 = arith.index_cast %get3A_369 : i32 to index
    %get3A_371 = arith.constant 112 : index
    %get3A_372 = tpu.vector_load %arg5[%get3A_370, %get3A_371] {strides = array<i32>} : memref<80x128xi32, #tpu.memory_space<vmem>>, vector<1x16xi32>,
    %get3A_373 = vector.shape_cast %get3A_372 : vector<1x16xi32> to vector<16xi32>
    %and3A_374 = arith.constant 65535 : i32
    %and3A_375 = vector.broadcast %and3A_374 : i32 to vector<16xi32>
    %and3A_376 = arith.andi %get3A_373, %and3A_375 : vector<16xi32>
    %swap3A_377 = arith.constant 1 : i32
    %swap3A_378 = arith.index_cast %swap3A_377 : i32 to index
    %swap3A_379 = arith.constant 112 : index
    %swap3A_380 = tpu.vector_load %arg6[%swap3A_378, %swap3A_379] {strides = array<i32>} : memref<2x128xi32, #tpu.memory_space<vmem>>, vector<1x16xi32>,
    %swap3A_381 = vector.shape_cast %swap3A_380 : vector<1x16xi32> to vector<16xi32>
    %swap3A_382 = vector.shape_cast %and3A_376 : vector<16xi32> to vector<1x16xi32>
    tpu.vector_store %arg6[%swap3A_378, %swap3A_379], %swap3A_382 {strides = array<i32>} : memref<2x128xi32, #tpu.memory_space<vmem>>, vector<1x16xi32>,
    %shift_right_arithmetic3A_383 = arith.constant 16 : i32
    %shift_right_arithmetic3A_384 = vector.broadcast %shift_right_arithmetic3A_383 : i32 to vector<16xi32>
    %shift_right_arithmetic3A_385 = arith.shrsi %get3A_373, %shift_right_arithmetic3A_384 : vector<16xi32>
    %swap3A_386 = arith.constant 1 : i32
    %swap3A_387 = arith.index_cast %swap3A_386 : i32 to index
    %swap3A_388 = arith.constant 112 : index
    %swap3A_389 = tpu.vector_load %arg7[%swap3A_387, %swap3A_388] {strides = array<i32>} : memref<2x128xi32, #tpu.memory_space<vmem>>, vector<1x16xi32>,
    %swap3A_390 = vector.shape_cast %swap3A_389 : vector<1x16xi32> to vector<16xi32>
    %swap3A_391 = vector.shape_cast %shift_right_arithmetic3A_385 : vector<16xi32> to vector<1x16xi32>
    tpu.vector_store %arg7[%swap3A_387, %swap3A_388], %swap3A_391 {strides = array<i32>} : memref<2x128xi32, #tpu.memory_space<vmem>>, vector<1x16xi32>,
    %dma_start3A_392 = arith.constant 1 : i32
    %dma_start3A_393 = arith.constant 1 : i32
    %dma_start3A_394 = arith.constant 0 : i32
    %dma_start3A_395 = arith.constant 0 : i32
    %dma_start3A_396 = tpu.memref_slice %arg8[%dma_start3A_393, %dma_start3A_394, %dma_start3A_395] : memref<2x128x128xf32, #tpu.memory_space<vmem>> -> memref<1x128x128xf32, #tpu.memory_space<vmem>>
    %dma_start3A_397 = tpu.memref_squeeze %dma_start3A_396 : memref<1x128x128xf32, #tpu.memory_space<vmem>> -> memref<128x128xf32, #tpu.memory_space<vmem>>
    %dma_start3A_398 = arith.constant 0 : i32
    %dma_start3A_399 = tpu.memref_slice %arg6[%dma_start3A_392, %dma_start3A_398] : memref<2x128xi32, #tpu.memory_space<vmem>> -> memref<1x128xi32, #tpu.memory_space<vmem>>
    %dma_start3A_400 = tpu.memref_squeeze %dma_start3A_399 : memref<1x128xi32, #tpu.memory_space<vmem>> -> memref<128xi32, #tpu.memory_space<vmem>>
    %dma_start3A_401 = arith.constant 0 : i32
    %dma_start3A_402 = arith.constant 0 : i32
    %dma_start3A_403 = tpu.memref_slice %arg2[%dma_start3A_401, %dma_start3A_402] : memref<10000x128xf32, #tpu.memory_space<hbm>> -> memref<10000x128xf32, #tpu.memory_space<hbm>>
    tpu.enqueue_indirect_dma source(%dma_start3A_403 : memref<10000x128xf32, #tpu.memory_space<hbm>>) target(%dma_start3A_397 : memref<128x128xf32, #tpu.memory_space<vmem>>) offsets(%dma_start3A_400 : memref<128xi32, #tpu.memory_space<vmem>>) semaphore(%arg11 : memref<!tpu.dma_semaphore, #tpu.memory_space<semaphore_mem>>)
    %scan3A_404 = arith.constant 0 : i32
    %scan3A_405 = arith.constant 0 : i32
    %scan3A_406 = arith.constant 39 : i32
    %scan3A_407 = arith.addi %scan3A_405, %scan3A_406 : i32
    %scan3A_408 = arith.constant 1 : i32
    scf.for %scan3A_438 = %scan3A_405 to %scan3A_407 step %scan3A_408  : i32 {
      %mul3A_439 = arith.constant 2 : i32
      %mul3A_440 = arith.muli %scan3A_438, %mul3A_439 : i32
      %dma_wait3A_441 = arith.constant 0 : i32
      %dma_wait3A_442 = arith.constant 0 : i32
      %dma_wait3A_443 = arith.constant 0 : i32
      %dma_wait3A_444 = arith.constant 0 : i32
      %dma_wait3A_445 = tpu.memref_slice %arg8[%dma_wait3A_442, %dma_wait3A_443, %dma_wait3A_444] : memref<2x128x128xf32, #tpu.memory_space<vmem>> -> memref<1x128x128xf32, #tpu.memory_space<vmem>>
      %dma_wait3A_446 = tpu.memref_squeeze %dma_wait3A_445 : memref<1x128x128xf32, #tpu.memory_space<vmem>> -> memref<128x128xf32, #tpu.memory_space<vmem>>
      %dma_wait3A_447 = arith.constant 0 : i32
      %dma_wait3A_448 = tpu.memref_slice %arg6[%dma_wait3A_441, %dma_wait3A_447] : memref<2x128xi32, #tpu.memory_space<vmem>> -> memref<1x128xi32, #tpu.memory_space<vmem>>
      %dma_wait3A_449 = tpu.memref_squeeze %dma_wait3A_448 : memref<1x128xi32, #tpu.memory_space<vmem>> -> memref<128xi32, #tpu.memory_space<vmem>>
      %dma_wait3A_450 = arith.constant 0 : i32
      %dma_wait3A_451 = arith.constant 0 : i32
      %dma_wait3A_452 = tpu.memref_slice %arg2[%dma_wait3A_450, %dma_wait3A_451] : memref<10000x128xf32, #tpu.memory_space<hbm>> -> memref<10000x128xf32, #tpu.memory_space<hbm>>
      tpu.wait_indirect_dma semaphore(%arg10 : memref<!tpu.dma_semaphore, #tpu.memory_space<semaphore_mem>>) src(%dma_wait3A_452 : memref<10000x128xf32, #tpu.memory_space<hbm>>) dst(%dma_wait3A_446 : memref<128x128xf32, #tpu.memory_space<vmem>>)
      %run_scoped3A_453 = arith.constant 0 : i32
      %run_scoped3A_454 = arith.constant 0 : i32
      "tpu.region"() ({
        %run_scoped3A_853 = tpu.sem_alloc : memref<!tpu.dma_semaphore, #tpu.memory_space<semaphore_mem>>
        %dma_start3A_854 = arith.constant 0 : i32
        %dma_start3A_855 = arith.constant 0 : i32
        %dma_start3A_856 = tpu.memref_slice %arg8[%run_scoped3A_453, %dma_start3A_854, %dma_start3A_855] : memref<2x128x128xf32, #tpu.memory_space<vmem>> -> memref<1x128x128xf32, #tpu.memory_space<vmem>>
        %dma_start3A_857 = tpu.memref_squeeze %dma_start3A_856 : memref<1x128x128xf32, #tpu.memory_space<vmem>> -> memref<128x128xf32, #tpu.memory_space<vmem>>
        %dma_start3A_858 = arith.constant 0 : i32
        %dma_start3A_859 = tpu.memref_slice %arg7[%run_scoped3A_454, %dma_start3A_858] : memref<2x128xi32, #tpu.memory_space<vmem>> -> memref<1x128xi32, #tpu.memory_space<vmem>>
        %dma_start3A_860 = tpu.memref_squeeze %dma_start3A_859 : memref<1x128xi32, #tpu.memory_space<vmem>> -> memref<128xi32, #tpu.memory_space<vmem>>
        %dma_start3A_861 = arith.constant 0 : i32
        %dma_start3A_862 = arith.constant 0 : i32
        %dma_start3A_863 = tpu.memref_slice %arg9[%dma_start3A_861, %dma_start3A_862] : memref<10112x128xf32, #tpu.memory_space<vmem_shared>> -> memref<10112x128xf32, #tpu.memory_space<vmem_shared>>
        tpu.enqueue_indirect_dma source(%dma_start3A_857 : memref<128x128xf32, #tpu.memory_space<vmem>>) target(%dma_start3A_863 : memref<10112x128xf32, #tpu.memory_space<vmem_shared>>) offsets(%dma_start3A_860 : memref<128xi32, #tpu.memory_space<vmem>>) semaphore(%run_scoped3A_853 : memref<!tpu.dma_semaphore, #tpu.memory_space<semaphore_mem>>) {add = true}
        %dma_wait3A_864 = arith.constant 0 : i32
        %dma_wait3A_865 = arith.constant 0 : i32
        %dma_wait3A_866 = tpu.memref_slice %arg8[%run_scoped3A_453, %dma_wait3A_864, %dma_wait3A_865] : memref<2x128x128xf32, #tpu.memory_space<vmem>> -> memref<1x128x128xf32, #tpu.memory_space<vmem>>
        %dma_wait3A_867 = tpu.memref_squeeze %dma_wait3A_866 : memref<1x128x128xf32, #tpu.memory_space<vmem>> -> memref<128x128xf32, #tpu.memory_space<vmem>>
        %dma_wait3A_868 = arith.constant 0 : i32
        %dma_wait3A_869 = tpu.memref_slice %arg7[%run_scoped3A_454, %dma_wait3A_868] : memref<2x128xi32, #tpu.memory_space<vmem>> -> memref<1x128xi32, #tpu.memory_space<vmem>>
        %dma_wait3A_870 = tpu.memref_squeeze %dma_wait3A_869 : memref<1x128xi32, #tpu.memory_space<vmem>> -> memref<128xi32, #tpu.memory_space<vmem>>
        %dma_wait3A_871 = arith.constant 0 : i32
        %dma_wait3A_872 = arith.constant 0 : i32
        %dma_wait3A_873 = tpu.memref_slice %arg9[%dma_wait3A_871, %dma_wait3A_872] : memref<10112x128xf32, #tpu.memory_space<vmem_shared>> -> memref<10112x128xf32, #tpu.memory_space<vmem_shared>>
        tpu.wait_indirect_dma semaphore(%run_scoped3A_853 : memref<!tpu.dma_semaphore, #tpu.memory_space<semaphore_mem>>) src(%dma_wait3A_867 : memref<128x128xf32, #tpu.memory_space<vmem>>) dst(%dma_wait3A_873 : memref<10112x128xf32, #tpu.memory_space<vmem_shared>>)
        tpu.yield
      }) : () -> ()
      %add3A_455 = arith.constant 0 : i32
      %add3A_456 = arith.addi %mul3A_440, %add3A_455 : i32
      %add3A_457 = arith.constant 2 : i32
      %add3A_458 = arith.addi %add3A_456, %add3A_457 : i32
      %get3A_459 = arith.index_cast %add3A_458 : i32 to index
      %get3A_460 = arith.constant 0 : index
      %get3A_461 = tpu.vector_load %arg5[%get3A_459, %get3A_460] {strides = array<i32>} : memref<80x128xi32, #tpu.memory_space<vmem>>, vector<1x16xi32>,
      %get3A_462 = vector.shape_cast %get3A_461 : vector<1x16xi32> to vector<16xi32>
      %and3A_463 = arith.constant 65535 : i32
      %and3A_464 = vector.broadcast %and3A_463 : i32 to vector<16xi32>
      %and3A_465 = arith.andi %get3A_462, %and3A_464 : vector<16xi32>
      %swap3A_466 = arith.constant 0 : i32
      %swap3A_467 = arith.index_cast %swap3A_466 : i32 to index
      %swap3A_468 = arith.constant 0 : index
      %swap3A_469 = tpu.vector_load %arg6[%swap3A_467, %swap3A_468] {strides = array<i32>} : memref<2x128xi32, #tpu.memory_space<vmem>>, vector<1x16xi32>,
      %swap3A_470 = vector.shape_cast %swap3A_469 : vector<1x16xi32> to vector<16xi32>
      %swap3A_471 = vector.shape_cast %and3A_465 : vector<16xi32> to vector<1x16xi32>
      tpu.vector_store %arg6[%swap3A_467, %swap3A_468], %swap3A_471 {strides = array<i32>} : memref<2x128xi32, #tpu.memory_space<vmem>>, vector<1x16xi32>,
      %shift_right_arithmetic3A_472 = arith.constant 16 : i32
      %shift_right_arithmetic3A_473 = vector.broadcast %shift_right_arithmetic3A_472 : i32 to vector<16xi32>
      %shift_right_arithmetic3A_474 = arith.shrsi %get3A_462, %shift_right_arithmetic3A_473 : vector<16xi32>
      %swap3A_475 = arith.constant 0 : i32
      %swap3A_476 = arith.index_cast %swap3A_475 : i32 to index
      %swap3A_477 = arith.constant 0 : index
      %swap3A_478 = tpu.vector_load %arg7[%swap3A_476, %swap3A_477] {strides = array<i32>} : memref<2x128xi32, #tpu.memory_space<vmem>>, vector<1x16xi32>,
      %swap3A_479 = vector.shape_cast %swap3A_478 : vector<1x16xi32> to vector<16xi32>
      %swap3A_480 = vector.shape_cast %shift_right_arithmetic3A_474 : vector<16xi32> to vector<1x16xi32>
      tpu.vector_store %arg7[%swap3A_476, %swap3A_477], %swap3A_480 {strides = array<i32>} : memref<2x128xi32, #tpu.memory_space<vmem>>, vector<1x16xi32>,
      %get3A_481 = arith.index_cast %add3A_458 : i32 to index
      %get3A_482 = arith.constant 16 : index
      %get3A_483 = tpu.vector_load %arg5[%get3A_481, %get3A_482] {strides = array<i32>} : memref<80x128xi32, #tpu.memory_space<vmem>>, vector<1x16xi32>,
      %get3A_484 = vector.shape_cast %get3A_483 : vector<1x16xi32> to vector<16xi32>
      %and3A_485 = arith.constant 65535 : i32
      %and3A_486 = vector.broadcast %and3A_485 : i32 to vector<16xi32>
      %and3A_487 = arith.andi %get3A_484, %and3A_486 : vector<16xi32>
      %swap3A_488 = arith.constant 0 : i32
      %swap3A_489 = arith.index_cast %swap3A_488 : i32 to index
      %swap3A_490 = arith.constant 16 : index
      %swap3A_491 = tpu.vector_load %arg6[%swap3A_489, %swap3A_490] {strides = array<i32>} : memref<2x128xi32, #tpu.memory_space<vmem>>, vector<1x16xi32>,
      %swap3A_492 = vector.shape_cast %swap3A_491 : vector<1x16xi32> to vector<16xi32>
      %swap3A_493 = vector.shape_cast %and3A_487 : vector<16xi32> to vector<1x16xi32>
      tpu.vector_store %arg6[%swap3A_489, %swap3A_490], %swap3A_493 {strides = array<i32>} : memref<2x128xi32, #tpu.memory_space<vmem>>, vector<1x16xi32>,
      %shift_right_arithmetic3A_494 = arith.constant 16 : i32
      %shift_right_arithmetic3A_495 = vector.broadcast %shift_right_arithmetic3A_494 : i32 to vector<16xi32>
      %shift_right_arithmetic3A_496 = arith.shrsi %get3A_484, %shift_right_arithmetic3A_495 : vector<16xi32>
      %swap3A_497 = arith.constant 0 : i32
      %swap3A_498 = arith.index_cast %swap3A_497 : i32 to index
      %swap3A_499 = arith.constant 16 : index
      %swap3A_500 = tpu.vector_load %arg7[%swap3A_498, %swap3A_499] {strides = array<i32>} : memref<2x128xi32, #tpu.memory_space<vmem>>, vector<1x16xi32>,
      %swap3A_501 = vector.shape_cast %swap3A_500 : vector<1x16xi32> to vector<16xi32>
      %swap3A_502 = vector.shape_cast %shift_right_arithmetic3A_496 : vector<16xi32> to vector<1x16xi32>
      tpu.vector_store %arg7[%swap3A_498, %swap3A_499], %swap3A_502 {strides = array<i32>} : memref<2x128xi32, #tpu.memory_space<vmem>>, vector<1x16xi32>,
      %get3A_503 = arith.index_cast %add3A_458 : i32 to index
      %get3A_504 = arith.constant 32 : index
      %get3A_505 = tpu.vector_load %arg5[%get3A_503, %get3A_504] {strides = array<i32>} : memref<80x128xi32, #tpu.memory_space<vmem>>, vector<1x16xi32>,
      %get3A_506 = vector.shape_cast %get3A_505 : vector<1x16xi32> to vector<16xi32>
      %and3A_507 = arith.constant 65535 : i32
      %and3A_508 = vector.broadcast %and3A_507 : i32 to vector<16xi32>
      %and3A_509 = arith.andi %get3A_506, %and3A_508 : vector<16xi32>
      %swap3A_510 = arith.constant 0 : i32
      %swap3A_511 = arith.index_cast %swap3A_510 : i32 to index
      %swap3A_512 = arith.constant 32 : index
      %swap3A_513 = tpu.vector_load %arg6[%swap3A_511, %swap3A_512] {strides = array<i32>} : memref<2x128xi32, #tpu.memory_space<vmem>>, vector<1x16xi32>,
      %swap3A_514 = vector.shape_cast %swap3A_513 : vector<1x16xi32> to vector<16xi32>
      %swap3A_515 = vector.shape_cast %and3A_509 : vector<16xi32> to vector<1x16xi32>
      tpu.vector_store %arg6[%swap3A_511, %swap3A_512], %swap3A_515 {strides = array<i32>} : memref<2x128xi32, #tpu.memory_space<vmem>>, vector<1x16xi32>,
      %shift_right_arithmetic3A_516 = arith.constant 16 : i32
      %shift_right_arithmetic3A_517 = vector.broadcast %shift_right_arithmetic3A_516 : i32 to vector<16xi32>
      %shift_right_arithmetic3A_518 = arith.shrsi %get3A_506, %shift_right_arithmetic3A_517 : vector<16xi32>
      %swap3A_519 = arith.constant 0 : i32
      %swap3A_520 = arith.index_cast %swap3A_519 : i32 to index
      %swap3A_521 = arith.constant 32 : index
      %swap3A_522 = tpu.vector_load %arg7[%swap3A_520, %swap3A_521] {strides = array<i32>} : memref<2x128xi32, #tpu.memory_space<vmem>>, vector<1x16xi32>,
      %swap3A_523 = vector.shape_cast %swap3A_522 : vector<1x16xi32> to vector<16xi32>
      %swap3A_524 = vector.shape_cast %shift_right_arithmetic3A_518 : vector<16xi32> to vector<1x16xi32>
      tpu.vector_store %arg7[%swap3A_520, %swap3A_521], %swap3A_524 {strides = array<i32>} : memref<2x128xi32, #tpu.memory_space<vmem>>, vector<1x16xi32>,
      %get3A_525 = arith.index_cast %add3A_458 : i32 to index
      %get3A_526 = arith.constant 48 : index
      %get3A_527 = tpu.vector_load %arg5[%get3A_525, %get3A_526] {strides = array<i32>} : memref<80x128xi32, #tpu.memory_space<vmem>>, vector<1x16xi32>,
      %get3A_528 = vector.shape_cast %get3A_527 : vector<1x16xi32> to vector<16xi32>
      %and3A_529 = arith.constant 65535 : i32
      %and3A_530 = vector.broadcast %and3A_529 : i32 to vector<16xi32>
      %and3A_531 = arith.andi %get3A_528, %and3A_530 : vector<16xi32>
      %swap3A_532 = arith.constant 0 : i32
      %swap3A_533 = arith.index_cast %swap3A_532 : i32 to index
      %swap3A_534 = arith.constant 48 : index
      %swap3A_535 = tpu.vector_load %arg6[%swap3A_533, %swap3A_534] {strides = array<i32>} : memref<2x128xi32, #tpu.memory_space<vmem>>, vector<1x16xi32>,
      %swap3A_536 = vector.shape_cast %swap3A_535 : vector<1x16xi32> to vector<16xi32>
      %swap3A_537 = vector.shape_cast %and3A_531 : vector<16xi32> to vector<1x16xi32>
      tpu.vector_store %arg6[%swap3A_533, %swap3A_534], %swap3A_537 {strides = array<i32>} : memref<2x128xi32, #tpu.memory_space<vmem>>, vector<1x16xi32>,
      %shift_right_arithmetic3A_538 = arith.constant 16 : i32
      %shift_right_arithmetic3A_539 = vector.broadcast %shift_right_arithmetic3A_538 : i32 to vector<16xi32>
      %shift_right_arithmetic3A_540 = arith.shrsi %get3A_528, %shift_right_arithmetic3A_539 : vector<16xi32>
      %swap3A_541 = arith.constant 0 : i32
      %swap3A_542 = arith.index_cast %swap3A_541 : i32 to index
      %swap3A_543 = arith.constant 48 : index
      %swap3A_544 = tpu.vector_load %arg7[%swap3A_542, %swap3A_543] {strides = array<i32>} : memref<2x128xi32, #tpu.memory_space<vmem>>, vector<1x16xi32>,
      %swap3A_545 = vector.shape_cast %swap3A_544 : vector<1x16xi32> to vector<16xi32>
      %swap3A_546 = vector.shape_cast %shift_right_arithmetic3A_540 : vector<16xi32> to vector<1x16xi32>
      tpu.vector_store %arg7[%swap3A_542, %swap3A_543], %swap3A_546 {strides = array<i32>} : memref<2x128xi32, #tpu.memory_space<vmem>>, vector<1x16xi32>,
      %get3A_547 = arith.index_cast %add3A_458 : i32 to index
      %get3A_548 = arith.constant 64 : index
      %get3A_549 = tpu.vector_load %arg5[%get3A_547, %get3A_548] {strides = array<i32>} : memref<80x128xi32, #tpu.memory_space<vmem>>, vector<1x16xi32>,
      %get3A_550 = vector.shape_cast %get3A_549 : vector<1x16xi32> to vector<16xi32>
      %and3A_551 = arith.constant 65535 : i32
      %and3A_552 = vector.broadcast %and3A_551 : i32 to vector<16xi32>
      %and3A_553 = arith.andi %get3A_550, %and3A_552 : vector<16xi32>
      %swap3A_554 = arith.constant 0 : i32
      %swap3A_555 = arith.index_cast %swap3A_554 : i32 to index
      %swap3A_556 = arith.constant 64 : index
      %swap3A_557 = tpu.vector_load %arg6[%swap3A_555, %swap3A_556] {strides = array<i32>} : memref<2x128xi32, #tpu.memory_space<vmem>>, vector<1x16xi32>,
      %swap3A_558 = vector.shape_cast %swap3A_557 : vector<1x16xi32> to vector<16xi32>
      %swap3A_559 = vector.shape_cast %and3A_553 : vector<16xi32> to vector<1x16xi32>
      tpu.vector_store %arg6[%swap3A_555, %swap3A_556], %swap3A_559 {strides = array<i32>} : memref<2x128xi32, #tpu.memory_space<vmem>>, vector<1x16xi32>,
      %shift_right_arithmetic3A_560 = arith.constant 16 : i32
      %shift_right_arithmetic3A_561 = vector.broadcast %shift_right_arithmetic3A_560 : i32 to vector<16xi32>
      %shift_right_arithmetic3A_562 = arith.shrsi %get3A_550, %shift_right_arithmetic3A_561 : vector<16xi32>
      %swap3A_563 = arith.constant 0 : i32
      %swap3A_564 = arith.index_cast %swap3A_563 : i32 to index
      %swap3A_565 = arith.constant 64 : index
      %swap3A_566 = tpu.vector_load %arg7[%swap3A_564, %swap3A_565] {strides = array<i32>} : memref<2x128xi32, #tpu.memory_space<vmem>>, vector<1x16xi32>,
      %swap3A_567 = vector.shape_cast %swap3A_566 : vector<1x16xi32> to vector<16xi32>
      %swap3A_568 = vector.shape_cast %shift_right_arithmetic3A_562 : vector<16xi32> to vector<1x16xi32>
      tpu.vector_store %arg7[%swap3A_564, %swap3A_565], %swap3A_568 {strides = array<i32>} : memref<2x128xi32, #tpu.memory_space<vmem>>, vector<1x16xi32>,
      %get3A_569 = arith.index_cast %add3A_458 : i32 to index
      %get3A_570 = arith.constant 80 : index
      %get3A_571 = tpu.vector_load %arg5[%get3A_569, %get3A_570] {strides = array<i32>} : memref<80x128xi32, #tpu.memory_space<vmem>>, vector<1x16xi32>,
      %get3A_572 = vector.shape_cast %get3A_571 : vector<1x16xi32> to vector<16xi32>
      %and3A_573 = arith.constant 65535 : i32
      %and3A_574 = vector.broadcast %and3A_573 : i32 to vector<16xi32>
      %and3A_575 = arith.andi %get3A_572, %and3A_574 : vector<16xi32>
      %swap3A_576 = arith.constant 0 : i32
      %swap3A_577 = arith.index_cast %swap3A_576 : i32 to index
      %swap3A_578 = arith.constant 80 : index
      %swap3A_579 = tpu.vector_load %arg6[%swap3A_577, %swap3A_578] {strides = array<i32>} : memref<2x128xi32, #tpu.memory_space<vmem>>, vector<1x16xi32>,
      %swap3A_580 = vector.shape_cast %swap3A_579 : vector<1x16xi32> to vector<16xi32>
      %swap3A_581 = vector.shape_cast %and3A_575 : vector<16xi32> to vector<1x16xi32>
      tpu.vector_store %arg6[%swap3A_577, %swap3A_578], %swap3A_581 {strides = array<i32>} : memref<2x128xi32, #tpu.memory_space<vmem>>, vector<1x16xi32>,
      %shift_right_arithmetic3A_582 = arith.constant 16 : i32
      %shift_right_arithmetic3A_583 = vector.broadcast %shift_right_arithmetic3A_582 : i32 to vector<16xi32>
      %shift_right_arithmetic3A_584 = arith.shrsi %get3A_572, %shift_right_arithmetic3A_583 : vector<16xi32>
      %swap3A_585 = arith.constant 0 : i32
      %swap3A_586 = arith.index_cast %swap3A_585 : i32 to index
      %swap3A_587 = arith.constant 80 : index
      %swap3A_588 = tpu.vector_load %arg7[%swap3A_586, %swap3A_587] {strides = array<i32>} : memref<2x128xi32, #tpu.memory_space<vmem>>, vector<1x16xi32>,
      %swap3A_589 = vector.shape_cast %swap3A_588 : vector<1x16xi32> to vector<16xi32>
      %swap3A_590 = vector.shape_cast %shift_right_arithmetic3A_584 : vector<16xi32> to vector<1x16xi32>
      tpu.vector_store %arg7[%swap3A_586, %swap3A_587], %swap3A_590 {strides = array<i32>} : memref<2x128xi32, #tpu.memory_space<vmem>>, vector<1x16xi32>,
      %get3A_591 = arith.index_cast %add3A_458 : i32 to index
      %get3A_592 = arith.constant 96 : index
      %get3A_593 = tpu.vector_load %arg5[%get3A_591, %get3A_592] {strides = array<i32>} : memref<80x128xi32, #tpu.memory_space<vmem>>, vector<1x16xi32>,
      %get3A_594 = vector.shape_cast %get3A_593 : vector<1x16xi32> to vector<16xi32>
      %and3A_595 = arith.constant 65535 : i32
      %and3A_596 = vector.broadcast %and3A_595 : i32 to vector<16xi32>
      %and3A_597 = arith.andi %get3A_594, %and3A_596 : vector<16xi32>
      %swap3A_598 = arith.constant 0 : i32
      %swap3A_599 = arith.index_cast %swap3A_598 : i32 to index
      %swap3A_600 = arith.constant 96 : index
      %swap3A_601 = tpu.vector_load %arg6[%swap3A_599, %swap3A_600] {strides = array<i32>} : memref<2x128xi32, #tpu.memory_space<vmem>>, vector<1x16xi32>,
      %swap3A_602 = vector.shape_cast %swap3A_601 : vector<1x16xi32> to vector<16xi32>
      %swap3A_603 = vector.shape_cast %and3A_597 : vector<16xi32> to vector<1x16xi32>
      tpu.vector_store %arg6[%swap3A_599, %swap3A_600], %swap3A_603 {strides = array<i32>} : memref<2x128xi32, #tpu.memory_space<vmem>>, vector<1x16xi32>,
      %shift_right_arithmetic3A_604 = arith.constant 16 : i32
      %shift_right_arithmetic3A_605 = vector.broadcast %shift_right_arithmetic3A_604 : i32 to vector<16xi32>
      %shift_right_arithmetic3A_606 = arith.shrsi %get3A_594, %shift_right_arithmetic3A_605 : vector<16xi32>
      %swap3A_607 = arith.constant 0 : i32
      %swap3A_608 = arith.index_cast %swap3A_607 : i32 to index
      %swap3A_609 = arith.constant 96 : index
      %swap3A_610 = tpu.vector_load %arg7[%swap3A_608, %swap3A_609] {strides = array<i32>} : memref<2x128xi32, #tpu.memory_space<vmem>>, vector<1x16xi32>,
      %swap3A_611 = vector.shape_cast %swap3A_610 : vector<1x16xi32> to vector<16xi32>
      %swap3A_612 = vector.shape_cast %shift_right_arithmetic3A_606 : vector<16xi32> to vector<1x16xi32>
      tpu.vector_store %arg7[%swap3A_608, %swap3A_609], %swap3A_612 {strides = array<i32>} : memref<2x128xi32, #tpu.memory_space<vmem>>, vector<1x16xi32>,
      %get3A_613 = arith.index_cast %add3A_458 : i32 to index
      %get3A_614 = arith.constant 112 : index
      %get3A_615 = tpu.vector_load %arg5[%get3A_613, %get3A_614] {strides = array<i32>} : memref<80x128xi32, #tpu.memory_space<vmem>>, vector<1x16xi32>,
      %get3A_616 = vector.shape_cast %get3A_615 : vector<1x16xi32> to vector<16xi32>
      %and3A_617 = arith.constant 65535 : i32
      %and3A_618 = vector.broadcast %and3A_617 : i32 to vector<16xi32>
      %and3A_619 = arith.andi %get3A_616, %and3A_618 : vector<16xi32>
      %swap3A_620 = arith.constant 0 : i32
      %swap3A_621 = arith.index_cast %swap3A_620 : i32 to index
      %swap3A_622 = arith.constant 112 : index
      %swap3A_623 = tpu.vector_load %arg6[%swap3A_621, %swap3A_622] {strides = array<i32>} : memref<2x128xi32, #tpu.memory_space<vmem>>, vector<1x16xi32>,
      %swap3A_624 = vector.shape_cast %swap3A_623 : vector<1x16xi32> to vector<16xi32>
      %swap3A_625 = vector.shape_cast %and3A_619 : vector<16xi32> to vector<1x16xi32>
      tpu.vector_store %arg6[%swap3A_621, %swap3A_622], %swap3A_625 {strides = array<i32>} : memref<2x128xi32, #tpu.memory_space<vmem>>, vector<1x16xi32>,
      %shift_right_arithmetic3A_626 = arith.constant 16 : i32
      %shift_right_arithmetic3A_627 = vector.broadcast %shift_right_arithmetic3A_626 : i32 to vector<16xi32>
      %shift_right_arithmetic3A_628 = arith.shrsi %get3A_616, %shift_right_arithmetic3A_627 : vector<16xi32>
      %swap3A_629 = arith.constant 0 : i32
      %swap3A_630 = arith.index_cast %swap3A_629 : i32 to index
      %swap3A_631 = arith.constant 112 : index
      %swap3A_632 = tpu.vector_load %arg7[%swap3A_630, %swap3A_631] {strides = array<i32>} : memref<2x128xi32, #tpu.memory_space<vmem>>, vector<1x16xi32>,
      %swap3A_633 = vector.shape_cast %swap3A_632 : vector<1x16xi32> to vector<16xi32>
      %swap3A_634 = vector.shape_cast %shift_right_arithmetic3A_628 : vector<16xi32> to vector<1x16xi32>
      tpu.vector_store %arg7[%swap3A_630, %swap3A_631], %swap3A_634 {strides = array<i32>} : memref<2x128xi32, #tpu.memory_space<vmem>>, vector<1x16xi32>,
      %dma_start3A_635 = arith.constant 0 : i32
      %dma_start3A_636 = arith.constant 0 : i32
      %dma_start3A_637 = arith.constant 0 : i32
      %dma_start3A_638 = arith.constant 0 : i32
      %dma_start3A_639 = tpu.memref_slice %arg8[%dma_start3A_636, %dma_start3A_637, %dma_start3A_638] : memref<2x128x128xf32, #tpu.memory_space<vmem>> -> memref<1x128x128xf32, #tpu.memory_space<vmem>>
      %dma_start3A_640 = tpu.memref_squeeze %dma_start3A_639 : memref<1x128x128xf32, #tpu.memory_space<vmem>> -> memref<128x128xf32, #tpu.memory_space<vmem>>
      %dma_start3A_641 = arith.constant 0 : i32
      %dma_start3A_642 = tpu.memref_slice %arg6[%dma_start3A_635, %dma_start3A_641] : memref<2x128xi32, #tpu.memory_space<vmem>> -> memref<1x128xi32, #tpu.memory_space<vmem>>
      %dma_start3A_643 = tpu.memref_squeeze %dma_start3A_642 : memref<1x128xi32, #tpu.memory_space<vmem>> -> memref<128xi32, #tpu.memory_space<vmem>>
      %dma_start3A_644 = arith.constant 0 : i32
      %dma_start3A_645 = arith.constant 0 : i32
      %dma_start3A_646 = tpu.memref_slice %arg2[%dma_start3A_644, %dma_start3A_645] : memref<10000x128xf32, #tpu.memory_space<hbm>> -> memref<10000x128xf32, #tpu.memory_space<hbm>>
      tpu.enqueue_indirect_dma source(%dma_start3A_646 : memref<10000x128xf32, #tpu.memory_space<hbm>>) target(%dma_start3A_640 : memref<128x128xf32, #tpu.memory_space<vmem>>) offsets(%dma_start3A_643 : memref<128xi32, #tpu.memory_space<vmem>>) semaphore(%arg10 : memref<!tpu.dma_semaphore, #tpu.memory_space<semaphore_mem>>)
      %dma_wait3A_647 = arith.constant 1 : i32
      %dma_wait3A_648 = arith.constant 1 : i32
      %dma_wait3A_649 = arith.constant 0 : i32
      %dma_wait3A_650 = arith.constant 0 : i32
      %dma_wait3A_651 = tpu.memref_slice %arg8[%dma_wait3A_648, %dma_wait3A_649, %dma_wait3A_650] : memref<2x128x128xf32, #tpu.memory_space<vmem>> -> memref<1x128x128xf32, #tpu.memory_space<vmem>>
      %dma_wait3A_652 = tpu.memref_squeeze %dma_wait3A_651 : memref<1x128x128xf32, #tpu.memory_space<vmem>> -> memref<128x128xf32, #tpu.memory_space<vmem>>
      %dma_wait3A_653 = arith.constant 0 : i32
      %dma_wait3A_654 = tpu.memref_slice %arg6[%dma_wait3A_647, %dma_wait3A_653] : memref<2x128xi32, #tpu.memory_space<vmem>> -> memref<1x128xi32, #tpu.memory_space<vmem>>
      %dma_wait3A_655 = tpu.memref_squeeze %dma_wait3A_654 : memref<1x128xi32, #tpu.memory_space<vmem>> -> memref<128xi32, #tpu.memory_space<vmem>>
      %dma_wait3A_656 = arith.constant 0 : i32
      %dma_wait3A_657 = arith.constant 0 : i32
      %dma_wait3A_658 = tpu.memref_slice %arg2[%dma_wait3A_656, %dma_wait3A_657] : memref<10000x128xf32, #tpu.memory_space<hbm>> -> memref<10000x128xf32, #tpu.memory_space<hbm>>
      tpu.wait_indirect_dma semaphore(%arg11 : memref<!tpu.dma_semaphore, #tpu.memory_space<semaphore_mem>>) src(%dma_wait3A_658 : memref<10000x128xf32, #tpu.memory_space<hbm>>) dst(%dma_wait3A_652 : memref<128x128xf32, #tpu.memory_space<vmem>>)
      %run_scoped3A_659 = arith.constant 1 : i32
      %run_scoped3A_660 = arith.constant 1 : i32
      "tpu.region"() ({
        %run_scoped3A_853 = tpu.sem_alloc : memref<!tpu.dma_semaphore, #tpu.memory_space<semaphore_mem>>
        %dma_start3A_854 = arith.constant 0 : i32
        %dma_start3A_855 = arith.constant 0 : i32
        %dma_start3A_856 = tpu.memref_slice %arg8[%run_scoped3A_659, %dma_start3A_854, %dma_start3A_855] : memref<2x128x128xf32, #tpu.memory_space<vmem>> -> memref<1x128x128xf32, #tpu.memory_space<vmem>>
        %dma_start3A_857 = tpu.memref_squeeze %dma_start3A_856 : memref<1x128x128xf32, #tpu.memory_space<vmem>> -> memref<128x128xf32, #tpu.memory_space<vmem>>
        %dma_start3A_858 = arith.constant 0 : i32
        %dma_start3A_859 = tpu.memref_slice %arg7[%run_scoped3A_660, %dma_start3A_858] : memref<2x128xi32, #tpu.memory_space<vmem>> -> memref<1x128xi32, #tpu.memory_space<vmem>>
        %dma_start3A_860 = tpu.memref_squeeze %dma_start3A_859 : memref<1x128xi32, #tpu.memory_space<vmem>> -> memref<128xi32, #tpu.memory_space<vmem>>
        %dma_start3A_861 = arith.constant 0 : i32
        %dma_start3A_862 = arith.constant 0 : i32
        %dma_start3A_863 = tpu.memref_slice %arg9[%dma_start3A_861, %dma_start3A_862] : memref<10112x128xf32, #tpu.memory_space<vmem_shared>> -> memref<10112x128xf32, #tpu.memory_space<vmem_shared>>
        tpu.enqueue_indirect_dma source(%dma_start3A_857 : memref<128x128xf32, #tpu.memory_space<vmem>>) target(%dma_start3A_863 : memref<10112x128xf32, #tpu.memory_space<vmem_shared>>) offsets(%dma_start3A_860 : memref<128xi32, #tpu.memory_space<vmem>>) semaphore(%run_scoped3A_853 : memref<!tpu.dma_semaphore, #tpu.memory_space<semaphore_mem>>) {add = true}
        %dma_wait3A_864 = arith.constant 0 : i32
        %dma_wait3A_865 = arith.constant 0 : i32
        %dma_wait3A_866 = tpu.memref_slice %arg8[%run_scoped3A_659, %dma_wait3A_864, %dma_wait3A_865] : memref<2x128x128xf32, #tpu.memory_space<vmem>> -> memref<1x128x128xf32, #tpu.memory_space<vmem>>
        %dma_wait3A_867 = tpu.memref_squeeze %dma_wait3A_866 : memref<1x128x128xf32, #tpu.memory_space<vmem>> -> memref<128x128xf32, #tpu.memory_space<vmem>>
        %dma_wait3A_868 = arith.constant 0 : i32
        %dma_wait3A_869 = tpu.memref_slice %arg7[%run_scoped3A_660, %dma_wait3A_868] : memref<2x128xi32, #tpu.memory_space<vmem>> -> memref<1x128xi32, #tpu.memory_space<vmem>>
        %dma_wait3A_870 = tpu.memref_squeeze %dma_wait3A_869 : memref<1x128xi32, #tpu.memory_space<vmem>> -> memref<128xi32, #tpu.memory_space<vmem>>
        %dma_wait3A_871 = arith.constant 0 : i32
        %dma_wait3A_872 = arith.constant 0 : i32
        %dma_wait3A_873 = tpu.memref_slice %arg9[%dma_wait3A_871, %dma_wait3A_872] : memref<10112x128xf32, #tpu.memory_space<vmem_shared>> -> memref<10112x128xf32, #tpu.memory_space<vmem_shared>>
        tpu.wait_indirect_dma semaphore(%run_scoped3A_853 : memref<!tpu.dma_semaphore, #tpu.memory_space<semaphore_mem>>) src(%dma_wait3A_867 : memref<128x128xf32, #tpu.memory_space<vmem>>) dst(%dma_wait3A_873 : memref<10112x128xf32, #tpu.memory_space<vmem_shared>>)
        tpu.yield
      }) : () -> ()
      %add3A_661 = arith.constant 1 : i32
      %add3A_662 = arith.addi %mul3A_440, %add3A_661 : i32
      %add3A_663 = arith.constant 2 : i32
      %add3A_664 = arith.addi %add3A_662, %add3A_663 : i32
      %get3A_665 = arith.index_cast %add3A_664 : i32 to index
      %get3A_666 = arith.constant 0 : index
      %get3A_667 = tpu.vector_load %arg5[%get3A_665, %get3A_666] {strides = array<i32>} : memref<80x128xi32, #tpu.memory_space<vmem>>, vector<1x16xi32>,
      %get3A_668 = vector.shape_cast %get3A_667 : vector<1x16xi32> to vector<16xi32>
      %and3A_669 = arith.constant 65535 : i32
      %and3A_670 = vector.broadcast %and3A_669 : i32 to vector<16xi32>
      %and3A_671 = arith.andi %get3A_668, %and3A_670 : vector<16xi32>
      %swap3A_672 = arith.constant 1 : i32
      %swap3A_673 = arith.index_cast %swap3A_672 : i32 to index
      %swap3A_674 = arith.constant 0 : index
      %swap3A_675 = tpu.vector_load %arg6[%swap3A_673, %swap3A_674] {strides = array<i32>} : memref<2x128xi32, #tpu.memory_space<vmem>>, vector<1x16xi32>,
      %swap3A_676 = vector.shape_cast %swap3A_675 : vector<1x16xi32> to vector<16xi32>
      %swap3A_677 = vector.shape_cast %and3A_671 : vector<16xi32> to vector<1x16xi32>
      tpu.vector_store %arg6[%swap3A_673, %swap3A_674], %swap3A_677 {strides = array<i32>} : memref<2x128xi32, #tpu.memory_space<vmem>>, vector<1x16xi32>,
      %shift_right_arithmetic3A_678 = arith.constant 16 : i32
      %shift_right_arithmetic3A_679 = vector.broadcast %shift_right_arithmetic3A_678 : i32 to vector<16xi32>
      %shift_right_arithmetic3A_680 = arith.shrsi %get3A_668, %shift_right_arithmetic3A_679 : vector<16xi32>
      %swap3A_681 = arith.constant 1 : i32
      %swap3A_682 = arith.index_cast %swap3A_681 : i32 to index
      %swap3A_683 = arith.constant 0 : index
      %swap3A_684 = tpu.vector_load %arg7[%swap3A_682, %swap3A_683] {strides = array<i32>} : memref<2x128xi32, #tpu.memory_space<vmem>>, vector<1x16xi32>,
      %swap3A_685 = vector.shape_cast %swap3A_684 : vector<1x16xi32> to vector<16xi32>
      %swap3A_686 = vector.shape_cast %shift_right_arithmetic3A_680 : vector<16xi32> to vector<1x16xi32>
      tpu.vector_store %arg7[%swap3A_682, %swap3A_683], %swap3A_686 {strides = array<i32>} : memref<2x128xi32, #tpu.memory_space<vmem>>, vector<1x16xi32>,
      %get3A_687 = arith.index_cast %add3A_664 : i32 to index
      %get3A_688 = arith.constant 16 : index
      %get3A_689 = tpu.vector_load %arg5[%get3A_687, %get3A_688] {strides = array<i32>} : memref<80x128xi32, #tpu.memory_space<vmem>>, vector<1x16xi32>,
      %get3A_690 = vector.shape_cast %get3A_689 : vector<1x16xi32> to vector<16xi32>
      %and3A_691 = arith.constant 65535 : i32
      %and3A_692 = vector.broadcast %and3A_691 : i32 to vector<16xi32>
      %and3A_693 = arith.andi %get3A_690, %and3A_692 : vector<16xi32>
      %swap3A_694 = arith.constant 1 : i32
      %swap3A_695 = arith.index_cast %swap3A_694 : i32 to index
      %swap3A_696 = arith.constant 16 : index
      %swap3A_697 = tpu.vector_load %arg6[%swap3A_695, %swap3A_696] {strides = array<i32>} : memref<2x128xi32, #tpu.memory_space<vmem>>, vector<1x16xi32>,
      %swap3A_698 = vector.shape_cast %swap3A_697 : vector<1x16xi32> to vector<16xi32>
      %swap3A_699 = vector.shape_cast %and3A_693 : vector<16xi32> to vector<1x16xi32>
      tpu.vector_store %arg6[%swap3A_695, %swap3A_696], %swap3A_699 {strides = array<i32>} : memref<2x128xi32, #tpu.memory_space<vmem>>, vector<1x16xi32>,
      %shift_right_arithmetic3A_700 = arith.constant 16 : i32
      %shift_right_arithmetic3A_701 = vector.broadcast %shift_right_arithmetic3A_700 : i32 to vector<16xi32>
      %shift_right_arithmetic3A_702 = arith.shrsi %get3A_690, %shift_right_arithmetic3A_701 : vector<16xi32>
      %swap3A_703 = arith.constant 1 : i32
      %swap3A_704 = arith.index_cast %swap3A_703 : i32 to index
      %swap3A_705 = arith.constant 16 : index
      %swap3A_706 = tpu.vector_load %arg7[%swap3A_704, %swap3A_705] {strides = array<i32>} : memref<2x128xi32, #tpu.memory_space<vmem>>, vector<1x16xi32>,
      %swap3A_707 = vector.shape_cast %swap3A_706 : vector<1x16xi32> to vector<16xi32>
      %swap3A_708 = vector.shape_cast %shift_right_arithmetic3A_702 : vector<16xi32> to vector<1x16xi32>
      tpu.vector_store %arg7[%swap3A_704, %swap3A_705], %swap3A_708 {strides = array<i32>} : memref<2x128xi32, #tpu.memory_space<vmem>>, vector<1x16xi32>,
      %get3A_709 = arith.index_cast %add3A_664 : i32 to index
      %get3A_710 = arith.constant 32 : index
      %get3A_711 = tpu.vector_load %arg5[%get3A_709, %get3A_710] {strides = array<i32>} : memref<80x128xi32, #tpu.memory_space<vmem>>, vector<1x16xi32>,
      %get3A_712 = vector.shape_cast %get3A_711 : vector<1x16xi32> to vector<16xi32>
      %and3A_713 = arith.constant 65535 : i32
      %and3A_714 = vector.broadcast %and3A_713 : i32 to vector<16xi32>
      %and3A_715 = arith.andi %get3A_712, %and3A_714 : vector<16xi32>
      %swap3A_716 = arith.constant 1 : i32
      %swap3A_717 = arith.index_cast %swap3A_716 : i32 to index
      %swap3A_718 = arith.constant 32 : index
      %swap3A_719 = tpu.vector_load %arg6[%swap3A_717, %swap3A_718] {strides = array<i32>} : memref<2x128xi32, #tpu.memory_space<vmem>>, vector<1x16xi32>,
      %swap3A_720 = vector.shape_cast %swap3A_719 : vector<1x16xi32> to vector<16xi32>
      %swap3A_721 = vector.shape_cast %and3A_715 : vector<16xi32> to vector<1x16xi32>
      tpu.vector_store %arg6[%swap3A_717, %swap3A_718], %swap3A_721 {strides = array<i32>} : memref<2x128xi32, #tpu.memory_space<vmem>>, vector<1x16xi32>,
      %shift_right_arithmetic3A_722 = arith.constant 16 : i32
      %shift_right_arithmetic3A_723 = vector.broadcast %shift_right_arithmetic3A_722 : i32 to vector<16xi32>
      %shift_right_arithmetic3A_724 = arith.shrsi %get3A_712, %shift_right_arithmetic3A_723 : vector<16xi32>
      %swap3A_725 = arith.constant 1 : i32
      %swap3A_726 = arith.index_cast %swap3A_725 : i32 to index
      %swap3A_727 = arith.constant 32 : index
      %swap3A_728 = tpu.vector_load %arg7[%swap3A_726, %swap3A_727] {strides = array<i32>} : memref<2x128xi32, #tpu.memory_space<vmem>>, vector<1x16xi32>,
      %swap3A_729 = vector.shape_cast %swap3A_728 : vector<1x16xi32> to vector<16xi32>
      %swap3A_730 = vector.shape_cast %shift_right_arithmetic3A_724 : vector<16xi32> to vector<1x16xi32>
      tpu.vector_store %arg7[%swap3A_726, %swap3A_727], %swap3A_730 {strides = array<i32>} : memref<2x128xi32, #tpu.memory_space<vmem>>, vector<1x16xi32>,
      %get3A_731 = arith.index_cast %add3A_664 : i32 to index
      %get3A_732 = arith.constant 48 : index
      %get3A_733 = tpu.vector_load %arg5[%get3A_731, %get3A_732] {strides = array<i32>} : memref<80x128xi32, #tpu.memory_space<vmem>>, vector<1x16xi32>,
      %get3A_734 = vector.shape_cast %get3A_733 : vector<1x16xi32> to vector<16xi32>
      %and3A_735 = arith.constant 65535 : i32
      %and3A_736 = vector.broadcast %and3A_735 : i32 to vector<16xi32>
      %and3A_737 = arith.andi %get3A_734, %and3A_736 : vector<16xi32>
      %swap3A_738 = arith.constant 1 : i32
      %swap3A_739 = arith.index_cast %swap3A_738 : i32 to index
      %swap3A_740 = arith.constant 48 : index
      %swap3A_741 = tpu.vector_load %arg6[%swap3A_739, %swap3A_740] {strides = array<i32>} : memref<2x128xi32, #tpu.memory_space<vmem>>, vector<1x16xi32>,
      %swap3A_742 = vector.shape_cast %swap3A_741 : vector<1x16xi32> to vector<16xi32>
      %swap3A_743 = vector.shape_cast %and3A_737 : vector<16xi32> to vector<1x16xi32>
      tpu.vector_store %arg6[%swap3A_739, %swap3A_740], %swap3A_743 {strides = array<i32>} : memref<2x128xi32, #tpu.memory_space<vmem>>, vector<1x16xi32>,
      %shift_right_arithmetic3A_744 = arith.constant 16 : i32
      %shift_right_arithmetic3A_745 = vector.broadcast %shift_right_arithmetic3A_744 : i32 to vector<16xi32>
      %shift_right_arithmetic3A_746 = arith.shrsi %get3A_734, %shift_right_arithmetic3A_745 : vector<16xi32>
      %swap3A_747 = arith.constant 1 : i32
      %swap3A_748 = arith.index_cast %swap3A_747 : i32 to index
      %swap3A_749 = arith.constant 48 : index
      %swap3A_750 = tpu.vector_load %arg7[%swap3A_748, %swap3A_749] {strides = array<i32>} : memref<2x128xi32, #tpu.memory_space<vmem>>, vector<1x16xi32>,
      %swap3A_751 = vector.shape_cast %swap3A_750 : vector<1x16xi32> to vector<16xi32>
      %swap3A_752 = vector.shape_cast %shift_right_arithmetic3A_746 : vector<16xi32> to vector<1x16xi32>
      tpu.vector_store %arg7[%swap3A_748, %swap3A_749], %swap3A_752 {strides = array<i32>} : memref<2x128xi32, #tpu.memory_space<vmem>>, vector<1x16xi32>,
      %get3A_753 = arith.index_cast %add3A_664 : i32 to index
      %get3A_754 = arith.constant 64 : index
      %get3A_755 = tpu.vector_load %arg5[%get3A_753, %get3A_754] {strides = array<i32>} : memref<80x128xi32, #tpu.memory_space<vmem>>, vector<1x16xi32>,
      %get3A_756 = vector.shape_cast %get3A_755 : vector<1x16xi32> to vector<16xi32>
      %and3A_757 = arith.constant 65535 : i32
      %and3A_758 = vector.broadcast %and3A_757 : i32 to vector<16xi32>
      %and3A_759 = arith.andi %get3A_756, %and3A_758 : vector<16xi32>
      %swap3A_760 = arith.constant 1 : i32
      %swap3A_761 = arith.index_cast %swap3A_760 : i32 to index
      %swap3A_762 = arith.constant 64 : index
      %swap3A_763 = tpu.vector_load %arg6[%swap3A_761, %swap3A_762] {strides = array<i32>} : memref<2x128xi32, #tpu.memory_space<vmem>>, vector<1x16xi32>,
      %swap3A_764 = vector.shape_cast %swap3A_763 : vector<1x16xi32> to vector<16xi32>
      %swap3A_765 = vector.shape_cast %and3A_759 : vector<16xi32> to vector<1x16xi32>
      tpu.vector_store %arg6[%swap3A_761, %swap3A_762], %swap3A_765 {strides = array<i32>} : memref<2x128xi32, #tpu.memory_space<vmem>>, vector<1x16xi32>,
      %shift_right_arithmetic3A_766 = arith.constant 16 : i32
      %shift_right_arithmetic3A_767 = vector.broadcast %shift_right_arithmetic3A_766 : i32 to vector<16xi32>
      %shift_right_arithmetic3A_768 = arith.shrsi %get3A_756, %shift_right_arithmetic3A_767 : vector<16xi32>
      %swap3A_769 = arith.constant 1 : i32
      %swap3A_770 = arith.index_cast %swap3A_769 : i32 to index
      %swap3A_771 = arith.constant 64 : index
      %swap3A_772 = tpu.vector_load %arg7[%swap3A_770, %swap3A_771] {strides = array<i32>} : memref<2x128xi32, #tpu.memory_space<vmem>>, vector<1x16xi32>,
      %swap3A_773 = vector.shape_cast %swap3A_772 : vector<1x16xi32> to vector<16xi32>
      %swap3A_774 = vector.shape_cast %shift_right_arithmetic3A_768 : vector<16xi32> to vector<1x16xi32>
      tpu.vector_store %arg7[%swap3A_770, %swap3A_771], %swap3A_774 {strides = array<i32>} : memref<2x128xi32, #tpu.memory_space<vmem>>, vector<1x16xi32>,
      %get3A_775 = arith.index_cast %add3A_664 : i32 to index
      %get3A_776 = arith.constant 80 : index
      %get3A_777 = tpu.vector_load %arg5[%get3A_775, %get3A_776] {strides = array<i32>} : memref<80x128xi32, #tpu.memory_space<vmem>>, vector<1x16xi32>,
      %get3A_778 = vector.shape_cast %get3A_777 : vector<1x16xi32> to vector<16xi32>
      %and3A_779 = arith.constant 65535 : i32
      %and3A_780 = vector.broadcast %and3A_779 : i32 to vector<16xi32>
      %and3A_781 = arith.andi %get3A_778, %and3A_780 : vector<16xi32>
      %swap3A_782 = arith.constant 1 : i32
      %swap3A_783 = arith.index_cast %swap3A_782 : i32 to index
      %swap3A_784 = arith.constant 80 : index
      %swap3A_785 = tpu.vector_load %arg6[%swap3A_783, %swap3A_784] {strides = array<i32>} : memref<2x128xi32, #tpu.memory_space<vmem>>, vector<1x16xi32>,
      %swap3A_786 = vector.shape_cast %swap3A_785 : vector<1x16xi32> to vector<16xi32>
      %swap3A_787 = vector.shape_cast %and3A_781 : vector<16xi32> to vector<1x16xi32>
      tpu.vector_store %arg6[%swap3A_783, %swap3A_784], %swap3A_787 {strides = array<i32>} : memref<2x128xi32, #tpu.memory_space<vmem>>, vector<1x16xi32>,
      %shift_right_arithmetic3A_788 = arith.constant 16 : i32
      %shift_right_arithmetic3A_789 = vector.broadcast %shift_right_arithmetic3A_788 : i32 to vector<16xi32>
      %shift_right_arithmetic3A_790 = arith.shrsi %get3A_778, %shift_right_arithmetic3A_789 : vector<16xi32>
      %swap3A_791 = arith.constant 1 : i32
      %swap3A_792 = arith.index_cast %swap3A_791 : i32 to index
      %swap3A_793 = arith.constant 80 : index
      %swap3A_794 = tpu.vector_load %arg7[%swap3A_792, %swap3A_793] {strides = array<i32>} : memref<2x128xi32, #tpu.memory_space<vmem>>, vector<1x16xi32>,
      %swap3A_795 = vector.shape_cast %swap3A_794 : vector<1x16xi32> to vector<16xi32>
      %swap3A_796 = vector.shape_cast %shift_right_arithmetic3A_790 : vector<16xi32> to vector<1x16xi32>
      tpu.vector_store %arg7[%swap3A_792, %swap3A_793], %swap3A_796 {strides = array<i32>} : memref<2x128xi32, #tpu.memory_space<vmem>>, vector<1x16xi32>,
      %get3A_797 = arith.index_cast %add3A_664 : i32 to index
      %get3A_798 = arith.constant 96 : index
      %get3A_799 = tpu.vector_load %arg5[%get3A_797, %get3A_798] {strides = array<i32>} : memref<80x128xi32, #tpu.memory_space<vmem>>, vector<1x16xi32>,
      %get3A_800 = vector.shape_cast %get3A_799 : vector<1x16xi32> to vector<16xi32>
      %and3A_801 = arith.constant 65535 : i32
      %and3A_802 = vector.broadcast %and3A_801 : i32 to vector<16xi32>
      %and3A_803 = arith.andi %get3A_800, %and3A_802 : vector<16xi32>
      %swap3A_804 = arith.constant 1 : i32
      %swap3A_805 = arith.index_cast %swap3A_804 : i32 to index
      %swap3A_806 = arith.constant 96 : index
      %swap3A_807 = tpu.vector_load %arg6[%swap3A_805, %swap3A_806] {strides = array<i32>} : memref<2x128xi32, #tpu.memory_space<vmem>>, vector<1x16xi32>,
      %swap3A_808 = vector.shape_cast %swap3A_807 : vector<1x16xi32> to vector<16xi32>
      %swap3A_809 = vector.shape_cast %and3A_803 : vector<16xi32> to vector<1x16xi32>
      tpu.vector_store %arg6[%swap3A_805, %swap3A_806], %swap3A_809 {strides = array<i32>} : memref<2x128xi32, #tpu.memory_space<vmem>>, vector<1x16xi32>,
      %shift_right_arithmetic3A_810 = arith.constant 16 : i32
      %shift_right_arithmetic3A_811 = vector.broadcast %shift_right_arithmetic3A_810 : i32 to vector<16xi32>
      %shift_right_arithmetic3A_812 = arith.shrsi %get3A_800, %shift_right_arithmetic3A_811 : vector<16xi32>
      %swap3A_813 = arith.constant 1 : i32
      %swap3A_814 = arith.index_cast %swap3A_813 : i32 to index
      %swap3A_815 = arith.constant 96 : index
      %swap3A_816 = tpu.vector_load %arg7[%swap3A_814, %swap3A_815] {strides = array<i32>} : memref<2x128xi32, #tpu.memory_space<vmem>>, vector<1x16xi32>,
      %swap3A_817 = vector.shape_cast %swap3A_816 : vector<1x16xi32> to vector<16xi32>
      %swap3A_818 = vector.shape_cast %shift_right_arithmetic3A_812 : vector<16xi32> to vector<1x16xi32>
      tpu.vector_store %arg7[%swap3A_814, %swap3A_815], %swap3A_818 {strides = array<i32>} : memref<2x128xi32, #tpu.memory_space<vmem>>, vector<1x16xi32>,
      %get3A_819 = arith.index_cast %add3A_664 : i32 to index
      %get3A_820 = arith.constant 112 : index
      %get3A_821 = tpu.vector_load %arg5[%get3A_819, %get3A_820] {strides = array<i32>} : memref<80x128xi32, #tpu.memory_space<vmem>>, vector<1x16xi32>,
      %get3A_822 = vector.shape_cast %get3A_821 : vector<1x16xi32> to vector<16xi32>
      %and3A_823 = arith.constant 65535 : i32
      %and3A_824 = vector.broadcast %and3A_823 : i32 to vector<16xi32>
      %and3A_825 = arith.andi %get3A_822, %and3A_824 : vector<16xi32>
      %swap3A_826 = arith.constant 1 : i32
      %swap3A_827 = arith.index_cast %swap3A_826 : i32 to index
      %swap3A_828 = arith.constant 112 : index
      %swap3A_829 = tpu.vector_load %arg6[%swap3A_827, %swap3A_828] {strides = array<i32>} : memref<2x128xi32, #tpu.memory_space<vmem>>, vector<1x16xi32>,
      %swap3A_830 = vector.shape_cast %swap3A_829 : vector<1x16xi32> to vector<16xi32>
      %swap3A_831 = vector.shape_cast %and3A_825 : vector<16xi32> to vector<1x16xi32>
      tpu.vector_store %arg6[%swap3A_827, %swap3A_828], %swap3A_831 {strides = array<i32>} : memref<2x128xi32, #tpu.memory_space<vmem>>, vector<1x16xi32>,
      %shift_right_arithmetic3A_832 = arith.constant 16 : i32
      %shift_right_arithmetic3A_833 = vector.broadcast %shift_right_arithmetic3A_832 : i32 to vector<16xi32>
      %shift_right_arithmetic3A_834 = arith.shrsi %get3A_822, %shift_right_arithmetic3A_833 : vector<16xi32>
      %swap3A_835 = arith.constant 1 : i32
      %swap3A_836 = arith.index_cast %swap3A_835 : i32 to index
      %swap3A_837 = arith.constant 112 : index
      %swap3A_838 = tpu.vector_load %arg7[%swap3A_836, %swap3A_837] {strides = array<i32>} : memref<2x128xi32, #tpu.memory_space<vmem>>, vector<1x16xi32>,
      %swap3A_839 = vector.shape_cast %swap3A_838 : vector<1x16xi32> to vector<16xi32>
      %swap3A_840 = vector.shape_cast %shift_right_arithmetic3A_834 : vector<16xi32> to vector<1x16xi32>
      tpu.vector_store %arg7[%swap3A_836, %swap3A_837], %swap3A_840 {strides = array<i32>} : memref<2x128xi32, #tpu.memory_space<vmem>>, vector<1x16xi32>,
      %dma_start3A_841 = arith.constant 1 : i32
      %dma_start3A_842 = arith.constant 1 : i32
      %dma_start3A_843 = arith.constant 0 : i32
      %dma_start3A_844 = arith.constant 0 : i32
      %dma_start3A_845 = tpu.memref_slice %arg8[%dma_start3A_842, %dma_start3A_843, %dma_start3A_844] : memref<2x128x128xf32, #tpu.memory_space<vmem>> -> memref<1x128x128xf32, #tpu.memory_space<vmem>>
      %dma_start3A_846 = tpu.memref_squeeze %dma_start3A_845 : memref<1x128x128xf32, #tpu.memory_space<vmem>> -> memref<128x128xf32, #tpu.memory_space<vmem>>
      %dma_start3A_847 = arith.constant 0 : i32
      %dma_start3A_848 = tpu.memref_slice %arg6[%dma_start3A_841, %dma_start3A_847] : memref<2x128xi32, #tpu.memory_space<vmem>> -> memref<1x128xi32, #tpu.memory_space<vmem>>
      %dma_start3A_849 = tpu.memref_squeeze %dma_start3A_848 : memref<1x128xi32, #tpu.memory_space<vmem>> -> memref<128xi32, #tpu.memory_space<vmem>>
      %dma_start3A_850 = arith.constant 0 : i32
      %dma_start3A_851 = arith.constant 0 : i32
      %dma_start3A_852 = tpu.memref_slice %arg2[%dma_start3A_850, %dma_start3A_851] : memref<10000x128xf32, #tpu.memory_space<hbm>> -> memref<10000x128xf32, #tpu.memory_space<hbm>>
      tpu.enqueue_indirect_dma source(%dma_start3A_852 : memref<10000x128xf32, #tpu.memory_space<hbm>>) target(%dma_start3A_846 : memref<128x128xf32, #tpu.memory_space<vmem>>) offsets(%dma_start3A_849 : memref<128xi32, #tpu.memory_space<vmem>>) semaphore(%arg11 : memref<!tpu.dma_semaphore, #tpu.memory_space<semaphore_mem>>)
    }
    %scan3A_409 = arith.constant 39 : i32
    %dma_wait3A = arith.constant 0 : i32
    %dma_wait3A_410 = arith.constant 0 : i32
    %dma_wait3A_411 = arith.constant 0 : i32
    %dma_wait3A_412 = arith.constant 0 : i32
    %dma_wait3A_413 = tpu.memref_slice %arg8[%dma_wait3A_410, %dma_wait3A_411, %dma_wait3A_412] : memref<2x128x128xf32, #tpu.memory_space<vmem>> -> memref<1x128x128xf32, #tpu.memory_space<vmem>>
    %dma_wait3A_414 = tpu.memref_squeeze %dma_wait3A_413 : memref<1x128x128xf32, #tpu.memory_space<vmem>> -> memref<128x128xf32, #tpu.memory_space<vmem>>
    %dma_wait3A_415 = arith.constant 0 : i32
    %dma_wait3A_416 = tpu.memref_slice %arg6[%dma_wait3A, %dma_wait3A_415] : memref<2x128xi32, #tpu.memory_space<vmem>> -> memref<1x128xi32, #tpu.memory_space<vmem>>
    %dma_wait3A_417 = tpu.memref_squeeze %dma_wait3A_416 : memref<1x128xi32, #tpu.memory_space<vmem>> -> memref<128xi32, #tpu.memory_space<vmem>>
    %dma_wait3A_418 = arith.constant 0 : i32
    %dma_wait3A_419 = arith.constant 0 : i32
    %dma_wait3A_420 = tpu.memref_slice %arg2[%dma_wait3A_418, %dma_wait3A_419] : memref<10000x128xf32, #tpu.memory_space<hbm>> -> memref<10000x128xf32, #tpu.memory_space<hbm>>
    tpu.wait_indirect_dma semaphore(%arg10 : memref<!tpu.dma_semaphore, #tpu.memory_space<semaphore_mem>>) src(%dma_wait3A_420 : memref<10000x128xf32, #tpu.memory_space<hbm>>) dst(%dma_wait3A_414 : memref<128x128xf32, #tpu.memory_space<vmem>>)
    %run_scoped3A_421 = arith.constant 0 : i32
    %run_scoped3A_422 = arith.constant 0 : i32
    "tpu.region"() ({
      %run_scoped3A_438 = tpu.sem_alloc : memref<!tpu.dma_semaphore, #tpu.memory_space<semaphore_mem>>
      %dma_start3A_439 = arith.constant 0 : i32
      %dma_start3A_440 = arith.constant 0 : i32
      %dma_start3A_441 = tpu.memref_slice %arg8[%run_scoped3A_421, %dma_start3A_439, %dma_start3A_440] : memref<2x128x128xf32, #tpu.memory_space<vmem>> -> memref<1x128x128xf32, #tpu.memory_space<vmem>>
      %dma_start3A_442 = tpu.memref_squeeze %dma_start3A_441 : memref<1x128x128xf32, #tpu.memory_space<vmem>> -> memref<128x128xf32, #tpu.memory_space<vmem>>
      %dma_start3A_443 = arith.constant 0 : i32
      %dma_start3A_444 = tpu.memref_slice %arg7[%run_scoped3A_422, %dma_start3A_443] : memref<2x128xi32, #tpu.memory_space<vmem>> -> memref<1x128xi32, #tpu.memory_space<vmem>>
      %dma_start3A_445 = tpu.memref_squeeze %dma_start3A_444 : memref<1x128xi32, #tpu.memory_space<vmem>> -> memref<128xi32, #tpu.memory_space<vmem>>
      %dma_start3A_446 = arith.constant 0 : i32
      %dma_start3A_447 = arith.constant 0 : i32
      %dma_start3A_448 = tpu.memref_slice %arg9[%dma_start3A_446, %dma_start3A_447] : memref<10112x128xf32, #tpu.memory_space<vmem_shared>> -> memref<10112x128xf32, #tpu.memory_space<vmem_shared>>
      tpu.enqueue_indirect_dma source(%dma_start3A_442 : memref<128x128xf32, #tpu.memory_space<vmem>>) target(%dma_start3A_448 : memref<10112x128xf32, #tpu.memory_space<vmem_shared>>) offsets(%dma_start3A_445 : memref<128xi32, #tpu.memory_space<vmem>>) semaphore(%run_scoped3A_438 : memref<!tpu.dma_semaphore, #tpu.memory_space<semaphore_mem>>) {add = true}
      %dma_wait3A_449 = arith.constant 0 : i32
      %dma_wait3A_450 = arith.constant 0 : i32
      %dma_wait3A_451 = tpu.memref_slice %arg8[%run_scoped3A_421, %dma_wait3A_449, %dma_wait3A_450] : memref<2x128x128xf32, #tpu.memory_space<vmem>> -> memref<1x128x128xf32, #tpu.memory_space<vmem>>
      %dma_wait3A_452 = tpu.memref_squeeze %dma_wait3A_451 : memref<1x128x128xf32, #tpu.memory_space<vmem>> -> memref<128x128xf32, #tpu.memory_space<vmem>>
      %dma_wait3A_453 = arith.constant 0 : i32
      %dma_wait3A_454 = tpu.memref_slice %arg7[%run_scoped3A_422, %dma_wait3A_453] : memref<2x128xi32, #tpu.memory_space<vmem>> -> memref<1x128xi32, #tpu.memory_space<vmem>>
      %dma_wait3A_455 = tpu.memref_squeeze %dma_wait3A_454 : memref<1x128xi32, #tpu.memory_space<vmem>> -> memref<128xi32, #tpu.memory_space<vmem>>
      %dma_wait3A_456 = arith.constant 0 : i32
      %dma_wait3A_457 = arith.constant 0 : i32
      %dma_wait3A_458 = tpu.memref_slice %arg9[%dma_wait3A_456, %dma_wait3A_457] : memref<10112x128xf32, #tpu.memory_space<vmem_shared>> -> memref<10112x128xf32, #tpu.memory_space<vmem_shared>>
      tpu.wait_indirect_dma semaphore(%run_scoped3A_438 : memref<!tpu.dma_semaphore, #tpu.memory_space<semaphore_mem>>) src(%dma_wait3A_452 : memref<128x128xf32, #tpu.memory_space<vmem>>) dst(%dma_wait3A_458 : memref<10112x128xf32, #tpu.memory_space<vmem_shared>>)
      tpu.yield
    }) : () -> ()
    %dma_wait3A_423 = arith.constant 1 : i32
    %dma_wait3A_424 = arith.constant 1 : i32
    %dma_wait3A_425 = arith.constant 0 : i32
    %dma_wait3A_426 = arith.constant 0 : i32
    %dma_wait3A_427 = tpu.memref_slice %arg8[%dma_wait3A_424, %dma_wait3A_425, %dma_wait3A_426] : memref<2x128x128xf32, #tpu.memory_space<vmem>> -> memref<1x128x128xf32, #tpu.memory_space<vmem>>
    %dma_wait3A_428 = tpu.memref_squeeze %dma_wait3A_427 : memref<1x128x128xf32, #tpu.memory_space<vmem>> -> memref<128x128xf32, #tpu.memory_space<vmem>>
    %dma_wait3A_429 = arith.constant 0 : i32
    %dma_wait3A_430 = tpu.memref_slice %arg6[%dma_wait3A_423, %dma_wait3A_429] : memref<2x128xi32, #tpu.memory_space<vmem>> -> memref<1x128xi32, #tpu.memory_space<vmem>>
    %dma_wait3A_431 = tpu.memref_squeeze %dma_wait3A_430 : memref<1x128xi32, #tpu.memory_space<vmem>> -> memref<128xi32, #tpu.memory_space<vmem>>
    %dma_wait3A_432 = arith.constant 0 : i32
    %dma_wait3A_433 = arith.constant 0 : i32
    %dma_wait3A_434 = tpu.memref_slice %arg2[%dma_wait3A_432, %dma_wait3A_433] : memref<10000x128xf32, #tpu.memory_space<hbm>> -> memref<10000x128xf32, #tpu.memory_space<hbm>>
    tpu.wait_indirect_dma semaphore(%arg11 : memref<!tpu.dma_semaphore, #tpu.memory_space<semaphore_mem>>) src(%dma_wait3A_434 : memref<10000x128xf32, #tpu.memory_space<hbm>>) dst(%dma_wait3A_428 : memref<128x128xf32, #tpu.memory_space<vmem>>)
    %run_scoped3A_435 = arith.constant 1 : i32
    %run_scoped3A_436 = arith.constant 1 : i32
    "tpu.region"() ({
      %run_scoped3A_438 = tpu.sem_alloc : memref<!tpu.dma_semaphore, #tpu.memory_space<semaphore_mem>>
      %dma_start3A_439 = arith.constant 0 : i32
      %dma_start3A_440 = arith.constant 0 : i32
      %dma_start3A_441 = tpu.memref_slice %arg8[%run_scoped3A_435, %dma_start3A_439, %dma_start3A_440] : memref<2x128x128xf32, #tpu.memory_space<vmem>> -> memref<1x128x128xf32, #tpu.memory_space<vmem>>
      %dma_start3A_442 = tpu.memref_squeeze %dma_start3A_441 : memref<1x128x128xf32, #tpu.memory_space<vmem>> -> memref<128x128xf32, #tpu.memory_space<vmem>>
      %dma_start3A_443 = arith.constant 0 : i32
      %dma_start3A_444 = tpu.memref_slice %arg7[%run_scoped3A_436, %dma_start3A_443] : memref<2x128xi32, #tpu.memory_space<vmem>> -> memref<1x128xi32, #tpu.memory_space<vmem>>
      %dma_start3A_445 = tpu.memref_squeeze %dma_start3A_444 : memref<1x128xi32, #tpu.memory_space<vmem>> -> memref<128xi32, #tpu.memory_space<vmem>>
      %dma_start3A_446 = arith.constant 0 : i32
      %dma_start3A_447 = arith.constant 0 : i32
      %dma_start3A_448 = tpu.memref_slice %arg9[%dma_start3A_446, %dma_start3A_447] : memref<10112x128xf32, #tpu.memory_space<vmem_shared>> -> memref<10112x128xf32, #tpu.memory_space<vmem_shared>>
      tpu.enqueue_indirect_dma source(%dma_start3A_442 : memref<128x128xf32, #tpu.memory_space<vmem>>) target(%dma_start3A_448 : memref<10112x128xf32, #tpu.memory_space<vmem_shared>>) offsets(%dma_start3A_445 : memref<128xi32, #tpu.memory_space<vmem>>) semaphore(%run_scoped3A_438 : memref<!tpu.dma_semaphore, #tpu.memory_space<semaphore_mem>>) {add = true}
      %dma_wait3A_449 = arith.constant 0 : i32
      %dma_wait3A_450 = arith.constant 0 : i32
      %dma_wait3A_451 = tpu.memref_slice %arg8[%run_scoped3A_435, %dma_wait3A_449, %dma_wait3A_450] : memref<2x128x128xf32, #tpu.memory_space<vmem>> -> memref<1x128x128xf32, #tpu.memory_space<vmem>>
      %dma_wait3A_452 = tpu.memref_squeeze %dma_wait3A_451 : memref<1x128x128xf32, #tpu.memory_space<vmem>> -> memref<128x128xf32, #tpu.memory_space<vmem>>
      %dma_wait3A_453 = arith.constant 0 : i32
      %dma_wait3A_454 = tpu.memref_slice %arg7[%run_scoped3A_436, %dma_wait3A_453] : memref<2x128xi32, #tpu.memory_space<vmem>> -> memref<1x128xi32, #tpu.memory_space<vmem>>
      %dma_wait3A_455 = tpu.memref_squeeze %dma_wait3A_454 : memref<1x128xi32, #tpu.memory_space<vmem>> -> memref<128xi32, #tpu.memory_space<vmem>>
      %dma_wait3A_456 = arith.constant 0 : i32
      %dma_wait3A_457 = arith.constant 0 : i32
      %dma_wait3A_458 = tpu.memref_slice %arg9[%dma_wait3A_456, %dma_wait3A_457] : memref<10112x128xf32, #tpu.memory_space<vmem_shared>> -> memref<10112x128xf32, #tpu.memory_space<vmem_shared>>
      tpu.wait_indirect_dma semaphore(%run_scoped3A_438 : memref<!tpu.dma_semaphore, #tpu.memory_space<semaphore_mem>>) src(%dma_wait3A_452 : memref<128x128xf32, #tpu.memory_space<vmem>>) dst(%dma_wait3A_458 : memref<10112x128xf32, #tpu.memory_space<vmem_shared>>)
      tpu.yield
    }) : () -> ()
    %barrier3A_437 = arith.constant 0 : index
    tpu.barrier barrier_id(%barrier3A_437)
    "tpu.region"() ({
      %run_scoped3A_438 = tpu.sem_alloc : memref<!tpu.dma_semaphore, #tpu.memory_space<semaphore_mem>>
      %dma_start3A_439 = arith.constant 0 : i32
      %dma_start3A_440 = tpu.memref_slice %arg4[%arg0, %mul3A_2, %dma_start3A_439] : memref<2x10112x128xf32, #tpu.memory_space<hbm>> -> memref<1x632x128xf32, #tpu.memory_space<hbm>>
      %dma_start3A_441 = tpu.memref_squeeze %dma_start3A_440 : memref<1x632x128xf32, #tpu.memory_space<hbm>> -> memref<632x128xf32, #tpu.memory_space<hbm>>
      %dma_start3A_442 = arith.constant 0 : i32
      %dma_start3A_443 = tpu.memref_slice %arg9[%mul3A_2, %dma_start3A_442] : memref<10112x128xf32, #tpu.memory_space<vmem_shared>> -> memref<632x128xf32, #tpu.memory_space<vmem_shared>>
      tpu.enqueue_dma source(%dma_start3A_443 : memref<632x128xf32, #tpu.memory_space<vmem_shared>>) target(%dma_start3A_441 : memref<632x128xf32, #tpu.memory_space<hbm>>) target_semaphore(%run_scoped3A_438 : memref<!tpu.dma_semaphore, #tpu.memory_space<semaphore_mem>>)
      %dma_wait3A_444 = arith.constant 0 : i32
      %dma_wait3A_445 = tpu.memref_slice %arg4[%arg0, %mul3A_2, %dma_wait3A_444] : memref<2x10112x128xf32, #tpu.memory_space<hbm>> -> memref<1x632x128xf32, #tpu.memory_space<hbm>>
      %dma_wait3A_446 = tpu.memref_squeeze %dma_wait3A_445 : memref<1x632x128xf32, #tpu.memory_space<hbm>> -> memref<632x128xf32, #tpu.memory_space<hbm>>
      %dma_wait3A_447 = arith.constant 0 : i32
      %dma_wait3A_448 = tpu.memref_slice %arg9[%mul3A_2, %dma_wait3A_447] : memref<10112x128xf32, #tpu.memory_space<vmem_shared>> -> memref<632x128xf32, #tpu.memory_space<vmem_shared>>
      tpu.wait_dma2 semaphore(%run_scoped3A_438 : memref<!tpu.dma_semaphore, #tpu.memory_space<semaphore_mem>>) src(%dma_wait3A_448 : memref<632x128xf32, #tpu.memory_space<vmem_shared>>) dst(%dma_wait3A_446 : memref<632x128xf32, #tpu.memory_space<hbm>>)
      tpu.yield
    }) : () -> ()
    return
  }
}

#map = affine_map<(d0, d1) -> (0, 0)>
#map1 = affine_map<(d0, d1) -> (0, 0, 0)>
module attributes {stable_mosaic.version = 14 : i64} {
  func.func @body(%arg0: i32, %arg1: i32, %arg2: memref<10000x128xf32, #tpu.memory_space<hbm>>, %arg3: memref<32x80x128xi32, #tpu.memory_space<hbm>>, %arg4: memref<2x10112x128xf32, #tpu.memory_space<hbm>>, %arg5: memref<2x10112x128xf32, #tpu.memory_space<hbm>>, %arg6: memref<80x128xi32, #tpu.memory_space<vmem>>, %arg7: memref<2x128xi32, #tpu.memory_space<vmem>>, %arg8: memref<2x128xi32, #tpu.memory_space<vmem>>, %arg9: memref<2x128x128xf32, #tpu.memory_space<vmem>>, %arg10: memref<10112x128xf32, #tpu.memory_space<vmem_shared>>, %arg11: memref<!tpu.dma_semaphore, #tpu.memory_space<semaphore_mem>>, %arg12: memref<!tpu.dma_semaphore, #tpu.memory_space<semaphore_mem>>) attributes {dimension_semantics = [#tpu.dimension_semantics<core_parallel>, #tpu.dimension_semantics<subcore_parallel>], iteration_bounds = array<i64: 2, 16>, scalar_prefetch = 0 : i64, scratch_operands = 7 : i64, tpu.core_type = #tpu.core_type<sc_vector_subcore>, window_params = [{transform_indices = #map}, {transform_indices = #map1}, {transform_indices = #map1}, {transform_indices = #map1}]} {
    %mul3A = arith.constant 2 : i32
    %mul3A_0 = arith.muli %arg1, %mul3A : i32
    %add3A = arith.addi %mul3A_0, %arg0 : i32
    %mul3A_1 = arith.constant 632 : i32
    %mul3A_2 = arith.muli %arg1, %mul3A_1 : i32
    "tpu.region"() ({
      %run_scoped3A_457 = tpu.sem_alloc : memref<!tpu.dma_semaphore, #tpu.memory_space<semaphore_mem>>
      %dma_start3A_458 = arith.constant 0 : i32
      %dma_start3A_459 = arith.constant 0 : i32
      %dma_start3A_460 = tpu.memref_slice %arg3[%add3A, %dma_start3A_458, %dma_start3A_459] : memref<32x80x128xi32, #tpu.memory_space<hbm>> -> memref<1x80x128xi32, #tpu.memory_space<hbm>>
      %dma_start3A_461 = tpu.memref_squeeze %dma_start3A_460 : memref<1x80x128xi32, #tpu.memory_space<hbm>> -> memref<80x128xi32, #tpu.memory_space<hbm>>
      %dma_start3A_462 = arith.constant 0 : i32
      %dma_start3A_463 = arith.constant 0 : i32
      %dma_start3A_464 = tpu.memref_slice %arg3[%add3A, %dma_start3A_462, %dma_start3A_463] : memref<32x80x128xi32, #tpu.memory_space<hbm>> -> memref<1x80x128xi32, #tpu.memory_space<hbm>>
      %dma_start3A_465 = tpu.memref_squeeze %dma_start3A_464 : memref<1x80x128xi32, #tpu.memory_space<hbm>> -> memref<80x128xi32, #tpu.memory_space<hbm>>
      tpu.enqueue_dma source(%dma_start3A_465 : memref<80x128xi32, #tpu.memory_space<hbm>>) target(%arg6 : memref<80x128xi32, #tpu.memory_space<vmem>>) target_semaphore(%run_scoped3A_457 : memref<!tpu.dma_semaphore, #tpu.memory_space<semaphore_mem>>)
      %dma_wait3A_466 = arith.constant 0 : i32
      %dma_wait3A_467 = arith.constant 0 : i32
      %dma_wait3A_468 = tpu.memref_slice %arg3[%add3A, %dma_wait3A_466, %dma_wait3A_467] : memref<32x80x128xi32, #tpu.memory_space<hbm>> -> memref<1x80x128xi32, #tpu.memory_space<hbm>>
      %dma_wait3A_469 = tpu.memref_squeeze %dma_wait3A_468 : memref<1x80x128xi32, #tpu.memory_space<hbm>> -> memref<80x128xi32, #tpu.memory_space<hbm>>
      %dma_wait3A_470 = arith.constant 0 : i32
      %dma_wait3A_471 = arith.constant 0 : i32
      %dma_wait3A_472 = tpu.memref_slice %arg3[%add3A, %dma_wait3A_470, %dma_wait3A_471] : memref<32x80x128xi32, #tpu.memory_space<hbm>> -> memref<1x80x128xi32, #tpu.memory_space<hbm>>
      %dma_wait3A_473 = tpu.memref_squeeze %dma_wait3A_472 : memref<1x80x128xi32, #tpu.memory_space<hbm>> -> memref<80x128xi32, #tpu.memory_space<hbm>>
      tpu.wait_dma2 semaphore(%run_scoped3A_457 : memref<!tpu.dma_semaphore, #tpu.memory_space<semaphore_mem>>) src(%dma_wait3A_473 : memref<80x128xi32, #tpu.memory_space<hbm>>) dst(%arg6 : memref<80x128xi32, #tpu.memory_space<vmem>>)
      tpu.yield
    }) : () -> ()
    %scan3A = arith.constant 0 : i32
    %scan3A_3 = arith.constant 0 : i32
    %scan3A_4 = arith.constant 128 : i32
    %scan3A_5 = arith.addi %scan3A_3, %scan3A_4 : i32
    %scan3A_6 = arith.constant 1 : i32
    scf.for %scan3A_457 = %scan3A_3 to %scan3A_5 step %scan3A_6  : i32 {
      %broadcast_in_dim3A = arith.constant 0.000000e+00 : f32
      %broadcast_in_dim3A_458 = vector.broadcast %broadcast_in_dim3A : f32 to vector<16xf32>
      %swap3A_459 = arith.constant 0 : i32
      %swap3A_460 = arith.index_cast %swap3A_459 : i32 to index
      %swap3A_461 = arith.index_cast %scan3A_457 : i32 to index
      %swap3A_462 = arith.constant 0 : index
      %swap3A_463 = tpu.vector_load %arg9[%swap3A_460, %swap3A_461, %swap3A_462] {strides = array<i32>} : memref<2x128x128xf32, #tpu.memory_space<vmem>>, vector<1x1x16xf32>,
      %swap3A_464 = vector.shape_cast %swap3A_463 : vector<1x1x16xf32> to vector<16xf32>
      %swap3A_465 = vector.shape_cast %broadcast_in_dim3A_458 : vector<16xf32> to vector<1x1x16xf32>
      tpu.vector_store %arg9[%swap3A_460, %swap3A_461, %swap3A_462], %swap3A_465 {strides = array<i32>} : memref<2x128x128xf32, #tpu.memory_space<vmem>>, vector<1x1x16xf32>,
      %broadcast_in_dim3A_466 = arith.constant 1.000000e+00 : f32
      %broadcast_in_dim3A_467 = vector.broadcast %broadcast_in_dim3A_466 : f32 to vector<16xf32>
      %swap3A_468 = arith.constant 1 : i32
      %swap3A_469 = arith.index_cast %swap3A_468 : i32 to index
      %swap3A_470 = arith.index_cast %scan3A_457 : i32 to index
      %swap3A_471 = arith.constant 0 : index
      %swap3A_472 = tpu.vector_load %arg9[%swap3A_469, %swap3A_470, %swap3A_471] {strides = array<i32>} : memref<2x128x128xf32, #tpu.memory_space<vmem>>, vector<1x1x16xf32>,
      %swap3A_473 = vector.shape_cast %swap3A_472 : vector<1x1x16xf32> to vector<16xf32>
      %swap3A_474 = vector.shape_cast %broadcast_in_dim3A_467 : vector<16xf32> to vector<1x1x16xf32>
      tpu.vector_store %arg9[%swap3A_469, %swap3A_470, %swap3A_471], %swap3A_474 {strides = array<i32>} : memref<2x128x128xf32, #tpu.memory_space<vmem>>, vector<1x1x16xf32>,
      %broadcast_in_dim3A_475 = arith.constant 0.000000e+00 : f32
      %broadcast_in_dim3A_476 = vector.broadcast %broadcast_in_dim3A_475 : f32 to vector<16xf32>
      %swap3A_477 = arith.constant 0 : i32
      %swap3A_478 = arith.index_cast %swap3A_477 : i32 to index
      %swap3A_479 = arith.index_cast %scan3A_457 : i32 to index
      %swap3A_480 = arith.constant 16 : index
      %swap3A_481 = tpu.vector_load %arg9[%swap3A_478, %swap3A_479, %swap3A_480] {strides = array<i32>} : memref<2x128x128xf32, #tpu.memory_space<vmem>>, vector<1x1x16xf32>,
      %swap3A_482 = vector.shape_cast %swap3A_481 : vector<1x1x16xf32> to vector<16xf32>
      %swap3A_483 = vector.shape_cast %broadcast_in_dim3A_476 : vector<16xf32> to vector<1x1x16xf32>
      tpu.vector_store %arg9[%swap3A_478, %swap3A_479, %swap3A_480], %swap3A_483 {strides = array<i32>} : memref<2x128x128xf32, #tpu.memory_space<vmem>>, vector<1x1x16xf32>,
      %broadcast_in_dim3A_484 = arith.constant 1.000000e+00 : f32
      %broadcast_in_dim3A_485 = vector.broadcast %broadcast_in_dim3A_484 : f32 to vector<16xf32>
      %swap3A_486 = arith.constant 1 : i32
      %swap3A_487 = arith.index_cast %swap3A_486 : i32 to index
      %swap3A_488 = arith.index_cast %scan3A_457 : i32 to index
      %swap3A_489 = arith.constant 16 : index
      %swap3A_490 = tpu.vector_load %arg9[%swap3A_487, %swap3A_488, %swap3A_489] {strides = array<i32>} : memref<2x128x128xf32, #tpu.memory_space<vmem>>, vector<1x1x16xf32>,
      %swap3A_491 = vector.shape_cast %swap3A_490 : vector<1x1x16xf32> to vector<16xf32>
      %swap3A_492 = vector.shape_cast %broadcast_in_dim3A_485 : vector<16xf32> to vector<1x1x16xf32>
      tpu.vector_store %arg9[%swap3A_487, %swap3A_488, %swap3A_489], %swap3A_492 {strides = array<i32>} : memref<2x128x128xf32, #tpu.memory_space<vmem>>, vector<1x1x16xf32>,
      %broadcast_in_dim3A_493 = arith.constant 0.000000e+00 : f32
      %broadcast_in_dim3A_494 = vector.broadcast %broadcast_in_dim3A_493 : f32 to vector<16xf32>
      %swap3A_495 = arith.constant 0 : i32
      %swap3A_496 = arith.index_cast %swap3A_495 : i32 to index
      %swap3A_497 = arith.index_cast %scan3A_457 : i32 to index
      %swap3A_498 = arith.constant 32 : index
      %swap3A_499 = tpu.vector_load %arg9[%swap3A_496, %swap3A_497, %swap3A_498] {strides = array<i32>} : memref<2x128x128xf32, #tpu.memory_space<vmem>>, vector<1x1x16xf32>,
      %swap3A_500 = vector.shape_cast %swap3A_499 : vector<1x1x16xf32> to vector<16xf32>
      %swap3A_501 = vector.shape_cast %broadcast_in_dim3A_494 : vector<16xf32> to vector<1x1x16xf32>
      tpu.vector_store %arg9[%swap3A_496, %swap3A_497, %swap3A_498], %swap3A_501 {strides = array<i32>} : memref<2x128x128xf32, #tpu.memory_space<vmem>>, vector<1x1x16xf32>,
      %broadcast_in_dim3A_502 = arith.constant 1.000000e+00 : f32
      %broadcast_in_dim3A_503 = vector.broadcast %broadcast_in_dim3A_502 : f32 to vector<16xf32>
      %swap3A_504 = arith.constant 1 : i32
      %swap3A_505 = arith.index_cast %swap3A_504 : i32 to index
      %swap3A_506 = arith.index_cast %scan3A_457 : i32 to index
      %swap3A_507 = arith.constant 32 : index
      %swap3A_508 = tpu.vector_load %arg9[%swap3A_505, %swap3A_506, %swap3A_507] {strides = array<i32>} : memref<2x128x128xf32, #tpu.memory_space<vmem>>, vector<1x1x16xf32>,
      %swap3A_509 = vector.shape_cast %swap3A_508 : vector<1x1x16xf32> to vector<16xf32>
      %swap3A_510 = vector.shape_cast %broadcast_in_dim3A_503 : vector<16xf32> to vector<1x1x16xf32>
      tpu.vector_store %arg9[%swap3A_505, %swap3A_506, %swap3A_507], %swap3A_510 {strides = array<i32>} : memref<2x128x128xf32, #tpu.memory_space<vmem>>, vector<1x1x16xf32>,
      %broadcast_in_dim3A_511 = arith.constant 0.000000e+00 : f32
      %broadcast_in_dim3A_512 = vector.broadcast %broadcast_in_dim3A_511 : f32 to vector<16xf32>
      %swap3A_513 = arith.constant 0 : i32
      %swap3A_514 = arith.index_cast %swap3A_513 : i32 to index
      %swap3A_515 = arith.index_cast %scan3A_457 : i32 to index
      %swap3A_516 = arith.constant 48 : index
      %swap3A_517 = tpu.vector_load %arg9[%swap3A_514, %swap3A_515, %swap3A_516] {strides = array<i32>} : memref<2x128x128xf32, #tpu.memory_space<vmem>>, vector<1x1x16xf32>,
      %swap3A_518 = vector.shape_cast %swap3A_517 : vector<1x1x16xf32> to vector<16xf32>
      %swap3A_519 = vector.shape_cast %broadcast_in_dim3A_512 : vector<16xf32> to vector<1x1x16xf32>
      tpu.vector_store %arg9[%swap3A_514, %swap3A_515, %swap3A_516], %swap3A_519 {strides = array<i32>} : memref<2x128x128xf32, #tpu.memory_space<vmem>>, vector<1x1x16xf32>,
      %broadcast_in_dim3A_520 = arith.constant 1.000000e+00 : f32
      %broadcast_in_dim3A_521 = vector.broadcast %broadcast_in_dim3A_520 : f32 to vector<16xf32>
      %swap3A_522 = arith.constant 1 : i32
      %swap3A_523 = arith.index_cast %swap3A_522 : i32 to index
      %swap3A_524 = arith.index_cast %scan3A_457 : i32 to index
      %swap3A_525 = arith.constant 48 : index
      %swap3A_526 = tpu.vector_load %arg9[%swap3A_523, %swap3A_524, %swap3A_525] {strides = array<i32>} : memref<2x128x128xf32, #tpu.memory_space<vmem>>, vector<1x1x16xf32>,
      %swap3A_527 = vector.shape_cast %swap3A_526 : vector<1x1x16xf32> to vector<16xf32>
      %swap3A_528 = vector.shape_cast %broadcast_in_dim3A_521 : vector<16xf32> to vector<1x1x16xf32>
      tpu.vector_store %arg9[%swap3A_523, %swap3A_524, %swap3A_525], %swap3A_528 {strides = array<i32>} : memref<2x128x128xf32, #tpu.memory_space<vmem>>, vector<1x1x16xf32>,
      %broadcast_in_dim3A_529 = arith.constant 0.000000e+00 : f32
      %broadcast_in_dim3A_530 = vector.broadcast %broadcast_in_dim3A_529 : f32 to vector<16xf32>
      %swap3A_531 = arith.constant 0 : i32
      %swap3A_532 = arith.index_cast %swap3A_531 : i32 to index
      %swap3A_533 = arith.index_cast %scan3A_457 : i32 to index
      %swap3A_534 = arith.constant 64 : index
      %swap3A_535 = tpu.vector_load %arg9[%swap3A_532, %swap3A_533, %swap3A_534] {strides = array<i32>} : memref<2x128x128xf32, #tpu.memory_space<vmem>>, vector<1x1x16xf32>,
      %swap3A_536 = vector.shape_cast %swap3A_535 : vector<1x1x16xf32> to vector<16xf32>
      %swap3A_537 = vector.shape_cast %broadcast_in_dim3A_530 : vector<16xf32> to vector<1x1x16xf32>
      tpu.vector_store %arg9[%swap3A_532, %swap3A_533, %swap3A_534], %swap3A_537 {strides = array<i32>} : memref<2x128x128xf32, #tpu.memory_space<vmem>>, vector<1x1x16xf32>,
      %broadcast_in_dim3A_538 = arith.constant 1.000000e+00 : f32
      %broadcast_in_dim3A_539 = vector.broadcast %broadcast_in_dim3A_538 : f32 to vector<16xf32>
      %swap3A_540 = arith.constant 1 : i32
      %swap3A_541 = arith.index_cast %swap3A_540 : i32 to index
      %swap3A_542 = arith.index_cast %scan3A_457 : i32 to index
      %swap3A_543 = arith.constant 64 : index
      %swap3A_544 = tpu.vector_load %arg9[%swap3A_541, %swap3A_542, %swap3A_543] {strides = array<i32>} : memref<2x128x128xf32, #tpu.memory_space<vmem>>, vector<1x1x16xf32>,
      %swap3A_545 = vector.shape_cast %swap3A_544 : vector<1x1x16xf32> to vector<16xf32>
      %swap3A_546 = vector.shape_cast %broadcast_in_dim3A_539 : vector<16xf32> to vector<1x1x16xf32>
      tpu.vector_store %arg9[%swap3A_541, %swap3A_542, %swap3A_543], %swap3A_546 {strides = array<i32>} : memref<2x128x128xf32, #tpu.memory_space<vmem>>, vector<1x1x16xf32>,
      %broadcast_in_dim3A_547 = arith.constant 0.000000e+00 : f32
      %broadcast_in_dim3A_548 = vector.broadcast %broadcast_in_dim3A_547 : f32 to vector<16xf32>
      %swap3A_549 = arith.constant 0 : i32
      %swap3A_550 = arith.index_cast %swap3A_549 : i32 to index
      %swap3A_551 = arith.index_cast %scan3A_457 : i32 to index
      %swap3A_552 = arith.constant 80 : index
      %swap3A_553 = tpu.vector_load %arg9[%swap3A_550, %swap3A_551, %swap3A_552] {strides = array<i32>} : memref<2x128x128xf32, #tpu.memory_space<vmem>>, vector<1x1x16xf32>,
      %swap3A_554 = vector.shape_cast %swap3A_553 : vector<1x1x16xf32> to vector<16xf32>
      %swap3A_555 = vector.shape_cast %broadcast_in_dim3A_548 : vector<16xf32> to vector<1x1x16xf32>
      tpu.vector_store %arg9[%swap3A_550, %swap3A_551, %swap3A_552], %swap3A_555 {strides = array<i32>} : memref<2x128x128xf32, #tpu.memory_space<vmem>>, vector<1x1x16xf32>,
      %broadcast_in_dim3A_556 = arith.constant 1.000000e+00 : f32
      %broadcast_in_dim3A_557 = vector.broadcast %broadcast_in_dim3A_556 : f32 to vector<16xf32>
      %swap3A_558 = arith.constant 1 : i32
      %swap3A_559 = arith.index_cast %swap3A_558 : i32 to index
      %swap3A_560 = arith.index_cast %scan3A_457 : i32 to index
      %swap3A_561 = arith.constant 80 : index
      %swap3A_562 = tpu.vector_load %arg9[%swap3A_559, %swap3A_560, %swap3A_561] {strides = array<i32>} : memref<2x128x128xf32, #tpu.memory_space<vmem>>, vector<1x1x16xf32>,
      %swap3A_563 = vector.shape_cast %swap3A_562 : vector<1x1x16xf32> to vector<16xf32>
      %swap3A_564 = vector.shape_cast %broadcast_in_dim3A_557 : vector<16xf32> to vector<1x1x16xf32>
      tpu.vector_store %arg9[%swap3A_559, %swap3A_560, %swap3A_561], %swap3A_564 {strides = array<i32>} : memref<2x128x128xf32, #tpu.memory_space<vmem>>, vector<1x1x16xf32>,
      %broadcast_in_dim3A_565 = arith.constant 0.000000e+00 : f32
      %broadcast_in_dim3A_566 = vector.broadcast %broadcast_in_dim3A_565 : f32 to vector<16xf32>
      %swap3A_567 = arith.constant 0 : i32
      %swap3A_568 = arith.index_cast %swap3A_567 : i32 to index
      %swap3A_569 = arith.index_cast %scan3A_457 : i32 to index
      %swap3A_570 = arith.constant 96 : index
      %swap3A_571 = tpu.vector_load %arg9[%swap3A_568, %swap3A_569, %swap3A_570] {strides = array<i32>} : memref<2x128x128xf32, #tpu.memory_space<vmem>>, vector<1x1x16xf32>,
      %swap3A_572 = vector.shape_cast %swap3A_571 : vector<1x1x16xf32> to vector<16xf32>
      %swap3A_573 = vector.shape_cast %broadcast_in_dim3A_566 : vector<16xf32> to vector<1x1x16xf32>
      tpu.vector_store %arg9[%swap3A_568, %swap3A_569, %swap3A_570], %swap3A_573 {strides = array<i32>} : memref<2x128x128xf32, #tpu.memory_space<vmem>>, vector<1x1x16xf32>,
      %broadcast_in_dim3A_574 = arith.constant 1.000000e+00 : f32
      %broadcast_in_dim3A_575 = vector.broadcast %broadcast_in_dim3A_574 : f32 to vector<16xf32>
      %swap3A_576 = arith.constant 1 : i32
      %swap3A_577 = arith.index_cast %swap3A_576 : i32 to index
      %swap3A_578 = arith.index_cast %scan3A_457 : i32 to index
      %swap3A_579 = arith.constant 96 : index
      %swap3A_580 = tpu.vector_load %arg9[%swap3A_577, %swap3A_578, %swap3A_579] {strides = array<i32>} : memref<2x128x128xf32, #tpu.memory_space<vmem>>, vector<1x1x16xf32>,
      %swap3A_581 = vector.shape_cast %swap3A_580 : vector<1x1x16xf32> to vector<16xf32>
      %swap3A_582 = vector.shape_cast %broadcast_in_dim3A_575 : vector<16xf32> to vector<1x1x16xf32>
      tpu.vector_store %arg9[%swap3A_577, %swap3A_578, %swap3A_579], %swap3A_582 {strides = array<i32>} : memref<2x128x128xf32, #tpu.memory_space<vmem>>, vector<1x1x16xf32>,
      %broadcast_in_dim3A_583 = arith.constant 0.000000e+00 : f32
      %broadcast_in_dim3A_584 = vector.broadcast %broadcast_in_dim3A_583 : f32 to vector<16xf32>
      %swap3A_585 = arith.constant 0 : i32
      %swap3A_586 = arith.index_cast %swap3A_585 : i32 to index
      %swap3A_587 = arith.index_cast %scan3A_457 : i32 to index
      %swap3A_588 = arith.constant 112 : index
      %swap3A_589 = tpu.vector_load %arg9[%swap3A_586, %swap3A_587, %swap3A_588] {strides = array<i32>} : memref<2x128x128xf32, #tpu.memory_space<vmem>>, vector<1x1x16xf32>,
      %swap3A_590 = vector.shape_cast %swap3A_589 : vector<1x1x16xf32> to vector<16xf32>
      %swap3A_591 = vector.shape_cast %broadcast_in_dim3A_584 : vector<16xf32> to vector<1x1x16xf32>
      tpu.vector_store %arg9[%swap3A_586, %swap3A_587, %swap3A_588], %swap3A_591 {strides = array<i32>} : memref<2x128x128xf32, #tpu.memory_space<vmem>>, vector<1x1x16xf32>,
      %broadcast_in_dim3A_592 = arith.constant 1.000000e+00 : f32
      %broadcast_in_dim3A_593 = vector.broadcast %broadcast_in_dim3A_592 : f32 to vector<16xf32>
      %swap3A_594 = arith.constant 1 : i32
      %swap3A_595 = arith.index_cast %swap3A_594 : i32 to index
      %swap3A_596 = arith.index_cast %scan3A_457 : i32 to index
      %swap3A_597 = arith.constant 112 : index
      %swap3A_598 = tpu.vector_load %arg9[%swap3A_595, %swap3A_596, %swap3A_597] {strides = array<i32>} : memref<2x128x128xf32, #tpu.memory_space<vmem>>, vector<1x1x16xf32>,
      %swap3A_599 = vector.shape_cast %swap3A_598 : vector<1x1x16xf32> to vector<16xf32>
      %swap3A_600 = vector.shape_cast %broadcast_in_dim3A_593 : vector<16xf32> to vector<1x1x16xf32>
      tpu.vector_store %arg9[%swap3A_595, %swap3A_596, %swap3A_597], %swap3A_600 {strides = array<i32>} : memref<2x128x128xf32, #tpu.memory_space<vmem>>, vector<1x1x16xf32>,
    }
    %scan3A_7 = arith.constant 128 : i32
    %scan3A_8 = arith.constant 0 : i32
    %scan3A_9 = arith.constant 0 : i32
    %scan3A_10 = arith.constant 4 : i32
    %scan3A_11 = arith.addi %scan3A_9, %scan3A_10 : i32
    %scan3A_12 = arith.constant 1 : i32
    scf.for %scan3A_457 = %scan3A_9 to %scan3A_11 step %scan3A_12  : i32 {
      %mul3A_458 = arith.constant 128 : i32
      %mul3A_459 = arith.muli %scan3A_457, %mul3A_458 : i32
      %add3A_460 = arith.addi %mul3A_2, %mul3A_459 : i32
      %run_scoped3A_461 = arith.constant 0 : i32
      "tpu.region"() ({
        %run_scoped3A_462 = tpu.sem_alloc : memref<!tpu.dma_semaphore, #tpu.memory_space<semaphore_mem>>
        %dma_start3A_463 = arith.constant 0 : i32
        %dma_start3A_464 = arith.constant 0 : i32
        %dma_start3A_465 = tpu.memref_slice %arg9[%run_scoped3A_461, %dma_start3A_463, %dma_start3A_464] : memref<2x128x128xf32, #tpu.memory_space<vmem>> -> memref<1x128x128xf32, #tpu.memory_space<vmem>>
        %dma_start3A_466 = tpu.memref_squeeze %dma_start3A_465 : memref<1x128x128xf32, #tpu.memory_space<vmem>> -> memref<128x128xf32, #tpu.memory_space<vmem>>
        %dma_start3A_467 = arith.constant 0 : i32
        %dma_start3A_468 = tpu.memref_slice %arg10[%add3A_460, %dma_start3A_467] : memref<10112x128xf32, #tpu.memory_space<vmem_shared>> -> memref<128x128xf32, #tpu.memory_space<vmem_shared>>
        %dma_start3A_469 = arith.constant 0 : i32
        %dma_start3A_470 = tpu.memref_slice %arg10[%add3A_460, %dma_start3A_469] : memref<10112x128xf32, #tpu.memory_space<vmem_shared>> -> memref<128x128xf32, #tpu.memory_space<vmem_shared>>
        %dma_start3A_471 = arith.constant 0 : i32
        %dma_start3A_472 = arith.constant 0 : i32
        %dma_start3A_473 = tpu.memref_slice %arg9[%run_scoped3A_461, %dma_start3A_471, %dma_start3A_472] : memref<2x128x128xf32, #tpu.memory_space<vmem>> -> memref<1x128x128xf32, #tpu.memory_space<vmem>>
        %dma_start3A_474 = tpu.memref_squeeze %dma_start3A_473 : memref<1x128x128xf32, #tpu.memory_space<vmem>> -> memref<128x128xf32, #tpu.memory_space<vmem>>
        tpu.enqueue_dma source(%dma_start3A_474 : memref<128x128xf32, #tpu.memory_space<vmem>>) target(%dma_start3A_470 : memref<128x128xf32, #tpu.memory_space<vmem_shared>>) target_semaphore(%run_scoped3A_462 : memref<!tpu.dma_semaphore, #tpu.memory_space<semaphore_mem>>)
        %dma_wait3A_475 = arith.constant 0 : i32
        %dma_wait3A_476 = arith.constant 0 : i32
        %dma_wait3A_477 = tpu.memref_slice %arg9[%run_scoped3A_461, %dma_wait3A_475, %dma_wait3A_476] : memref<2x128x128xf32, #tpu.memory_space<vmem>> -> memref<1x128x128xf32, #tpu.memory_space<vmem>>
        %dma_wait3A_478 = tpu.memref_squeeze %dma_wait3A_477 : memref<1x128x128xf32, #tpu.memory_space<vmem>> -> memref<128x128xf32, #tpu.memory_space<vmem>>
        %dma_wait3A_479 = arith.constant 0 : i32
        %dma_wait3A_480 = tpu.memref_slice %arg10[%add3A_460, %dma_wait3A_479] : memref<10112x128xf32, #tpu.memory_space<vmem_shared>> -> memref<128x128xf32, #tpu.memory_space<vmem_shared>>
        %dma_wait3A_481 = arith.constant 0 : i32
        %dma_wait3A_482 = tpu.memref_slice %arg10[%add3A_460, %dma_wait3A_481] : memref<10112x128xf32, #tpu.memory_space<vmem_shared>> -> memref<128x128xf32, #tpu.memory_space<vmem_shared>>
        %dma_wait3A_483 = arith.constant 0 : i32
        %dma_wait3A_484 = arith.constant 0 : i32
        %dma_wait3A_485 = tpu.memref_slice %arg9[%run_scoped3A_461, %dma_wait3A_483, %dma_wait3A_484] : memref<2x128x128xf32, #tpu.memory_space<vmem>> -> memref<1x128x128xf32, #tpu.memory_space<vmem>>
        %dma_wait3A_486 = tpu.memref_squeeze %dma_wait3A_485 : memref<1x128x128xf32, #tpu.memory_space<vmem>> -> memref<128x128xf32, #tpu.memory_space<vmem>>
        tpu.wait_dma2 semaphore(%run_scoped3A_462 : memref<!tpu.dma_semaphore, #tpu.memory_space<semaphore_mem>>) src(%dma_wait3A_486 : memref<128x128xf32, #tpu.memory_space<vmem>>) dst(%dma_wait3A_482 : memref<128x128xf32, #tpu.memory_space<vmem_shared>>)
        tpu.yield
      }) : () -> ()
    }
    %scan3A_13 = arith.constant 4 : i32
    %add3A_14 = arith.constant 632 : i32
    %add3A_15 = arith.addi %mul3A_2, %add3A_14 : i32
    %sub3A = arith.constant 120 : i32
    %sub3A_16 = arith.subi %add3A_15, %sub3A : i32
    %run_scoped3A = arith.constant 0 : i32
    "tpu.region"() ({
      %run_scoped3A_457 = tpu.sem_alloc : memref<!tpu.dma_semaphore, #tpu.memory_space<semaphore_mem>>
      %dma_start3A_458 = arith.constant 0 : i32
      %dma_start3A_459 = arith.constant 0 : i32
      %dma_start3A_460 = tpu.memref_slice %arg9[%run_scoped3A, %dma_start3A_458, %dma_start3A_459] : memref<2x128x128xf32, #tpu.memory_space<vmem>> -> memref<1x120x128xf32, #tpu.memory_space<vmem>>
      %dma_start3A_461 = tpu.memref_squeeze %dma_start3A_460 : memref<1x120x128xf32, #tpu.memory_space<vmem>> -> memref<120x128xf32, #tpu.memory_space<vmem>>
      %dma_start3A_462 = arith.constant 0 : i32
      %dma_start3A_463 = tpu.memref_slice %arg10[%sub3A_16, %dma_start3A_462] : memref<10112x128xf32, #tpu.memory_space<vmem_shared>> -> memref<120x128xf32, #tpu.memory_space<vmem_shared>>
      %dma_start3A_464 = arith.constant 0 : i32
      %dma_start3A_465 = tpu.memref_slice %arg10[%sub3A_16, %dma_start3A_464] : memref<10112x128xf32, #tpu.memory_space<vmem_shared>> -> memref<120x128xf32, #tpu.memory_space<vmem_shared>>
      %dma_start3A_466 = arith.constant 0 : i32
      %dma_start3A_467 = arith.constant 0 : i32
      %dma_start3A_468 = tpu.memref_slice %arg9[%run_scoped3A, %dma_start3A_466, %dma_start3A_467] : memref<2x128x128xf32, #tpu.memory_space<vmem>> -> memref<1x120x128xf32, #tpu.memory_space<vmem>>
      %dma_start3A_469 = tpu.memref_squeeze %dma_start3A_468 : memref<1x120x128xf32, #tpu.memory_space<vmem>> -> memref<120x128xf32, #tpu.memory_space<vmem>>
      tpu.enqueue_dma source(%dma_start3A_469 : memref<120x128xf32, #tpu.memory_space<vmem>>) target(%dma_start3A_465 : memref<120x128xf32, #tpu.memory_space<vmem_shared>>) target_semaphore(%run_scoped3A_457 : memref<!tpu.dma_semaphore, #tpu.memory_space<semaphore_mem>>)
      %dma_wait3A_470 = arith.constant 0 : i32
      %dma_wait3A_471 = arith.constant 0 : i32
      %dma_wait3A_472 = tpu.memref_slice %arg9[%run_scoped3A, %dma_wait3A_470, %dma_wait3A_471] : memref<2x128x128xf32, #tpu.memory_space<vmem>> -> memref<1x120x128xf32, #tpu.memory_space<vmem>>
      %dma_wait3A_473 = tpu.memref_squeeze %dma_wait3A_472 : memref<1x120x128xf32, #tpu.memory_space<vmem>> -> memref<120x128xf32, #tpu.memory_space<vmem>>
      %dma_wait3A_474 = arith.constant 0 : i32
      %dma_wait3A_475 = tpu.memref_slice %arg10[%sub3A_16, %dma_wait3A_474] : memref<10112x128xf32, #tpu.memory_space<vmem_shared>> -> memref<120x128xf32, #tpu.memory_space<vmem_shared>>
      %dma_wait3A_476 = arith.constant 0 : i32
      %dma_wait3A_477 = tpu.memref_slice %arg10[%sub3A_16, %dma_wait3A_476] : memref<10112x128xf32, #tpu.memory_space<vmem_shared>> -> memref<120x128xf32, #tpu.memory_space<vmem_shared>>
      %dma_wait3A_478 = arith.constant 0 : i32
      %dma_wait3A_479 = arith.constant 0 : i32
      %dma_wait3A_480 = tpu.memref_slice %arg9[%run_scoped3A, %dma_wait3A_478, %dma_wait3A_479] : memref<2x128x128xf32, #tpu.memory_space<vmem>> -> memref<1x120x128xf32, #tpu.memory_space<vmem>>
      %dma_wait3A_481 = tpu.memref_squeeze %dma_wait3A_480 : memref<1x120x128xf32, #tpu.memory_space<vmem>> -> memref<120x128xf32, #tpu.memory_space<vmem>>
      tpu.wait_dma2 semaphore(%run_scoped3A_457 : memref<!tpu.dma_semaphore, #tpu.memory_space<semaphore_mem>>) src(%dma_wait3A_481 : memref<120x128xf32, #tpu.memory_space<vmem>>) dst(%dma_wait3A_477 : memref<120x128xf32, #tpu.memory_space<vmem_shared>>)
      tpu.yield
    }) : () -> ()
    %barrier3A = arith.constant 0 : index
    tpu.barrier barrier_id(%barrier3A)
    %scan3A_17 = arith.constant 0 : i32
    %scan3A_18 = arith.constant 0 : i32
    %scan3A_19 = arith.constant 80 : i32
    %scan3A_20 = arith.addi %scan3A_18, %scan3A_19 : i32
    %scan3A_21 = arith.constant 1 : i32
    scf.for %scan3A_457 = %scan3A_18 to %scan3A_20 step %scan3A_21  : i32 {
      %get3A_458 = arith.index_cast %scan3A_457 : i32 to index
      %get3A_459 = arith.constant 0 : index
      %get3A_460 = tpu.vector_load %arg6[%get3A_458, %get3A_459] {strides = array<i32>} : memref<80x128xi32, #tpu.memory_space<vmem>>, vector<1x16xi32>,
      %get3A_461 = vector.shape_cast %get3A_460 : vector<1x16xi32> to vector<16xi32>
      %shift_right_arithmetic3A_462 = arith.constant 16 : i32
      %shift_right_arithmetic3A_463 = vector.broadcast %shift_right_arithmetic3A_462 : i32 to vector<16xi32>
      %shift_right_arithmetic3A_464 = arith.shrsi %get3A_461, %shift_right_arithmetic3A_463 : vector<16xi32>
      %swap3A_465 = arith.constant 0 : i32
      %swap3A_466 = arith.index_cast %swap3A_465 : i32 to index
      %swap3A_467 = arith.constant 0 : index
      %swap3A_468 = tpu.vector_load %arg8[%swap3A_466, %swap3A_467] {strides = array<i32>} : memref<2x128xi32, #tpu.memory_space<vmem>>, vector<1x16xi32>,
      %swap3A_469 = vector.shape_cast %swap3A_468 : vector<1x16xi32> to vector<16xi32>
      %swap3A_470 = vector.shape_cast %shift_right_arithmetic3A_464 : vector<16xi32> to vector<1x16xi32>
      tpu.vector_store %arg8[%swap3A_466, %swap3A_467], %swap3A_470 {strides = array<i32>} : memref<2x128xi32, #tpu.memory_space<vmem>>, vector<1x16xi32>,
      %get3A_471 = arith.index_cast %scan3A_457 : i32 to index
      %get3A_472 = arith.constant 16 : index
      %get3A_473 = tpu.vector_load %arg6[%get3A_471, %get3A_472] {strides = array<i32>} : memref<80x128xi32, #tpu.memory_space<vmem>>, vector<1x16xi32>,
      %get3A_474 = vector.shape_cast %get3A_473 : vector<1x16xi32> to vector<16xi32>
      %shift_right_arithmetic3A_475 = arith.constant 16 : i32
      %shift_right_arithmetic3A_476 = vector.broadcast %shift_right_arithmetic3A_475 : i32 to vector<16xi32>
      %shift_right_arithmetic3A_477 = arith.shrsi %get3A_474, %shift_right_arithmetic3A_476 : vector<16xi32>
      %swap3A_478 = arith.constant 0 : i32
      %swap3A_479 = arith.index_cast %swap3A_478 : i32 to index
      %swap3A_480 = arith.constant 16 : index
      %swap3A_481 = tpu.vector_load %arg8[%swap3A_479, %swap3A_480] {strides = array<i32>} : memref<2x128xi32, #tpu.memory_space<vmem>>, vector<1x16xi32>,
      %swap3A_482 = vector.shape_cast %swap3A_481 : vector<1x16xi32> to vector<16xi32>
      %swap3A_483 = vector.shape_cast %shift_right_arithmetic3A_477 : vector<16xi32> to vector<1x16xi32>
      tpu.vector_store %arg8[%swap3A_479, %swap3A_480], %swap3A_483 {strides = array<i32>} : memref<2x128xi32, #tpu.memory_space<vmem>>, vector<1x16xi32>,
      %get3A_484 = arith.index_cast %scan3A_457 : i32 to index
      %get3A_485 = arith.constant 32 : index
      %get3A_486 = tpu.vector_load %arg6[%get3A_484, %get3A_485] {strides = array<i32>} : memref<80x128xi32, #tpu.memory_space<vmem>>, vector<1x16xi32>,
      %get3A_487 = vector.shape_cast %get3A_486 : vector<1x16xi32> to vector<16xi32>
      %shift_right_arithmetic3A_488 = arith.constant 16 : i32
      %shift_right_arithmetic3A_489 = vector.broadcast %shift_right_arithmetic3A_488 : i32 to vector<16xi32>
      %shift_right_arithmetic3A_490 = arith.shrsi %get3A_487, %shift_right_arithmetic3A_489 : vector<16xi32>
      %swap3A_491 = arith.constant 0 : i32
      %swap3A_492 = arith.index_cast %swap3A_491 : i32 to index
      %swap3A_493 = arith.constant 32 : index
      %swap3A_494 = tpu.vector_load %arg8[%swap3A_492, %swap3A_493] {strides = array<i32>} : memref<2x128xi32, #tpu.memory_space<vmem>>, vector<1x16xi32>,
      %swap3A_495 = vector.shape_cast %swap3A_494 : vector<1x16xi32> to vector<16xi32>
      %swap3A_496 = vector.shape_cast %shift_right_arithmetic3A_490 : vector<16xi32> to vector<1x16xi32>
      tpu.vector_store %arg8[%swap3A_492, %swap3A_493], %swap3A_496 {strides = array<i32>} : memref<2x128xi32, #tpu.memory_space<vmem>>, vector<1x16xi32>,
      %get3A_497 = arith.index_cast %scan3A_457 : i32 to index
      %get3A_498 = arith.constant 48 : index
      %get3A_499 = tpu.vector_load %arg6[%get3A_497, %get3A_498] {strides = array<i32>} : memref<80x128xi32, #tpu.memory_space<vmem>>, vector<1x16xi32>,
      %get3A_500 = vector.shape_cast %get3A_499 : vector<1x16xi32> to vector<16xi32>
      %shift_right_arithmetic3A_501 = arith.constant 16 : i32
      %shift_right_arithmetic3A_502 = vector.broadcast %shift_right_arithmetic3A_501 : i32 to vector<16xi32>
      %shift_right_arithmetic3A_503 = arith.shrsi %get3A_500, %shift_right_arithmetic3A_502 : vector<16xi32>
      %swap3A_504 = arith.constant 0 : i32
      %swap3A_505 = arith.index_cast %swap3A_504 : i32 to index
      %swap3A_506 = arith.constant 48 : index
      %swap3A_507 = tpu.vector_load %arg8[%swap3A_505, %swap3A_506] {strides = array<i32>} : memref<2x128xi32, #tpu.memory_space<vmem>>, vector<1x16xi32>,
      %swap3A_508 = vector.shape_cast %swap3A_507 : vector<1x16xi32> to vector<16xi32>
      %swap3A_509 = vector.shape_cast %shift_right_arithmetic3A_503 : vector<16xi32> to vector<1x16xi32>
      tpu.vector_store %arg8[%swap3A_505, %swap3A_506], %swap3A_509 {strides = array<i32>} : memref<2x128xi32, #tpu.memory_space<vmem>>, vector<1x16xi32>,
      %get3A_510 = arith.index_cast %scan3A_457 : i32 to index
      %get3A_511 = arith.constant 64 : index
      %get3A_512 = tpu.vector_load %arg6[%get3A_510, %get3A_511] {strides = array<i32>} : memref<80x128xi32, #tpu.memory_space<vmem>>, vector<1x16xi32>,
      %get3A_513 = vector.shape_cast %get3A_512 : vector<1x16xi32> to vector<16xi32>
      %shift_right_arithmetic3A_514 = arith.constant 16 : i32
      %shift_right_arithmetic3A_515 = vector.broadcast %shift_right_arithmetic3A_514 : i32 to vector<16xi32>
      %shift_right_arithmetic3A_516 = arith.shrsi %get3A_513, %shift_right_arithmetic3A_515 : vector<16xi32>
      %swap3A_517 = arith.constant 0 : i32
      %swap3A_518 = arith.index_cast %swap3A_517 : i32 to index
      %swap3A_519 = arith.constant 64 : index
      %swap3A_520 = tpu.vector_load %arg8[%swap3A_518, %swap3A_519] {strides = array<i32>} : memref<2x128xi32, #tpu.memory_space<vmem>>, vector<1x16xi32>,
      %swap3A_521 = vector.shape_cast %swap3A_520 : vector<1x16xi32> to vector<16xi32>
      %swap3A_522 = vector.shape_cast %shift_right_arithmetic3A_516 : vector<16xi32> to vector<1x16xi32>
      tpu.vector_store %arg8[%swap3A_518, %swap3A_519], %swap3A_522 {strides = array<i32>} : memref<2x128xi32, #tpu.memory_space<vmem>>, vector<1x16xi32>,
      %get3A_523 = arith.index_cast %scan3A_457 : i32 to index
      %get3A_524 = arith.constant 80 : index
      %get3A_525 = tpu.vector_load %arg6[%get3A_523, %get3A_524] {strides = array<i32>} : memref<80x128xi32, #tpu.memory_space<vmem>>, vector<1x16xi32>,
      %get3A_526 = vector.shape_cast %get3A_525 : vector<1x16xi32> to vector<16xi32>
      %shift_right_arithmetic3A_527 = arith.constant 16 : i32
      %shift_right_arithmetic3A_528 = vector.broadcast %shift_right_arithmetic3A_527 : i32 to vector<16xi32>
      %shift_right_arithmetic3A_529 = arith.shrsi %get3A_526, %shift_right_arithmetic3A_528 : vector<16xi32>
      %swap3A_530 = arith.constant 0 : i32
      %swap3A_531 = arith.index_cast %swap3A_530 : i32 to index
      %swap3A_532 = arith.constant 80 : index
      %swap3A_533 = tpu.vector_load %arg8[%swap3A_531, %swap3A_532] {strides = array<i32>} : memref<2x128xi32, #tpu.memory_space<vmem>>, vector<1x16xi32>,
      %swap3A_534 = vector.shape_cast %swap3A_533 : vector<1x16xi32> to vector<16xi32>
      %swap3A_535 = vector.shape_cast %shift_right_arithmetic3A_529 : vector<16xi32> to vector<1x16xi32>
      tpu.vector_store %arg8[%swap3A_531, %swap3A_532], %swap3A_535 {strides = array<i32>} : memref<2x128xi32, #tpu.memory_space<vmem>>, vector<1x16xi32>,
      %get3A_536 = arith.index_cast %scan3A_457 : i32 to index
      %get3A_537 = arith.constant 96 : index
      %get3A_538 = tpu.vector_load %arg6[%get3A_536, %get3A_537] {strides = array<i32>} : memref<80x128xi32, #tpu.memory_space<vmem>>, vector<1x16xi32>,
      %get3A_539 = vector.shape_cast %get3A_538 : vector<1x16xi32> to vector<16xi32>
      %shift_right_arithmetic3A_540 = arith.constant 16 : i32
      %shift_right_arithmetic3A_541 = vector.broadcast %shift_right_arithmetic3A_540 : i32 to vector<16xi32>
      %shift_right_arithmetic3A_542 = arith.shrsi %get3A_539, %shift_right_arithmetic3A_541 : vector<16xi32>
      %swap3A_543 = arith.constant 0 : i32
      %swap3A_544 = arith.index_cast %swap3A_543 : i32 to index
      %swap3A_545 = arith.constant 96 : index
      %swap3A_546 = tpu.vector_load %arg8[%swap3A_544, %swap3A_545] {strides = array<i32>} : memref<2x128xi32, #tpu.memory_space<vmem>>, vector<1x16xi32>,
      %swap3A_547 = vector.shape_cast %swap3A_546 : vector<1x16xi32> to vector<16xi32>
      %swap3A_548 = vector.shape_cast %shift_right_arithmetic3A_542 : vector<16xi32> to vector<1x16xi32>
      tpu.vector_store %arg8[%swap3A_544, %swap3A_545], %swap3A_548 {strides = array<i32>} : memref<2x128xi32, #tpu.memory_space<vmem>>, vector<1x16xi32>,
      %get3A_549 = arith.index_cast %scan3A_457 : i32 to index
      %get3A_550 = arith.constant 112 : index
      %get3A_551 = tpu.vector_load %arg6[%get3A_549, %get3A_550] {strides = array<i32>} : memref<80x128xi32, #tpu.memory_space<vmem>>, vector<1x16xi32>,
      %get3A_552 = vector.shape_cast %get3A_551 : vector<1x16xi32> to vector<16xi32>
      %shift_right_arithmetic3A_553 = arith.constant 16 : i32
      %shift_right_arithmetic3A_554 = vector.broadcast %shift_right_arithmetic3A_553 : i32 to vector<16xi32>
      %shift_right_arithmetic3A_555 = arith.shrsi %get3A_552, %shift_right_arithmetic3A_554 : vector<16xi32>
      %swap3A_556 = arith.constant 0 : i32
      %swap3A_557 = arith.index_cast %swap3A_556 : i32 to index
      %swap3A_558 = arith.constant 112 : index
      %swap3A_559 = tpu.vector_load %arg8[%swap3A_557, %swap3A_558] {strides = array<i32>} : memref<2x128xi32, #tpu.memory_space<vmem>>, vector<1x16xi32>,
      %swap3A_560 = vector.shape_cast %swap3A_559 : vector<1x16xi32> to vector<16xi32>
      %swap3A_561 = vector.shape_cast %shift_right_arithmetic3A_555 : vector<16xi32> to vector<1x16xi32>
      tpu.vector_store %arg8[%swap3A_557, %swap3A_558], %swap3A_561 {strides = array<i32>} : memref<2x128xi32, #tpu.memory_space<vmem>>, vector<1x16xi32>,
      %run_scoped3A_562 = arith.constant 1 : i32
      %run_scoped3A_563 = arith.constant 0 : i32
      "tpu.region"() ({
        %run_scoped3A_564 = tpu.sem_alloc : memref<!tpu.dma_semaphore, #tpu.memory_space<semaphore_mem>>
        %dma_start3A_565 = arith.constant 0 : i32
        %dma_start3A_566 = arith.constant 0 : i32
        %dma_start3A_567 = tpu.memref_slice %arg9[%run_scoped3A_562, %dma_start3A_565, %dma_start3A_566] : memref<2x128x128xf32, #tpu.memory_space<vmem>> -> memref<1x128x128xf32, #tpu.memory_space<vmem>>
        %dma_start3A_568 = tpu.memref_squeeze %dma_start3A_567 : memref<1x128x128xf32, #tpu.memory_space<vmem>> -> memref<128x128xf32, #tpu.memory_space<vmem>>
        %dma_start3A_569 = arith.constant 0 : i32
        %dma_start3A_570 = tpu.memref_slice %arg8[%run_scoped3A_563, %dma_start3A_569] : memref<2x128xi32, #tpu.memory_space<vmem>> -> memref<1x128xi32, #tpu.memory_space<vmem>>
        %dma_start3A_571 = tpu.memref_squeeze %dma_start3A_570 : memref<1x128xi32, #tpu.memory_space<vmem>> -> memref<128xi32, #tpu.memory_space<vmem>>
        %dma_start3A_572 = arith.constant 0 : i32
        %dma_start3A_573 = arith.constant 0 : i32
        %dma_start3A_574 = tpu.memref_slice %arg10[%dma_start3A_572, %dma_start3A_573] : memref<10112x128xf32, #tpu.memory_space<vmem_shared>> -> memref<10112x128xf32, #tpu.memory_space<vmem_shared>>
        tpu.enqueue_indirect_dma source(%dma_start3A_568 : memref<128x128xf32, #tpu.memory_space<vmem>>) target(%dma_start3A_574 : memref<10112x128xf32, #tpu.memory_space<vmem_shared>>) offsets(%dma_start3A_571 : memref<128xi32, #tpu.memory_space<vmem>>) semaphore(%run_scoped3A_564 : memref<!tpu.dma_semaphore, #tpu.memory_space<semaphore_mem>>) {add = true}
        %dma_wait3A_575 = arith.constant 0 : i32
        %dma_wait3A_576 = arith.constant 0 : i32
        %dma_wait3A_577 = tpu.memref_slice %arg9[%run_scoped3A_562, %dma_wait3A_575, %dma_wait3A_576] : memref<2x128x128xf32, #tpu.memory_space<vmem>> -> memref<1x128x128xf32, #tpu.memory_space<vmem>>
        %dma_wait3A_578 = tpu.memref_squeeze %dma_wait3A_577 : memref<1x128x128xf32, #tpu.memory_space<vmem>> -> memref<128x128xf32, #tpu.memory_space<vmem>>
        %dma_wait3A_579 = arith.constant 0 : i32
        %dma_wait3A_580 = tpu.memref_slice %arg8[%run_scoped3A_563, %dma_wait3A_579] : memref<2x128xi32, #tpu.memory_space<vmem>> -> memref<1x128xi32, #tpu.memory_space<vmem>>
        %dma_wait3A_581 = tpu.memref_squeeze %dma_wait3A_580 : memref<1x128xi32, #tpu.memory_space<vmem>> -> memref<128xi32, #tpu.memory_space<vmem>>
        %dma_wait3A_582 = arith.constant 0 : i32
        %dma_wait3A_583 = arith.constant 0 : i32
        %dma_wait3A_584 = tpu.memref_slice %arg10[%dma_wait3A_582, %dma_wait3A_583] : memref<10112x128xf32, #tpu.memory_space<vmem_shared>> -> memref<10112x128xf32, #tpu.memory_space<vmem_shared>>
        tpu.wait_indirect_dma semaphore(%run_scoped3A_564 : memref<!tpu.dma_semaphore, #tpu.memory_space<semaphore_mem>>) src(%dma_wait3A_578 : memref<128x128xf32, #tpu.memory_space<vmem>>) dst(%dma_wait3A_584 : memref<10112x128xf32, #tpu.memory_space<vmem_shared>>)
        tpu.yield
      }) : () -> ()
    }
    %scan3A_22 = arith.constant 80 : i32
    %barrier3A_23 = arith.constant 0 : index
    tpu.barrier barrier_id(%barrier3A_23)
    "tpu.region"() ({
      %run_scoped3A_457 = tpu.sem_alloc : memref<!tpu.dma_semaphore, #tpu.memory_space<semaphore_mem>>
      %dma_start3A_458 = arith.constant 0 : i32
      %dma_start3A_459 = tpu.memref_slice %arg5[%arg0, %mul3A_2, %dma_start3A_458] : memref<2x10112x128xf32, #tpu.memory_space<hbm>> -> memref<1x632x128xf32, #tpu.memory_space<hbm>>
      %dma_start3A_460 = tpu.memref_squeeze %dma_start3A_459 : memref<1x632x128xf32, #tpu.memory_space<hbm>> -> memref<632x128xf32, #tpu.memory_space<hbm>>
      %dma_start3A_461 = arith.constant 0 : i32
      %dma_start3A_462 = tpu.memref_slice %arg10[%mul3A_2, %dma_start3A_461] : memref<10112x128xf32, #tpu.memory_space<vmem_shared>> -> memref<632x128xf32, #tpu.memory_space<vmem_shared>>
      tpu.enqueue_dma source(%dma_start3A_462 : memref<632x128xf32, #tpu.memory_space<vmem_shared>>) target(%dma_start3A_460 : memref<632x128xf32, #tpu.memory_space<hbm>>) target_semaphore(%run_scoped3A_457 : memref<!tpu.dma_semaphore, #tpu.memory_space<semaphore_mem>>)
      %dma_wait3A_463 = arith.constant 0 : i32
      %dma_wait3A_464 = tpu.memref_slice %arg5[%arg0, %mul3A_2, %dma_wait3A_463] : memref<2x10112x128xf32, #tpu.memory_space<hbm>> -> memref<1x632x128xf32, #tpu.memory_space<hbm>>
      %dma_wait3A_465 = tpu.memref_squeeze %dma_wait3A_464 : memref<1x632x128xf32, #tpu.memory_space<hbm>> -> memref<632x128xf32, #tpu.memory_space<hbm>>
      %dma_wait3A_466 = arith.constant 0 : i32
      %dma_wait3A_467 = tpu.memref_slice %arg10[%mul3A_2, %dma_wait3A_466] : memref<10112x128xf32, #tpu.memory_space<vmem_shared>> -> memref<632x128xf32, #tpu.memory_space<vmem_shared>>
      tpu.wait_dma2 semaphore(%run_scoped3A_457 : memref<!tpu.dma_semaphore, #tpu.memory_space<semaphore_mem>>) src(%dma_wait3A_467 : memref<632x128xf32, #tpu.memory_space<vmem_shared>>) dst(%dma_wait3A_465 : memref<632x128xf32, #tpu.memory_space<hbm>>)
      tpu.yield
    }) : () -> ()
    %scan3A_24 = arith.constant 0 : i32
    %scan3A_25 = arith.constant 0 : i32
    %scan3A_26 = arith.constant 4 : i32
    %scan3A_27 = arith.addi %scan3A_25, %scan3A_26 : i32
    %scan3A_28 = arith.constant 1 : i32
    scf.for %scan3A_457 = %scan3A_25 to %scan3A_27 step %scan3A_28  : i32 {
      %mul3A_458 = arith.constant 128 : i32
      %mul3A_459 = arith.muli %scan3A_457, %mul3A_458 : i32
      %add3A_460 = arith.addi %mul3A_2, %mul3A_459 : i32
      %run_scoped3A_461 = arith.constant 0 : i32
      "tpu.region"() ({
        %run_scoped3A_462 = tpu.sem_alloc : memref<!tpu.dma_semaphore, #tpu.memory_space<semaphore_mem>>
        %dma_start3A_463 = arith.constant 0 : i32
        %dma_start3A_464 = arith.constant 0 : i32
        %dma_start3A_465 = tpu.memref_slice %arg9[%run_scoped3A_461, %dma_start3A_463, %dma_start3A_464] : memref<2x128x128xf32, #tpu.memory_space<vmem>> -> memref<1x128x128xf32, #tpu.memory_space<vmem>>
        %dma_start3A_466 = tpu.memref_squeeze %dma_start3A_465 : memref<1x128x128xf32, #tpu.memory_space<vmem>> -> memref<128x128xf32, #tpu.memory_space<vmem>>
        %dma_start3A_467 = arith.constant 0 : i32
        %dma_start3A_468 = tpu.memref_slice %arg10[%add3A_460, %dma_start3A_467] : memref<10112x128xf32, #tpu.memory_space<vmem_shared>> -> memref<128x128xf32, #tpu.memory_space<vmem_shared>>
        %dma_start3A_469 = arith.constant 0 : i32
        %dma_start3A_470 = tpu.memref_slice %arg10[%add3A_460, %dma_start3A_469] : memref<10112x128xf32, #tpu.memory_space<vmem_shared>> -> memref<128x128xf32, #tpu.memory_space<vmem_shared>>
        %dma_start3A_471 = arith.constant 0 : i32
        %dma_start3A_472 = arith.constant 0 : i32
        %dma_start3A_473 = tpu.memref_slice %arg9[%run_scoped3A_461, %dma_start3A_471, %dma_start3A_472] : memref<2x128x128xf32, #tpu.memory_space<vmem>> -> memref<1x128x128xf32, #tpu.memory_space<vmem>>
        %dma_start3A_474 = tpu.memref_squeeze %dma_start3A_473 : memref<1x128x128xf32, #tpu.memory_space<vmem>> -> memref<128x128xf32, #tpu.memory_space<vmem>>
        tpu.enqueue_dma source(%dma_start3A_474 : memref<128x128xf32, #tpu.memory_space<vmem>>) target(%dma_start3A_470 : memref<128x128xf32, #tpu.memory_space<vmem_shared>>) target_semaphore(%run_scoped3A_462 : memref<!tpu.dma_semaphore, #tpu.memory_space<semaphore_mem>>)
        %dma_wait3A_475 = arith.constant 0 : i32
        %dma_wait3A_476 = arith.constant 0 : i32
        %dma_wait3A_477 = tpu.memref_slice %arg9[%run_scoped3A_461, %dma_wait3A_475, %dma_wait3A_476] : memref<2x128x128xf32, #tpu.memory_space<vmem>> -> memref<1x128x128xf32, #tpu.memory_space<vmem>>
        %dma_wait3A_478 = tpu.memref_squeeze %dma_wait3A_477 : memref<1x128x128xf32, #tpu.memory_space<vmem>> -> memref<128x128xf32, #tpu.memory_space<vmem>>
        %dma_wait3A_479 = arith.constant 0 : i32
        %dma_wait3A_480 = tpu.memref_slice %arg10[%add3A_460, %dma_wait3A_479] : memref<10112x128xf32, #tpu.memory_space<vmem_shared>> -> memref<128x128xf32, #tpu.memory_space<vmem_shared>>
        %dma_wait3A_481 = arith.constant 0 : i32
        %dma_wait3A_482 = tpu.memref_slice %arg10[%add3A_460, %dma_wait3A_481] : memref<10112x128xf32, #tpu.memory_space<vmem_shared>> -> memref<128x128xf32, #tpu.memory_space<vmem_shared>>
        %dma_wait3A_483 = arith.constant 0 : i32
        %dma_wait3A_484 = arith.constant 0 : i32
        %dma_wait3A_485 = tpu.memref_slice %arg9[%run_scoped3A_461, %dma_wait3A_483, %dma_wait3A_484] : memref<2x128x128xf32, #tpu.memory_space<vmem>> -> memref<1x128x128xf32, #tpu.memory_space<vmem>>
        %dma_wait3A_486 = tpu.memref_squeeze %dma_wait3A_485 : memref<1x128x128xf32, #tpu.memory_space<vmem>> -> memref<128x128xf32, #tpu.memory_space<vmem>>
        tpu.wait_dma2 semaphore(%run_scoped3A_462 : memref<!tpu.dma_semaphore, #tpu.memory_space<semaphore_mem>>) src(%dma_wait3A_486 : memref<128x128xf32, #tpu.memory_space<vmem>>) dst(%dma_wait3A_482 : memref<128x128xf32, #tpu.memory_space<vmem_shared>>)
        tpu.yield
      }) : () -> ()
    }
    %scan3A_29 = arith.constant 4 : i32
    %add3A_30 = arith.constant 632 : i32
    %add3A_31 = arith.addi %mul3A_2, %add3A_30 : i32
    %sub3A_32 = arith.constant 120 : i32
    %sub3A_33 = arith.subi %add3A_31, %sub3A_32 : i32
    %run_scoped3A_34 = arith.constant 0 : i32
    "tpu.region"() ({
      %run_scoped3A_457 = tpu.sem_alloc : memref<!tpu.dma_semaphore, #tpu.memory_space<semaphore_mem>>
      %dma_start3A_458 = arith.constant 0 : i32
      %dma_start3A_459 = arith.constant 0 : i32
      %dma_start3A_460 = tpu.memref_slice %arg9[%run_scoped3A_34, %dma_start3A_458, %dma_start3A_459] : memref<2x128x128xf32, #tpu.memory_space<vmem>> -> memref<1x120x128xf32, #tpu.memory_space<vmem>>
      %dma_start3A_461 = tpu.memref_squeeze %dma_start3A_460 : memref<1x120x128xf32, #tpu.memory_space<vmem>> -> memref<120x128xf32, #tpu.memory_space<vmem>>
      %dma_start3A_462 = arith.constant 0 : i32
      %dma_start3A_463 = tpu.memref_slice %arg10[%sub3A_33, %dma_start3A_462] : memref<10112x128xf32, #tpu.memory_space<vmem_shared>> -> memref<120x128xf32, #tpu.memory_space<vmem_shared>>
      %dma_start3A_464 = arith.constant 0 : i32
      %dma_start3A_465 = tpu.memref_slice %arg10[%sub3A_33, %dma_start3A_464] : memref<10112x128xf32, #tpu.memory_space<vmem_shared>> -> memref<120x128xf32, #tpu.memory_space<vmem_shared>>
      %dma_start3A_466 = arith.constant 0 : i32
      %dma_start3A_467 = arith.constant 0 : i32
      %dma_start3A_468 = tpu.memref_slice %arg9[%run_scoped3A_34, %dma_start3A_466, %dma_start3A_467] : memref<2x128x128xf32, #tpu.memory_space<vmem>> -> memref<1x120x128xf32, #tpu.memory_space<vmem>>
      %dma_start3A_469 = tpu.memref_squeeze %dma_start3A_468 : memref<1x120x128xf32, #tpu.memory_space<vmem>> -> memref<120x128xf32, #tpu.memory_space<vmem>>
      tpu.enqueue_dma source(%dma_start3A_469 : memref<120x128xf32, #tpu.memory_space<vmem>>) target(%dma_start3A_465 : memref<120x128xf32, #tpu.memory_space<vmem_shared>>) target_semaphore(%run_scoped3A_457 : memref<!tpu.dma_semaphore, #tpu.memory_space<semaphore_mem>>)
      %dma_wait3A_470 = arith.constant 0 : i32
      %dma_wait3A_471 = arith.constant 0 : i32
      %dma_wait3A_472 = tpu.memref_slice %arg9[%run_scoped3A_34, %dma_wait3A_470, %dma_wait3A_471] : memref<2x128x128xf32, #tpu.memory_space<vmem>> -> memref<1x120x128xf32, #tpu.memory_space<vmem>>
      %dma_wait3A_473 = tpu.memref_squeeze %dma_wait3A_472 : memref<1x120x128xf32, #tpu.memory_space<vmem>> -> memref<120x128xf32, #tpu.memory_space<vmem>>
      %dma_wait3A_474 = arith.constant 0 : i32
      %dma_wait3A_475 = tpu.memref_slice %arg10[%sub3A_33, %dma_wait3A_474] : memref<10112x128xf32, #tpu.memory_space<vmem_shared>> -> memref<120x128xf32, #tpu.memory_space<vmem_shared>>
      %dma_wait3A_476 = arith.constant 0 : i32
      %dma_wait3A_477 = tpu.memref_slice %arg10[%sub3A_33, %dma_wait3A_476] : memref<10112x128xf32, #tpu.memory_space<vmem_shared>> -> memref<120x128xf32, #tpu.memory_space<vmem_shared>>
      %dma_wait3A_478 = arith.constant 0 : i32
      %dma_wait3A_479 = arith.constant 0 : i32
      %dma_wait3A_480 = tpu.memref_slice %arg9[%run_scoped3A_34, %dma_wait3A_478, %dma_wait3A_479] : memref<2x128x128xf32, #tpu.memory_space<vmem>> -> memref<1x120x128xf32, #tpu.memory_space<vmem>>
      %dma_wait3A_481 = tpu.memref_squeeze %dma_wait3A_480 : memref<1x120x128xf32, #tpu.memory_space<vmem>> -> memref<120x128xf32, #tpu.memory_space<vmem>>
      tpu.wait_dma2 semaphore(%run_scoped3A_457 : memref<!tpu.dma_semaphore, #tpu.memory_space<semaphore_mem>>) src(%dma_wait3A_481 : memref<120x128xf32, #tpu.memory_space<vmem>>) dst(%dma_wait3A_477 : memref<120x128xf32, #tpu.memory_space<vmem_shared>>)
      tpu.yield
    }) : () -> ()
    %barrier3A_35 = arith.constant 0 : index
    tpu.barrier barrier_id(%barrier3A_35)
    %get3A = arith.constant 0 : i32
    %get3A_36 = arith.index_cast %get3A : i32 to index
    %get3A_37 = arith.constant 0 : index
    %get3A_38 = tpu.vector_load %arg6[%get3A_36, %get3A_37] {strides = array<i32>} : memref<80x128xi32, #tpu.memory_space<vmem>>, vector<1x16xi32>,
    %get3A_39 = vector.shape_cast %get3A_38 : vector<1x16xi32> to vector<16xi32>
    %and3A = arith.constant 65535 : i32
    %and3A_40 = vector.broadcast %and3A : i32 to vector<16xi32>
    %and3A_41 = arith.andi %get3A_39, %and3A_40 : vector<16xi32>
    %swap3A = arith.constant 0 : i32
    %swap3A_42 = arith.index_cast %swap3A : i32 to index
    %swap3A_43 = arith.constant 0 : index
    %swap3A_44 = tpu.vector_load %arg7[%swap3A_42, %swap3A_43] {strides = array<i32>} : memref<2x128xi32, #tpu.memory_space<vmem>>, vector<1x16xi32>,
    %swap3A_45 = vector.shape_cast %swap3A_44 : vector<1x16xi32> to vector<16xi32>
    %swap3A_46 = vector.shape_cast %and3A_41 : vector<16xi32> to vector<1x16xi32>
    tpu.vector_store %arg7[%swap3A_42, %swap3A_43], %swap3A_46 {strides = array<i32>} : memref<2x128xi32, #tpu.memory_space<vmem>>, vector<1x16xi32>,
    %shift_right_arithmetic3A = arith.constant 16 : i32
    %shift_right_arithmetic3A_47 = vector.broadcast %shift_right_arithmetic3A : i32 to vector<16xi32>
    %shift_right_arithmetic3A_48 = arith.shrsi %get3A_39, %shift_right_arithmetic3A_47 : vector<16xi32>
    %swap3A_49 = arith.constant 0 : i32
    %swap3A_50 = arith.index_cast %swap3A_49 : i32 to index
    %swap3A_51 = arith.constant 0 : index
    %swap3A_52 = tpu.vector_load %arg8[%swap3A_50, %swap3A_51] {strides = array<i32>} : memref<2x128xi32, #tpu.memory_space<vmem>>, vector<1x16xi32>,
    %swap3A_53 = vector.shape_cast %swap3A_52 : vector<1x16xi32> to vector<16xi32>
    %swap3A_54 = vector.shape_cast %shift_right_arithmetic3A_48 : vector<16xi32> to vector<1x16xi32>
    tpu.vector_store %arg8[%swap3A_50, %swap3A_51], %swap3A_54 {strides = array<i32>} : memref<2x128xi32, #tpu.memory_space<vmem>>, vector<1x16xi32>,
    %get3A_55 = arith.constant 0 : i32
    %get3A_56 = arith.index_cast %get3A_55 : i32 to index
    %get3A_57 = arith.constant 16 : index
    %get3A_58 = tpu.vector_load %arg6[%get3A_56, %get3A_57] {strides = array<i32>} : memref<80x128xi32, #tpu.memory_space<vmem>>, vector<1x16xi32>,
    %get3A_59 = vector.shape_cast %get3A_58 : vector<1x16xi32> to vector<16xi32>
    %and3A_60 = arith.constant 65535 : i32
    %and3A_61 = vector.broadcast %and3A_60 : i32 to vector<16xi32>
    %and3A_62 = arith.andi %get3A_59, %and3A_61 : vector<16xi32>
    %swap3A_63 = arith.constant 0 : i32
    %swap3A_64 = arith.index_cast %swap3A_63 : i32 to index
    %swap3A_65 = arith.constant 16 : index
    %swap3A_66 = tpu.vector_load %arg7[%swap3A_64, %swap3A_65] {strides = array<i32>} : memref<2x128xi32, #tpu.memory_space<vmem>>, vector<1x16xi32>,
    %swap3A_67 = vector.shape_cast %swap3A_66 : vector<1x16xi32> to vector<16xi32>
    %swap3A_68 = vector.shape_cast %and3A_62 : vector<16xi32> to vector<1x16xi32>
    tpu.vector_store %arg7[%swap3A_64, %swap3A_65], %swap3A_68 {strides = array<i32>} : memref<2x128xi32, #tpu.memory_space<vmem>>, vector<1x16xi32>,
    %shift_right_arithmetic3A_69 = arith.constant 16 : i32
    %shift_right_arithmetic3A_70 = vector.broadcast %shift_right_arithmetic3A_69 : i32 to vector<16xi32>
    %shift_right_arithmetic3A_71 = arith.shrsi %get3A_59, %shift_right_arithmetic3A_70 : vector<16xi32>
    %swap3A_72 = arith.constant 0 : i32
    %swap3A_73 = arith.index_cast %swap3A_72 : i32 to index
    %swap3A_74 = arith.constant 16 : index
    %swap3A_75 = tpu.vector_load %arg8[%swap3A_73, %swap3A_74] {strides = array<i32>} : memref<2x128xi32, #tpu.memory_space<vmem>>, vector<1x16xi32>,
    %swap3A_76 = vector.shape_cast %swap3A_75 : vector<1x16xi32> to vector<16xi32>
    %swap3A_77 = vector.shape_cast %shift_right_arithmetic3A_71 : vector<16xi32> to vector<1x16xi32>
    tpu.vector_store %arg8[%swap3A_73, %swap3A_74], %swap3A_77 {strides = array<i32>} : memref<2x128xi32, #tpu.memory_space<vmem>>, vector<1x16xi32>,
    %get3A_78 = arith.constant 0 : i32
    %get3A_79 = arith.index_cast %get3A_78 : i32 to index
    %get3A_80 = arith.constant 32 : index
    %get3A_81 = tpu.vector_load %arg6[%get3A_79, %get3A_80] {strides = array<i32>} : memref<80x128xi32, #tpu.memory_space<vmem>>, vector<1x16xi32>,
    %get3A_82 = vector.shape_cast %get3A_81 : vector<1x16xi32> to vector<16xi32>
    %and3A_83 = arith.constant 65535 : i32
    %and3A_84 = vector.broadcast %and3A_83 : i32 to vector<16xi32>
    %and3A_85 = arith.andi %get3A_82, %and3A_84 : vector<16xi32>
    %swap3A_86 = arith.constant 0 : i32
    %swap3A_87 = arith.index_cast %swap3A_86 : i32 to index
    %swap3A_88 = arith.constant 32 : index
    %swap3A_89 = tpu.vector_load %arg7[%swap3A_87, %swap3A_88] {strides = array<i32>} : memref<2x128xi32, #tpu.memory_space<vmem>>, vector<1x16xi32>,
    %swap3A_90 = vector.shape_cast %swap3A_89 : vector<1x16xi32> to vector<16xi32>
    %swap3A_91 = vector.shape_cast %and3A_85 : vector<16xi32> to vector<1x16xi32>
    tpu.vector_store %arg7[%swap3A_87, %swap3A_88], %swap3A_91 {strides = array<i32>} : memref<2x128xi32, #tpu.memory_space<vmem>>, vector<1x16xi32>,
    %shift_right_arithmetic3A_92 = arith.constant 16 : i32
    %shift_right_arithmetic3A_93 = vector.broadcast %shift_right_arithmetic3A_92 : i32 to vector<16xi32>
    %shift_right_arithmetic3A_94 = arith.shrsi %get3A_82, %shift_right_arithmetic3A_93 : vector<16xi32>
    %swap3A_95 = arith.constant 0 : i32
    %swap3A_96 = arith.index_cast %swap3A_95 : i32 to index
    %swap3A_97 = arith.constant 32 : index
    %swap3A_98 = tpu.vector_load %arg8[%swap3A_96, %swap3A_97] {strides = array<i32>} : memref<2x128xi32, #tpu.memory_space<vmem>>, vector<1x16xi32>,
    %swap3A_99 = vector.shape_cast %swap3A_98 : vector<1x16xi32> to vector<16xi32>
    %swap3A_100 = vector.shape_cast %shift_right_arithmetic3A_94 : vector<16xi32> to vector<1x16xi32>
    tpu.vector_store %arg8[%swap3A_96, %swap3A_97], %swap3A_100 {strides = array<i32>} : memref<2x128xi32, #tpu.memory_space<vmem>>, vector<1x16xi32>,
    %get3A_101 = arith.constant 0 : i32
    %get3A_102 = arith.index_cast %get3A_101 : i32 to index
    %get3A_103 = arith.constant 48 : index
    %get3A_104 = tpu.vector_load %arg6[%get3A_102, %get3A_103] {strides = array<i32>} : memref<80x128xi32, #tpu.memory_space<vmem>>, vector<1x16xi32>,
    %get3A_105 = vector.shape_cast %get3A_104 : vector<1x16xi32> to vector<16xi32>
    %and3A_106 = arith.constant 65535 : i32
    %and3A_107 = vector.broadcast %and3A_106 : i32 to vector<16xi32>
    %and3A_108 = arith.andi %get3A_105, %and3A_107 : vector<16xi32>
    %swap3A_109 = arith.constant 0 : i32
    %swap3A_110 = arith.index_cast %swap3A_109 : i32 to index
    %swap3A_111 = arith.constant 48 : index
    %swap3A_112 = tpu.vector_load %arg7[%swap3A_110, %swap3A_111] {strides = array<i32>} : memref<2x128xi32, #tpu.memory_space<vmem>>, vector<1x16xi32>,
    %swap3A_113 = vector.shape_cast %swap3A_112 : vector<1x16xi32> to vector<16xi32>
    %swap3A_114 = vector.shape_cast %and3A_108 : vector<16xi32> to vector<1x16xi32>
    tpu.vector_store %arg7[%swap3A_110, %swap3A_111], %swap3A_114 {strides = array<i32>} : memref<2x128xi32, #tpu.memory_space<vmem>>, vector<1x16xi32>,
    %shift_right_arithmetic3A_115 = arith.constant 16 : i32
    %shift_right_arithmetic3A_116 = vector.broadcast %shift_right_arithmetic3A_115 : i32 to vector<16xi32>
    %shift_right_arithmetic3A_117 = arith.shrsi %get3A_105, %shift_right_arithmetic3A_116 : vector<16xi32>
    %swap3A_118 = arith.constant 0 : i32
    %swap3A_119 = arith.index_cast %swap3A_118 : i32 to index
    %swap3A_120 = arith.constant 48 : index
    %swap3A_121 = tpu.vector_load %arg8[%swap3A_119, %swap3A_120] {strides = array<i32>} : memref<2x128xi32, #tpu.memory_space<vmem>>, vector<1x16xi32>,
    %swap3A_122 = vector.shape_cast %swap3A_121 : vector<1x16xi32> to vector<16xi32>
    %swap3A_123 = vector.shape_cast %shift_right_arithmetic3A_117 : vector<16xi32> to vector<1x16xi32>
    tpu.vector_store %arg8[%swap3A_119, %swap3A_120], %swap3A_123 {strides = array<i32>} : memref<2x128xi32, #tpu.memory_space<vmem>>, vector<1x16xi32>,
    %get3A_124 = arith.constant 0 : i32
    %get3A_125 = arith.index_cast %get3A_124 : i32 to index
    %get3A_126 = arith.constant 64 : index
    %get3A_127 = tpu.vector_load %arg6[%get3A_125, %get3A_126] {strides = array<i32>} : memref<80x128xi32, #tpu.memory_space<vmem>>, vector<1x16xi32>,
    %get3A_128 = vector.shape_cast %get3A_127 : vector<1x16xi32> to vector<16xi32>
    %and3A_129 = arith.constant 65535 : i32
    %and3A_130 = vector.broadcast %and3A_129 : i32 to vector<16xi32>
    %and3A_131 = arith.andi %get3A_128, %and3A_130 : vector<16xi32>
    %swap3A_132 = arith.constant 0 : i32
    %swap3A_133 = arith.index_cast %swap3A_132 : i32 to index
    %swap3A_134 = arith.constant 64 : index
    %swap3A_135 = tpu.vector_load %arg7[%swap3A_133, %swap3A_134] {strides = array<i32>} : memref<2x128xi32, #tpu.memory_space<vmem>>, vector<1x16xi32>,
    %swap3A_136 = vector.shape_cast %swap3A_135 : vector<1x16xi32> to vector<16xi32>
    %swap3A_137 = vector.shape_cast %and3A_131 : vector<16xi32> to vector<1x16xi32>
    tpu.vector_store %arg7[%swap3A_133, %swap3A_134], %swap3A_137 {strides = array<i32>} : memref<2x128xi32, #tpu.memory_space<vmem>>, vector<1x16xi32>,
    %shift_right_arithmetic3A_138 = arith.constant 16 : i32
    %shift_right_arithmetic3A_139 = vector.broadcast %shift_right_arithmetic3A_138 : i32 to vector<16xi32>
    %shift_right_arithmetic3A_140 = arith.shrsi %get3A_128, %shift_right_arithmetic3A_139 : vector<16xi32>
    %swap3A_141 = arith.constant 0 : i32
    %swap3A_142 = arith.index_cast %swap3A_141 : i32 to index
    %swap3A_143 = arith.constant 64 : index
    %swap3A_144 = tpu.vector_load %arg8[%swap3A_142, %swap3A_143] {strides = array<i32>} : memref<2x128xi32, #tpu.memory_space<vmem>>, vector<1x16xi32>,
    %swap3A_145 = vector.shape_cast %swap3A_144 : vector<1x16xi32> to vector<16xi32>
    %swap3A_146 = vector.shape_cast %shift_right_arithmetic3A_140 : vector<16xi32> to vector<1x16xi32>
    tpu.vector_store %arg8[%swap3A_142, %swap3A_143], %swap3A_146 {strides = array<i32>} : memref<2x128xi32, #tpu.memory_space<vmem>>, vector<1x16xi32>,
    %get3A_147 = arith.constant 0 : i32
    %get3A_148 = arith.index_cast %get3A_147 : i32 to index
    %get3A_149 = arith.constant 80 : index
    %get3A_150 = tpu.vector_load %arg6[%get3A_148, %get3A_149] {strides = array<i32>} : memref<80x128xi32, #tpu.memory_space<vmem>>, vector<1x16xi32>,
    %get3A_151 = vector.shape_cast %get3A_150 : vector<1x16xi32> to vector<16xi32>
    %and3A_152 = arith.constant 65535 : i32
    %and3A_153 = vector.broadcast %and3A_152 : i32 to vector<16xi32>
    %and3A_154 = arith.andi %get3A_151, %and3A_153 : vector<16xi32>
    %swap3A_155 = arith.constant 0 : i32
    %swap3A_156 = arith.index_cast %swap3A_155 : i32 to index
    %swap3A_157 = arith.constant 80 : index
    %swap3A_158 = tpu.vector_load %arg7[%swap3A_156, %swap3A_157] {strides = array<i32>} : memref<2x128xi32, #tpu.memory_space<vmem>>, vector<1x16xi32>,
    %swap3A_159 = vector.shape_cast %swap3A_158 : vector<1x16xi32> to vector<16xi32>
    %swap3A_160 = vector.shape_cast %and3A_154 : vector<16xi32> to vector<1x16xi32>
    tpu.vector_store %arg7[%swap3A_156, %swap3A_157], %swap3A_160 {strides = array<i32>} : memref<2x128xi32, #tpu.memory_space<vmem>>, vector<1x16xi32>,
    %shift_right_arithmetic3A_161 = arith.constant 16 : i32
    %shift_right_arithmetic3A_162 = vector.broadcast %shift_right_arithmetic3A_161 : i32 to vector<16xi32>
    %shift_right_arithmetic3A_163 = arith.shrsi %get3A_151, %shift_right_arithmetic3A_162 : vector<16xi32>
    %swap3A_164 = arith.constant 0 : i32
    %swap3A_165 = arith.index_cast %swap3A_164 : i32 to index
    %swap3A_166 = arith.constant 80 : index
    %swap3A_167 = tpu.vector_load %arg8[%swap3A_165, %swap3A_166] {strides = array<i32>} : memref<2x128xi32, #tpu.memory_space<vmem>>, vector<1x16xi32>,
    %swap3A_168 = vector.shape_cast %swap3A_167 : vector<1x16xi32> to vector<16xi32>
    %swap3A_169 = vector.shape_cast %shift_right_arithmetic3A_163 : vector<16xi32> to vector<1x16xi32>
    tpu.vector_store %arg8[%swap3A_165, %swap3A_166], %swap3A_169 {strides = array<i32>} : memref<2x128xi32, #tpu.memory_space<vmem>>, vector<1x16xi32>,
    %get3A_170 = arith.constant 0 : i32
    %get3A_171 = arith.index_cast %get3A_170 : i32 to index
    %get3A_172 = arith.constant 96 : index
    %get3A_173 = tpu.vector_load %arg6[%get3A_171, %get3A_172] {strides = array<i32>} : memref<80x128xi32, #tpu.memory_space<vmem>>, vector<1x16xi32>,
    %get3A_174 = vector.shape_cast %get3A_173 : vector<1x16xi32> to vector<16xi32>
    %and3A_175 = arith.constant 65535 : i32
    %and3A_176 = vector.broadcast %and3A_175 : i32 to vector<16xi32>
    %and3A_177 = arith.andi %get3A_174, %and3A_176 : vector<16xi32>
    %swap3A_178 = arith.constant 0 : i32
    %swap3A_179 = arith.index_cast %swap3A_178 : i32 to index
    %swap3A_180 = arith.constant 96 : index
    %swap3A_181 = tpu.vector_load %arg7[%swap3A_179, %swap3A_180] {strides = array<i32>} : memref<2x128xi32, #tpu.memory_space<vmem>>, vector<1x16xi32>,
    %swap3A_182 = vector.shape_cast %swap3A_181 : vector<1x16xi32> to vector<16xi32>
    %swap3A_183 = vector.shape_cast %and3A_177 : vector<16xi32> to vector<1x16xi32>
    tpu.vector_store %arg7[%swap3A_179, %swap3A_180], %swap3A_183 {strides = array<i32>} : memref<2x128xi32, #tpu.memory_space<vmem>>, vector<1x16xi32>,
    %shift_right_arithmetic3A_184 = arith.constant 16 : i32
    %shift_right_arithmetic3A_185 = vector.broadcast %shift_right_arithmetic3A_184 : i32 to vector<16xi32>
    %shift_right_arithmetic3A_186 = arith.shrsi %get3A_174, %shift_right_arithmetic3A_185 : vector<16xi32>
    %swap3A_187 = arith.constant 0 : i32
    %swap3A_188 = arith.index_cast %swap3A_187 : i32 to index
    %swap3A_189 = arith.constant 96 : index
    %swap3A_190 = tpu.vector_load %arg8[%swap3A_188, %swap3A_189] {strides = array<i32>} : memref<2x128xi32, #tpu.memory_space<vmem>>, vector<1x16xi32>,
    %swap3A_191 = vector.shape_cast %swap3A_190 : vector<1x16xi32> to vector<16xi32>
    %swap3A_192 = vector.shape_cast %shift_right_arithmetic3A_186 : vector<16xi32> to vector<1x16xi32>
    tpu.vector_store %arg8[%swap3A_188, %swap3A_189], %swap3A_192 {strides = array<i32>} : memref<2x128xi32, #tpu.memory_space<vmem>>, vector<1x16xi32>,
    %get3A_193 = arith.constant 0 : i32
    %get3A_194 = arith.index_cast %get3A_193 : i32 to index
    %get3A_195 = arith.constant 112 : index
    %get3A_196 = tpu.vector_load %arg6[%get3A_194, %get3A_195] {strides = array<i32>} : memref<80x128xi32, #tpu.memory_space<vmem>>, vector<1x16xi32>,
    %get3A_197 = vector.shape_cast %get3A_196 : vector<1x16xi32> to vector<16xi32>
    %and3A_198 = arith.constant 65535 : i32
    %and3A_199 = vector.broadcast %and3A_198 : i32 to vector<16xi32>
    %and3A_200 = arith.andi %get3A_197, %and3A_199 : vector<16xi32>
    %swap3A_201 = arith.constant 0 : i32
    %swap3A_202 = arith.index_cast %swap3A_201 : i32 to index
    %swap3A_203 = arith.constant 112 : index
    %swap3A_204 = tpu.vector_load %arg7[%swap3A_202, %swap3A_203] {strides = array<i32>} : memref<2x128xi32, #tpu.memory_space<vmem>>, vector<1x16xi32>,
    %swap3A_205 = vector.shape_cast %swap3A_204 : vector<1x16xi32> to vector<16xi32>
    %swap3A_206 = vector.shape_cast %and3A_200 : vector<16xi32> to vector<1x16xi32>
    tpu.vector_store %arg7[%swap3A_202, %swap3A_203], %swap3A_206 {strides = array<i32>} : memref<2x128xi32, #tpu.memory_space<vmem>>, vector<1x16xi32>,
    %shift_right_arithmetic3A_207 = arith.constant 16 : i32
    %shift_right_arithmetic3A_208 = vector.broadcast %shift_right_arithmetic3A_207 : i32 to vector<16xi32>
    %shift_right_arithmetic3A_209 = arith.shrsi %get3A_197, %shift_right_arithmetic3A_208 : vector<16xi32>
    %swap3A_210 = arith.constant 0 : i32
    %swap3A_211 = arith.index_cast %swap3A_210 : i32 to index
    %swap3A_212 = arith.constant 112 : index
    %swap3A_213 = tpu.vector_load %arg8[%swap3A_211, %swap3A_212] {strides = array<i32>} : memref<2x128xi32, #tpu.memory_space<vmem>>, vector<1x16xi32>,
    %swap3A_214 = vector.shape_cast %swap3A_213 : vector<1x16xi32> to vector<16xi32>
    %swap3A_215 = vector.shape_cast %shift_right_arithmetic3A_209 : vector<16xi32> to vector<1x16xi32>
    tpu.vector_store %arg8[%swap3A_211, %swap3A_212], %swap3A_215 {strides = array<i32>} : memref<2x128xi32, #tpu.memory_space<vmem>>, vector<1x16xi32>,
    %dma_start3A = arith.constant 0 : i32
    %dma_start3A_216 = arith.constant 0 : i32
    %dma_start3A_217 = arith.constant 0 : i32
    %dma_start3A_218 = arith.constant 0 : i32
    %dma_start3A_219 = tpu.memref_slice %arg9[%dma_start3A_216, %dma_start3A_217, %dma_start3A_218] : memref<2x128x128xf32, #tpu.memory_space<vmem>> -> memref<1x128x128xf32, #tpu.memory_space<vmem>>
    %dma_start3A_220 = tpu.memref_squeeze %dma_start3A_219 : memref<1x128x128xf32, #tpu.memory_space<vmem>> -> memref<128x128xf32, #tpu.memory_space<vmem>>
    %dma_start3A_221 = arith.constant 0 : i32
    %dma_start3A_222 = tpu.memref_slice %arg7[%dma_start3A, %dma_start3A_221] : memref<2x128xi32, #tpu.memory_space<vmem>> -> memref<1x128xi32, #tpu.memory_space<vmem>>
    %dma_start3A_223 = tpu.memref_squeeze %dma_start3A_222 : memref<1x128xi32, #tpu.memory_space<vmem>> -> memref<128xi32, #tpu.memory_space<vmem>>
    %dma_start3A_224 = arith.constant 0 : i32
    %dma_start3A_225 = arith.constant 0 : i32
    %dma_start3A_226 = tpu.memref_slice %arg2[%dma_start3A_224, %dma_start3A_225] : memref<10000x128xf32, #tpu.memory_space<hbm>> -> memref<10000x128xf32, #tpu.memory_space<hbm>>
    tpu.enqueue_indirect_dma source(%dma_start3A_226 : memref<10000x128xf32, #tpu.memory_space<hbm>>) target(%dma_start3A_220 : memref<128x128xf32, #tpu.memory_space<vmem>>) offsets(%dma_start3A_223 : memref<128xi32, #tpu.memory_space<vmem>>) semaphore(%arg11 : memref<!tpu.dma_semaphore, #tpu.memory_space<semaphore_mem>>)
    %get3A_227 = arith.constant 1 : i32
    %get3A_228 = arith.index_cast %get3A_227 : i32 to index
    %get3A_229 = arith.constant 0 : index
    %get3A_230 = tpu.vector_load %arg6[%get3A_228, %get3A_229] {strides = array<i32>} : memref<80x128xi32, #tpu.memory_space<vmem>>, vector<1x16xi32>,
    %get3A_231 = vector.shape_cast %get3A_230 : vector<1x16xi32> to vector<16xi32>
    %and3A_232 = arith.constant 65535 : i32
    %and3A_233 = vector.broadcast %and3A_232 : i32 to vector<16xi32>
    %and3A_234 = arith.andi %get3A_231, %and3A_233 : vector<16xi32>
    %swap3A_235 = arith.constant 1 : i32
    %swap3A_236 = arith.index_cast %swap3A_235 : i32 to index
    %swap3A_237 = arith.constant 0 : index
    %swap3A_238 = tpu.vector_load %arg7[%swap3A_236, %swap3A_237] {strides = array<i32>} : memref<2x128xi32, #tpu.memory_space<vmem>>, vector<1x16xi32>,
    %swap3A_239 = vector.shape_cast %swap3A_238 : vector<1x16xi32> to vector<16xi32>
    %swap3A_240 = vector.shape_cast %and3A_234 : vector<16xi32> to vector<1x16xi32>
    tpu.vector_store %arg7[%swap3A_236, %swap3A_237], %swap3A_240 {strides = array<i32>} : memref<2x128xi32, #tpu.memory_space<vmem>>, vector<1x16xi32>,
    %shift_right_arithmetic3A_241 = arith.constant 16 : i32
    %shift_right_arithmetic3A_242 = vector.broadcast %shift_right_arithmetic3A_241 : i32 to vector<16xi32>
    %shift_right_arithmetic3A_243 = arith.shrsi %get3A_231, %shift_right_arithmetic3A_242 : vector<16xi32>
    %swap3A_244 = arith.constant 1 : i32
    %swap3A_245 = arith.index_cast %swap3A_244 : i32 to index
    %swap3A_246 = arith.constant 0 : index
    %swap3A_247 = tpu.vector_load %arg8[%swap3A_245, %swap3A_246] {strides = array<i32>} : memref<2x128xi32, #tpu.memory_space<vmem>>, vector<1x16xi32>,
    %swap3A_248 = vector.shape_cast %swap3A_247 : vector<1x16xi32> to vector<16xi32>
    %swap3A_249 = vector.shape_cast %shift_right_arithmetic3A_243 : vector<16xi32> to vector<1x16xi32>
    tpu.vector_store %arg8[%swap3A_245, %swap3A_246], %swap3A_249 {strides = array<i32>} : memref<2x128xi32, #tpu.memory_space<vmem>>, vector<1x16xi32>,
    %get3A_250 = arith.constant 1 : i32
    %get3A_251 = arith.index_cast %get3A_250 : i32 to index
    %get3A_252 = arith.constant 16 : index
    %get3A_253 = tpu.vector_load %arg6[%get3A_251, %get3A_252] {strides = array<i32>} : memref<80x128xi32, #tpu.memory_space<vmem>>, vector<1x16xi32>,
    %get3A_254 = vector.shape_cast %get3A_253 : vector<1x16xi32> to vector<16xi32>
    %and3A_255 = arith.constant 65535 : i32
    %and3A_256 = vector.broadcast %and3A_255 : i32 to vector<16xi32>
    %and3A_257 = arith.andi %get3A_254, %and3A_256 : vector<16xi32>
    %swap3A_258 = arith.constant 1 : i32
    %swap3A_259 = arith.index_cast %swap3A_258 : i32 to index
    %swap3A_260 = arith.constant 16 : index
    %swap3A_261 = tpu.vector_load %arg7[%swap3A_259, %swap3A_260] {strides = array<i32>} : memref<2x128xi32, #tpu.memory_space<vmem>>, vector<1x16xi32>,
    %swap3A_262 = vector.shape_cast %swap3A_261 : vector<1x16xi32> to vector<16xi32>
    %swap3A_263 = vector.shape_cast %and3A_257 : vector<16xi32> to vector<1x16xi32>
    tpu.vector_store %arg7[%swap3A_259, %swap3A_260], %swap3A_263 {strides = array<i32>} : memref<2x128xi32, #tpu.memory_space<vmem>>, vector<1x16xi32>,
    %shift_right_arithmetic3A_264 = arith.constant 16 : i32
    %shift_right_arithmetic3A_265 = vector.broadcast %shift_right_arithmetic3A_264 : i32 to vector<16xi32>
    %shift_right_arithmetic3A_266 = arith.shrsi %get3A_254, %shift_right_arithmetic3A_265 : vector<16xi32>
    %swap3A_267 = arith.constant 1 : i32
    %swap3A_268 = arith.index_cast %swap3A_267 : i32 to index
    %swap3A_269 = arith.constant 16 : index
    %swap3A_270 = tpu.vector_load %arg8[%swap3A_268, %swap3A_269] {strides = array<i32>} : memref<2x128xi32, #tpu.memory_space<vmem>>, vector<1x16xi32>,
    %swap3A_271 = vector.shape_cast %swap3A_270 : vector<1x16xi32> to vector<16xi32>
    %swap3A_272 = vector.shape_cast %shift_right_arithmetic3A_266 : vector<16xi32> to vector<1x16xi32>
    tpu.vector_store %arg8[%swap3A_268, %swap3A_269], %swap3A_272 {strides = array<i32>} : memref<2x128xi32, #tpu.memory_space<vmem>>, vector<1x16xi32>,
    %get3A_273 = arith.constant 1 : i32
    %get3A_274 = arith.index_cast %get3A_273 : i32 to index
    %get3A_275 = arith.constant 32 : index
    %get3A_276 = tpu.vector_load %arg6[%get3A_274, %get3A_275] {strides = array<i32>} : memref<80x128xi32, #tpu.memory_space<vmem>>, vector<1x16xi32>,
    %get3A_277 = vector.shape_cast %get3A_276 : vector<1x16xi32> to vector<16xi32>
    %and3A_278 = arith.constant 65535 : i32
    %and3A_279 = vector.broadcast %and3A_278 : i32 to vector<16xi32>
    %and3A_280 = arith.andi %get3A_277, %and3A_279 : vector<16xi32>
    %swap3A_281 = arith.constant 1 : i32
    %swap3A_282 = arith.index_cast %swap3A_281 : i32 to index
    %swap3A_283 = arith.constant 32 : index
    %swap3A_284 = tpu.vector_load %arg7[%swap3A_282, %swap3A_283] {strides = array<i32>} : memref<2x128xi32, #tpu.memory_space<vmem>>, vector<1x16xi32>,
    %swap3A_285 = vector.shape_cast %swap3A_284 : vector<1x16xi32> to vector<16xi32>
    %swap3A_286 = vector.shape_cast %and3A_280 : vector<16xi32> to vector<1x16xi32>
    tpu.vector_store %arg7[%swap3A_282, %swap3A_283], %swap3A_286 {strides = array<i32>} : memref<2x128xi32, #tpu.memory_space<vmem>>, vector<1x16xi32>,
    %shift_right_arithmetic3A_287 = arith.constant 16 : i32
    %shift_right_arithmetic3A_288 = vector.broadcast %shift_right_arithmetic3A_287 : i32 to vector<16xi32>
    %shift_right_arithmetic3A_289 = arith.shrsi %get3A_277, %shift_right_arithmetic3A_288 : vector<16xi32>
    %swap3A_290 = arith.constant 1 : i32
    %swap3A_291 = arith.index_cast %swap3A_290 : i32 to index
    %swap3A_292 = arith.constant 32 : index
    %swap3A_293 = tpu.vector_load %arg8[%swap3A_291, %swap3A_292] {strides = array<i32>} : memref<2x128xi32, #tpu.memory_space<vmem>>, vector<1x16xi32>,
    %swap3A_294 = vector.shape_cast %swap3A_293 : vector<1x16xi32> to vector<16xi32>
    %swap3A_295 = vector.shape_cast %shift_right_arithmetic3A_289 : vector<16xi32> to vector<1x16xi32>
    tpu.vector_store %arg8[%swap3A_291, %swap3A_292], %swap3A_295 {strides = array<i32>} : memref<2x128xi32, #tpu.memory_space<vmem>>, vector<1x16xi32>,
    %get3A_296 = arith.constant 1 : i32
    %get3A_297 = arith.index_cast %get3A_296 : i32 to index
    %get3A_298 = arith.constant 48 : index
    %get3A_299 = tpu.vector_load %arg6[%get3A_297, %get3A_298] {strides = array<i32>} : memref<80x128xi32, #tpu.memory_space<vmem>>, vector<1x16xi32>,
    %get3A_300 = vector.shape_cast %get3A_299 : vector<1x16xi32> to vector<16xi32>
    %and3A_301 = arith.constant 65535 : i32
    %and3A_302 = vector.broadcast %and3A_301 : i32 to vector<16xi32>
    %and3A_303 = arith.andi %get3A_300, %and3A_302 : vector<16xi32>
    %swap3A_304 = arith.constant 1 : i32
    %swap3A_305 = arith.index_cast %swap3A_304 : i32 to index
    %swap3A_306 = arith.constant 48 : index
    %swap3A_307 = tpu.vector_load %arg7[%swap3A_305, %swap3A_306] {strides = array<i32>} : memref<2x128xi32, #tpu.memory_space<vmem>>, vector<1x16xi32>,
    %swap3A_308 = vector.shape_cast %swap3A_307 : vector<1x16xi32> to vector<16xi32>
    %swap3A_309 = vector.shape_cast %and3A_303 : vector<16xi32> to vector<1x16xi32>
    tpu.vector_store %arg7[%swap3A_305, %swap3A_306], %swap3A_309 {strides = array<i32>} : memref<2x128xi32, #tpu.memory_space<vmem>>, vector<1x16xi32>,
    %shift_right_arithmetic3A_310 = arith.constant 16 : i32
    %shift_right_arithmetic3A_311 = vector.broadcast %shift_right_arithmetic3A_310 : i32 to vector<16xi32>
    %shift_right_arithmetic3A_312 = arith.shrsi %get3A_300, %shift_right_arithmetic3A_311 : vector<16xi32>
    %swap3A_313 = arith.constant 1 : i32
    %swap3A_314 = arith.index_cast %swap3A_313 : i32 to index
    %swap3A_315 = arith.constant 48 : index
    %swap3A_316 = tpu.vector_load %arg8[%swap3A_314, %swap3A_315] {strides = array<i32>} : memref<2x128xi32, #tpu.memory_space<vmem>>, vector<1x16xi32>,
    %swap3A_317 = vector.shape_cast %swap3A_316 : vector<1x16xi32> to vector<16xi32>
    %swap3A_318 = vector.shape_cast %shift_right_arithmetic3A_312 : vector<16xi32> to vector<1x16xi32>
    tpu.vector_store %arg8[%swap3A_314, %swap3A_315], %swap3A_318 {strides = array<i32>} : memref<2x128xi32, #tpu.memory_space<vmem>>, vector<1x16xi32>,
    %get3A_319 = arith.constant 1 : i32
    %get3A_320 = arith.index_cast %get3A_319 : i32 to index
    %get3A_321 = arith.constant 64 : index
    %get3A_322 = tpu.vector_load %arg6[%get3A_320, %get3A_321] {strides = array<i32>} : memref<80x128xi32, #tpu.memory_space<vmem>>, vector<1x16xi32>,
    %get3A_323 = vector.shape_cast %get3A_322 : vector<1x16xi32> to vector<16xi32>
    %and3A_324 = arith.constant 65535 : i32
    %and3A_325 = vector.broadcast %and3A_324 : i32 to vector<16xi32>
    %and3A_326 = arith.andi %get3A_323, %and3A_325 : vector<16xi32>
    %swap3A_327 = arith.constant 1 : i32
    %swap3A_328 = arith.index_cast %swap3A_327 : i32 to index
    %swap3A_329 = arith.constant 64 : index
    %swap3A_330 = tpu.vector_load %arg7[%swap3A_328, %swap3A_329] {strides = array<i32>} : memref<2x128xi32, #tpu.memory_space<vmem>>, vector<1x16xi32>,
    %swap3A_331 = vector.shape_cast %swap3A_330 : vector<1x16xi32> to vector<16xi32>
    %swap3A_332 = vector.shape_cast %and3A_326 : vector<16xi32> to vector<1x16xi32>
    tpu.vector_store %arg7[%swap3A_328, %swap3A_329], %swap3A_332 {strides = array<i32>} : memref<2x128xi32, #tpu.memory_space<vmem>>, vector<1x16xi32>,
    %shift_right_arithmetic3A_333 = arith.constant 16 : i32
    %shift_right_arithmetic3A_334 = vector.broadcast %shift_right_arithmetic3A_333 : i32 to vector<16xi32>
    %shift_right_arithmetic3A_335 = arith.shrsi %get3A_323, %shift_right_arithmetic3A_334 : vector<16xi32>
    %swap3A_336 = arith.constant 1 : i32
    %swap3A_337 = arith.index_cast %swap3A_336 : i32 to index
    %swap3A_338 = arith.constant 64 : index
    %swap3A_339 = tpu.vector_load %arg8[%swap3A_337, %swap3A_338] {strides = array<i32>} : memref<2x128xi32, #tpu.memory_space<vmem>>, vector<1x16xi32>,
    %swap3A_340 = vector.shape_cast %swap3A_339 : vector<1x16xi32> to vector<16xi32>
    %swap3A_341 = vector.shape_cast %shift_right_arithmetic3A_335 : vector<16xi32> to vector<1x16xi32>
    tpu.vector_store %arg8[%swap3A_337, %swap3A_338], %swap3A_341 {strides = array<i32>} : memref<2x128xi32, #tpu.memory_space<vmem>>, vector<1x16xi32>,
    %get3A_342 = arith.constant 1 : i32
    %get3A_343 = arith.index_cast %get3A_342 : i32 to index
    %get3A_344 = arith.constant 80 : index
    %get3A_345 = tpu.vector_load %arg6[%get3A_343, %get3A_344] {strides = array<i32>} : memref<80x128xi32, #tpu.memory_space<vmem>>, vector<1x16xi32>,
    %get3A_346 = vector.shape_cast %get3A_345 : vector<1x16xi32> to vector<16xi32>
    %and3A_347 = arith.constant 65535 : i32
    %and3A_348 = vector.broadcast %and3A_347 : i32 to vector<16xi32>
    %and3A_349 = arith.andi %get3A_346, %and3A_348 : vector<16xi32>
    %swap3A_350 = arith.constant 1 : i32
    %swap3A_351 = arith.index_cast %swap3A_350 : i32 to index
    %swap3A_352 = arith.constant 80 : index
    %swap3A_353 = tpu.vector_load %arg7[%swap3A_351, %swap3A_352] {strides = array<i32>} : memref<2x128xi32, #tpu.memory_space<vmem>>, vector<1x16xi32>,
    %swap3A_354 = vector.shape_cast %swap3A_353 : vector<1x16xi32> to vector<16xi32>
    %swap3A_355 = vector.shape_cast %and3A_349 : vector<16xi32> to vector<1x16xi32>
    tpu.vector_store %arg7[%swap3A_351, %swap3A_352], %swap3A_355 {strides = array<i32>} : memref<2x128xi32, #tpu.memory_space<vmem>>, vector<1x16xi32>,
    %shift_right_arithmetic3A_356 = arith.constant 16 : i32
    %shift_right_arithmetic3A_357 = vector.broadcast %shift_right_arithmetic3A_356 : i32 to vector<16xi32>
    %shift_right_arithmetic3A_358 = arith.shrsi %get3A_346, %shift_right_arithmetic3A_357 : vector<16xi32>
    %swap3A_359 = arith.constant 1 : i32
    %swap3A_360 = arith.index_cast %swap3A_359 : i32 to index
    %swap3A_361 = arith.constant 80 : index
    %swap3A_362 = tpu.vector_load %arg8[%swap3A_360, %swap3A_361] {strides = array<i32>} : memref<2x128xi32, #tpu.memory_space<vmem>>, vector<1x16xi32>,
    %swap3A_363 = vector.shape_cast %swap3A_362 : vector<1x16xi32> to vector<16xi32>
    %swap3A_364 = vector.shape_cast %shift_right_arithmetic3A_358 : vector<16xi32> to vector<1x16xi32>
    tpu.vector_store %arg8[%swap3A_360, %swap3A_361], %swap3A_364 {strides = array<i32>} : memref<2x128xi32, #tpu.memory_space<vmem>>, vector<1x16xi32>,
    %get3A_365 = arith.constant 1 : i32
    %get3A_366 = arith.index_cast %get3A_365 : i32 to index
    %get3A_367 = arith.constant 96 : index
    %get3A_368 = tpu.vector_load %arg6[%get3A_366, %get3A_367] {strides = array<i32>} : memref<80x128xi32, #tpu.memory_space<vmem>>, vector<1x16xi32>,
    %get3A_369 = vector.shape_cast %get3A_368 : vector<1x16xi32> to vector<16xi32>
    %and3A_370 = arith.constant 65535 : i32
    %and3A_371 = vector.broadcast %and3A_370 : i32 to vector<16xi32>
    %and3A_372 = arith.andi %get3A_369, %and3A_371 : vector<16xi32>
    %swap3A_373 = arith.constant 1 : i32
    %swap3A_374 = arith.index_cast %swap3A_373 : i32 to index
    %swap3A_375 = arith.constant 96 : index
    %swap3A_376 = tpu.vector_load %arg7[%swap3A_374, %swap3A_375] {strides = array<i32>} : memref<2x128xi32, #tpu.memory_space<vmem>>, vector<1x16xi32>,
    %swap3A_377 = vector.shape_cast %swap3A_376 : vector<1x16xi32> to vector<16xi32>
    %swap3A_378 = vector.shape_cast %and3A_372 : vector<16xi32> to vector<1x16xi32>
    tpu.vector_store %arg7[%swap3A_374, %swap3A_375], %swap3A_378 {strides = array<i32>} : memref<2x128xi32, #tpu.memory_space<vmem>>, vector<1x16xi32>,
    %shift_right_arithmetic3A_379 = arith.constant 16 : i32
    %shift_right_arithmetic3A_380 = vector.broadcast %shift_right_arithmetic3A_379 : i32 to vector<16xi32>
    %shift_right_arithmetic3A_381 = arith.shrsi %get3A_369, %shift_right_arithmetic3A_380 : vector<16xi32>
    %swap3A_382 = arith.constant 1 : i32
    %swap3A_383 = arith.index_cast %swap3A_382 : i32 to index
    %swap3A_384 = arith.constant 96 : index
    %swap3A_385 = tpu.vector_load %arg8[%swap3A_383, %swap3A_384] {strides = array<i32>} : memref<2x128xi32, #tpu.memory_space<vmem>>, vector<1x16xi32>,
    %swap3A_386 = vector.shape_cast %swap3A_385 : vector<1x16xi32> to vector<16xi32>
    %swap3A_387 = vector.shape_cast %shift_right_arithmetic3A_381 : vector<16xi32> to vector<1x16xi32>
    tpu.vector_store %arg8[%swap3A_383, %swap3A_384], %swap3A_387 {strides = array<i32>} : memref<2x128xi32, #tpu.memory_space<vmem>>, vector<1x16xi32>,
    %get3A_388 = arith.constant 1 : i32
    %get3A_389 = arith.index_cast %get3A_388 : i32 to index
    %get3A_390 = arith.constant 112 : index
    %get3A_391 = tpu.vector_load %arg6[%get3A_389, %get3A_390] {strides = array<i32>} : memref<80x128xi32, #tpu.memory_space<vmem>>, vector<1x16xi32>,
    %get3A_392 = vector.shape_cast %get3A_391 : vector<1x16xi32> to vector<16xi32>
    %and3A_393 = arith.constant 65535 : i32
    %and3A_394 = vector.broadcast %and3A_393 : i32 to vector<16xi32>
    %and3A_395 = arith.andi %get3A_392, %and3A_394 : vector<16xi32>
    %swap3A_396 = arith.constant 1 : i32
    %swap3A_397 = arith.index_cast %swap3A_396 : i32 to index
    %swap3A_398 = arith.constant 112 : index
    %swap3A_399 = tpu.vector_load %arg7[%swap3A_397, %swap3A_398] {strides = array<i32>} : memref<2x128xi32, #tpu.memory_space<vmem>>, vector<1x16xi32>,
    %swap3A_400 = vector.shape_cast %swap3A_399 : vector<1x16xi32> to vector<16xi32>
    %swap3A_401 = vector.shape_cast %and3A_395 : vector<16xi32> to vector<1x16xi32>
    tpu.vector_store %arg7[%swap3A_397, %swap3A_398], %swap3A_401 {strides = array<i32>} : memref<2x128xi32, #tpu.memory_space<vmem>>, vector<1x16xi32>,
    %shift_right_arithmetic3A_402 = arith.constant 16 : i32
    %shift_right_arithmetic3A_403 = vector.broadcast %shift_right_arithmetic3A_402 : i32 to vector<16xi32>
    %shift_right_arithmetic3A_404 = arith.shrsi %get3A_392, %shift_right_arithmetic3A_403 : vector<16xi32>
    %swap3A_405 = arith.constant 1 : i32
    %swap3A_406 = arith.index_cast %swap3A_405 : i32 to index
    %swap3A_407 = arith.constant 112 : index
    %swap3A_408 = tpu.vector_load %arg8[%swap3A_406, %swap3A_407] {strides = array<i32>} : memref<2x128xi32, #tpu.memory_space<vmem>>, vector<1x16xi32>,
    %swap3A_409 = vector.shape_cast %swap3A_408 : vector<1x16xi32> to vector<16xi32>
    %swap3A_410 = vector.shape_cast %shift_right_arithmetic3A_404 : vector<16xi32> to vector<1x16xi32>
    tpu.vector_store %arg8[%swap3A_406, %swap3A_407], %swap3A_410 {strides = array<i32>} : memref<2x128xi32, #tpu.memory_space<vmem>>, vector<1x16xi32>,
    %dma_start3A_411 = arith.constant 1 : i32
    %dma_start3A_412 = arith.constant 1 : i32
    %dma_start3A_413 = arith.constant 0 : i32
    %dma_start3A_414 = arith.constant 0 : i32
    %dma_start3A_415 = tpu.memref_slice %arg9[%dma_start3A_412, %dma_start3A_413, %dma_start3A_414] : memref<2x128x128xf32, #tpu.memory_space<vmem>> -> memref<1x128x128xf32, #tpu.memory_space<vmem>>
    %dma_start3A_416 = tpu.memref_squeeze %dma_start3A_415 : memref<1x128x128xf32, #tpu.memory_space<vmem>> -> memref<128x128xf32, #tpu.memory_space<vmem>>
    %dma_start3A_417 = arith.constant 0 : i32
    %dma_start3A_418 = tpu.memref_slice %arg7[%dma_start3A_411, %dma_start3A_417] : memref<2x128xi32, #tpu.memory_space<vmem>> -> memref<1x128xi32, #tpu.memory_space<vmem>>
    %dma_start3A_419 = tpu.memref_squeeze %dma_start3A_418 : memref<1x128xi32, #tpu.memory_space<vmem>> -> memref<128xi32, #tpu.memory_space<vmem>>
    %dma_start3A_420 = arith.constant 0 : i32
    %dma_start3A_421 = arith.constant 0 : i32
    %dma_start3A_422 = tpu.memref_slice %arg2[%dma_start3A_420, %dma_start3A_421] : memref<10000x128xf32, #tpu.memory_space<hbm>> -> memref<10000x128xf32, #tpu.memory_space<hbm>>
    tpu.enqueue_indirect_dma source(%dma_start3A_422 : memref<10000x128xf32, #tpu.memory_space<hbm>>) target(%dma_start3A_416 : memref<128x128xf32, #tpu.memory_space<vmem>>) offsets(%dma_start3A_419 : memref<128xi32, #tpu.memory_space<vmem>>) semaphore(%arg12 : memref<!tpu.dma_semaphore, #tpu.memory_space<semaphore_mem>>)
    %scan3A_423 = arith.constant 0 : i32
    %scan3A_424 = arith.constant 0 : i32
    %scan3A_425 = arith.constant 39 : i32
    %scan3A_426 = arith.addi %scan3A_424, %scan3A_425 : i32
    %scan3A_427 = arith.constant 1 : i32
    scf.for %scan3A_457 = %scan3A_424 to %scan3A_426 step %scan3A_427  : i32 {
      %mul3A_458 = arith.constant 2 : i32
      %mul3A_459 = arith.muli %scan3A_457, %mul3A_458 : i32
      %dma_wait3A_460 = arith.constant 0 : i32
      %dma_wait3A_461 = arith.constant 0 : i32
      %dma_wait3A_462 = arith.constant 0 : i32
      %dma_wait3A_463 = arith.constant 0 : i32
      %dma_wait3A_464 = tpu.memref_slice %arg9[%dma_wait3A_461, %dma_wait3A_462, %dma_wait3A_463] : memref<2x128x128xf32, #tpu.memory_space<vmem>> -> memref<1x128x128xf32, #tpu.memory_space<vmem>>
      %dma_wait3A_465 = tpu.memref_squeeze %dma_wait3A_464 : memref<1x128x128xf32, #tpu.memory_space<vmem>> -> memref<128x128xf32, #tpu.memory_space<vmem>>
      %dma_wait3A_466 = arith.constant 0 : i32
      %dma_wait3A_467 = tpu.memref_slice %arg7[%dma_wait3A_460, %dma_wait3A_466] : memref<2x128xi32, #tpu.memory_space<vmem>> -> memref<1x128xi32, #tpu.memory_space<vmem>>
      %dma_wait3A_468 = tpu.memref_squeeze %dma_wait3A_467 : memref<1x128xi32, #tpu.memory_space<vmem>> -> memref<128xi32, #tpu.memory_space<vmem>>
      %dma_wait3A_469 = arith.constant 0 : i32
      %dma_wait3A_470 = arith.constant 0 : i32
      %dma_wait3A_471 = tpu.memref_slice %arg2[%dma_wait3A_469, %dma_wait3A_470] : memref<10000x128xf32, #tpu.memory_space<hbm>> -> memref<10000x128xf32, #tpu.memory_space<hbm>>
      tpu.wait_indirect_dma semaphore(%arg11 : memref<!tpu.dma_semaphore, #tpu.memory_space<semaphore_mem>>) src(%dma_wait3A_471 : memref<10000x128xf32, #tpu.memory_space<hbm>>) dst(%dma_wait3A_465 : memref<128x128xf32, #tpu.memory_space<vmem>>)
      %run_scoped3A_472 = arith.constant 0 : i32
      %run_scoped3A_473 = arith.constant 0 : i32
      "tpu.region"() ({
        %run_scoped3A_872 = tpu.sem_alloc : memref<!tpu.dma_semaphore, #tpu.memory_space<semaphore_mem>>
        %dma_start3A_873 = arith.constant 0 : i32
        %dma_start3A_874 = arith.constant 0 : i32
        %dma_start3A_875 = tpu.memref_slice %arg9[%run_scoped3A_472, %dma_start3A_873, %dma_start3A_874] : memref<2x128x128xf32, #tpu.memory_space<vmem>> -> memref<1x128x128xf32, #tpu.memory_space<vmem>>
        %dma_start3A_876 = tpu.memref_squeeze %dma_start3A_875 : memref<1x128x128xf32, #tpu.memory_space<vmem>> -> memref<128x128xf32, #tpu.memory_space<vmem>>
        %dma_start3A_877 = arith.constant 0 : i32
        %dma_start3A_878 = tpu.memref_slice %arg8[%run_scoped3A_473, %dma_start3A_877] : memref<2x128xi32, #tpu.memory_space<vmem>> -> memref<1x128xi32, #tpu.memory_space<vmem>>
        %dma_start3A_879 = tpu.memref_squeeze %dma_start3A_878 : memref<1x128xi32, #tpu.memory_space<vmem>> -> memref<128xi32, #tpu.memory_space<vmem>>
        %dma_start3A_880 = arith.constant 0 : i32
        %dma_start3A_881 = arith.constant 0 : i32
        %dma_start3A_882 = tpu.memref_slice %arg10[%dma_start3A_880, %dma_start3A_881] : memref<10112x128xf32, #tpu.memory_space<vmem_shared>> -> memref<10112x128xf32, #tpu.memory_space<vmem_shared>>
        tpu.enqueue_indirect_dma source(%dma_start3A_876 : memref<128x128xf32, #tpu.memory_space<vmem>>) target(%dma_start3A_882 : memref<10112x128xf32, #tpu.memory_space<vmem_shared>>) offsets(%dma_start3A_879 : memref<128xi32, #tpu.memory_space<vmem>>) semaphore(%run_scoped3A_872 : memref<!tpu.dma_semaphore, #tpu.memory_space<semaphore_mem>>) {add = true}
        %dma_wait3A_883 = arith.constant 0 : i32
        %dma_wait3A_884 = arith.constant 0 : i32
        %dma_wait3A_885 = tpu.memref_slice %arg9[%run_scoped3A_472, %dma_wait3A_883, %dma_wait3A_884] : memref<2x128x128xf32, #tpu.memory_space<vmem>> -> memref<1x128x128xf32, #tpu.memory_space<vmem>>
        %dma_wait3A_886 = tpu.memref_squeeze %dma_wait3A_885 : memref<1x128x128xf32, #tpu.memory_space<vmem>> -> memref<128x128xf32, #tpu.memory_space<vmem>>
        %dma_wait3A_887 = arith.constant 0 : i32
        %dma_wait3A_888 = tpu.memref_slice %arg8[%run_scoped3A_473, %dma_wait3A_887] : memref<2x128xi32, #tpu.memory_space<vmem>> -> memref<1x128xi32, #tpu.memory_space<vmem>>
        %dma_wait3A_889 = tpu.memref_squeeze %dma_wait3A_888 : memref<1x128xi32, #tpu.memory_space<vmem>> -> memref<128xi32, #tpu.memory_space<vmem>>
        %dma_wait3A_890 = arith.constant 0 : i32
        %dma_wait3A_891 = arith.constant 0 : i32
        %dma_wait3A_892 = tpu.memref_slice %arg10[%dma_wait3A_890, %dma_wait3A_891] : memref<10112x128xf32, #tpu.memory_space<vmem_shared>> -> memref<10112x128xf32, #tpu.memory_space<vmem_shared>>
        tpu.wait_indirect_dma semaphore(%run_scoped3A_872 : memref<!tpu.dma_semaphore, #tpu.memory_space<semaphore_mem>>) src(%dma_wait3A_886 : memref<128x128xf32, #tpu.memory_space<vmem>>) dst(%dma_wait3A_892 : memref<10112x128xf32, #tpu.memory_space<vmem_shared>>)
        tpu.yield
      }) : () -> ()
      %add3A_474 = arith.constant 0 : i32
      %add3A_475 = arith.addi %mul3A_459, %add3A_474 : i32
      %add3A_476 = arith.constant 2 : i32
      %add3A_477 = arith.addi %add3A_475, %add3A_476 : i32
      %get3A_478 = arith.index_cast %add3A_477 : i32 to index
      %get3A_479 = arith.constant 0 : index
      %get3A_480 = tpu.vector_load %arg6[%get3A_478, %get3A_479] {strides = array<i32>} : memref<80x128xi32, #tpu.memory_space<vmem>>, vector<1x16xi32>,
      %get3A_481 = vector.shape_cast %get3A_480 : vector<1x16xi32> to vector<16xi32>
      %and3A_482 = arith.constant 65535 : i32
      %and3A_483 = vector.broadcast %and3A_482 : i32 to vector<16xi32>
      %and3A_484 = arith.andi %get3A_481, %and3A_483 : vector<16xi32>
      %swap3A_485 = arith.constant 0 : i32
      %swap3A_486 = arith.index_cast %swap3A_485 : i32 to index
      %swap3A_487 = arith.constant 0 : index
      %swap3A_488 = tpu.vector_load %arg7[%swap3A_486, %swap3A_487] {strides = array<i32>} : memref<2x128xi32, #tpu.memory_space<vmem>>, vector<1x16xi32>,
      %swap3A_489 = vector.shape_cast %swap3A_488 : vector<1x16xi32> to vector<16xi32>
      %swap3A_490 = vector.shape_cast %and3A_484 : vector<16xi32> to vector<1x16xi32>
      tpu.vector_store %arg7[%swap3A_486, %swap3A_487], %swap3A_490 {strides = array<i32>} : memref<2x128xi32, #tpu.memory_space<vmem>>, vector<1x16xi32>,
      %shift_right_arithmetic3A_491 = arith.constant 16 : i32
      %shift_right_arithmetic3A_492 = vector.broadcast %shift_right_arithmetic3A_491 : i32 to vector<16xi32>
      %shift_right_arithmetic3A_493 = arith.shrsi %get3A_481, %shift_right_arithmetic3A_492 : vector<16xi32>
      %swap3A_494 = arith.constant 0 : i32
      %swap3A_495 = arith.index_cast %swap3A_494 : i32 to index
      %swap3A_496 = arith.constant 0 : index
      %swap3A_497 = tpu.vector_load %arg8[%swap3A_495, %swap3A_496] {strides = array<i32>} : memref<2x128xi32, #tpu.memory_space<vmem>>, vector<1x16xi32>,
      %swap3A_498 = vector.shape_cast %swap3A_497 : vector<1x16xi32> to vector<16xi32>
      %swap3A_499 = vector.shape_cast %shift_right_arithmetic3A_493 : vector<16xi32> to vector<1x16xi32>
      tpu.vector_store %arg8[%swap3A_495, %swap3A_496], %swap3A_499 {strides = array<i32>} : memref<2x128xi32, #tpu.memory_space<vmem>>, vector<1x16xi32>,
      %get3A_500 = arith.index_cast %add3A_477 : i32 to index
      %get3A_501 = arith.constant 16 : index
      %get3A_502 = tpu.vector_load %arg6[%get3A_500, %get3A_501] {strides = array<i32>} : memref<80x128xi32, #tpu.memory_space<vmem>>, vector<1x16xi32>,
      %get3A_503 = vector.shape_cast %get3A_502 : vector<1x16xi32> to vector<16xi32>
      %and3A_504 = arith.constant 65535 : i32
      %and3A_505 = vector.broadcast %and3A_504 : i32 to vector<16xi32>
      %and3A_506 = arith.andi %get3A_503, %and3A_505 : vector<16xi32>
      %swap3A_507 = arith.constant 0 : i32
      %swap3A_508 = arith.index_cast %swap3A_507 : i32 to index
      %swap3A_509 = arith.constant 16 : index
      %swap3A_510 = tpu.vector_load %arg7[%swap3A_508, %swap3A_509] {strides = array<i32>} : memref<2x128xi32, #tpu.memory_space<vmem>>, vector<1x16xi32>,
      %swap3A_511 = vector.shape_cast %swap3A_510 : vector<1x16xi32> to vector<16xi32>
      %swap3A_512 = vector.shape_cast %and3A_506 : vector<16xi32> to vector<1x16xi32>
      tpu.vector_store %arg7[%swap3A_508, %swap3A_509], %swap3A_512 {strides = array<i32>} : memref<2x128xi32, #tpu.memory_space<vmem>>, vector<1x16xi32>,
      %shift_right_arithmetic3A_513 = arith.constant 16 : i32
      %shift_right_arithmetic3A_514 = vector.broadcast %shift_right_arithmetic3A_513 : i32 to vector<16xi32>
      %shift_right_arithmetic3A_515 = arith.shrsi %get3A_503, %shift_right_arithmetic3A_514 : vector<16xi32>
      %swap3A_516 = arith.constant 0 : i32
      %swap3A_517 = arith.index_cast %swap3A_516 : i32 to index
      %swap3A_518 = arith.constant 16 : index
      %swap3A_519 = tpu.vector_load %arg8[%swap3A_517, %swap3A_518] {strides = array<i32>} : memref<2x128xi32, #tpu.memory_space<vmem>>, vector<1x16xi32>,
      %swap3A_520 = vector.shape_cast %swap3A_519 : vector<1x16xi32> to vector<16xi32>
      %swap3A_521 = vector.shape_cast %shift_right_arithmetic3A_515 : vector<16xi32> to vector<1x16xi32>
      tpu.vector_store %arg8[%swap3A_517, %swap3A_518], %swap3A_521 {strides = array<i32>} : memref<2x128xi32, #tpu.memory_space<vmem>>, vector<1x16xi32>,
      %get3A_522 = arith.index_cast %add3A_477 : i32 to index
      %get3A_523 = arith.constant 32 : index
      %get3A_524 = tpu.vector_load %arg6[%get3A_522, %get3A_523] {strides = array<i32>} : memref<80x128xi32, #tpu.memory_space<vmem>>, vector<1x16xi32>,
      %get3A_525 = vector.shape_cast %get3A_524 : vector<1x16xi32> to vector<16xi32>
      %and3A_526 = arith.constant 65535 : i32
      %and3A_527 = vector.broadcast %and3A_526 : i32 to vector<16xi32>
      %and3A_528 = arith.andi %get3A_525, %and3A_527 : vector<16xi32>
      %swap3A_529 = arith.constant 0 : i32
      %swap3A_530 = arith.index_cast %swap3A_529 : i32 to index
      %swap3A_531 = arith.constant 32 : index
      %swap3A_532 = tpu.vector_load %arg7[%swap3A_530, %swap3A_531] {strides = array<i32>} : memref<2x128xi32, #tpu.memory_space<vmem>>, vector<1x16xi32>,
      %swap3A_533 = vector.shape_cast %swap3A_532 : vector<1x16xi32> to vector<16xi32>
      %swap3A_534 = vector.shape_cast %and3A_528 : vector<16xi32> to vector<1x16xi32>
      tpu.vector_store %arg7[%swap3A_530, %swap3A_531], %swap3A_534 {strides = array<i32>} : memref<2x128xi32, #tpu.memory_space<vmem>>, vector<1x16xi32>,
      %shift_right_arithmetic3A_535 = arith.constant 16 : i32
      %shift_right_arithmetic3A_536 = vector.broadcast %shift_right_arithmetic3A_535 : i32 to vector<16xi32>
      %shift_right_arithmetic3A_537 = arith.shrsi %get3A_525, %shift_right_arithmetic3A_536 : vector<16xi32>
      %swap3A_538 = arith.constant 0 : i32
      %swap3A_539 = arith.index_cast %swap3A_538 : i32 to index
      %swap3A_540 = arith.constant 32 : index
      %swap3A_541 = tpu.vector_load %arg8[%swap3A_539, %swap3A_540] {strides = array<i32>} : memref<2x128xi32, #tpu.memory_space<vmem>>, vector<1x16xi32>,
      %swap3A_542 = vector.shape_cast %swap3A_541 : vector<1x16xi32> to vector<16xi32>
      %swap3A_543 = vector.shape_cast %shift_right_arithmetic3A_537 : vector<16xi32> to vector<1x16xi32>
      tpu.vector_store %arg8[%swap3A_539, %swap3A_540], %swap3A_543 {strides = array<i32>} : memref<2x128xi32, #tpu.memory_space<vmem>>, vector<1x16xi32>,
      %get3A_544 = arith.index_cast %add3A_477 : i32 to index
      %get3A_545 = arith.constant 48 : index
      %get3A_546 = tpu.vector_load %arg6[%get3A_544, %get3A_545] {strides = array<i32>} : memref<80x128xi32, #tpu.memory_space<vmem>>, vector<1x16xi32>,
      %get3A_547 = vector.shape_cast %get3A_546 : vector<1x16xi32> to vector<16xi32>
      %and3A_548 = arith.constant 65535 : i32
      %and3A_549 = vector.broadcast %and3A_548 : i32 to vector<16xi32>
      %and3A_550 = arith.andi %get3A_547, %and3A_549 : vector<16xi32>
      %swap3A_551 = arith.constant 0 : i32
      %swap3A_552 = arith.index_cast %swap3A_551 : i32 to index
      %swap3A_553 = arith.constant 48 : index
      %swap3A_554 = tpu.vector_load %arg7[%swap3A_552, %swap3A_553] {strides = array<i32>} : memref<2x128xi32, #tpu.memory_space<vmem>>, vector<1x16xi32>,
      %swap3A_555 = vector.shape_cast %swap3A_554 : vector<1x16xi32> to vector<16xi32>
      %swap3A_556 = vector.shape_cast %and3A_550 : vector<16xi32> to vector<1x16xi32>
      tpu.vector_store %arg7[%swap3A_552, %swap3A_553], %swap3A_556 {strides = array<i32>} : memref<2x128xi32, #tpu.memory_space<vmem>>, vector<1x16xi32>,
      %shift_right_arithmetic3A_557 = arith.constant 16 : i32
      %shift_right_arithmetic3A_558 = vector.broadcast %shift_right_arithmetic3A_557 : i32 to vector<16xi32>
      %shift_right_arithmetic3A_559 = arith.shrsi %get3A_547, %shift_right_arithmetic3A_558 : vector<16xi32>
      %swap3A_560 = arith.constant 0 : i32
      %swap3A_561 = arith.index_cast %swap3A_560 : i32 to index
      %swap3A_562 = arith.constant 48 : index
      %swap3A_563 = tpu.vector_load %arg8[%swap3A_561, %swap3A_562] {strides = array<i32>} : memref<2x128xi32, #tpu.memory_space<vmem>>, vector<1x16xi32>,
      %swap3A_564 = vector.shape_cast %swap3A_563 : vector<1x16xi32> to vector<16xi32>
      %swap3A_565 = vector.shape_cast %shift_right_arithmetic3A_559 : vector<16xi32> to vector<1x16xi32>
      tpu.vector_store %arg8[%swap3A_561, %swap3A_562], %swap3A_565 {strides = array<i32>} : memref<2x128xi32, #tpu.memory_space<vmem>>, vector<1x16xi32>,
      %get3A_566 = arith.index_cast %add3A_477 : i32 to index
      %get3A_567 = arith.constant 64 : index
      %get3A_568 = tpu.vector_load %arg6[%get3A_566, %get3A_567] {strides = array<i32>} : memref<80x128xi32, #tpu.memory_space<vmem>>, vector<1x16xi32>,
      %get3A_569 = vector.shape_cast %get3A_568 : vector<1x16xi32> to vector<16xi32>
      %and3A_570 = arith.constant 65535 : i32
      %and3A_571 = vector.broadcast %and3A_570 : i32 to vector<16xi32>
      %and3A_572 = arith.andi %get3A_569, %and3A_571 : vector<16xi32>
      %swap3A_573 = arith.constant 0 : i32
      %swap3A_574 = arith.index_cast %swap3A_573 : i32 to index
      %swap3A_575 = arith.constant 64 : index
      %swap3A_576 = tpu.vector_load %arg7[%swap3A_574, %swap3A_575] {strides = array<i32>} : memref<2x128xi32, #tpu.memory_space<vmem>>, vector<1x16xi32>,
      %swap3A_577 = vector.shape_cast %swap3A_576 : vector<1x16xi32> to vector<16xi32>
      %swap3A_578 = vector.shape_cast %and3A_572 : vector<16xi32> to vector<1x16xi32>
      tpu.vector_store %arg7[%swap3A_574, %swap3A_575], %swap3A_578 {strides = array<i32>} : memref<2x128xi32, #tpu.memory_space<vmem>>, vector<1x16xi32>,
      %shift_right_arithmetic3A_579 = arith.constant 16 : i32
      %shift_right_arithmetic3A_580 = vector.broadcast %shift_right_arithmetic3A_579 : i32 to vector<16xi32>
      %shift_right_arithmetic3A_581 = arith.shrsi %get3A_569, %shift_right_arithmetic3A_580 : vector<16xi32>
      %swap3A_582 = arith.constant 0 : i32
      %swap3A_583 = arith.index_cast %swap3A_582 : i32 to index
      %swap3A_584 = arith.constant 64 : index
      %swap3A_585 = tpu.vector_load %arg8[%swap3A_583, %swap3A_584] {strides = array<i32>} : memref<2x128xi32, #tpu.memory_space<vmem>>, vector<1x16xi32>,
      %swap3A_586 = vector.shape_cast %swap3A_585 : vector<1x16xi32> to vector<16xi32>
      %swap3A_587 = vector.shape_cast %shift_right_arithmetic3A_581 : vector<16xi32> to vector<1x16xi32>
      tpu.vector_store %arg8[%swap3A_583, %swap3A_584], %swap3A_587 {strides = array<i32>} : memref<2x128xi32, #tpu.memory_space<vmem>>, vector<1x16xi32>,
      %get3A_588 = arith.index_cast %add3A_477 : i32 to index
      %get3A_589 = arith.constant 80 : index
      %get3A_590 = tpu.vector_load %arg6[%get3A_588, %get3A_589] {strides = array<i32>} : memref<80x128xi32, #tpu.memory_space<vmem>>, vector<1x16xi32>,
      %get3A_591 = vector.shape_cast %get3A_590 : vector<1x16xi32> to vector<16xi32>
      %and3A_592 = arith.constant 65535 : i32
      %and3A_593 = vector.broadcast %and3A_592 : i32 to vector<16xi32>
      %and3A_594 = arith.andi %get3A_591, %and3A_593 : vector<16xi32>
      %swap3A_595 = arith.constant 0 : i32
      %swap3A_596 = arith.index_cast %swap3A_595 : i32 to index
      %swap3A_597 = arith.constant 80 : index
      %swap3A_598 = tpu.vector_load %arg7[%swap3A_596, %swap3A_597] {strides = array<i32>} : memref<2x128xi32, #tpu.memory_space<vmem>>, vector<1x16xi32>,
      %swap3A_599 = vector.shape_cast %swap3A_598 : vector<1x16xi32> to vector<16xi32>
      %swap3A_600 = vector.shape_cast %and3A_594 : vector<16xi32> to vector<1x16xi32>
      tpu.vector_store %arg7[%swap3A_596, %swap3A_597], %swap3A_600 {strides = array<i32>} : memref<2x128xi32, #tpu.memory_space<vmem>>, vector<1x16xi32>,
      %shift_right_arithmetic3A_601 = arith.constant 16 : i32
      %shift_right_arithmetic3A_602 = vector.broadcast %shift_right_arithmetic3A_601 : i32 to vector<16xi32>
      %shift_right_arithmetic3A_603 = arith.shrsi %get3A_591, %shift_right_arithmetic3A_602 : vector<16xi32>
      %swap3A_604 = arith.constant 0 : i32
      %swap3A_605 = arith.index_cast %swap3A_604 : i32 to index
      %swap3A_606 = arith.constant 80 : index
      %swap3A_607 = tpu.vector_load %arg8[%swap3A_605, %swap3A_606] {strides = array<i32>} : memref<2x128xi32, #tpu.memory_space<vmem>>, vector<1x16xi32>,
      %swap3A_608 = vector.shape_cast %swap3A_607 : vector<1x16xi32> to vector<16xi32>
      %swap3A_609 = vector.shape_cast %shift_right_arithmetic3A_603 : vector<16xi32> to vector<1x16xi32>
      tpu.vector_store %arg8[%swap3A_605, %swap3A_606], %swap3A_609 {strides = array<i32>} : memref<2x128xi32, #tpu.memory_space<vmem>>, vector<1x16xi32>,
      %get3A_610 = arith.index_cast %add3A_477 : i32 to index
      %get3A_611 = arith.constant 96 : index
      %get3A_612 = tpu.vector_load %arg6[%get3A_610, %get3A_611] {strides = array<i32>} : memref<80x128xi32, #tpu.memory_space<vmem>>, vector<1x16xi32>,
      %get3A_613 = vector.shape_cast %get3A_612 : vector<1x16xi32> to vector<16xi32>
      %and3A_614 = arith.constant 65535 : i32
      %and3A_615 = vector.broadcast %and3A_614 : i32 to vector<16xi32>
      %and3A_616 = arith.andi %get3A_613, %and3A_615 : vector<16xi32>
      %swap3A_617 = arith.constant 0 : i32
      %swap3A_618 = arith.index_cast %swap3A_617 : i32 to index
      %swap3A_619 = arith.constant 96 : index
      %swap3A_620 = tpu.vector_load %arg7[%swap3A_618, %swap3A_619] {strides = array<i32>} : memref<2x128xi32, #tpu.memory_space<vmem>>, vector<1x16xi32>,
      %swap3A_621 = vector.shape_cast %swap3A_620 : vector<1x16xi32> to vector<16xi32>
      %swap3A_622 = vector.shape_cast %and3A_616 : vector<16xi32> to vector<1x16xi32>
      tpu.vector_store %arg7[%swap3A_618, %swap3A_619], %swap3A_622 {strides = array<i32>} : memref<2x128xi32, #tpu.memory_space<vmem>>, vector<1x16xi32>,
      %shift_right_arithmetic3A_623 = arith.constant 16 : i32
      %shift_right_arithmetic3A_624 = vector.broadcast %shift_right_arithmetic3A_623 : i32 to vector<16xi32>
      %shift_right_arithmetic3A_625 = arith.shrsi %get3A_613, %shift_right_arithmetic3A_624 : vector<16xi32>
      %swap3A_626 = arith.constant 0 : i32
      %swap3A_627 = arith.index_cast %swap3A_626 : i32 to index
      %swap3A_628 = arith.constant 96 : index
      %swap3A_629 = tpu.vector_load %arg8[%swap3A_627, %swap3A_628] {strides = array<i32>} : memref<2x128xi32, #tpu.memory_space<vmem>>, vector<1x16xi32>,
      %swap3A_630 = vector.shape_cast %swap3A_629 : vector<1x16xi32> to vector<16xi32>
      %swap3A_631 = vector.shape_cast %shift_right_arithmetic3A_625 : vector<16xi32> to vector<1x16xi32>
      tpu.vector_store %arg8[%swap3A_627, %swap3A_628], %swap3A_631 {strides = array<i32>} : memref<2x128xi32, #tpu.memory_space<vmem>>, vector<1x16xi32>,
      %get3A_632 = arith.index_cast %add3A_477 : i32 to index
      %get3A_633 = arith.constant 112 : index
      %get3A_634 = tpu.vector_load %arg6[%get3A_632, %get3A_633] {strides = array<i32>} : memref<80x128xi32, #tpu.memory_space<vmem>>, vector<1x16xi32>,
      %get3A_635 = vector.shape_cast %get3A_634 : vector<1x16xi32> to vector<16xi32>
      %and3A_636 = arith.constant 65535 : i32
      %and3A_637 = vector.broadcast %and3A_636 : i32 to vector<16xi32>
      %and3A_638 = arith.andi %get3A_635, %and3A_637 : vector<16xi32>
      %swap3A_639 = arith.constant 0 : i32
      %swap3A_640 = arith.index_cast %swap3A_639 : i32 to index
      %swap3A_641 = arith.constant 112 : index
      %swap3A_642 = tpu.vector_load %arg7[%swap3A_640, %swap3A_641] {strides = array<i32>} : memref<2x128xi32, #tpu.memory_space<vmem>>, vector<1x16xi32>,
      %swap3A_643 = vector.shape_cast %swap3A_642 : vector<1x16xi32> to vector<16xi32>
      %swap3A_644 = vector.shape_cast %and3A_638 : vector<16xi32> to vector<1x16xi32>
      tpu.vector_store %arg7[%swap3A_640, %swap3A_641], %swap3A_644 {strides = array<i32>} : memref<2x128xi32, #tpu.memory_space<vmem>>, vector<1x16xi32>,
      %shift_right_arithmetic3A_645 = arith.constant 16 : i32
      %shift_right_arithmetic3A_646 = vector.broadcast %shift_right_arithmetic3A_645 : i32 to vector<16xi32>
      %shift_right_arithmetic3A_647 = arith.shrsi %get3A_635, %shift_right_arithmetic3A_646 : vector<16xi32>
      %swap3A_648 = arith.constant 0 : i32
      %swap3A_649 = arith.index_cast %swap3A_648 : i32 to index
      %swap3A_650 = arith.constant 112 : index
      %swap3A_651 = tpu.vector_load %arg8[%swap3A_649, %swap3A_650] {strides = array<i32>} : memref<2x128xi32, #tpu.memory_space<vmem>>, vector<1x16xi32>,
      %swap3A_652 = vector.shape_cast %swap3A_651 : vector<1x16xi32> to vector<16xi32>
      %swap3A_653 = vector.shape_cast %shift_right_arithmetic3A_647 : vector<16xi32> to vector<1x16xi32>
      tpu.vector_store %arg8[%swap3A_649, %swap3A_650], %swap3A_653 {strides = array<i32>} : memref<2x128xi32, #tpu.memory_space<vmem>>, vector<1x16xi32>,
      %dma_start3A_654 = arith.constant 0 : i32
      %dma_start3A_655 = arith.constant 0 : i32
      %dma_start3A_656 = arith.constant 0 : i32
      %dma_start3A_657 = arith.constant 0 : i32
      %dma_start3A_658 = tpu.memref_slice %arg9[%dma_start3A_655, %dma_start3A_656, %dma_start3A_657] : memref<2x128x128xf32, #tpu.memory_space<vmem>> -> memref<1x128x128xf32, #tpu.memory_space<vmem>>
      %dma_start3A_659 = tpu.memref_squeeze %dma_start3A_658 : memref<1x128x128xf32, #tpu.memory_space<vmem>> -> memref<128x128xf32, #tpu.memory_space<vmem>>
      %dma_start3A_660 = arith.constant 0 : i32
      %dma_start3A_661 = tpu.memref_slice %arg7[%dma_start3A_654, %dma_start3A_660] : memref<2x128xi32, #tpu.memory_space<vmem>> -> memref<1x128xi32, #tpu.memory_space<vmem>>
      %dma_start3A_662 = tpu.memref_squeeze %dma_start3A_661 : memref<1x128xi32, #tpu.memory_space<vmem>> -> memref<128xi32, #tpu.memory_space<vmem>>
      %dma_start3A_663 = arith.constant 0 : i32
      %dma_start3A_664 = arith.constant 0 : i32
      %dma_start3A_665 = tpu.memref_slice %arg2[%dma_start3A_663, %dma_start3A_664] : memref<10000x128xf32, #tpu.memory_space<hbm>> -> memref<10000x128xf32, #tpu.memory_space<hbm>>
      tpu.enqueue_indirect_dma source(%dma_start3A_665 : memref<10000x128xf32, #tpu.memory_space<hbm>>) target(%dma_start3A_659 : memref<128x128xf32, #tpu.memory_space<vmem>>) offsets(%dma_start3A_662 : memref<128xi32, #tpu.memory_space<vmem>>) semaphore(%arg11 : memref<!tpu.dma_semaphore, #tpu.memory_space<semaphore_mem>>)
      %dma_wait3A_666 = arith.constant 1 : i32
      %dma_wait3A_667 = arith.constant 1 : i32
      %dma_wait3A_668 = arith.constant 0 : i32
      %dma_wait3A_669 = arith.constant 0 : i32
      %dma_wait3A_670 = tpu.memref_slice %arg9[%dma_wait3A_667, %dma_wait3A_668, %dma_wait3A_669] : memref<2x128x128xf32, #tpu.memory_space<vmem>> -> memref<1x128x128xf32, #tpu.memory_space<vmem>>
      %dma_wait3A_671 = tpu.memref_squeeze %dma_wait3A_670 : memref<1x128x128xf32, #tpu.memory_space<vmem>> -> memref<128x128xf32, #tpu.memory_space<vmem>>
      %dma_wait3A_672 = arith.constant 0 : i32
      %dma_wait3A_673 = tpu.memref_slice %arg7[%dma_wait3A_666, %dma_wait3A_672] : memref<2x128xi32, #tpu.memory_space<vmem>> -> memref<1x128xi32, #tpu.memory_space<vmem>>
      %dma_wait3A_674 = tpu.memref_squeeze %dma_wait3A_673 : memref<1x128xi32, #tpu.memory_space<vmem>> -> memref<128xi32, #tpu.memory_space<vmem>>
      %dma_wait3A_675 = arith.constant 0 : i32
      %dma_wait3A_676 = arith.constant 0 : i32
      %dma_wait3A_677 = tpu.memref_slice %arg2[%dma_wait3A_675, %dma_wait3A_676] : memref<10000x128xf32, #tpu.memory_space<hbm>> -> memref<10000x128xf32, #tpu.memory_space<hbm>>
      tpu.wait_indirect_dma semaphore(%arg12 : memref<!tpu.dma_semaphore, #tpu.memory_space<semaphore_mem>>) src(%dma_wait3A_677 : memref<10000x128xf32, #tpu.memory_space<hbm>>) dst(%dma_wait3A_671 : memref<128x128xf32, #tpu.memory_space<vmem>>)
      %run_scoped3A_678 = arith.constant 1 : i32
      %run_scoped3A_679 = arith.constant 1 : i32
      "tpu.region"() ({
        %run_scoped3A_872 = tpu.sem_alloc : memref<!tpu.dma_semaphore, #tpu.memory_space<semaphore_mem>>
        %dma_start3A_873 = arith.constant 0 : i32
        %dma_start3A_874 = arith.constant 0 : i32
        %dma_start3A_875 = tpu.memref_slice %arg9[%run_scoped3A_678, %dma_start3A_873, %dma_start3A_874] : memref<2x128x128xf32, #tpu.memory_space<vmem>> -> memref<1x128x128xf32, #tpu.memory_space<vmem>>
        %dma_start3A_876 = tpu.memref_squeeze %dma_start3A_875 : memref<1x128x128xf32, #tpu.memory_space<vmem>> -> memref<128x128xf32, #tpu.memory_space<vmem>>
        %dma_start3A_877 = arith.constant 0 : i32
        %dma_start3A_878 = tpu.memref_slice %arg8[%run_scoped3A_679, %dma_start3A_877] : memref<2x128xi32, #tpu.memory_space<vmem>> -> memref<1x128xi32, #tpu.memory_space<vmem>>
        %dma_start3A_879 = tpu.memref_squeeze %dma_start3A_878 : memref<1x128xi32, #tpu.memory_space<vmem>> -> memref<128xi32, #tpu.memory_space<vmem>>
        %dma_start3A_880 = arith.constant 0 : i32
        %dma_start3A_881 = arith.constant 0 : i32
        %dma_start3A_882 = tpu.memref_slice %arg10[%dma_start3A_880, %dma_start3A_881] : memref<10112x128xf32, #tpu.memory_space<vmem_shared>> -> memref<10112x128xf32, #tpu.memory_space<vmem_shared>>
        tpu.enqueue_indirect_dma source(%dma_start3A_876 : memref<128x128xf32, #tpu.memory_space<vmem>>) target(%dma_start3A_882 : memref<10112x128xf32, #tpu.memory_space<vmem_shared>>) offsets(%dma_start3A_879 : memref<128xi32, #tpu.memory_space<vmem>>) semaphore(%run_scoped3A_872 : memref<!tpu.dma_semaphore, #tpu.memory_space<semaphore_mem>>) {add = true}
        %dma_wait3A_883 = arith.constant 0 : i32
        %dma_wait3A_884 = arith.constant 0 : i32
        %dma_wait3A_885 = tpu.memref_slice %arg9[%run_scoped3A_678, %dma_wait3A_883, %dma_wait3A_884] : memref<2x128x128xf32, #tpu.memory_space<vmem>> -> memref<1x128x128xf32, #tpu.memory_space<vmem>>
        %dma_wait3A_886 = tpu.memref_squeeze %dma_wait3A_885 : memref<1x128x128xf32, #tpu.memory_space<vmem>> -> memref<128x128xf32, #tpu.memory_space<vmem>>
        %dma_wait3A_887 = arith.constant 0 : i32
        %dma_wait3A_888 = tpu.memref_slice %arg8[%run_scoped3A_679, %dma_wait3A_887] : memref<2x128xi32, #tpu.memory_space<vmem>> -> memref<1x128xi32, #tpu.memory_space<vmem>>
        %dma_wait3A_889 = tpu.memref_squeeze %dma_wait3A_888 : memref<1x128xi32, #tpu.memory_space<vmem>> -> memref<128xi32, #tpu.memory_space<vmem>>
        %dma_wait3A_890 = arith.constant 0 : i32
        %dma_wait3A_891 = arith.constant 0 : i32
        %dma_wait3A_892 = tpu.memref_slice %arg10[%dma_wait3A_890, %dma_wait3A_891] : memref<10112x128xf32, #tpu.memory_space<vmem_shared>> -> memref<10112x128xf32, #tpu.memory_space<vmem_shared>>
        tpu.wait_indirect_dma semaphore(%run_scoped3A_872 : memref<!tpu.dma_semaphore, #tpu.memory_space<semaphore_mem>>) src(%dma_wait3A_886 : memref<128x128xf32, #tpu.memory_space<vmem>>) dst(%dma_wait3A_892 : memref<10112x128xf32, #tpu.memory_space<vmem_shared>>)
        tpu.yield
      }) : () -> ()
      %add3A_680 = arith.constant 1 : i32
      %add3A_681 = arith.addi %mul3A_459, %add3A_680 : i32
      %add3A_682 = arith.constant 2 : i32
      %add3A_683 = arith.addi %add3A_681, %add3A_682 : i32
      %get3A_684 = arith.index_cast %add3A_683 : i32 to index
      %get3A_685 = arith.constant 0 : index
      %get3A_686 = tpu.vector_load %arg6[%get3A_684, %get3A_685] {strides = array<i32>} : memref<80x128xi32, #tpu.memory_space<vmem>>, vector<1x16xi32>,
      %get3A_687 = vector.shape_cast %get3A_686 : vector<1x16xi32> to vector<16xi32>
      %and3A_688 = arith.constant 65535 : i32
      %and3A_689 = vector.broadcast %and3A_688 : i32 to vector<16xi32>
      %and3A_690 = arith.andi %get3A_687, %and3A_689 : vector<16xi32>
      %swap3A_691 = arith.constant 1 : i32
      %swap3A_692 = arith.index_cast %swap3A_691 : i32 to index
      %swap3A_693 = arith.constant 0 : index
      %swap3A_694 = tpu.vector_load %arg7[%swap3A_692, %swap3A_693] {strides = array<i32>} : memref<2x128xi32, #tpu.memory_space<vmem>>, vector<1x16xi32>,
      %swap3A_695 = vector.shape_cast %swap3A_694 : vector<1x16xi32> to vector<16xi32>
      %swap3A_696 = vector.shape_cast %and3A_690 : vector<16xi32> to vector<1x16xi32>
      tpu.vector_store %arg7[%swap3A_692, %swap3A_693], %swap3A_696 {strides = array<i32>} : memref<2x128xi32, #tpu.memory_space<vmem>>, vector<1x16xi32>,
      %shift_right_arithmetic3A_697 = arith.constant 16 : i32
      %shift_right_arithmetic3A_698 = vector.broadcast %shift_right_arithmetic3A_697 : i32 to vector<16xi32>
      %shift_right_arithmetic3A_699 = arith.shrsi %get3A_687, %shift_right_arithmetic3A_698 : vector<16xi32>
      %swap3A_700 = arith.constant 1 : i32
      %swap3A_701 = arith.index_cast %swap3A_700 : i32 to index
      %swap3A_702 = arith.constant 0 : index
      %swap3A_703 = tpu.vector_load %arg8[%swap3A_701, %swap3A_702] {strides = array<i32>} : memref<2x128xi32, #tpu.memory_space<vmem>>, vector<1x16xi32>,
      %swap3A_704 = vector.shape_cast %swap3A_703 : vector<1x16xi32> to vector<16xi32>
      %swap3A_705 = vector.shape_cast %shift_right_arithmetic3A_699 : vector<16xi32> to vector<1x16xi32>
      tpu.vector_store %arg8[%swap3A_701, %swap3A_702], %swap3A_705 {strides = array<i32>} : memref<2x128xi32, #tpu.memory_space<vmem>>, vector<1x16xi32>,
      %get3A_706 = arith.index_cast %add3A_683 : i32 to index
      %get3A_707 = arith.constant 16 : index
      %get3A_708 = tpu.vector_load %arg6[%get3A_706, %get3A_707] {strides = array<i32>} : memref<80x128xi32, #tpu.memory_space<vmem>>, vector<1x16xi32>,
      %get3A_709 = vector.shape_cast %get3A_708 : vector<1x16xi32> to vector<16xi32>
      %and3A_710 = arith.constant 65535 : i32
      %and3A_711 = vector.broadcast %and3A_710 : i32 to vector<16xi32>
      %and3A_712 = arith.andi %get3A_709, %and3A_711 : vector<16xi32>
      %swap3A_713 = arith.constant 1 : i32
      %swap3A_714 = arith.index_cast %swap3A_713 : i32 to index
      %swap3A_715 = arith.constant 16 : index
      %swap3A_716 = tpu.vector_load %arg7[%swap3A_714, %swap3A_715] {strides = array<i32>} : memref<2x128xi32, #tpu.memory_space<vmem>>, vector<1x16xi32>,
      %swap3A_717 = vector.shape_cast %swap3A_716 : vector<1x16xi32> to vector<16xi32>
      %swap3A_718 = vector.shape_cast %and3A_712 : vector<16xi32> to vector<1x16xi32>
      tpu.vector_store %arg7[%swap3A_714, %swap3A_715], %swap3A_718 {strides = array<i32>} : memref<2x128xi32, #tpu.memory_space<vmem>>, vector<1x16xi32>,
      %shift_right_arithmetic3A_719 = arith.constant 16 : i32
      %shift_right_arithmetic3A_720 = vector.broadcast %shift_right_arithmetic3A_719 : i32 to vector<16xi32>
      %shift_right_arithmetic3A_721 = arith.shrsi %get3A_709, %shift_right_arithmetic3A_720 : vector<16xi32>
      %swap3A_722 = arith.constant 1 : i32
      %swap3A_723 = arith.index_cast %swap3A_722 : i32 to index
      %swap3A_724 = arith.constant 16 : index
      %swap3A_725 = tpu.vector_load %arg8[%swap3A_723, %swap3A_724] {strides = array<i32>} : memref<2x128xi32, #tpu.memory_space<vmem>>, vector<1x16xi32>,
      %swap3A_726 = vector.shape_cast %swap3A_725 : vector<1x16xi32> to vector<16xi32>
      %swap3A_727 = vector.shape_cast %shift_right_arithmetic3A_721 : vector<16xi32> to vector<1x16xi32>
      tpu.vector_store %arg8[%swap3A_723, %swap3A_724], %swap3A_727 {strides = array<i32>} : memref<2x128xi32, #tpu.memory_space<vmem>>, vector<1x16xi32>,
      %get3A_728 = arith.index_cast %add3A_683 : i32 to index
      %get3A_729 = arith.constant 32 : index
      %get3A_730 = tpu.vector_load %arg6[%get3A_728, %get3A_729] {strides = array<i32>} : memref<80x128xi32, #tpu.memory_space<vmem>>, vector<1x16xi32>,
      %get3A_731 = vector.shape_cast %get3A_730 : vector<1x16xi32> to vector<16xi32>
      %and3A_732 = arith.constant 65535 : i32
      %and3A_733 = vector.broadcast %and3A_732 : i32 to vector<16xi32>
      %and3A_734 = arith.andi %get3A_731, %and3A_733 : vector<16xi32>
      %swap3A_735 = arith.constant 1 : i32
      %swap3A_736 = arith.index_cast %swap3A_735 : i32 to index
      %swap3A_737 = arith.constant 32 : index
      %swap3A_738 = tpu.vector_load %arg7[%swap3A_736, %swap3A_737] {strides = array<i32>} : memref<2x128xi32, #tpu.memory_space<vmem>>, vector<1x16xi32>,
      %swap3A_739 = vector.shape_cast %swap3A_738 : vector<1x16xi32> to vector<16xi32>
      %swap3A_740 = vector.shape_cast %and3A_734 : vector<16xi32> to vector<1x16xi32>
      tpu.vector_store %arg7[%swap3A_736, %swap3A_737], %swap3A_740 {strides = array<i32>} : memref<2x128xi32, #tpu.memory_space<vmem>>, vector<1x16xi32>,
      %shift_right_arithmetic3A_741 = arith.constant 16 : i32
      %shift_right_arithmetic3A_742 = vector.broadcast %shift_right_arithmetic3A_741 : i32 to vector<16xi32>
      %shift_right_arithmetic3A_743 = arith.shrsi %get3A_731, %shift_right_arithmetic3A_742 : vector<16xi32>
      %swap3A_744 = arith.constant 1 : i32
      %swap3A_745 = arith.index_cast %swap3A_744 : i32 to index
      %swap3A_746 = arith.constant 32 : index
      %swap3A_747 = tpu.vector_load %arg8[%swap3A_745, %swap3A_746] {strides = array<i32>} : memref<2x128xi32, #tpu.memory_space<vmem>>, vector<1x16xi32>,
      %swap3A_748 = vector.shape_cast %swap3A_747 : vector<1x16xi32> to vector<16xi32>
      %swap3A_749 = vector.shape_cast %shift_right_arithmetic3A_743 : vector<16xi32> to vector<1x16xi32>
      tpu.vector_store %arg8[%swap3A_745, %swap3A_746], %swap3A_749 {strides = array<i32>} : memref<2x128xi32, #tpu.memory_space<vmem>>, vector<1x16xi32>,
      %get3A_750 = arith.index_cast %add3A_683 : i32 to index
      %get3A_751 = arith.constant 48 : index
      %get3A_752 = tpu.vector_load %arg6[%get3A_750, %get3A_751] {strides = array<i32>} : memref<80x128xi32, #tpu.memory_space<vmem>>, vector<1x16xi32>,
      %get3A_753 = vector.shape_cast %get3A_752 : vector<1x16xi32> to vector<16xi32>
      %and3A_754 = arith.constant 65535 : i32
      %and3A_755 = vector.broadcast %and3A_754 : i32 to vector<16xi32>
      %and3A_756 = arith.andi %get3A_753, %and3A_755 : vector<16xi32>
      %swap3A_757 = arith.constant 1 : i32
      %swap3A_758 = arith.index_cast %swap3A_757 : i32 to index
      %swap3A_759 = arith.constant 48 : index
      %swap3A_760 = tpu.vector_load %arg7[%swap3A_758, %swap3A_759] {strides = array<i32>} : memref<2x128xi32, #tpu.memory_space<vmem>>, vector<1x16xi32>,
      %swap3A_761 = vector.shape_cast %swap3A_760 : vector<1x16xi32> to vector<16xi32>
      %swap3A_762 = vector.shape_cast %and3A_756 : vector<16xi32> to vector<1x16xi32>
      tpu.vector_store %arg7[%swap3A_758, %swap3A_759], %swap3A_762 {strides = array<i32>} : memref<2x128xi32, #tpu.memory_space<vmem>>, vector<1x16xi32>,
      %shift_right_arithmetic3A_763 = arith.constant 16 : i32
      %shift_right_arithmetic3A_764 = vector.broadcast %shift_right_arithmetic3A_763 : i32 to vector<16xi32>
      %shift_right_arithmetic3A_765 = arith.shrsi %get3A_753, %shift_right_arithmetic3A_764 : vector<16xi32>
      %swap3A_766 = arith.constant 1 : i32
      %swap3A_767 = arith.index_cast %swap3A_766 : i32 to index
      %swap3A_768 = arith.constant 48 : index
      %swap3A_769 = tpu.vector_load %arg8[%swap3A_767, %swap3A_768] {strides = array<i32>} : memref<2x128xi32, #tpu.memory_space<vmem>>, vector<1x16xi32>,
      %swap3A_770 = vector.shape_cast %swap3A_769 : vector<1x16xi32> to vector<16xi32>
      %swap3A_771 = vector.shape_cast %shift_right_arithmetic3A_765 : vector<16xi32> to vector<1x16xi32>
      tpu.vector_store %arg8[%swap3A_767, %swap3A_768], %swap3A_771 {strides = array<i32>} : memref<2x128xi32, #tpu.memory_space<vmem>>, vector<1x16xi32>,
      %get3A_772 = arith.index_cast %add3A_683 : i32 to index
      %get3A_773 = arith.constant 64 : index
      %get3A_774 = tpu.vector_load %arg6[%get3A_772, %get3A_773] {strides = array<i32>} : memref<80x128xi32, #tpu.memory_space<vmem>>, vector<1x16xi32>,
      %get3A_775 = vector.shape_cast %get3A_774 : vector<1x16xi32> to vector<16xi32>
      %and3A_776 = arith.constant 65535 : i32
      %and3A_777 = vector.broadcast %and3A_776 : i32 to vector<16xi32>
      %and3A_778 = arith.andi %get3A_775, %and3A_777 : vector<16xi32>
      %swap3A_779 = arith.constant 1 : i32
      %swap3A_780 = arith.index_cast %swap3A_779 : i32 to index
      %swap3A_781 = arith.constant 64 : index
      %swap3A_782 = tpu.vector_load %arg7[%swap3A_780, %swap3A_781] {strides = array<i32>} : memref<2x128xi32, #tpu.memory_space<vmem>>, vector<1x16xi32>,
      %swap3A_783 = vector.shape_cast %swap3A_782 : vector<1x16xi32> to vector<16xi32>
      %swap3A_784 = vector.shape_cast %and3A_778 : vector<16xi32> to vector<1x16xi32>
      tpu.vector_store %arg7[%swap3A_780, %swap3A_781], %swap3A_784 {strides = array<i32>} : memref<2x128xi32, #tpu.memory_space<vmem>>, vector<1x16xi32>,
      %shift_right_arithmetic3A_785 = arith.constant 16 : i32
      %shift_right_arithmetic3A_786 = vector.broadcast %shift_right_arithmetic3A_785 : i32 to vector<16xi32>
      %shift_right_arithmetic3A_787 = arith.shrsi %get3A_775, %shift_right_arithmetic3A_786 : vector<16xi32>
      %swap3A_788 = arith.constant 1 : i32
      %swap3A_789 = arith.index_cast %swap3A_788 : i32 to index
      %swap3A_790 = arith.constant 64 : index
      %swap3A_791 = tpu.vector_load %arg8[%swap3A_789, %swap3A_790] {strides = array<i32>} : memref<2x128xi32, #tpu.memory_space<vmem>>, vector<1x16xi32>,
      %swap3A_792 = vector.shape_cast %swap3A_791 : vector<1x16xi32> to vector<16xi32>
      %swap3A_793 = vector.shape_cast %shift_right_arithmetic3A_787 : vector<16xi32> to vector<1x16xi32>
      tpu.vector_store %arg8[%swap3A_789, %swap3A_790], %swap3A_793 {strides = array<i32>} : memref<2x128xi32, #tpu.memory_space<vmem>>, vector<1x16xi32>,
      %get3A_794 = arith.index_cast %add3A_683 : i32 to index
      %get3A_795 = arith.constant 80 : index
      %get3A_796 = tpu.vector_load %arg6[%get3A_794, %get3A_795] {strides = array<i32>} : memref<80x128xi32, #tpu.memory_space<vmem>>, vector<1x16xi32>,
      %get3A_797 = vector.shape_cast %get3A_796 : vector<1x16xi32> to vector<16xi32>
      %and3A_798 = arith.constant 65535 : i32
      %and3A_799 = vector.broadcast %and3A_798 : i32 to vector<16xi32>
      %and3A_800 = arith.andi %get3A_797, %and3A_799 : vector<16xi32>
      %swap3A_801 = arith.constant 1 : i32
      %swap3A_802 = arith.index_cast %swap3A_801 : i32 to index
      %swap3A_803 = arith.constant 80 : index
      %swap3A_804 = tpu.vector_load %arg7[%swap3A_802, %swap3A_803] {strides = array<i32>} : memref<2x128xi32, #tpu.memory_space<vmem>>, vector<1x16xi32>,
      %swap3A_805 = vector.shape_cast %swap3A_804 : vector<1x16xi32> to vector<16xi32>
      %swap3A_806 = vector.shape_cast %and3A_800 : vector<16xi32> to vector<1x16xi32>
      tpu.vector_store %arg7[%swap3A_802, %swap3A_803], %swap3A_806 {strides = array<i32>} : memref<2x128xi32, #tpu.memory_space<vmem>>, vector<1x16xi32>,
      %shift_right_arithmetic3A_807 = arith.constant 16 : i32
      %shift_right_arithmetic3A_808 = vector.broadcast %shift_right_arithmetic3A_807 : i32 to vector<16xi32>
      %shift_right_arithmetic3A_809 = arith.shrsi %get3A_797, %shift_right_arithmetic3A_808 : vector<16xi32>
      %swap3A_810 = arith.constant 1 : i32
      %swap3A_811 = arith.index_cast %swap3A_810 : i32 to index
      %swap3A_812 = arith.constant 80 : index
      %swap3A_813 = tpu.vector_load %arg8[%swap3A_811, %swap3A_812] {strides = array<i32>} : memref<2x128xi32, #tpu.memory_space<vmem>>, vector<1x16xi32>,
      %swap3A_814 = vector.shape_cast %swap3A_813 : vector<1x16xi32> to vector<16xi32>
      %swap3A_815 = vector.shape_cast %shift_right_arithmetic3A_809 : vector<16xi32> to vector<1x16xi32>
      tpu.vector_store %arg8[%swap3A_811, %swap3A_812], %swap3A_815 {strides = array<i32>} : memref<2x128xi32, #tpu.memory_space<vmem>>, vector<1x16xi32>,
      %get3A_816 = arith.index_cast %add3A_683 : i32 to index
      %get3A_817 = arith.constant 96 : index
      %get3A_818 = tpu.vector_load %arg6[%get3A_816, %get3A_817] {strides = array<i32>} : memref<80x128xi32, #tpu.memory_space<vmem>>, vector<1x16xi32>,
      %get3A_819 = vector.shape_cast %get3A_818 : vector<1x16xi32> to vector<16xi32>
      %and3A_820 = arith.constant 65535 : i32
      %and3A_821 = vector.broadcast %and3A_820 : i32 to vector<16xi32>
      %and3A_822 = arith.andi %get3A_819, %and3A_821 : vector<16xi32>
      %swap3A_823 = arith.constant 1 : i32
      %swap3A_824 = arith.index_cast %swap3A_823 : i32 to index
      %swap3A_825 = arith.constant 96 : index
      %swap3A_826 = tpu.vector_load %arg7[%swap3A_824, %swap3A_825] {strides = array<i32>} : memref<2x128xi32, #tpu.memory_space<vmem>>, vector<1x16xi32>,
      %swap3A_827 = vector.shape_cast %swap3A_826 : vector<1x16xi32> to vector<16xi32>
      %swap3A_828 = vector.shape_cast %and3A_822 : vector<16xi32> to vector<1x16xi32>
      tpu.vector_store %arg7[%swap3A_824, %swap3A_825], %swap3A_828 {strides = array<i32>} : memref<2x128xi32, #tpu.memory_space<vmem>>, vector<1x16xi32>,
      %shift_right_arithmetic3A_829 = arith.constant 16 : i32
      %shift_right_arithmetic3A_830 = vector.broadcast %shift_right_arithmetic3A_829 : i32 to vector<16xi32>
      %shift_right_arithmetic3A_831 = arith.shrsi %get3A_819, %shift_right_arithmetic3A_830 : vector<16xi32>
      %swap3A_832 = arith.constant 1 : i32
      %swap3A_833 = arith.index_cast %swap3A_832 : i32 to index
      %swap3A_834 = arith.constant 96 : index
      %swap3A_835 = tpu.vector_load %arg8[%swap3A_833, %swap3A_834] {strides = array<i32>} : memref<2x128xi32, #tpu.memory_space<vmem>>, vector<1x16xi32>,
      %swap3A_836 = vector.shape_cast %swap3A_835 : vector<1x16xi32> to vector<16xi32>
      %swap3A_837 = vector.shape_cast %shift_right_arithmetic3A_831 : vector<16xi32> to vector<1x16xi32>
      tpu.vector_store %arg8[%swap3A_833, %swap3A_834], %swap3A_837 {strides = array<i32>} : memref<2x128xi32, #tpu.memory_space<vmem>>, vector<1x16xi32>,
      %get3A_838 = arith.index_cast %add3A_683 : i32 to index
      %get3A_839 = arith.constant 112 : index
      %get3A_840 = tpu.vector_load %arg6[%get3A_838, %get3A_839] {strides = array<i32>} : memref<80x128xi32, #tpu.memory_space<vmem>>, vector<1x16xi32>,
      %get3A_841 = vector.shape_cast %get3A_840 : vector<1x16xi32> to vector<16xi32>
      %and3A_842 = arith.constant 65535 : i32
      %and3A_843 = vector.broadcast %and3A_842 : i32 to vector<16xi32>
      %and3A_844 = arith.andi %get3A_841, %and3A_843 : vector<16xi32>
      %swap3A_845 = arith.constant 1 : i32
      %swap3A_846 = arith.index_cast %swap3A_845 : i32 to index
      %swap3A_847 = arith.constant 112 : index
      %swap3A_848 = tpu.vector_load %arg7[%swap3A_846, %swap3A_847] {strides = array<i32>} : memref<2x128xi32, #tpu.memory_space<vmem>>, vector<1x16xi32>,
      %swap3A_849 = vector.shape_cast %swap3A_848 : vector<1x16xi32> to vector<16xi32>
      %swap3A_850 = vector.shape_cast %and3A_844 : vector<16xi32> to vector<1x16xi32>
      tpu.vector_store %arg7[%swap3A_846, %swap3A_847], %swap3A_850 {strides = array<i32>} : memref<2x128xi32, #tpu.memory_space<vmem>>, vector<1x16xi32>,
      %shift_right_arithmetic3A_851 = arith.constant 16 : i32
      %shift_right_arithmetic3A_852 = vector.broadcast %shift_right_arithmetic3A_851 : i32 to vector<16xi32>
      %shift_right_arithmetic3A_853 = arith.shrsi %get3A_841, %shift_right_arithmetic3A_852 : vector<16xi32>
      %swap3A_854 = arith.constant 1 : i32
      %swap3A_855 = arith.index_cast %swap3A_854 : i32 to index
      %swap3A_856 = arith.constant 112 : index
      %swap3A_857 = tpu.vector_load %arg8[%swap3A_855, %swap3A_856] {strides = array<i32>} : memref<2x128xi32, #tpu.memory_space<vmem>>, vector<1x16xi32>,
      %swap3A_858 = vector.shape_cast %swap3A_857 : vector<1x16xi32> to vector<16xi32>
      %swap3A_859 = vector.shape_cast %shift_right_arithmetic3A_853 : vector<16xi32> to vector<1x16xi32>
      tpu.vector_store %arg8[%swap3A_855, %swap3A_856], %swap3A_859 {strides = array<i32>} : memref<2x128xi32, #tpu.memory_space<vmem>>, vector<1x16xi32>,
      %dma_start3A_860 = arith.constant 1 : i32
      %dma_start3A_861 = arith.constant 1 : i32
      %dma_start3A_862 = arith.constant 0 : i32
      %dma_start3A_863 = arith.constant 0 : i32
      %dma_start3A_864 = tpu.memref_slice %arg9[%dma_start3A_861, %dma_start3A_862, %dma_start3A_863] : memref<2x128x128xf32, #tpu.memory_space<vmem>> -> memref<1x128x128xf32, #tpu.memory_space<vmem>>
      %dma_start3A_865 = tpu.memref_squeeze %dma_start3A_864 : memref<1x128x128xf32, #tpu.memory_space<vmem>> -> memref<128x128xf32, #tpu.memory_space<vmem>>
      %dma_start3A_866 = arith.constant 0 : i32
      %dma_start3A_867 = tpu.memref_slice %arg7[%dma_start3A_860, %dma_start3A_866] : memref<2x128xi32, #tpu.memory_space<vmem>> -> memref<1x128xi32, #tpu.memory_space<vmem>>
      %dma_start3A_868 = tpu.memref_squeeze %dma_start3A_867 : memref<1x128xi32, #tpu.memory_space<vmem>> -> memref<128xi32, #tpu.memory_space<vmem>>
      %dma_start3A_869 = arith.constant 0 : i32
      %dma_start3A_870 = arith.constant 0 : i32
      %dma_start3A_871 = tpu.memref_slice %arg2[%dma_start3A_869, %dma_start3A_870] : memref<10000x128xf32, #tpu.memory_space<hbm>> -> memref<10000x128xf32, #tpu.memory_space<hbm>>
      tpu.enqueue_indirect_dma source(%dma_start3A_871 : memref<10000x128xf32, #tpu.memory_space<hbm>>) target(%dma_start3A_865 : memref<128x128xf32, #tpu.memory_space<vmem>>) offsets(%dma_start3A_868 : memref<128xi32, #tpu.memory_space<vmem>>) semaphore(%arg12 : memref<!tpu.dma_semaphore, #tpu.memory_space<semaphore_mem>>)
    }
    %scan3A_428 = arith.constant 39 : i32
    %dma_wait3A = arith.constant 0 : i32
    %dma_wait3A_429 = arith.constant 0 : i32
    %dma_wait3A_430 = arith.constant 0 : i32
    %dma_wait3A_431 = arith.constant 0 : i32
    %dma_wait3A_432 = tpu.memref_slice %arg9[%dma_wait3A_429, %dma_wait3A_430, %dma_wait3A_431] : memref<2x128x128xf32, #tpu.memory_space<vmem>> -> memref<1x128x128xf32, #tpu.memory_space<vmem>>
    %dma_wait3A_433 = tpu.memref_squeeze %dma_wait3A_432 : memref<1x128x128xf32, #tpu.memory_space<vmem>> -> memref<128x128xf32, #tpu.memory_space<vmem>>
    %dma_wait3A_434 = arith.constant 0 : i32
    %dma_wait3A_435 = tpu.memref_slice %arg7[%dma_wait3A, %dma_wait3A_434] : memref<2x128xi32, #tpu.memory_space<vmem>> -> memref<1x128xi32, #tpu.memory_space<vmem>>
    %dma_wait3A_436 = tpu.memref_squeeze %dma_wait3A_435 : memref<1x128xi32, #tpu.memory_space<vmem>> -> memref<128xi32, #tpu.memory_space<vmem>>
    %dma_wait3A_437 = arith.constant 0 : i32
    %dma_wait3A_438 = arith.constant 0 : i32
    %dma_wait3A_439 = tpu.memref_slice %arg2[%dma_wait3A_437, %dma_wait3A_438] : memref<10000x128xf32, #tpu.memory_space<hbm>> -> memref<10000x128xf32, #tpu.memory_space<hbm>>
    tpu.wait_indirect_dma semaphore(%arg11 : memref<!tpu.dma_semaphore, #tpu.memory_space<semaphore_mem>>) src(%dma_wait3A_439 : memref<10000x128xf32, #tpu.memory_space<hbm>>) dst(%dma_wait3A_433 : memref<128x128xf32, #tpu.memory_space<vmem>>)
    %run_scoped3A_440 = arith.constant 0 : i32
    %run_scoped3A_441 = arith.constant 0 : i32
    "tpu.region"() ({
      %run_scoped3A_457 = tpu.sem_alloc : memref<!tpu.dma_semaphore, #tpu.memory_space<semaphore_mem>>
      %dma_start3A_458 = arith.constant 0 : i32
      %dma_start3A_459 = arith.constant 0 : i32
      %dma_start3A_460 = tpu.memref_slice %arg9[%run_scoped3A_440, %dma_start3A_458, %dma_start3A_459] : memref<2x128x128xf32, #tpu.memory_space<vmem>> -> memref<1x128x128xf32, #tpu.memory_space<vmem>>
      %dma_start3A_461 = tpu.memref_squeeze %dma_start3A_460 : memref<1x128x128xf32, #tpu.memory_space<vmem>> -> memref<128x128xf32, #tpu.memory_space<vmem>>
      %dma_start3A_462 = arith.constant 0 : i32
      %dma_start3A_463 = tpu.memref_slice %arg8[%run_scoped3A_441, %dma_start3A_462] : memref<2x128xi32, #tpu.memory_space<vmem>> -> memref<1x128xi32, #tpu.memory_space<vmem>>
      %dma_start3A_464 = tpu.memref_squeeze %dma_start3A_463 : memref<1x128xi32, #tpu.memory_space<vmem>> -> memref<128xi32, #tpu.memory_space<vmem>>
      %dma_start3A_465 = arith.constant 0 : i32
      %dma_start3A_466 = arith.constant 0 : i32
      %dma_start3A_467 = tpu.memref_slice %arg10[%dma_start3A_465, %dma_start3A_466] : memref<10112x128xf32, #tpu.memory_space<vmem_shared>> -> memref<10112x128xf32, #tpu.memory_space<vmem_shared>>
      tpu.enqueue_indirect_dma source(%dma_start3A_461 : memref<128x128xf32, #tpu.memory_space<vmem>>) target(%dma_start3A_467 : memref<10112x128xf32, #tpu.memory_space<vmem_shared>>) offsets(%dma_start3A_464 : memref<128xi32, #tpu.memory_space<vmem>>) semaphore(%run_scoped3A_457 : memref<!tpu.dma_semaphore, #tpu.memory_space<semaphore_mem>>) {add = true}
      %dma_wait3A_468 = arith.constant 0 : i32
      %dma_wait3A_469 = arith.constant 0 : i32
      %dma_wait3A_470 = tpu.memref_slice %arg9[%run_scoped3A_440, %dma_wait3A_468, %dma_wait3A_469] : memref<2x128x128xf32, #tpu.memory_space<vmem>> -> memref<1x128x128xf32, #tpu.memory_space<vmem>>
      %dma_wait3A_471 = tpu.memref_squeeze %dma_wait3A_470 : memref<1x128x128xf32, #tpu.memory_space<vmem>> -> memref<128x128xf32, #tpu.memory_space<vmem>>
      %dma_wait3A_472 = arith.constant 0 : i32
      %dma_wait3A_473 = tpu.memref_slice %arg8[%run_scoped3A_441, %dma_wait3A_472] : memref<2x128xi32, #tpu.memory_space<vmem>> -> memref<1x128xi32, #tpu.memory_space<vmem>>
      %dma_wait3A_474 = tpu.memref_squeeze %dma_wait3A_473 : memref<1x128xi32, #tpu.memory_space<vmem>> -> memref<128xi32, #tpu.memory_space<vmem>>
      %dma_wait3A_475 = arith.constant 0 : i32
      %dma_wait3A_476 = arith.constant 0 : i32
      %dma_wait3A_477 = tpu.memref_slice %arg10[%dma_wait3A_475, %dma_wait3A_476] : memref<10112x128xf32, #tpu.memory_space<vmem_shared>> -> memref<10112x128xf32, #tpu.memory_space<vmem_shared>>
      tpu.wait_indirect_dma semaphore(%run_scoped3A_457 : memref<!tpu.dma_semaphore, #tpu.memory_space<semaphore_mem>>) src(%dma_wait3A_471 : memref<128x128xf32, #tpu.memory_space<vmem>>) dst(%dma_wait3A_477 : memref<10112x128xf32, #tpu.memory_space<vmem_shared>>)
      tpu.yield
    }) : () -> ()
    %dma_wait3A_442 = arith.constant 1 : i32
    %dma_wait3A_443 = arith.constant 1 : i32
    %dma_wait3A_444 = arith.constant 0 : i32
    %dma_wait3A_445 = arith.constant 0 : i32
    %dma_wait3A_446 = tpu.memref_slice %arg9[%dma_wait3A_443, %dma_wait3A_444, %dma_wait3A_445] : memref<2x128x128xf32, #tpu.memory_space<vmem>> -> memref<1x128x128xf32, #tpu.memory_space<vmem>>
    %dma_wait3A_447 = tpu.memref_squeeze %dma_wait3A_446 : memref<1x128x128xf32, #tpu.memory_space<vmem>> -> memref<128x128xf32, #tpu.memory_space<vmem>>
    %dma_wait3A_448 = arith.constant 0 : i32
    %dma_wait3A_449 = tpu.memref_slice %arg7[%dma_wait3A_442, %dma_wait3A_448] : memref<2x128xi32, #tpu.memory_space<vmem>> -> memref<1x128xi32, #tpu.memory_space<vmem>>
    %dma_wait3A_450 = tpu.memref_squeeze %dma_wait3A_449 : memref<1x128xi32, #tpu.memory_space<vmem>> -> memref<128xi32, #tpu.memory_space<vmem>>
    %dma_wait3A_451 = arith.constant 0 : i32
    %dma_wait3A_452 = arith.constant 0 : i32
    %dma_wait3A_453 = tpu.memref_slice %arg2[%dma_wait3A_451, %dma_wait3A_452] : memref<10000x128xf32, #tpu.memory_space<hbm>> -> memref<10000x128xf32, #tpu.memory_space<hbm>>
    tpu.wait_indirect_dma semaphore(%arg12 : memref<!tpu.dma_semaphore, #tpu.memory_space<semaphore_mem>>) src(%dma_wait3A_453 : memref<10000x128xf32, #tpu.memory_space<hbm>>) dst(%dma_wait3A_447 : memref<128x128xf32, #tpu.memory_space<vmem>>)
    %run_scoped3A_454 = arith.constant 1 : i32
    %run_scoped3A_455 = arith.constant 1 : i32
    "tpu.region"() ({
      %run_scoped3A_457 = tpu.sem_alloc : memref<!tpu.dma_semaphore, #tpu.memory_space<semaphore_mem>>
      %dma_start3A_458 = arith.constant 0 : i32
      %dma_start3A_459 = arith.constant 0 : i32
      %dma_start3A_460 = tpu.memref_slice %arg9[%run_scoped3A_454, %dma_start3A_458, %dma_start3A_459] : memref<2x128x128xf32, #tpu.memory_space<vmem>> -> memref<1x128x128xf32, #tpu.memory_space<vmem>>
      %dma_start3A_461 = tpu.memref_squeeze %dma_start3A_460 : memref<1x128x128xf32, #tpu.memory_space<vmem>> -> memref<128x128xf32, #tpu.memory_space<vmem>>
      %dma_start3A_462 = arith.constant 0 : i32
      %dma_start3A_463 = tpu.memref_slice %arg8[%run_scoped3A_455, %dma_start3A_462] : memref<2x128xi32, #tpu.memory_space<vmem>> -> memref<1x128xi32, #tpu.memory_space<vmem>>
      %dma_start3A_464 = tpu.memref_squeeze %dma_start3A_463 : memref<1x128xi32, #tpu.memory_space<vmem>> -> memref<128xi32, #tpu.memory_space<vmem>>
      %dma_start3A_465 = arith.constant 0 : i32
      %dma_start3A_466 = arith.constant 0 : i32
      %dma_start3A_467 = tpu.memref_slice %arg10[%dma_start3A_465, %dma_start3A_466] : memref<10112x128xf32, #tpu.memory_space<vmem_shared>> -> memref<10112x128xf32, #tpu.memory_space<vmem_shared>>
      tpu.enqueue_indirect_dma source(%dma_start3A_461 : memref<128x128xf32, #tpu.memory_space<vmem>>) target(%dma_start3A_467 : memref<10112x128xf32, #tpu.memory_space<vmem_shared>>) offsets(%dma_start3A_464 : memref<128xi32, #tpu.memory_space<vmem>>) semaphore(%run_scoped3A_457 : memref<!tpu.dma_semaphore, #tpu.memory_space<semaphore_mem>>) {add = true}
      %dma_wait3A_468 = arith.constant 0 : i32
      %dma_wait3A_469 = arith.constant 0 : i32
      %dma_wait3A_470 = tpu.memref_slice %arg9[%run_scoped3A_454, %dma_wait3A_468, %dma_wait3A_469] : memref<2x128x128xf32, #tpu.memory_space<vmem>> -> memref<1x128x128xf32, #tpu.memory_space<vmem>>
      %dma_wait3A_471 = tpu.memref_squeeze %dma_wait3A_470 : memref<1x128x128xf32, #tpu.memory_space<vmem>> -> memref<128x128xf32, #tpu.memory_space<vmem>>
      %dma_wait3A_472 = arith.constant 0 : i32
      %dma_wait3A_473 = tpu.memref_slice %arg8[%run_scoped3A_455, %dma_wait3A_472] : memref<2x128xi32, #tpu.memory_space<vmem>> -> memref<1x128xi32, #tpu.memory_space<vmem>>
      %dma_wait3A_474 = tpu.memref_squeeze %dma_wait3A_473 : memref<1x128xi32, #tpu.memory_space<vmem>> -> memref<128xi32, #tpu.memory_space<vmem>>
      %dma_wait3A_475 = arith.constant 0 : i32
      %dma_wait3A_476 = arith.constant 0 : i32
      %dma_wait3A_477 = tpu.memref_slice %arg10[%dma_wait3A_475, %dma_wait3A_476] : memref<10112x128xf32, #tpu.memory_space<vmem_shared>> -> memref<10112x128xf32, #tpu.memory_space<vmem_shared>>
      tpu.wait_indirect_dma semaphore(%run_scoped3A_457 : memref<!tpu.dma_semaphore, #tpu.memory_space<semaphore_mem>>) src(%dma_wait3A_471 : memref<128x128xf32, #tpu.memory_space<vmem>>) dst(%dma_wait3A_477 : memref<10112x128xf32, #tpu.memory_space<vmem_shared>>)
      tpu.yield
    }) : () -> ()
    %barrier3A_456 = arith.constant 0 : index
    tpu.barrier barrier_id(%barrier3A_456)
    "tpu.region"() ({
      %run_scoped3A_457 = tpu.sem_alloc : memref<!tpu.dma_semaphore, #tpu.memory_space<semaphore_mem>>
      %dma_start3A_458 = arith.constant 0 : i32
      %dma_start3A_459 = tpu.memref_slice %arg4[%arg0, %mul3A_2, %dma_start3A_458] : memref<2x10112x128xf32, #tpu.memory_space<hbm>> -> memref<1x632x128xf32, #tpu.memory_space<hbm>>
      %dma_start3A_460 = tpu.memref_squeeze %dma_start3A_459 : memref<1x632x128xf32, #tpu.memory_space<hbm>> -> memref<632x128xf32, #tpu.memory_space<hbm>>
      %dma_start3A_461 = arith.constant 0 : i32
      %dma_start3A_462 = tpu.memref_slice %arg10[%mul3A_2, %dma_start3A_461] : memref<10112x128xf32, #tpu.memory_space<vmem_shared>> -> memref<632x128xf32, #tpu.memory_space<vmem_shared>>
      tpu.enqueue_dma source(%dma_start3A_462 : memref<632x128xf32, #tpu.memory_space<vmem_shared>>) target(%dma_start3A_460 : memref<632x128xf32, #tpu.memory_space<hbm>>) target_semaphore(%run_scoped3A_457 : memref<!tpu.dma_semaphore, #tpu.memory_space<semaphore_mem>>)
      %dma_wait3A_463 = arith.constant 0 : i32
      %dma_wait3A_464 = tpu.memref_slice %arg4[%arg0, %mul3A_2, %dma_wait3A_463] : memref<2x10112x128xf32, #tpu.memory_space<hbm>> -> memref<1x632x128xf32, #tpu.memory_space<hbm>>
      %dma_wait3A_465 = tpu.memref_squeeze %dma_wait3A_464 : memref<1x632x128xf32, #tpu.memory_space<hbm>> -> memref<632x128xf32, #tpu.memory_space<hbm>>
      %dma_wait3A_466 = arith.constant 0 : i32
      %dma_wait3A_467 = tpu.memref_slice %arg10[%mul3A_2, %dma_wait3A_466] : memref<10112x128xf32, #tpu.memory_space<vmem_shared>> -> memref<632x128xf32, #tpu.memory_space<vmem_shared>>
      tpu.wait_dma2 semaphore(%run_scoped3A_457 : memref<!tpu.dma_semaphore, #tpu.memory_space<semaphore_mem>>) src(%dma_wait3A_467 : memref<632x128xf32, #tpu.memory_space<vmem_shared>>) dst(%dma_wait3A_465 : memref<632x128xf32, #tpu.memory_space<hbm>>)
      tpu.yield
    }) : () -> ()
    return
  }
}

#map = affine_map<(d0, d1) -> (0, 0)>
#map1 = affine_map<(d0, d1) -> (0, 0, 0)>
module attributes {stable_mosaic.version = 14 : i64} {
  func.func @body(%arg0: i32, %arg1: i32, %arg2: memref<10000x128xf32, #tpu.memory_space<hbm>>, %arg3: memref<32x80x128xi32, #tpu.memory_space<hbm>>, %arg4: memref<2x10112x128xf32, #tpu.memory_space<hbm>>, %arg5: memref<80x128xi32, #tpu.memory_space<vmem>>, %arg6: memref<2x128xi32, #tpu.memory_space<vmem>>, %arg7: memref<2x128xi32, #tpu.memory_space<vmem>>, %arg8: memref<2x128x128xf32, #tpu.memory_space<vmem>>, %arg9: memref<10112x128xf32, #tpu.memory_space<vmem_shared>>, %arg10: memref<!tpu.dma_semaphore, #tpu.memory_space<semaphore_mem>>, %arg11: memref<!tpu.dma_semaphore, #tpu.memory_space<semaphore_mem>>) attributes {dimension_semantics = [#tpu.dimension_semantics<core_parallel>, #tpu.dimension_semantics<subcore_parallel>], iteration_bounds = array<i64: 2, 16>, scalar_prefetch = 0 : i64, scratch_operands = 7 : i64, tpu.core_type = #tpu.core_type<sc_vector_subcore>, window_params = [{transform_indices = #map}, {transform_indices = #map1}, {transform_indices = #map1}]} {
    %mul3A = arith.constant 2 : i32
    %mul3A_0 = arith.muli %arg1, %mul3A : i32
    %add3A = arith.addi %mul3A_0, %arg0 : i32
    %mul3A_1 = arith.constant 632 : i32
    %mul3A_2 = arith.muli %arg1, %mul3A_1 : i32
    "tpu.region"() ({
      %run_scoped3A_438 = tpu.sem_alloc : memref<!tpu.dma_semaphore, #tpu.memory_space<semaphore_mem>>
      %dma_start3A_439 = arith.constant 0 : i32
      %dma_start3A_440 = arith.constant 0 : i32
      %dma_start3A_441 = tpu.memref_slice %arg3[%add3A, %dma_start3A_439, %dma_start3A_440] : memref<32x80x128xi32, #tpu.memory_space<hbm>> -> memref<1x80x128xi32, #tpu.memory_space<hbm>>
      %dma_start3A_442 = tpu.memref_squeeze %dma_start3A_441 : memref<1x80x128xi32, #tpu.memory_space<hbm>> -> memref<80x128xi32, #tpu.memory_space<hbm>>
      %dma_start3A_443 = arith.constant 0 : i32
      %dma_start3A_444 = arith.constant 0 : i32
      %dma_start3A_445 = tpu.memref_slice %arg3[%add3A, %dma_start3A_443, %dma_start3A_444] : memref<32x80x128xi32, #tpu.memory_space<hbm>> -> memref<1x80x128xi32, #tpu.memory_space<hbm>>
      %dma_start3A_446 = tpu.memref_squeeze %dma_start3A_445 : memref<1x80x128xi32, #tpu.memory_space<hbm>> -> memref<80x128xi32, #tpu.memory_space<hbm>>
      tpu.enqueue_dma source(%dma_start3A_446 : memref<80x128xi32, #tpu.memory_space<hbm>>) target(%arg5 : memref<80x128xi32, #tpu.memory_space<vmem>>) target_semaphore(%run_scoped3A_438 : memref<!tpu.dma_semaphore, #tpu.memory_space<semaphore_mem>>)
      %dma_wait3A_447 = arith.constant 0 : i32
      %dma_wait3A_448 = arith.constant 0 : i32
      %dma_wait3A_449 = tpu.memref_slice %arg3[%add3A, %dma_wait3A_447, %dma_wait3A_448] : memref<32x80x128xi32, #tpu.memory_space<hbm>> -> memref<1x80x128xi32, #tpu.memory_space<hbm>>
      %dma_wait3A_450 = tpu.memref_squeeze %dma_wait3A_449 : memref<1x80x128xi32, #tpu.memory_space<hbm>> -> memref<80x128xi32, #tpu.memory_space<hbm>>
      %dma_wait3A_451 = arith.constant 0 : i32
      %dma_wait3A_452 = arith.constant 0 : i32
      %dma_wait3A_453 = tpu.memref_slice %arg3[%add3A, %dma_wait3A_451, %dma_wait3A_452] : memref<32x80x128xi32, #tpu.memory_space<hbm>> -> memref<1x80x128xi32, #tpu.memory_space<hbm>>
      %dma_wait3A_454 = tpu.memref_squeeze %dma_wait3A_453 : memref<1x80x128xi32, #tpu.memory_space<hbm>> -> memref<80x128xi32, #tpu.memory_space<hbm>>
      tpu.wait_dma2 semaphore(%run_scoped3A_438 : memref<!tpu.dma_semaphore, #tpu.memory_space<semaphore_mem>>) src(%dma_wait3A_454 : memref<80x128xi32, #tpu.memory_space<hbm>>) dst(%arg5 : memref<80x128xi32, #tpu.memory_space<vmem>>)
      tpu.yield
    }) : () -> ()
    %scan3A = arith.constant 0 : i32
    %scan3A_3 = arith.constant 0 : i32
    %scan3A_4 = arith.constant 128 : i32
    %scan3A_5 = arith.addi %scan3A_3, %scan3A_4 : i32
    %scan3A_6 = arith.constant 1 : i32
    scf.for %scan3A_438 = %scan3A_3 to %scan3A_5 step %scan3A_6  : i32 {
      %broadcast_in_dim3A = arith.constant 0.000000e+00 : f32
      %broadcast_in_dim3A_439 = vector.broadcast %broadcast_in_dim3A : f32 to vector<16xf32>
      %swap3A_440 = arith.constant 0 : i32
      %swap3A_441 = arith.index_cast %swap3A_440 : i32 to index
      %swap3A_442 = arith.index_cast %scan3A_438 : i32 to index
      %swap3A_443 = arith.constant 0 : index
      %swap3A_444 = tpu.vector_load %arg8[%swap3A_441, %swap3A_442, %swap3A_443] {strides = array<i32>} : memref<2x128x128xf32, #tpu.memory_space<vmem>>, vector<1x1x16xf32>,
      %swap3A_445 = vector.shape_cast %swap3A_444 : vector<1x1x16xf32> to vector<16xf32>
      %swap3A_446 = vector.shape_cast %broadcast_in_dim3A_439 : vector<16xf32> to vector<1x1x16xf32>
      tpu.vector_store %arg8[%swap3A_441, %swap3A_442, %swap3A_443], %swap3A_446 {strides = array<i32>} : memref<2x128x128xf32, #tpu.memory_space<vmem>>, vector<1x1x16xf32>,
      %broadcast_in_dim3A_447 = arith.constant 0.000000e+00 : f32
      %broadcast_in_dim3A_448 = vector.broadcast %broadcast_in_dim3A_447 : f32 to vector<16xf32>
      %swap3A_449 = arith.constant 0 : i32
      %swap3A_450 = arith.index_cast %swap3A_449 : i32 to index
      %swap3A_451 = arith.index_cast %scan3A_438 : i32 to index
      %swap3A_452 = arith.constant 16 : index
      %swap3A_453 = tpu.vector_load %arg8[%swap3A_450, %swap3A_451, %swap3A_452] {strides = array<i32>} : memref<2x128x128xf32, #tpu.memory_space<vmem>>, vector<1x1x16xf32>,
      %swap3A_454 = vector.shape_cast %swap3A_453 : vector<1x1x16xf32> to vector<16xf32>
      %swap3A_455 = vector.shape_cast %broadcast_in_dim3A_448 : vector<16xf32> to vector<1x1x16xf32>
      tpu.vector_store %arg8[%swap3A_450, %swap3A_451, %swap3A_452], %swap3A_455 {strides = array<i32>} : memref<2x128x128xf32, #tpu.memory_space<vmem>>, vector<1x1x16xf32>,
      %broadcast_in_dim3A_456 = arith.constant 0.000000e+00 : f32
      %broadcast_in_dim3A_457 = vector.broadcast %broadcast_in_dim3A_456 : f32 to vector<16xf32>
      %swap3A_458 = arith.constant 0 : i32
      %swap3A_459 = arith.index_cast %swap3A_458 : i32 to index
      %swap3A_460 = arith.index_cast %scan3A_438 : i32 to index
      %swap3A_461 = arith.constant 32 : index
      %swap3A_462 = tpu.vector_load %arg8[%swap3A_459, %swap3A_460, %swap3A_461] {strides = array<i32>} : memref<2x128x128xf32, #tpu.memory_space<vmem>>, vector<1x1x16xf32>,
      %swap3A_463 = vector.shape_cast %swap3A_462 : vector<1x1x16xf32> to vector<16xf32>
      %swap3A_464 = vector.shape_cast %broadcast_in_dim3A_457 : vector<16xf32> to vector<1x1x16xf32>
      tpu.vector_store %arg8[%swap3A_459, %swap3A_460, %swap3A_461], %swap3A_464 {strides = array<i32>} : memref<2x128x128xf32, #tpu.memory_space<vmem>>, vector<1x1x16xf32>,
      %broadcast_in_dim3A_465 = arith.constant 0.000000e+00 : f32
      %broadcast_in_dim3A_466 = vector.broadcast %broadcast_in_dim3A_465 : f32 to vector<16xf32>
      %swap3A_467 = arith.constant 0 : i32
      %swap3A_468 = arith.index_cast %swap3A_467 : i32 to index
      %swap3A_469 = arith.index_cast %scan3A_438 : i32 to index
      %swap3A_470 = arith.constant 48 : index
      %swap3A_471 = tpu.vector_load %arg8[%swap3A_468, %swap3A_469, %swap3A_470] {strides = array<i32>} : memref<2x128x128xf32, #tpu.memory_space<vmem>>, vector<1x1x16xf32>,
      %swap3A_472 = vector.shape_cast %swap3A_471 : vector<1x1x16xf32> to vector<16xf32>
      %swap3A_473 = vector.shape_cast %broadcast_in_dim3A_466 : vector<16xf32> to vector<1x1x16xf32>
      tpu.vector_store %arg8[%swap3A_468, %swap3A_469, %swap3A_470], %swap3A_473 {strides = array<i32>} : memref<2x128x128xf32, #tpu.memory_space<vmem>>, vector<1x1x16xf32>,
      %broadcast_in_dim3A_474 = arith.constant 0.000000e+00 : f32
      %broadcast_in_dim3A_475 = vector.broadcast %broadcast_in_dim3A_474 : f32 to vector<16xf32>
      %swap3A_476 = arith.constant 0 : i32
      %swap3A_477 = arith.index_cast %swap3A_476 : i32 to index
      %swap3A_478 = arith.index_cast %scan3A_438 : i32 to index
      %swap3A_479 = arith.constant 64 : index
      %swap3A_480 = tpu.vector_load %arg8[%swap3A_477, %swap3A_478, %swap3A_479] {strides = array<i32>} : memref<2x128x128xf32, #tpu.memory_space<vmem>>, vector<1x1x16xf32>,
      %swap3A_481 = vector.shape_cast %swap3A_480 : vector<1x1x16xf32> to vector<16xf32>
      %swap3A_482 = vector.shape_cast %broadcast_in_dim3A_475 : vector<16xf32> to vector<1x1x16xf32>
      tpu.vector_store %arg8[%swap3A_477, %swap3A_478, %swap3A_479], %swap3A_482 {strides = array<i32>} : memref<2x128x128xf32, #tpu.memory_space<vmem>>, vector<1x1x16xf32>,
      %broadcast_in_dim3A_483 = arith.constant 0.000000e+00 : f32
      %broadcast_in_dim3A_484 = vector.broadcast %broadcast_in_dim3A_483 : f32 to vector<16xf32>
      %swap3A_485 = arith.constant 0 : i32
      %swap3A_486 = arith.index_cast %swap3A_485 : i32 to index
      %swap3A_487 = arith.index_cast %scan3A_438 : i32 to index
      %swap3A_488 = arith.constant 80 : index
      %swap3A_489 = tpu.vector_load %arg8[%swap3A_486, %swap3A_487, %swap3A_488] {strides = array<i32>} : memref<2x128x128xf32, #tpu.memory_space<vmem>>, vector<1x1x16xf32>,
      %swap3A_490 = vector.shape_cast %swap3A_489 : vector<1x1x16xf32> to vector<16xf32>
      %swap3A_491 = vector.shape_cast %broadcast_in_dim3A_484 : vector<16xf32> to vector<1x1x16xf32>
      tpu.vector_store %arg8[%swap3A_486, %swap3A_487, %swap3A_488], %swap3A_491 {strides = array<i32>} : memref<2x128x128xf32, #tpu.memory_space<vmem>>, vector<1x1x16xf32>,
      %broadcast_in_dim3A_492 = arith.constant 0.000000e+00 : f32
      %broadcast_in_dim3A_493 = vector.broadcast %broadcast_in_dim3A_492 : f32 to vector<16xf32>
      %swap3A_494 = arith.constant 0 : i32
      %swap3A_495 = arith.index_cast %swap3A_494 : i32 to index
      %swap3A_496 = arith.index_cast %scan3A_438 : i32 to index
      %swap3A_497 = arith.constant 96 : index
      %swap3A_498 = tpu.vector_load %arg8[%swap3A_495, %swap3A_496, %swap3A_497] {strides = array<i32>} : memref<2x128x128xf32, #tpu.memory_space<vmem>>, vector<1x1x16xf32>,
      %swap3A_499 = vector.shape_cast %swap3A_498 : vector<1x1x16xf32> to vector<16xf32>
      %swap3A_500 = vector.shape_cast %broadcast_in_dim3A_493 : vector<16xf32> to vector<1x1x16xf32>
      tpu.vector_store %arg8[%swap3A_495, %swap3A_496, %swap3A_497], %swap3A_500 {strides = array<i32>} : memref<2x128x128xf32, #tpu.memory_space<vmem>>, vector<1x1x16xf32>,
      %broadcast_in_dim3A_501 = arith.constant 0.000000e+00 : f32
      %broadcast_in_dim3A_502 = vector.broadcast %broadcast_in_dim3A_501 : f32 to vector<16xf32>
      %swap3A_503 = arith.constant 0 : i32
      %swap3A_504 = arith.index_cast %swap3A_503 : i32 to index
      %swap3A_505 = arith.index_cast %scan3A_438 : i32 to index
      %swap3A_506 = arith.constant 112 : index
      %swap3A_507 = tpu.vector_load %arg8[%swap3A_504, %swap3A_505, %swap3A_506] {strides = array<i32>} : memref<2x128x128xf32, #tpu.memory_space<vmem>>, vector<1x1x16xf32>,
      %swap3A_508 = vector.shape_cast %swap3A_507 : vector<1x1x16xf32> to vector<16xf32>
      %swap3A_509 = vector.shape_cast %broadcast_in_dim3A_502 : vector<16xf32> to vector<1x1x16xf32>
      tpu.vector_store %arg8[%swap3A_504, %swap3A_505, %swap3A_506], %swap3A_509 {strides = array<i32>} : memref<2x128x128xf32, #tpu.memory_space<vmem>>, vector<1x1x16xf32>,
    }
    %scan3A_7 = arith.constant 128 : i32
    %scan3A_8 = arith.constant 0 : i32
    %scan3A_9 = arith.constant 0 : i32
    %scan3A_10 = arith.constant 4 : i32
    %scan3A_11 = arith.addi %scan3A_9, %scan3A_10 : i32
    %scan3A_12 = arith.constant 1 : i32
    scf.for %scan3A_438 = %scan3A_9 to %scan3A_11 step %scan3A_12  : i32 {
      %mul3A_439 = arith.constant 128 : i32
      %mul3A_440 = arith.muli %scan3A_438, %mul3A_439 : i32
      %add3A_441 = arith.addi %mul3A_2, %mul3A_440 : i32
      %run_scoped3A_442 = arith.constant 0 : i32
      "tpu.region"() ({
        %run_scoped3A_443 = tpu.sem_alloc : memref<!tpu.dma_semaphore, #tpu.memory_space<semaphore_mem>>
        %dma_start3A_444 = arith.constant 0 : i32
        %dma_start3A_445 = arith.constant 0 : i32
        %dma_start3A_446 = tpu.memref_slice %arg8[%run_scoped3A_442, %dma_start3A_444, %dma_start3A_445] : memref<2x128x128xf32, #tpu.memory_space<vmem>> -> memref<1x128x128xf32, #tpu.memory_space<vmem>>
        %dma_start3A_447 = tpu.memref_squeeze %dma_start3A_446 : memref<1x128x128xf32, #tpu.memory_space<vmem>> -> memref<128x128xf32, #tpu.memory_space<vmem>>
        %dma_start3A_448 = arith.constant 0 : i32
        %dma_start3A_449 = tpu.memref_slice %arg9[%add3A_441, %dma_start3A_448] : memref<10112x128xf32, #tpu.memory_space<vmem_shared>> -> memref<128x128xf32, #tpu.memory_space<vmem_shared>>
        %dma_start3A_450 = arith.constant 0 : i32
        %dma_start3A_451 = tpu.memref_slice %arg9[%add3A_441, %dma_start3A_450] : memref<10112x128xf32, #tpu.memory_space<vmem_shared>> -> memref<128x128xf32, #tpu.memory_space<vmem_shared>>
        %dma_start3A_452 = arith.constant 0 : i32
        %dma_start3A_453 = arith.constant 0 : i32
        %dma_start3A_454 = tpu.memref_slice %arg8[%run_scoped3A_442, %dma_start3A_452, %dma_start3A_453] : memref<2x128x128xf32, #tpu.memory_space<vmem>> -> memref<1x128x128xf32, #tpu.memory_space<vmem>>
        %dma_start3A_455 = tpu.memref_squeeze %dma_start3A_454 : memref<1x128x128xf32, #tpu.memory_space<vmem>> -> memref<128x128xf32, #tpu.memory_space<vmem>>
        tpu.enqueue_dma source(%dma_start3A_455 : memref<128x128xf32, #tpu.memory_space<vmem>>) target(%dma_start3A_451 : memref<128x128xf32, #tpu.memory_space<vmem_shared>>) target_semaphore(%run_scoped3A_443 : memref<!tpu.dma_semaphore, #tpu.memory_space<semaphore_mem>>)
        %dma_wait3A_456 = arith.constant 0 : i32
        %dma_wait3A_457 = arith.constant 0 : i32
        %dma_wait3A_458 = tpu.memref_slice %arg8[%run_scoped3A_442, %dma_wait3A_456, %dma_wait3A_457] : memref<2x128x128xf32, #tpu.memory_space<vmem>> -> memref<1x128x128xf32, #tpu.memory_space<vmem>>
        %dma_wait3A_459 = tpu.memref_squeeze %dma_wait3A_458 : memref<1x128x128xf32, #tpu.memory_space<vmem>> -> memref<128x128xf32, #tpu.memory_space<vmem>>
        %dma_wait3A_460 = arith.constant 0 : i32
        %dma_wait3A_461 = tpu.memref_slice %arg9[%add3A_441, %dma_wait3A_460] : memref<10112x128xf32, #tpu.memory_space<vmem_shared>> -> memref<128x128xf32, #tpu.memory_space<vmem_shared>>
        %dma_wait3A_462 = arith.constant 0 : i32
        %dma_wait3A_463 = tpu.memref_slice %arg9[%add3A_441, %dma_wait3A_462] : memref<10112x128xf32, #tpu.memory_space<vmem_shared>> -> memref<128x128xf32, #tpu.memory_space<vmem_shared>>
        %dma_wait3A_464 = arith.constant 0 : i32
        %dma_wait3A_465 = arith.constant 0 : i32
        %dma_wait3A_466 = tpu.memref_slice %arg8[%run_scoped3A_442, %dma_wait3A_464, %dma_wait3A_465] : memref<2x128x128xf32, #tpu.memory_space<vmem>> -> memref<1x128x128xf32, #tpu.memory_space<vmem>>
        %dma_wait3A_467 = tpu.memref_squeeze %dma_wait3A_466 : memref<1x128x128xf32, #tpu.memory_space<vmem>> -> memref<128x128xf32, #tpu.memory_space<vmem>>
        tpu.wait_dma2 semaphore(%run_scoped3A_443 : memref<!tpu.dma_semaphore, #tpu.memory_space<semaphore_mem>>) src(%dma_wait3A_467 : memref<128x128xf32, #tpu.memory_space<vmem>>) dst(%dma_wait3A_463 : memref<128x128xf32, #tpu.memory_space<vmem_shared>>)
        tpu.yield
      }) : () -> ()
    }
    %scan3A_13 = arith.constant 4 : i32
    %add3A_14 = arith.constant 632 : i32
    %add3A_15 = arith.addi %mul3A_2, %add3A_14 : i32
    %sub3A = arith.constant 120 : i32
    %sub3A_16 = arith.subi %add3A_15, %sub3A : i32
    %run_scoped3A = arith.constant 0 : i32
    "tpu.region"() ({
      %run_scoped3A_438 = tpu.sem_alloc : memref<!tpu.dma_semaphore, #tpu.memory_space<semaphore_mem>>
      %dma_start3A_439 = arith.constant 0 : i32
      %dma_start3A_440 = arith.constant 0 : i32
      %dma_start3A_441 = tpu.memref_slice %arg8[%run_scoped3A, %dma_start3A_439, %dma_start3A_440] : memref<2x128x128xf32, #tpu.memory_space<vmem>> -> memref<1x120x128xf32, #tpu.memory_space<vmem>>
      %dma_start3A_442 = tpu.memref_squeeze %dma_start3A_441 : memref<1x120x128xf32, #tpu.memory_space<vmem>> -> memref<120x128xf32, #tpu.memory_space<vmem>>
      %dma_start3A_443 = arith.constant 0 : i32
      %dma_start3A_444 = tpu.memref_slice %arg9[%sub3A_16, %dma_start3A_443] : memref<10112x128xf32, #tpu.memory_space<vmem_shared>> -> memref<120x128xf32, #tpu.memory_space<vmem_shared>>
      %dma_start3A_445 = arith.constant 0 : i32
      %dma_start3A_446 = tpu.memref_slice %arg9[%sub3A_16, %dma_start3A_445] : memref<10112x128xf32, #tpu.memory_space<vmem_shared>> -> memref<120x128xf32, #tpu.memory_space<vmem_shared>>
      %dma_start3A_447 = arith.constant 0 : i32
      %dma_start3A_448 = arith.constant 0 : i32
      %dma_start3A_449 = tpu.memref_slice %arg8[%run_scoped3A, %dma_start3A_447, %dma_start3A_448] : memref<2x128x128xf32, #tpu.memory_space<vmem>> -> memref<1x120x128xf32, #tpu.memory_space<vmem>>
      %dma_start3A_450 = tpu.memref_squeeze %dma_start3A_449 : memref<1x120x128xf32, #tpu.memory_space<vmem>> -> memref<120x128xf32, #tpu.memory_space<vmem>>
      tpu.enqueue_dma source(%dma_start3A_450 : memref<120x128xf32, #tpu.memory_space<vmem>>) target(%dma_start3A_446 : memref<120x128xf32, #tpu.memory_space<vmem_shared>>) target_semaphore(%run_scoped3A_438 : memref<!tpu.dma_semaphore, #tpu.memory_space<semaphore_mem>>)
      %dma_wait3A_451 = arith.constant 0 : i32
      %dma_wait3A_452 = arith.constant 0 : i32
      %dma_wait3A_453 = tpu.memref_slice %arg8[%run_scoped3A, %dma_wait3A_451, %dma_wait3A_452] : memref<2x128x128xf32, #tpu.memory_space<vmem>> -> memref<1x120x128xf32, #tpu.memory_space<vmem>>
      %dma_wait3A_454 = tpu.memref_squeeze %dma_wait3A_453 : memref<1x120x128xf32, #tpu.memory_space<vmem>> -> memref<120x128xf32, #tpu.memory_space<vmem>>
      %dma_wait3A_455 = arith.constant 0 : i32
      %dma_wait3A_456 = tpu.memref_slice %arg9[%sub3A_16, %dma_wait3A_455] : memref<10112x128xf32, #tpu.memory_space<vmem_shared>> -> memref<120x128xf32, #tpu.memory_space<vmem_shared>>
      %dma_wait3A_457 = arith.constant 0 : i32
      %dma_wait3A_458 = tpu.memref_slice %arg9[%sub3A_16, %dma_wait3A_457] : memref<10112x128xf32, #tpu.memory_space<vmem_shared>> -> memref<120x128xf32, #tpu.memory_space<vmem_shared>>
      %dma_wait3A_459 = arith.constant 0 : i32
      %dma_wait3A_460 = arith.constant 0 : i32
      %dma_wait3A_461 = tpu.memref_slice %arg8[%run_scoped3A, %dma_wait3A_459, %dma_wait3A_460] : memref<2x128x128xf32, #tpu.memory_space<vmem>> -> memref<1x120x128xf32, #tpu.memory_space<vmem>>
      %dma_wait3A_462 = tpu.memref_squeeze %dma_wait3A_461 : memref<1x120x128xf32, #tpu.memory_space<vmem>> -> memref<120x128xf32, #tpu.memory_space<vmem>>
      tpu.wait_dma2 semaphore(%run_scoped3A_438 : memref<!tpu.dma_semaphore, #tpu.memory_space<semaphore_mem>>) src(%dma_wait3A_462 : memref<120x128xf32, #tpu.memory_space<vmem>>) dst(%dma_wait3A_458 : memref<120x128xf32, #tpu.memory_space<vmem_shared>>)
      tpu.yield
    }) : () -> ()
    %barrier3A = arith.constant 0 : index
    tpu.barrier barrier_id(%barrier3A)
    %get3A = arith.constant 0 : i32
    %get3A_17 = arith.index_cast %get3A : i32 to index
    %get3A_18 = arith.constant 0 : index
    %get3A_19 = tpu.vector_load %arg5[%get3A_17, %get3A_18] {strides = array<i32>} : memref<80x128xi32, #tpu.memory_space<vmem>>, vector<1x16xi32>,
    %get3A_20 = vector.shape_cast %get3A_19 : vector<1x16xi32> to vector<16xi32>
    %and3A = arith.constant 65535 : i32
    %and3A_21 = vector.broadcast %and3A : i32 to vector<16xi32>
    %and3A_22 = arith.andi %get3A_20, %and3A_21 : vector<16xi32>
    %swap3A = arith.constant 0 : i32
    %swap3A_23 = arith.index_cast %swap3A : i32 to index
    %swap3A_24 = arith.constant 0 : index
    %swap3A_25 = tpu.vector_load %arg6[%swap3A_23, %swap3A_24] {strides = array<i32>} : memref<2x128xi32, #tpu.memory_space<vmem>>, vector<1x16xi32>,
    %swap3A_26 = vector.shape_cast %swap3A_25 : vector<1x16xi32> to vector<16xi32>
    %swap3A_27 = vector.shape_cast %and3A_22 : vector<16xi32> to vector<1x16xi32>
    tpu.vector_store %arg6[%swap3A_23, %swap3A_24], %swap3A_27 {strides = array<i32>} : memref<2x128xi32, #tpu.memory_space<vmem>>, vector<1x16xi32>,
    %shift_right_arithmetic3A = arith.constant 16 : i32
    %shift_right_arithmetic3A_28 = vector.broadcast %shift_right_arithmetic3A : i32 to vector<16xi32>
    %shift_right_arithmetic3A_29 = arith.shrsi %get3A_20, %shift_right_arithmetic3A_28 : vector<16xi32>
    %swap3A_30 = arith.constant 0 : i32
    %swap3A_31 = arith.index_cast %swap3A_30 : i32 to index
    %swap3A_32 = arith.constant 0 : index
    %swap3A_33 = tpu.vector_load %arg7[%swap3A_31, %swap3A_32] {strides = array<i32>} : memref<2x128xi32, #tpu.memory_space<vmem>>, vector<1x16xi32>,
    %swap3A_34 = vector.shape_cast %swap3A_33 : vector<1x16xi32> to vector<16xi32>
    %swap3A_35 = vector.shape_cast %shift_right_arithmetic3A_29 : vector<16xi32> to vector<1x16xi32>
    tpu.vector_store %arg7[%swap3A_31, %swap3A_32], %swap3A_35 {strides = array<i32>} : memref<2x128xi32, #tpu.memory_space<vmem>>, vector<1x16xi32>,
    %get3A_36 = arith.constant 0 : i32
    %get3A_37 = arith.index_cast %get3A_36 : i32 to index
    %get3A_38 = arith.constant 16 : index
    %get3A_39 = tpu.vector_load %arg5[%get3A_37, %get3A_38] {strides = array<i32>} : memref<80x128xi32, #tpu.memory_space<vmem>>, vector<1x16xi32>,
    %get3A_40 = vector.shape_cast %get3A_39 : vector<1x16xi32> to vector<16xi32>
    %and3A_41 = arith.constant 65535 : i32
    %and3A_42 = vector.broadcast %and3A_41 : i32 to vector<16xi32>
    %and3A_43 = arith.andi %get3A_40, %and3A_42 : vector<16xi32>
    %swap3A_44 = arith.constant 0 : i32
    %swap3A_45 = arith.index_cast %swap3A_44 : i32 to index
    %swap3A_46 = arith.constant 16 : index
    %swap3A_47 = tpu.vector_load %arg6[%swap3A_45, %swap3A_46] {strides = array<i32>} : memref<2x128xi32, #tpu.memory_space<vmem>>, vector<1x16xi32>,
    %swap3A_48 = vector.shape_cast %swap3A_47 : vector<1x16xi32> to vector<16xi32>
    %swap3A_49 = vector.shape_cast %and3A_43 : vector<16xi32> to vector<1x16xi32>
    tpu.vector_store %arg6[%swap3A_45, %swap3A_46], %swap3A_49 {strides = array<i32>} : memref<2x128xi32, #tpu.memory_space<vmem>>, vector<1x16xi32>,
    %shift_right_arithmetic3A_50 = arith.constant 16 : i32
    %shift_right_arithmetic3A_51 = vector.broadcast %shift_right_arithmetic3A_50 : i32 to vector<16xi32>
    %shift_right_arithmetic3A_52 = arith.shrsi %get3A_40, %shift_right_arithmetic3A_51 : vector<16xi32>
    %swap3A_53 = arith.constant 0 : i32
    %swap3A_54 = arith.index_cast %swap3A_53 : i32 to index
    %swap3A_55 = arith.constant 16 : index
    %swap3A_56 = tpu.vector_load %arg7[%swap3A_54, %swap3A_55] {strides = array<i32>} : memref<2x128xi32, #tpu.memory_space<vmem>>, vector<1x16xi32>,
    %swap3A_57 = vector.shape_cast %swap3A_56 : vector<1x16xi32> to vector<16xi32>
    %swap3A_58 = vector.shape_cast %shift_right_arithmetic3A_52 : vector<16xi32> to vector<1x16xi32>
    tpu.vector_store %arg7[%swap3A_54, %swap3A_55], %swap3A_58 {strides = array<i32>} : memref<2x128xi32, #tpu.memory_space<vmem>>, vector<1x16xi32>,
    %get3A_59 = arith.constant 0 : i32
    %get3A_60 = arith.index_cast %get3A_59 : i32 to index
    %get3A_61 = arith.constant 32 : index
    %get3A_62 = tpu.vector_load %arg5[%get3A_60, %get3A_61] {strides = array<i32>} : memref<80x128xi32, #tpu.memory_space<vmem>>, vector<1x16xi32>,
    %get3A_63 = vector.shape_cast %get3A_62 : vector<1x16xi32> to vector<16xi32>
    %and3A_64 = arith.constant 65535 : i32
    %and3A_65 = vector.broadcast %and3A_64 : i32 to vector<16xi32>
    %and3A_66 = arith.andi %get3A_63, %and3A_65 : vector<16xi32>
    %swap3A_67 = arith.constant 0 : i32
    %swap3A_68 = arith.index_cast %swap3A_67 : i32 to index
    %swap3A_69 = arith.constant 32 : index
    %swap3A_70 = tpu.vector_load %arg6[%swap3A_68, %swap3A_69] {strides = array<i32>} : memref<2x128xi32, #tpu.memory_space<vmem>>, vector<1x16xi32>,
    %swap3A_71 = vector.shape_cast %swap3A_70 : vector<1x16xi32> to vector<16xi32>
    %swap3A_72 = vector.shape_cast %and3A_66 : vector<16xi32> to vector<1x16xi32>
    tpu.vector_store %arg6[%swap3A_68, %swap3A_69], %swap3A_72 {strides = array<i32>} : memref<2x128xi32, #tpu.memory_space<vmem>>, vector<1x16xi32>,
    %shift_right_arithmetic3A_73 = arith.constant 16 : i32
    %shift_right_arithmetic3A_74 = vector.broadcast %shift_right_arithmetic3A_73 : i32 to vector<16xi32>
    %shift_right_arithmetic3A_75 = arith.shrsi %get3A_63, %shift_right_arithmetic3A_74 : vector<16xi32>
    %swap3A_76 = arith.constant 0 : i32
    %swap3A_77 = arith.index_cast %swap3A_76 : i32 to index
    %swap3A_78 = arith.constant 32 : index
    %swap3A_79 = tpu.vector_load %arg7[%swap3A_77, %swap3A_78] {strides = array<i32>} : memref<2x128xi32, #tpu.memory_space<vmem>>, vector<1x16xi32>,
    %swap3A_80 = vector.shape_cast %swap3A_79 : vector<1x16xi32> to vector<16xi32>
    %swap3A_81 = vector.shape_cast %shift_right_arithmetic3A_75 : vector<16xi32> to vector<1x16xi32>
    tpu.vector_store %arg7[%swap3A_77, %swap3A_78], %swap3A_81 {strides = array<i32>} : memref<2x128xi32, #tpu.memory_space<vmem>>, vector<1x16xi32>,
    %get3A_82 = arith.constant 0 : i32
    %get3A_83 = arith.index_cast %get3A_82 : i32 to index
    %get3A_84 = arith.constant 48 : index
    %get3A_85 = tpu.vector_load %arg5[%get3A_83, %get3A_84] {strides = array<i32>} : memref<80x128xi32, #tpu.memory_space<vmem>>, vector<1x16xi32>,
    %get3A_86 = vector.shape_cast %get3A_85 : vector<1x16xi32> to vector<16xi32>
    %and3A_87 = arith.constant 65535 : i32
    %and3A_88 = vector.broadcast %and3A_87 : i32 to vector<16xi32>
    %and3A_89 = arith.andi %get3A_86, %and3A_88 : vector<16xi32>
    %swap3A_90 = arith.constant 0 : i32
    %swap3A_91 = arith.index_cast %swap3A_90 : i32 to index
    %swap3A_92 = arith.constant 48 : index
    %swap3A_93 = tpu.vector_load %arg6[%swap3A_91, %swap3A_92] {strides = array<i32>} : memref<2x128xi32, #tpu.memory_space<vmem>>, vector<1x16xi32>,
    %swap3A_94 = vector.shape_cast %swap3A_93 : vector<1x16xi32> to vector<16xi32>
    %swap3A_95 = vector.shape_cast %and3A_89 : vector<16xi32> to vector<1x16xi32>
    tpu.vector_store %arg6[%swap3A_91, %swap3A_92], %swap3A_95 {strides = array<i32>} : memref<2x128xi32, #tpu.memory_space<vmem>>, vector<1x16xi32>,
    %shift_right_arithmetic3A_96 = arith.constant 16 : i32
    %shift_right_arithmetic3A_97 = vector.broadcast %shift_right_arithmetic3A_96 : i32 to vector<16xi32>
    %shift_right_arithmetic3A_98 = arith.shrsi %get3A_86, %shift_right_arithmetic3A_97 : vector<16xi32>
    %swap3A_99 = arith.constant 0 : i32
    %swap3A_100 = arith.index_cast %swap3A_99 : i32 to index
    %swap3A_101 = arith.constant 48 : index
    %swap3A_102 = tpu.vector_load %arg7[%swap3A_100, %swap3A_101] {strides = array<i32>} : memref<2x128xi32, #tpu.memory_space<vmem>>, vector<1x16xi32>,
    %swap3A_103 = vector.shape_cast %swap3A_102 : vector<1x16xi32> to vector<16xi32>
    %swap3A_104 = vector.shape_cast %shift_right_arithmetic3A_98 : vector<16xi32> to vector<1x16xi32>
    tpu.vector_store %arg7[%swap3A_100, %swap3A_101], %swap3A_104 {strides = array<i32>} : memref<2x128xi32, #tpu.memory_space<vmem>>, vector<1x16xi32>,
    %get3A_105 = arith.constant 0 : i32
    %get3A_106 = arith.index_cast %get3A_105 : i32 to index
    %get3A_107 = arith.constant 64 : index
    %get3A_108 = tpu.vector_load %arg5[%get3A_106, %get3A_107] {strides = array<i32>} : memref<80x128xi32, #tpu.memory_space<vmem>>, vector<1x16xi32>,
    %get3A_109 = vector.shape_cast %get3A_108 : vector<1x16xi32> to vector<16xi32>
    %and3A_110 = arith.constant 65535 : i32
    %and3A_111 = vector.broadcast %and3A_110 : i32 to vector<16xi32>
    %and3A_112 = arith.andi %get3A_109, %and3A_111 : vector<16xi32>
    %swap3A_113 = arith.constant 0 : i32
    %swap3A_114 = arith.index_cast %swap3A_113 : i32 to index
    %swap3A_115 = arith.constant 64 : index
    %swap3A_116 = tpu.vector_load %arg6[%swap3A_114, %swap3A_115] {strides = array<i32>} : memref<2x128xi32, #tpu.memory_space<vmem>>, vector<1x16xi32>,
    %swap3A_117 = vector.shape_cast %swap3A_116 : vector<1x16xi32> to vector<16xi32>
    %swap3A_118 = vector.shape_cast %and3A_112 : vector<16xi32> to vector<1x16xi32>
    tpu.vector_store %arg6[%swap3A_114, %swap3A_115], %swap3A_118 {strides = array<i32>} : memref<2x128xi32, #tpu.memory_space<vmem>>, vector<1x16xi32>,
    %shift_right_arithmetic3A_119 = arith.constant 16 : i32
    %shift_right_arithmetic3A_120 = vector.broadcast %shift_right_arithmetic3A_119 : i32 to vector<16xi32>
    %shift_right_arithmetic3A_121 = arith.shrsi %get3A_109, %shift_right_arithmetic3A_120 : vector<16xi32>
    %swap3A_122 = arith.constant 0 : i32
    %swap3A_123 = arith.index_cast %swap3A_122 : i32 to index
    %swap3A_124 = arith.constant 64 : index
    %swap3A_125 = tpu.vector_load %arg7[%swap3A_123, %swap3A_124] {strides = array<i32>} : memref<2x128xi32, #tpu.memory_space<vmem>>, vector<1x16xi32>,
    %swap3A_126 = vector.shape_cast %swap3A_125 : vector<1x16xi32> to vector<16xi32>
    %swap3A_127 = vector.shape_cast %shift_right_arithmetic3A_121 : vector<16xi32> to vector<1x16xi32>
    tpu.vector_store %arg7[%swap3A_123, %swap3A_124], %swap3A_127 {strides = array<i32>} : memref<2x128xi32, #tpu.memory_space<vmem>>, vector<1x16xi32>,
    %get3A_128 = arith.constant 0 : i32
    %get3A_129 = arith.index_cast %get3A_128 : i32 to index
    %get3A_130 = arith.constant 80 : index
    %get3A_131 = tpu.vector_load %arg5[%get3A_129, %get3A_130] {strides = array<i32>} : memref<80x128xi32, #tpu.memory_space<vmem>>, vector<1x16xi32>,
    %get3A_132 = vector.shape_cast %get3A_131 : vector<1x16xi32> to vector<16xi32>
    %and3A_133 = arith.constant 65535 : i32
    %and3A_134 = vector.broadcast %and3A_133 : i32 to vector<16xi32>
    %and3A_135 = arith.andi %get3A_132, %and3A_134 : vector<16xi32>
    %swap3A_136 = arith.constant 0 : i32
    %swap3A_137 = arith.index_cast %swap3A_136 : i32 to index
    %swap3A_138 = arith.constant 80 : index
    %swap3A_139 = tpu.vector_load %arg6[%swap3A_137, %swap3A_138] {strides = array<i32>} : memref<2x128xi32, #tpu.memory_space<vmem>>, vector<1x16xi32>,
    %swap3A_140 = vector.shape_cast %swap3A_139 : vector<1x16xi32> to vector<16xi32>
    %swap3A_141 = vector.shape_cast %and3A_135 : vector<16xi32> to vector<1x16xi32>
    tpu.vector_store %arg6[%swap3A_137, %swap3A_138], %swap3A_141 {strides = array<i32>} : memref<2x128xi32, #tpu.memory_space<vmem>>, vector<1x16xi32>,
    %shift_right_arithmetic3A_142 = arith.constant 16 : i32
    %shift_right_arithmetic3A_143 = vector.broadcast %shift_right_arithmetic3A_142 : i32 to vector<16xi32>
    %shift_right_arithmetic3A_144 = arith.shrsi %get3A_132, %shift_right_arithmetic3A_143 : vector<16xi32>
    %swap3A_145 = arith.constant 0 : i32
    %swap3A_146 = arith.index_cast %swap3A_145 : i32 to index
    %swap3A_147 = arith.constant 80 : index
    %swap3A_148 = tpu.vector_load %arg7[%swap3A_146, %swap3A_147] {strides = array<i32>} : memref<2x128xi32, #tpu.memory_space<vmem>>, vector<1x16xi32>,
    %swap3A_149 = vector.shape_cast %swap3A_148 : vector<1x16xi32> to vector<16xi32>
    %swap3A_150 = vector.shape_cast %shift_right_arithmetic3A_144 : vector<16xi32> to vector<1x16xi32>
    tpu.vector_store %arg7[%swap3A_146, %swap3A_147], %swap3A_150 {strides = array<i32>} : memref<2x128xi32, #tpu.memory_space<vmem>>, vector<1x16xi32>,
    %get3A_151 = arith.constant 0 : i32
    %get3A_152 = arith.index_cast %get3A_151 : i32 to index
    %get3A_153 = arith.constant 96 : index
    %get3A_154 = tpu.vector_load %arg5[%get3A_152, %get3A_153] {strides = array<i32>} : memref<80x128xi32, #tpu.memory_space<vmem>>, vector<1x16xi32>,
    %get3A_155 = vector.shape_cast %get3A_154 : vector<1x16xi32> to vector<16xi32>
    %and3A_156 = arith.constant 65535 : i32
    %and3A_157 = vector.broadcast %and3A_156 : i32 to vector<16xi32>
    %and3A_158 = arith.andi %get3A_155, %and3A_157 : vector<16xi32>
    %swap3A_159 = arith.constant 0 : i32
    %swap3A_160 = arith.index_cast %swap3A_159 : i32 to index
    %swap3A_161 = arith.constant 96 : index
    %swap3A_162 = tpu.vector_load %arg6[%swap3A_160, %swap3A_161] {strides = array<i32>} : memref<2x128xi32, #tpu.memory_space<vmem>>, vector<1x16xi32>,
    %swap3A_163 = vector.shape_cast %swap3A_162 : vector<1x16xi32> to vector<16xi32>
    %swap3A_164 = vector.shape_cast %and3A_158 : vector<16xi32> to vector<1x16xi32>
    tpu.vector_store %arg6[%swap3A_160, %swap3A_161], %swap3A_164 {strides = array<i32>} : memref<2x128xi32, #tpu.memory_space<vmem>>, vector<1x16xi32>,
    %shift_right_arithmetic3A_165 = arith.constant 16 : i32
    %shift_right_arithmetic3A_166 = vector.broadcast %shift_right_arithmetic3A_165 : i32 to vector<16xi32>
    %shift_right_arithmetic3A_167 = arith.shrsi %get3A_155, %shift_right_arithmetic3A_166 : vector<16xi32>
    %swap3A_168 = arith.constant 0 : i32
    %swap3A_169 = arith.index_cast %swap3A_168 : i32 to index
    %swap3A_170 = arith.constant 96 : index
    %swap3A_171 = tpu.vector_load %arg7[%swap3A_169, %swap3A_170] {strides = array<i32>} : memref<2x128xi32, #tpu.memory_space<vmem>>, vector<1x16xi32>,
    %swap3A_172 = vector.shape_cast %swap3A_171 : vector<1x16xi32> to vector<16xi32>
    %swap3A_173 = vector.shape_cast %shift_right_arithmetic3A_167 : vector<16xi32> to vector<1x16xi32>
    tpu.vector_store %arg7[%swap3A_169, %swap3A_170], %swap3A_173 {strides = array<i32>} : memref<2x128xi32, #tpu.memory_space<vmem>>, vector<1x16xi32>,
    %get3A_174 = arith.constant 0 : i32
    %get3A_175 = arith.index_cast %get3A_174 : i32 to index
    %get3A_176 = arith.constant 112 : index
    %get3A_177 = tpu.vector_load %arg5[%get3A_175, %get3A_176] {strides = array<i32>} : memref<80x128xi32, #tpu.memory_space<vmem>>, vector<1x16xi32>,
    %get3A_178 = vector.shape_cast %get3A_177 : vector<1x16xi32> to vector<16xi32>
    %and3A_179 = arith.constant 65535 : i32
    %and3A_180 = vector.broadcast %and3A_179 : i32 to vector<16xi32>
    %and3A_181 = arith.andi %get3A_178, %and3A_180 : vector<16xi32>
    %swap3A_182 = arith.constant 0 : i32
    %swap3A_183 = arith.index_cast %swap3A_182 : i32 to index
    %swap3A_184 = arith.constant 112 : index
    %swap3A_185 = tpu.vector_load %arg6[%swap3A_183, %swap3A_184] {strides = array<i32>} : memref<2x128xi32, #tpu.memory_space<vmem>>, vector<1x16xi32>,
    %swap3A_186 = vector.shape_cast %swap3A_185 : vector<1x16xi32> to vector<16xi32>
    %swap3A_187 = vector.shape_cast %and3A_181 : vector<16xi32> to vector<1x16xi32>
    tpu.vector_store %arg6[%swap3A_183, %swap3A_184], %swap3A_187 {strides = array<i32>} : memref<2x128xi32, #tpu.memory_space<vmem>>, vector<1x16xi32>,
    %shift_right_arithmetic3A_188 = arith.constant 16 : i32
    %shift_right_arithmetic3A_189 = vector.broadcast %shift_right_arithmetic3A_188 : i32 to vector<16xi32>
    %shift_right_arithmetic3A_190 = arith.shrsi %get3A_178, %shift_right_arithmetic3A_189 : vector<16xi32>
    %swap3A_191 = arith.constant 0 : i32
    %swap3A_192 = arith.index_cast %swap3A_191 : i32 to index
    %swap3A_193 = arith.constant 112 : index
    %swap3A_194 = tpu.vector_load %arg7[%swap3A_192, %swap3A_193] {strides = array<i32>} : memref<2x128xi32, #tpu.memory_space<vmem>>, vector<1x16xi32>,
    %swap3A_195 = vector.shape_cast %swap3A_194 : vector<1x16xi32> to vector<16xi32>
    %swap3A_196 = vector.shape_cast %shift_right_arithmetic3A_190 : vector<16xi32> to vector<1x16xi32>
    tpu.vector_store %arg7[%swap3A_192, %swap3A_193], %swap3A_196 {strides = array<i32>} : memref<2x128xi32, #tpu.memory_space<vmem>>, vector<1x16xi32>,
    %dma_start3A = arith.constant 0 : i32
    %dma_start3A_197 = arith.constant 0 : i32
    %dma_start3A_198 = arith.constant 0 : i32
    %dma_start3A_199 = arith.constant 0 : i32
    %dma_start3A_200 = tpu.memref_slice %arg8[%dma_start3A_197, %dma_start3A_198, %dma_start3A_199] : memref<2x128x128xf32, #tpu.memory_space<vmem>> -> memref<1x128x128xf32, #tpu.memory_space<vmem>>
    %dma_start3A_201 = tpu.memref_squeeze %dma_start3A_200 : memref<1x128x128xf32, #tpu.memory_space<vmem>> -> memref<128x128xf32, #tpu.memory_space<vmem>>
    %dma_start3A_202 = arith.constant 0 : i32
    %dma_start3A_203 = tpu.memref_slice %arg6[%dma_start3A, %dma_start3A_202] : memref<2x128xi32, #tpu.memory_space<vmem>> -> memref<1x128xi32, #tpu.memory_space<vmem>>
    %dma_start3A_204 = tpu.memref_squeeze %dma_start3A_203 : memref<1x128xi32, #tpu.memory_space<vmem>> -> memref<128xi32, #tpu.memory_space<vmem>>
    %dma_start3A_205 = arith.constant 0 : i32
    %dma_start3A_206 = arith.constant 0 : i32
    %dma_start3A_207 = tpu.memref_slice %arg2[%dma_start3A_205, %dma_start3A_206] : memref<10000x128xf32, #tpu.memory_space<hbm>> -> memref<10000x128xf32, #tpu.memory_space<hbm>>
    tpu.enqueue_indirect_dma source(%dma_start3A_207 : memref<10000x128xf32, #tpu.memory_space<hbm>>) target(%dma_start3A_201 : memref<128x128xf32, #tpu.memory_space<vmem>>) offsets(%dma_start3A_204 : memref<128xi32, #tpu.memory_space<vmem>>) semaphore(%arg10 : memref<!tpu.dma_semaphore, #tpu.memory_space<semaphore_mem>>)
    %get3A_208 = arith.constant 1 : i32
    %get3A_209 = arith.index_cast %get3A_208 : i32 to index
    %get3A_210 = arith.constant 0 : index
    %get3A_211 = tpu.vector_load %arg5[%get3A_209, %get3A_210] {strides = array<i32>} : memref<80x128xi32, #tpu.memory_space<vmem>>, vector<1x16xi32>,
    %get3A_212 = vector.shape_cast %get3A_211 : vector<1x16xi32> to vector<16xi32>
    %and3A_213 = arith.constant 65535 : i32
    %and3A_214 = vector.broadcast %and3A_213 : i32 to vector<16xi32>
    %and3A_215 = arith.andi %get3A_212, %and3A_214 : vector<16xi32>
    %swap3A_216 = arith.constant 1 : i32
    %swap3A_217 = arith.index_cast %swap3A_216 : i32 to index
    %swap3A_218 = arith.constant 0 : index
    %swap3A_219 = tpu.vector_load %arg6[%swap3A_217, %swap3A_218] {strides = array<i32>} : memref<2x128xi32, #tpu.memory_space<vmem>>, vector<1x16xi32>,
    %swap3A_220 = vector.shape_cast %swap3A_219 : vector<1x16xi32> to vector<16xi32>
    %swap3A_221 = vector.shape_cast %and3A_215 : vector<16xi32> to vector<1x16xi32>
    tpu.vector_store %arg6[%swap3A_217, %swap3A_218], %swap3A_221 {strides = array<i32>} : memref<2x128xi32, #tpu.memory_space<vmem>>, vector<1x16xi32>,
    %shift_right_arithmetic3A_222 = arith.constant 16 : i32
    %shift_right_arithmetic3A_223 = vector.broadcast %shift_right_arithmetic3A_222 : i32 to vector<16xi32>
    %shift_right_arithmetic3A_224 = arith.shrsi %get3A_212, %shift_right_arithmetic3A_223 : vector<16xi32>
    %swap3A_225 = arith.constant 1 : i32
    %swap3A_226 = arith.index_cast %swap3A_225 : i32 to index
    %swap3A_227 = arith.constant 0 : index
    %swap3A_228 = tpu.vector_load %arg7[%swap3A_226, %swap3A_227] {strides = array<i32>} : memref<2x128xi32, #tpu.memory_space<vmem>>, vector<1x16xi32>,
    %swap3A_229 = vector.shape_cast %swap3A_228 : vector<1x16xi32> to vector<16xi32>
    %swap3A_230 = vector.shape_cast %shift_right_arithmetic3A_224 : vector<16xi32> to vector<1x16xi32>
    tpu.vector_store %arg7[%swap3A_226, %swap3A_227], %swap3A_230 {strides = array<i32>} : memref<2x128xi32, #tpu.memory_space<vmem>>, vector<1x16xi32>,
    %get3A_231 = arith.constant 1 : i32
    %get3A_232 = arith.index_cast %get3A_231 : i32 to index
    %get3A_233 = arith.constant 16 : index
    %get3A_234 = tpu.vector_load %arg5[%get3A_232, %get3A_233] {strides = array<i32>} : memref<80x128xi32, #tpu.memory_space<vmem>>, vector<1x16xi32>,
    %get3A_235 = vector.shape_cast %get3A_234 : vector<1x16xi32> to vector<16xi32>
    %and3A_236 = arith.constant 65535 : i32
    %and3A_237 = vector.broadcast %and3A_236 : i32 to vector<16xi32>
    %and3A_238 = arith.andi %get3A_235, %and3A_237 : vector<16xi32>
    %swap3A_239 = arith.constant 1 : i32
    %swap3A_240 = arith.index_cast %swap3A_239 : i32 to index
    %swap3A_241 = arith.constant 16 : index
    %swap3A_242 = tpu.vector_load %arg6[%swap3A_240, %swap3A_241] {strides = array<i32>} : memref<2x128xi32, #tpu.memory_space<vmem>>, vector<1x16xi32>,
    %swap3A_243 = vector.shape_cast %swap3A_242 : vector<1x16xi32> to vector<16xi32>
    %swap3A_244 = vector.shape_cast %and3A_238 : vector<16xi32> to vector<1x16xi32>
    tpu.vector_store %arg6[%swap3A_240, %swap3A_241], %swap3A_244 {strides = array<i32>} : memref<2x128xi32, #tpu.memory_space<vmem>>, vector<1x16xi32>,
    %shift_right_arithmetic3A_245 = arith.constant 16 : i32
    %shift_right_arithmetic3A_246 = vector.broadcast %shift_right_arithmetic3A_245 : i32 to vector<16xi32>
    %shift_right_arithmetic3A_247 = arith.shrsi %get3A_235, %shift_right_arithmetic3A_246 : vector<16xi32>
    %swap3A_248 = arith.constant 1 : i32
    %swap3A_249 = arith.index_cast %swap3A_248 : i32 to index
    %swap3A_250 = arith.constant 16 : index
    %swap3A_251 = tpu.vector_load %arg7[%swap3A_249, %swap3A_250] {strides = array<i32>} : memref<2x128xi32, #tpu.memory_space<vmem>>, vector<1x16xi32>,
    %swap3A_252 = vector.shape_cast %swap3A_251 : vector<1x16xi32> to vector<16xi32>
    %swap3A_253 = vector.shape_cast %shift_right_arithmetic3A_247 : vector<16xi32> to vector<1x16xi32>
    tpu.vector_store %arg7[%swap3A_249, %swap3A_250], %swap3A_253 {strides = array<i32>} : memref<2x128xi32, #tpu.memory_space<vmem>>, vector<1x16xi32>,
    %get3A_254 = arith.constant 1 : i32
    %get3A_255 = arith.index_cast %get3A_254 : i32 to index
    %get3A_256 = arith.constant 32 : index
    %get3A_257 = tpu.vector_load %arg5[%get3A_255, %get3A_256] {strides = array<i32>} : memref<80x128xi32, #tpu.memory_space<vmem>>, vector<1x16xi32>,
    %get3A_258 = vector.shape_cast %get3A_257 : vector<1x16xi32> to vector<16xi32>
    %and3A_259 = arith.constant 65535 : i32
    %and3A_260 = vector.broadcast %and3A_259 : i32 to vector<16xi32>
    %and3A_261 = arith.andi %get3A_258, %and3A_260 : vector<16xi32>
    %swap3A_262 = arith.constant 1 : i32
    %swap3A_263 = arith.index_cast %swap3A_262 : i32 to index
    %swap3A_264 = arith.constant 32 : index
    %swap3A_265 = tpu.vector_load %arg6[%swap3A_263, %swap3A_264] {strides = array<i32>} : memref<2x128xi32, #tpu.memory_space<vmem>>, vector<1x16xi32>,
    %swap3A_266 = vector.shape_cast %swap3A_265 : vector<1x16xi32> to vector<16xi32>
    %swap3A_267 = vector.shape_cast %and3A_261 : vector<16xi32> to vector<1x16xi32>
    tpu.vector_store %arg6[%swap3A_263, %swap3A_264], %swap3A_267 {strides = array<i32>} : memref<2x128xi32, #tpu.memory_space<vmem>>, vector<1x16xi32>,
    %shift_right_arithmetic3A_268 = arith.constant 16 : i32
    %shift_right_arithmetic3A_269 = vector.broadcast %shift_right_arithmetic3A_268 : i32 to vector<16xi32>
    %shift_right_arithmetic3A_270 = arith.shrsi %get3A_258, %shift_right_arithmetic3A_269 : vector<16xi32>
    %swap3A_271 = arith.constant 1 : i32
    %swap3A_272 = arith.index_cast %swap3A_271 : i32 to index
    %swap3A_273 = arith.constant 32 : index
    %swap3A_274 = tpu.vector_load %arg7[%swap3A_272, %swap3A_273] {strides = array<i32>} : memref<2x128xi32, #tpu.memory_space<vmem>>, vector<1x16xi32>,
    %swap3A_275 = vector.shape_cast %swap3A_274 : vector<1x16xi32> to vector<16xi32>
    %swap3A_276 = vector.shape_cast %shift_right_arithmetic3A_270 : vector<16xi32> to vector<1x16xi32>
    tpu.vector_store %arg7[%swap3A_272, %swap3A_273], %swap3A_276 {strides = array<i32>} : memref<2x128xi32, #tpu.memory_space<vmem>>, vector<1x16xi32>,
    %get3A_277 = arith.constant 1 : i32
    %get3A_278 = arith.index_cast %get3A_277 : i32 to index
    %get3A_279 = arith.constant 48 : index
    %get3A_280 = tpu.vector_load %arg5[%get3A_278, %get3A_279] {strides = array<i32>} : memref<80x128xi32, #tpu.memory_space<vmem>>, vector<1x16xi32>,
    %get3A_281 = vector.shape_cast %get3A_280 : vector<1x16xi32> to vector<16xi32>
    %and3A_282 = arith.constant 65535 : i32
    %and3A_283 = vector.broadcast %and3A_282 : i32 to vector<16xi32>
    %and3A_284 = arith.andi %get3A_281, %and3A_283 : vector<16xi32>
    %swap3A_285 = arith.constant 1 : i32
    %swap3A_286 = arith.index_cast %swap3A_285 : i32 to index
    %swap3A_287 = arith.constant 48 : index
    %swap3A_288 = tpu.vector_load %arg6[%swap3A_286, %swap3A_287] {strides = array<i32>} : memref<2x128xi32, #tpu.memory_space<vmem>>, vector<1x16xi32>,
    %swap3A_289 = vector.shape_cast %swap3A_288 : vector<1x16xi32> to vector<16xi32>
    %swap3A_290 = vector.shape_cast %and3A_284 : vector<16xi32> to vector<1x16xi32>
    tpu.vector_store %arg6[%swap3A_286, %swap3A_287], %swap3A_290 {strides = array<i32>} : memref<2x128xi32, #tpu.memory_space<vmem>>, vector<1x16xi32>,
    %shift_right_arithmetic3A_291 = arith.constant 16 : i32
    %shift_right_arithmetic3A_292 = vector.broadcast %shift_right_arithmetic3A_291 : i32 to vector<16xi32>
    %shift_right_arithmetic3A_293 = arith.shrsi %get3A_281, %shift_right_arithmetic3A_292 : vector<16xi32>
    %swap3A_294 = arith.constant 1 : i32
    %swap3A_295 = arith.index_cast %swap3A_294 : i32 to index
    %swap3A_296 = arith.constant 48 : index
    %swap3A_297 = tpu.vector_load %arg7[%swap3A_295, %swap3A_296] {strides = array<i32>} : memref<2x128xi32, #tpu.memory_space<vmem>>, vector<1x16xi32>,
    %swap3A_298 = vector.shape_cast %swap3A_297 : vector<1x16xi32> to vector<16xi32>
    %swap3A_299 = vector.shape_cast %shift_right_arithmetic3A_293 : vector<16xi32> to vector<1x16xi32>
    tpu.vector_store %arg7[%swap3A_295, %swap3A_296], %swap3A_299 {strides = array<i32>} : memref<2x128xi32, #tpu.memory_space<vmem>>, vector<1x16xi32>,
    %get3A_300 = arith.constant 1 : i32
    %get3A_301 = arith.index_cast %get3A_300 : i32 to index
    %get3A_302 = arith.constant 64 : index
    %get3A_303 = tpu.vector_load %arg5[%get3A_301, %get3A_302] {strides = array<i32>} : memref<80x128xi32, #tpu.memory_space<vmem>>, vector<1x16xi32>,
    %get3A_304 = vector.shape_cast %get3A_303 : vector<1x16xi32> to vector<16xi32>
    %and3A_305 = arith.constant 65535 : i32
    %and3A_306 = vector.broadcast %and3A_305 : i32 to vector<16xi32>
    %and3A_307 = arith.andi %get3A_304, %and3A_306 : vector<16xi32>
    %swap3A_308 = arith.constant 1 : i32
    %swap3A_309 = arith.index_cast %swap3A_308 : i32 to index
    %swap3A_310 = arith.constant 64 : index
    %swap3A_311 = tpu.vector_load %arg6[%swap3A_309, %swap3A_310] {strides = array<i32>} : memref<2x128xi32, #tpu.memory_space<vmem>>, vector<1x16xi32>,
    %swap3A_312 = vector.shape_cast %swap3A_311 : vector<1x16xi32> to vector<16xi32>
    %swap3A_313 = vector.shape_cast %and3A_307 : vector<16xi32> to vector<1x16xi32>
    tpu.vector_store %arg6[%swap3A_309, %swap3A_310], %swap3A_313 {strides = array<i32>} : memref<2x128xi32, #tpu.memory_space<vmem>>, vector<1x16xi32>,
    %shift_right_arithmetic3A_314 = arith.constant 16 : i32
    %shift_right_arithmetic3A_315 = vector.broadcast %shift_right_arithmetic3A_314 : i32 to vector<16xi32>
    %shift_right_arithmetic3A_316 = arith.shrsi %get3A_304, %shift_right_arithmetic3A_315 : vector<16xi32>
    %swap3A_317 = arith.constant 1 : i32
    %swap3A_318 = arith.index_cast %swap3A_317 : i32 to index
    %swap3A_319 = arith.constant 64 : index
    %swap3A_320 = tpu.vector_load %arg7[%swap3A_318, %swap3A_319] {strides = array<i32>} : memref<2x128xi32, #tpu.memory_space<vmem>>, vector<1x16xi32>,
    %swap3A_321 = vector.shape_cast %swap3A_320 : vector<1x16xi32> to vector<16xi32>
    %swap3A_322 = vector.shape_cast %shift_right_arithmetic3A_316 : vector<16xi32> to vector<1x16xi32>
    tpu.vector_store %arg7[%swap3A_318, %swap3A_319], %swap3A_322 {strides = array<i32>} : memref<2x128xi32, #tpu.memory_space<vmem>>, vector<1x16xi32>,
    %get3A_323 = arith.constant 1 : i32
    %get3A_324 = arith.index_cast %get3A_323 : i32 to index
    %get3A_325 = arith.constant 80 : index
    %get3A_326 = tpu.vector_load %arg5[%get3A_324, %get3A_325] {strides = array<i32>} : memref<80x128xi32, #tpu.memory_space<vmem>>, vector<1x16xi32>,
    %get3A_327 = vector.shape_cast %get3A_326 : vector<1x16xi32> to vector<16xi32>
    %and3A_328 = arith.constant 65535 : i32
    %and3A_329 = vector.broadcast %and3A_328 : i32 to vector<16xi32>
    %and3A_330 = arith.andi %get3A_327, %and3A_329 : vector<16xi32>
    %swap3A_331 = arith.constant 1 : i32
    %swap3A_332 = arith.index_cast %swap3A_331 : i32 to index
    %swap3A_333 = arith.constant 80 : index
    %swap3A_334 = tpu.vector_load %arg6[%swap3A_332, %swap3A_333] {strides = array<i32>} : memref<2x128xi32, #tpu.memory_space<vmem>>, vector<1x16xi32>,
    %swap3A_335 = vector.shape_cast %swap3A_334 : vector<1x16xi32> to vector<16xi32>
    %swap3A_336 = vector.shape_cast %and3A_330 : vector<16xi32> to vector<1x16xi32>
    tpu.vector_store %arg6[%swap3A_332, %swap3A_333], %swap3A_336 {strides = array<i32>} : memref<2x128xi32, #tpu.memory_space<vmem>>, vector<1x16xi32>,
    %shift_right_arithmetic3A_337 = arith.constant 16 : i32
    %shift_right_arithmetic3A_338 = vector.broadcast %shift_right_arithmetic3A_337 : i32 to vector<16xi32>
    %shift_right_arithmetic3A_339 = arith.shrsi %get3A_327, %shift_right_arithmetic3A_338 : vector<16xi32>
    %swap3A_340 = arith.constant 1 : i32
    %swap3A_341 = arith.index_cast %swap3A_340 : i32 to index
    %swap3A_342 = arith.constant 80 : index
    %swap3A_343 = tpu.vector_load %arg7[%swap3A_341, %swap3A_342] {strides = array<i32>} : memref<2x128xi32, #tpu.memory_space<vmem>>, vector<1x16xi32>,
    %swap3A_344 = vector.shape_cast %swap3A_343 : vector<1x16xi32> to vector<16xi32>
    %swap3A_345 = vector.shape_cast %shift_right_arithmetic3A_339 : vector<16xi32> to vector<1x16xi32>
    tpu.vector_store %arg7[%swap3A_341, %swap3A_342], %swap3A_345 {strides = array<i32>} : memref<2x128xi32, #tpu.memory_space<vmem>>, vector<1x16xi32>,
    %get3A_346 = arith.constant 1 : i32
    %get3A_347 = arith.index_cast %get3A_346 : i32 to index
    %get3A_348 = arith.constant 96 : index
    %get3A_349 = tpu.vector_load %arg5[%get3A_347, %get3A_348] {strides = array<i32>} : memref<80x128xi32, #tpu.memory_space<vmem>>, vector<1x16xi32>,
    %get3A_350 = vector.shape_cast %get3A_349 : vector<1x16xi32> to vector<16xi32>
    %and3A_351 = arith.constant 65535 : i32
    %and3A_352 = vector.broadcast %and3A_351 : i32 to vector<16xi32>
    %and3A_353 = arith.andi %get3A_350, %and3A_352 : vector<16xi32>
    %swap3A_354 = arith.constant 1 : i32
    %swap3A_355 = arith.index_cast %swap3A_354 : i32 to index
    %swap3A_356 = arith.constant 96 : index
    %swap3A_357 = tpu.vector_load %arg6[%swap3A_355, %swap3A_356] {strides = array<i32>} : memref<2x128xi32, #tpu.memory_space<vmem>>, vector<1x16xi32>,
    %swap3A_358 = vector.shape_cast %swap3A_357 : vector<1x16xi32> to vector<16xi32>
    %swap3A_359 = vector.shape_cast %and3A_353 : vector<16xi32> to vector<1x16xi32>
    tpu.vector_store %arg6[%swap3A_355, %swap3A_356], %swap3A_359 {strides = array<i32>} : memref<2x128xi32, #tpu.memory_space<vmem>>, vector<1x16xi32>,
    %shift_right_arithmetic3A_360 = arith.constant 16 : i32
    %shift_right_arithmetic3A_361 = vector.broadcast %shift_right_arithmetic3A_360 : i32 to vector<16xi32>
    %shift_right_arithmetic3A_362 = arith.shrsi %get3A_350, %shift_right_arithmetic3A_361 : vector<16xi32>
    %swap3A_363 = arith.constant 1 : i32
    %swap3A_364 = arith.index_cast %swap3A_363 : i32 to index
    %swap3A_365 = arith.constant 96 : index
    %swap3A_366 = tpu.vector_load %arg7[%swap3A_364, %swap3A_365] {strides = array<i32>} : memref<2x128xi32, #tpu.memory_space<vmem>>, vector<1x16xi32>,
    %swap3A_367 = vector.shape_cast %swap3A_366 : vector<1x16xi32> to vector<16xi32>
    %swap3A_368 = vector.shape_cast %shift_right_arithmetic3A_362 : vector<16xi32> to vector<1x16xi32>
    tpu.vector_store %arg7[%swap3A_364, %swap3A_365], %swap3A_368 {strides = array<i32>} : memref<2x128xi32, #tpu.memory_space<vmem>>, vector<1x16xi32>,
    %get3A_369 = arith.constant 1 : i32
    %get3A_370 = arith.index_cast %get3A_369 : i32 to index
    %get3A_371 = arith.constant 112 : index
    %get3A_372 = tpu.vector_load %arg5[%get3A_370, %get3A_371] {strides = array<i32>} : memref<80x128xi32, #tpu.memory_space<vmem>>, vector<1x16xi32>,
    %get3A_373 = vector.shape_cast %get3A_372 : vector<1x16xi32> to vector<16xi32>
    %and3A_374 = arith.constant 65535 : i32
    %and3A_375 = vector.broadcast %and3A_374 : i32 to vector<16xi32>
    %and3A_376 = arith.andi %get3A_373, %and3A_375 : vector<16xi32>
    %swap3A_377 = arith.constant 1 : i32
    %swap3A_378 = arith.index_cast %swap3A_377 : i32 to index
    %swap3A_379 = arith.constant 112 : index
    %swap3A_380 = tpu.vector_load %arg6[%swap3A_378, %swap3A_379] {strides = array<i32>} : memref<2x128xi32, #tpu.memory_space<vmem>>, vector<1x16xi32>,
    %swap3A_381 = vector.shape_cast %swap3A_380 : vector<1x16xi32> to vector<16xi32>
    %swap3A_382 = vector.shape_cast %and3A_376 : vector<16xi32> to vector<1x16xi32>
    tpu.vector_store %arg6[%swap3A_378, %swap3A_379], %swap3A_382 {strides = array<i32>} : memref<2x128xi32, #tpu.memory_space<vmem>>, vector<1x16xi32>,
    %shift_right_arithmetic3A_383 = arith.constant 16 : i32
    %shift_right_arithmetic3A_384 = vector.broadcast %shift_right_arithmetic3A_383 : i32 to vector<16xi32>
    %shift_right_arithmetic3A_385 = arith.shrsi %get3A_373, %shift_right_arithmetic3A_384 : vector<16xi32>
    %swap3A_386 = arith.constant 1 : i32
    %swap3A_387 = arith.index_cast %swap3A_386 : i32 to index
    %swap3A_388 = arith.constant 112 : index
    %swap3A_389 = tpu.vector_load %arg7[%swap3A_387, %swap3A_388] {strides = array<i32>} : memref<2x128xi32, #tpu.memory_space<vmem>>, vector<1x16xi32>,
    %swap3A_390 = vector.shape_cast %swap3A_389 : vector<1x16xi32> to vector<16xi32>
    %swap3A_391 = vector.shape_cast %shift_right_arithmetic3A_385 : vector<16xi32> to vector<1x16xi32>
    tpu.vector_store %arg7[%swap3A_387, %swap3A_388], %swap3A_391 {strides = array<i32>} : memref<2x128xi32, #tpu.memory_space<vmem>>, vector<1x16xi32>,
    %dma_start3A_392 = arith.constant 1 : i32
    %dma_start3A_393 = arith.constant 1 : i32
    %dma_start3A_394 = arith.constant 0 : i32
    %dma_start3A_395 = arith.constant 0 : i32
    %dma_start3A_396 = tpu.memref_slice %arg8[%dma_start3A_393, %dma_start3A_394, %dma_start3A_395] : memref<2x128x128xf32, #tpu.memory_space<vmem>> -> memref<1x128x128xf32, #tpu.memory_space<vmem>>
    %dma_start3A_397 = tpu.memref_squeeze %dma_start3A_396 : memref<1x128x128xf32, #tpu.memory_space<vmem>> -> memref<128x128xf32, #tpu.memory_space<vmem>>
    %dma_start3A_398 = arith.constant 0 : i32
    %dma_start3A_399 = tpu.memref_slice %arg6[%dma_start3A_392, %dma_start3A_398] : memref<2x128xi32, #tpu.memory_space<vmem>> -> memref<1x128xi32, #tpu.memory_space<vmem>>
    %dma_start3A_400 = tpu.memref_squeeze %dma_start3A_399 : memref<1x128xi32, #tpu.memory_space<vmem>> -> memref<128xi32, #tpu.memory_space<vmem>>
    %dma_start3A_401 = arith.constant 0 : i32
    %dma_start3A_402 = arith.constant 0 : i32
    %dma_start3A_403 = tpu.memref_slice %arg2[%dma_start3A_401, %dma_start3A_402] : memref<10000x128xf32, #tpu.memory_space<hbm>> -> memref<10000x128xf32, #tpu.memory_space<hbm>>
    tpu.enqueue_indirect_dma source(%dma_start3A_403 : memref<10000x128xf32, #tpu.memory_space<hbm>>) target(%dma_start3A_397 : memref<128x128xf32, #tpu.memory_space<vmem>>) offsets(%dma_start3A_400 : memref<128xi32, #tpu.memory_space<vmem>>) semaphore(%arg11 : memref<!tpu.dma_semaphore, #tpu.memory_space<semaphore_mem>>)
    %scan3A_404 = arith.constant 0 : i32
    %scan3A_405 = arith.constant 0 : i32
    %scan3A_406 = arith.constant 39 : i32
    %scan3A_407 = arith.addi %scan3A_405, %scan3A_406 : i32
    %scan3A_408 = arith.constant 1 : i32
    scf.for %scan3A_438 = %scan3A_405 to %scan3A_407 step %scan3A_408  : i32 {
      %mul3A_439 = arith.constant 2 : i32
      %mul3A_440 = arith.muli %scan3A_438, %mul3A_439 : i32
      %dma_wait3A_441 = arith.constant 0 : i32
      %dma_wait3A_442 = arith.constant 0 : i32
      %dma_wait3A_443 = arith.constant 0 : i32
      %dma_wait3A_444 = arith.constant 0 : i32
      %dma_wait3A_445 = tpu.memref_slice %arg8[%dma_wait3A_442, %dma_wait3A_443, %dma_wait3A_444] : memref<2x128x128xf32, #tpu.memory_space<vmem>> -> memref<1x128x128xf32, #tpu.memory_space<vmem>>
      %dma_wait3A_446 = tpu.memref_squeeze %dma_wait3A_445 : memref<1x128x128xf32, #tpu.memory_space<vmem>> -> memref<128x128xf32, #tpu.memory_space<vmem>>
      %dma_wait3A_447 = arith.constant 0 : i32
      %dma_wait3A_448 = tpu.memref_slice %arg6[%dma_wait3A_441, %dma_wait3A_447] : memref<2x128xi32, #tpu.memory_space<vmem>> -> memref<1x128xi32, #tpu.memory_space<vmem>>
      %dma_wait3A_449 = tpu.memref_squeeze %dma_wait3A_448 : memref<1x128xi32, #tpu.memory_space<vmem>> -> memref<128xi32, #tpu.memory_space<vmem>>
      %dma_wait3A_450 = arith.constant 0 : i32
      %dma_wait3A_451 = arith.constant 0 : i32
      %dma_wait3A_452 = tpu.memref_slice %arg2[%dma_wait3A_450, %dma_wait3A_451] : memref<10000x128xf32, #tpu.memory_space<hbm>> -> memref<10000x128xf32, #tpu.memory_space<hbm>>
      tpu.wait_indirect_dma semaphore(%arg10 : memref<!tpu.dma_semaphore, #tpu.memory_space<semaphore_mem>>) src(%dma_wait3A_452 : memref<10000x128xf32, #tpu.memory_space<hbm>>) dst(%dma_wait3A_446 : memref<128x128xf32, #tpu.memory_space<vmem>>)
      %run_scoped3A_453 = arith.constant 0 : i32
      %run_scoped3A_454 = arith.constant 0 : i32
      "tpu.region"() ({
        %run_scoped3A_853 = tpu.sem_alloc : memref<!tpu.dma_semaphore, #tpu.memory_space<semaphore_mem>>
        %dma_start3A_854 = arith.constant 0 : i32
        %dma_start3A_855 = arith.constant 0 : i32
        %dma_start3A_856 = tpu.memref_slice %arg8[%run_scoped3A_453, %dma_start3A_854, %dma_start3A_855] : memref<2x128x128xf32, #tpu.memory_space<vmem>> -> memref<1x128x128xf32, #tpu.memory_space<vmem>>
        %dma_start3A_857 = tpu.memref_squeeze %dma_start3A_856 : memref<1x128x128xf32, #tpu.memory_space<vmem>> -> memref<128x128xf32, #tpu.memory_space<vmem>>
        %dma_start3A_858 = arith.constant 0 : i32
        %dma_start3A_859 = tpu.memref_slice %arg7[%run_scoped3A_454, %dma_start3A_858] : memref<2x128xi32, #tpu.memory_space<vmem>> -> memref<1x128xi32, #tpu.memory_space<vmem>>
        %dma_start3A_860 = tpu.memref_squeeze %dma_start3A_859 : memref<1x128xi32, #tpu.memory_space<vmem>> -> memref<128xi32, #tpu.memory_space<vmem>>
        %dma_start3A_861 = arith.constant 0 : i32
        %dma_start3A_862 = arith.constant 0 : i32
        %dma_start3A_863 = tpu.memref_slice %arg9[%dma_start3A_861, %dma_start3A_862] : memref<10112x128xf32, #tpu.memory_space<vmem_shared>> -> memref<10112x128xf32, #tpu.memory_space<vmem_shared>>
        tpu.enqueue_indirect_dma source(%dma_start3A_857 : memref<128x128xf32, #tpu.memory_space<vmem>>) target(%dma_start3A_863 : memref<10112x128xf32, #tpu.memory_space<vmem_shared>>) offsets(%dma_start3A_860 : memref<128xi32, #tpu.memory_space<vmem>>) semaphore(%run_scoped3A_853 : memref<!tpu.dma_semaphore, #tpu.memory_space<semaphore_mem>>) {add = true}
        %dma_wait3A_864 = arith.constant 0 : i32
        %dma_wait3A_865 = arith.constant 0 : i32
        %dma_wait3A_866 = tpu.memref_slice %arg8[%run_scoped3A_453, %dma_wait3A_864, %dma_wait3A_865] : memref<2x128x128xf32, #tpu.memory_space<vmem>> -> memref<1x128x128xf32, #tpu.memory_space<vmem>>
        %dma_wait3A_867 = tpu.memref_squeeze %dma_wait3A_866 : memref<1x128x128xf32, #tpu.memory_space<vmem>> -> memref<128x128xf32, #tpu.memory_space<vmem>>
        %dma_wait3A_868 = arith.constant 0 : i32
        %dma_wait3A_869 = tpu.memref_slice %arg7[%run_scoped3A_454, %dma_wait3A_868] : memref<2x128xi32, #tpu.memory_space<vmem>> -> memref<1x128xi32, #tpu.memory_space<vmem>>
        %dma_wait3A_870 = tpu.memref_squeeze %dma_wait3A_869 : memref<1x128xi32, #tpu.memory_space<vmem>> -> memref<128xi32, #tpu.memory_space<vmem>>
        %dma_wait3A_871 = arith.constant 0 : i32
        %dma_wait3A_872 = arith.constant 0 : i32
        %dma_wait3A_873 = tpu.memref_slice %arg9[%dma_wait3A_871, %dma_wait3A_872] : memref<10112x128xf32, #tpu.memory_space<vmem_shared>> -> memref<10112x128xf32, #tpu.memory_space<vmem_shared>>
        tpu.wait_indirect_dma semaphore(%run_scoped3A_853 : memref<!tpu.dma_semaphore, #tpu.memory_space<semaphore_mem>>) src(%dma_wait3A_867 : memref<128x128xf32, #tpu.memory_space<vmem>>) dst(%dma_wait3A_873 : memref<10112x128xf32, #tpu.memory_space<vmem_shared>>)
        tpu.yield
      }) : () -> ()
      %add3A_455 = arith.constant 0 : i32
      %add3A_456 = arith.addi %mul3A_440, %add3A_455 : i32
      %add3A_457 = arith.constant 2 : i32
      %add3A_458 = arith.addi %add3A_456, %add3A_457 : i32
      %get3A_459 = arith.index_cast %add3A_458 : i32 to index
      %get3A_460 = arith.constant 0 : index
      %get3A_461 = tpu.vector_load %arg5[%get3A_459, %get3A_460] {strides = array<i32>} : memref<80x128xi32, #tpu.memory_space<vmem>>, vector<1x16xi32>,
      %get3A_462 = vector.shape_cast %get3A_461 : vector<1x16xi32> to vector<16xi32>
      %and3A_463 = arith.constant 65535 : i32
      %and3A_464 = vector.broadcast %and3A_463 : i32 to vector<16xi32>
      %and3A_465 = arith.andi %get3A_462, %and3A_464 : vector<16xi32>
      %swap3A_466 = arith.constant 0 : i32
      %swap3A_467 = arith.index_cast %swap3A_466 : i32 to index
      %swap3A_468 = arith.constant 0 : index
      %swap3A_469 = tpu.vector_load %arg6[%swap3A_467, %swap3A_468] {strides = array<i32>} : memref<2x128xi32, #tpu.memory_space<vmem>>, vector<1x16xi32>,
      %swap3A_470 = vector.shape_cast %swap3A_469 : vector<1x16xi32> to vector<16xi32>
      %swap3A_471 = vector.shape_cast %and3A_465 : vector<16xi32> to vector<1x16xi32>
      tpu.vector_store %arg6[%swap3A_467, %swap3A_468], %swap3A_471 {strides = array<i32>} : memref<2x128xi32, #tpu.memory_space<vmem>>, vector<1x16xi32>,
      %shift_right_arithmetic3A_472 = arith.constant 16 : i32
      %shift_right_arithmetic3A_473 = vector.broadcast %shift_right_arithmetic3A_472 : i32 to vector<16xi32>
      %shift_right_arithmetic3A_474 = arith.shrsi %get3A_462, %shift_right_arithmetic3A_473 : vector<16xi32>
      %swap3A_475 = arith.constant 0 : i32
      %swap3A_476 = arith.index_cast %swap3A_475 : i32 to index
      %swap3A_477 = arith.constant 0 : index
      %swap3A_478 = tpu.vector_load %arg7[%swap3A_476, %swap3A_477] {strides = array<i32>} : memref<2x128xi32, #tpu.memory_space<vmem>>, vector<1x16xi32>,
      %swap3A_479 = vector.shape_cast %swap3A_478 : vector<1x16xi32> to vector<16xi32>
      %swap3A_480 = vector.shape_cast %shift_right_arithmetic3A_474 : vector<16xi32> to vector<1x16xi32>
      tpu.vector_store %arg7[%swap3A_476, %swap3A_477], %swap3A_480 {strides = array<i32>} : memref<2x128xi32, #tpu.memory_space<vmem>>, vector<1x16xi32>,
      %get3A_481 = arith.index_cast %add3A_458 : i32 to index
      %get3A_482 = arith.constant 16 : index
      %get3A_483 = tpu.vector_load %arg5[%get3A_481, %get3A_482] {strides = array<i32>} : memref<80x128xi32, #tpu.memory_space<vmem>>, vector<1x16xi32>,
      %get3A_484 = vector.shape_cast %get3A_483 : vector<1x16xi32> to vector<16xi32>
      %and3A_485 = arith.constant 65535 : i32
      %and3A_486 = vector.broadcast %and3A_485 : i32 to vector<16xi32>
      %and3A_487 = arith.andi %get3A_484, %and3A_486 : vector<16xi32>
      %swap3A_488 = arith.constant 0 : i32
      %swap3A_489 = arith.index_cast %swap3A_488 : i32 to index
      %swap3A_490 = arith.constant 16 : index
      %swap3A_491 = tpu.vector_load %arg6[%swap3A_489, %swap3A_490] {strides = array<i32>} : memref<2x128xi32, #tpu.memory_space<vmem>>, vector<1x16xi32>,
      %swap3A_492 = vector.shape_cast %swap3A_491 : vector<1x16xi32> to vector<16xi32>
      %swap3A_493 = vector.shape_cast %and3A_487 : vector<16xi32> to vector<1x16xi32>
      tpu.vector_store %arg6[%swap3A_489, %swap3A_490], %swap3A_493 {strides = array<i32>} : memref<2x128xi32, #tpu.memory_space<vmem>>, vector<1x16xi32>,
      %shift_right_arithmetic3A_494 = arith.constant 16 : i32
      %shift_right_arithmetic3A_495 = vector.broadcast %shift_right_arithmetic3A_494 : i32 to vector<16xi32>
      %shift_right_arithmetic3A_496 = arith.shrsi %get3A_484, %shift_right_arithmetic3A_495 : vector<16xi32>
      %swap3A_497 = arith.constant 0 : i32
      %swap3A_498 = arith.index_cast %swap3A_497 : i32 to index
      %swap3A_499 = arith.constant 16 : index
      %swap3A_500 = tpu.vector_load %arg7[%swap3A_498, %swap3A_499] {strides = array<i32>} : memref<2x128xi32, #tpu.memory_space<vmem>>, vector<1x16xi32>,
      %swap3A_501 = vector.shape_cast %swap3A_500 : vector<1x16xi32> to vector<16xi32>
      %swap3A_502 = vector.shape_cast %shift_right_arithmetic3A_496 : vector<16xi32> to vector<1x16xi32>
      tpu.vector_store %arg7[%swap3A_498, %swap3A_499], %swap3A_502 {strides = array<i32>} : memref<2x128xi32, #tpu.memory_space<vmem>>, vector<1x16xi32>,
      %get3A_503 = arith.index_cast %add3A_458 : i32 to index
      %get3A_504 = arith.constant 32 : index
      %get3A_505 = tpu.vector_load %arg5[%get3A_503, %get3A_504] {strides = array<i32>} : memref<80x128xi32, #tpu.memory_space<vmem>>, vector<1x16xi32>,
      %get3A_506 = vector.shape_cast %get3A_505 : vector<1x16xi32> to vector<16xi32>
      %and3A_507 = arith.constant 65535 : i32
      %and3A_508 = vector.broadcast %and3A_507 : i32 to vector<16xi32>
      %and3A_509 = arith.andi %get3A_506, %and3A_508 : vector<16xi32>
      %swap3A_510 = arith.constant 0 : i32
      %swap3A_511 = arith.index_cast %swap3A_510 : i32 to index
      %swap3A_512 = arith.constant 32 : index
      %swap3A_513 = tpu.vector_load %arg6[%swap3A_511, %swap3A_512] {strides = array<i32>} : memref<2x128xi32, #tpu.memory_space<vmem>>, vector<1x16xi32>,
      %swap3A_514 = vector.shape_cast %swap3A_513 : vector<1x16xi32> to vector<16xi32>
      %swap3A_515 = vector.shape_cast %and3A_509 : vector<16xi32> to vector<1x16xi32>
      tpu.vector_store %arg6[%swap3A_511, %swap3A_512], %swap3A_515 {strides = array<i32>} : memref<2x128xi32, #tpu.memory_space<vmem>>, vector<1x16xi32>,
      %shift_right_arithmetic3A_516 = arith.constant 16 : i32
      %shift_right_arithmetic3A_517 = vector.broadcast %shift_right_arithmetic3A_516 : i32 to vector<16xi32>
      %shift_right_arithmetic3A_518 = arith.shrsi %get3A_506, %shift_right_arithmetic3A_517 : vector<16xi32>
      %swap3A_519 = arith.constant 0 : i32
      %swap3A_520 = arith.index_cast %swap3A_519 : i32 to index
      %swap3A_521 = arith.constant 32 : index
      %swap3A_522 = tpu.vector_load %arg7[%swap3A_520, %swap3A_521] {strides = array<i32>} : memref<2x128xi32, #tpu.memory_space<vmem>>, vector<1x16xi32>,
      %swap3A_523 = vector.shape_cast %swap3A_522 : vector<1x16xi32> to vector<16xi32>
      %swap3A_524 = vector.shape_cast %shift_right_arithmetic3A_518 : vector<16xi32> to vector<1x16xi32>
      tpu.vector_store %arg7[%swap3A_520, %swap3A_521], %swap3A_524 {strides = array<i32>} : memref<2x128xi32, #tpu.memory_space<vmem>>, vector<1x16xi32>,
      %get3A_525 = arith.index_cast %add3A_458 : i32 to index
      %get3A_526 = arith.constant 48 : index
      %get3A_527 = tpu.vector_load %arg5[%get3A_525, %get3A_526] {strides = array<i32>} : memref<80x128xi32, #tpu.memory_space<vmem>>, vector<1x16xi32>,
      %get3A_528 = vector.shape_cast %get3A_527 : vector<1x16xi32> to vector<16xi32>
      %and3A_529 = arith.constant 65535 : i32
      %and3A_530 = vector.broadcast %and3A_529 : i32 to vector<16xi32>
      %and3A_531 = arith.andi %get3A_528, %and3A_530 : vector<16xi32>
      %swap3A_532 = arith.constant 0 : i32
      %swap3A_533 = arith.index_cast %swap3A_532 : i32 to index
      %swap3A_534 = arith.constant 48 : index
      %swap3A_535 = tpu.vector_load %arg6[%swap3A_533, %swap3A_534] {strides = array<i32>} : memref<2x128xi32, #tpu.memory_space<vmem>>, vector<1x16xi32>,
      %swap3A_536 = vector.shape_cast %swap3A_535 : vector<1x16xi32> to vector<16xi32>
      %swap3A_537 = vector.shape_cast %and3A_531 : vector<16xi32> to vector<1x16xi32>
      tpu.vector_store %arg6[%swap3A_533, %swap3A_534], %swap3A_537 {strides = array<i32>} : memref<2x128xi32, #tpu.memory_space<vmem>>, vector<1x16xi32>,
      %shift_right_arithmetic3A_538 = arith.constant 16 : i32
      %shift_right_arithmetic3A_539 = vector.broadcast %shift_right_arithmetic3A_538 : i32 to vector<16xi32>
      %shift_right_arithmetic3A_540 = arith.shrsi %get3A_528, %shift_right_arithmetic3A_539 : vector<16xi32>
      %swap3A_541 = arith.constant 0 : i32
      %swap3A_542 = arith.index_cast %swap3A_541 : i32 to index
      %swap3A_543 = arith.constant 48 : index
      %swap3A_544 = tpu.vector_load %arg7[%swap3A_542, %swap3A_543] {strides = array<i32>} : memref<2x128xi32, #tpu.memory_space<vmem>>, vector<1x16xi32>,
      %swap3A_545 = vector.shape_cast %swap3A_544 : vector<1x16xi32> to vector<16xi32>
      %swap3A_546 = vector.shape_cast %shift_right_arithmetic3A_540 : vector<16xi32> to vector<1x16xi32>
      tpu.vector_store %arg7[%swap3A_542, %swap3A_543], %swap3A_546 {strides = array<i32>} : memref<2x128xi32, #tpu.memory_space<vmem>>, vector<1x16xi32>,
      %get3A_547 = arith.index_cast %add3A_458 : i32 to index
      %get3A_548 = arith.constant 64 : index
      %get3A_549 = tpu.vector_load %arg5[%get3A_547, %get3A_548] {strides = array<i32>} : memref<80x128xi32, #tpu.memory_space<vmem>>, vector<1x16xi32>,
      %get3A_550 = vector.shape_cast %get3A_549 : vector<1x16xi32> to vector<16xi32>
      %and3A_551 = arith.constant 65535 : i32
      %and3A_552 = vector.broadcast %and3A_551 : i32 to vector<16xi32>
      %and3A_553 = arith.andi %get3A_550, %and3A_552 : vector<16xi32>
      %swap3A_554 = arith.constant 0 : i32
      %swap3A_555 = arith.index_cast %swap3A_554 : i32 to index
      %swap3A_556 = arith.constant 64 : index
      %swap3A_557 = tpu.vector_load %arg6[%swap3A_555, %swap3A_556] {strides = array<i32>} : memref<2x128xi32, #tpu.memory_space<vmem>>, vector<1x16xi32>,
      %swap3A_558 = vector.shape_cast %swap3A_557 : vector<1x16xi32> to vector<16xi32>
      %swap3A_559 = vector.shape_cast %and3A_553 : vector<16xi32> to vector<1x16xi32>
      tpu.vector_store %arg6[%swap3A_555, %swap3A_556], %swap3A_559 {strides = array<i32>} : memref<2x128xi32, #tpu.memory_space<vmem>>, vector<1x16xi32>,
      %shift_right_arithmetic3A_560 = arith.constant 16 : i32
      %shift_right_arithmetic3A_561 = vector.broadcast %shift_right_arithmetic3A_560 : i32 to vector<16xi32>
      %shift_right_arithmetic3A_562 = arith.shrsi %get3A_550, %shift_right_arithmetic3A_561 : vector<16xi32>
      %swap3A_563 = arith.constant 0 : i32
      %swap3A_564 = arith.index_cast %swap3A_563 : i32 to index
      %swap3A_565 = arith.constant 64 : index
      %swap3A_566 = tpu.vector_load %arg7[%swap3A_564, %swap3A_565] {strides = array<i32>} : memref<2x128xi32, #tpu.memory_space<vmem>>, vector<1x16xi32>,
      %swap3A_567 = vector.shape_cast %swap3A_566 : vector<1x16xi32> to vector<16xi32>
      %swap3A_568 = vector.shape_cast %shift_right_arithmetic3A_562 : vector<16xi32> to vector<1x16xi32>
      tpu.vector_store %arg7[%swap3A_564, %swap3A_565], %swap3A_568 {strides = array<i32>} : memref<2x128xi32, #tpu.memory_space<vmem>>, vector<1x16xi32>,
      %get3A_569 = arith.index_cast %add3A_458 : i32 to index
      %get3A_570 = arith.constant 80 : index
      %get3A_571 = tpu.vector_load %arg5[%get3A_569, %get3A_570] {strides = array<i32>} : memref<80x128xi32, #tpu.memory_space<vmem>>, vector<1x16xi32>,
      %get3A_572 = vector.shape_cast %get3A_571 : vector<1x16xi32> to vector<16xi32>
      %and3A_573 = arith.constant 65535 : i32
      %and3A_574 = vector.broadcast %and3A_573 : i32 to vector<16xi32>
      %and3A_575 = arith.andi %get3A_572, %and3A_574 : vector<16xi32>
      %swap3A_576 = arith.constant 0 : i32
      %swap3A_577 = arith.index_cast %swap3A_576 : i32 to index
      %swap3A_578 = arith.constant 80 : index
      %swap3A_579 = tpu.vector_load %arg6[%swap3A_577, %swap3A_578] {strides = array<i32>} : memref<2x128xi32, #tpu.memory_space<vmem>>, vector<1x16xi32>,
      %swap3A_580 = vector.shape_cast %swap3A_579 : vector<1x16xi32> to vector<16xi32>
      %swap3A_581 = vector.shape_cast %and3A_575 : vector<16xi32> to vector<1x16xi32>
      tpu.vector_store %arg6[%swap3A_577, %swap3A_578], %swap3A_581 {strides = array<i32>} : memref<2x128xi32, #tpu.memory_space<vmem>>, vector<1x16xi32>,
      %shift_right_arithmetic3A_582 = arith.constant 16 : i32
      %shift_right_arithmetic3A_583 = vector.broadcast %shift_right_arithmetic3A_582 : i32 to vector<16xi32>
      %shift_right_arithmetic3A_584 = arith.shrsi %get3A_572, %shift_right_arithmetic3A_583 : vector<16xi32>
      %swap3A_585 = arith.constant 0 : i32
      %swap3A_586 = arith.index_cast %swap3A_585 : i32 to index
      %swap3A_587 = arith.constant 80 : index
      %swap3A_588 = tpu.vector_load %arg7[%swap3A_586, %swap3A_587] {strides = array<i32>} : memref<2x128xi32, #tpu.memory_space<vmem>>, vector<1x16xi32>,
      %swap3A_589 = vector.shape_cast %swap3A_588 : vector<1x16xi32> to vector<16xi32>
      %swap3A_590 = vector.shape_cast %shift_right_arithmetic3A_584 : vector<16xi32> to vector<1x16xi32>
      tpu.vector_store %arg7[%swap3A_586, %swap3A_587], %swap3A_590 {strides = array<i32>} : memref<2x128xi32, #tpu.memory_space<vmem>>, vector<1x16xi32>,
      %get3A_591 = arith.index_cast %add3A_458 : i32 to index
      %get3A_592 = arith.constant 96 : index
      %get3A_593 = tpu.vector_load %arg5[%get3A_591, %get3A_592] {strides = array<i32>} : memref<80x128xi32, #tpu.memory_space<vmem>>, vector<1x16xi32>,
      %get3A_594 = vector.shape_cast %get3A_593 : vector<1x16xi32> to vector<16xi32>
      %and3A_595 = arith.constant 65535 : i32
      %and3A_596 = vector.broadcast %and3A_595 : i32 to vector<16xi32>
      %and3A_597 = arith.andi %get3A_594, %and3A_596 : vector<16xi32>
      %swap3A_598 = arith.constant 0 : i32
      %swap3A_599 = arith.index_cast %swap3A_598 : i32 to index
      %swap3A_600 = arith.constant 96 : index
      %swap3A_601 = tpu.vector_load %arg6[%swap3A_599, %swap3A_600] {strides = array<i32>} : memref<2x128xi32, #tpu.memory_space<vmem>>, vector<1x16xi32>,
      %swap3A_602 = vector.shape_cast %swap3A_601 : vector<1x16xi32> to vector<16xi32>
      %swap3A_603 = vector.shape_cast %and3A_597 : vector<16xi32> to vector<1x16xi32>
      tpu.vector_store %arg6[%swap3A_599, %swap3A_600], %swap3A_603 {strides = array<i32>} : memref<2x128xi32, #tpu.memory_space<vmem>>, vector<1x16xi32>,
      %shift_right_arithmetic3A_604 = arith.constant 16 : i32
      %shift_right_arithmetic3A_605 = vector.broadcast %shift_right_arithmetic3A_604 : i32 to vector<16xi32>
      %shift_right_arithmetic3A_606 = arith.shrsi %get3A_594, %shift_right_arithmetic3A_605 : vector<16xi32>
      %swap3A_607 = arith.constant 0 : i32
      %swap3A_608 = arith.index_cast %swap3A_607 : i32 to index
      %swap3A_609 = arith.constant 96 : index
      %swap3A_610 = tpu.vector_load %arg7[%swap3A_608, %swap3A_609] {strides = array<i32>} : memref<2x128xi32, #tpu.memory_space<vmem>>, vector<1x16xi32>,
      %swap3A_611 = vector.shape_cast %swap3A_610 : vector<1x16xi32> to vector<16xi32>
      %swap3A_612 = vector.shape_cast %shift_right_arithmetic3A_606 : vector<16xi32> to vector<1x16xi32>
      tpu.vector_store %arg7[%swap3A_608, %swap3A_609], %swap3A_612 {strides = array<i32>} : memref<2x128xi32, #tpu.memory_space<vmem>>, vector<1x16xi32>,
      %get3A_613 = arith.index_cast %add3A_458 : i32 to index
      %get3A_614 = arith.constant 112 : index
      %get3A_615 = tpu.vector_load %arg5[%get3A_613, %get3A_614] {strides = array<i32>} : memref<80x128xi32, #tpu.memory_space<vmem>>, vector<1x16xi32>,
      %get3A_616 = vector.shape_cast %get3A_615 : vector<1x16xi32> to vector<16xi32>
      %and3A_617 = arith.constant 65535 : i32
      %and3A_618 = vector.broadcast %and3A_617 : i32 to vector<16xi32>
      %and3A_619 = arith.andi %get3A_616, %and3A_618 : vector<16xi32>
      %swap3A_620 = arith.constant 0 : i32
      %swap3A_621 = arith.index_cast %swap3A_620 : i32 to index
      %swap3A_622 = arith.constant 112 : index
      %swap3A_623 = tpu.vector_load %arg6[%swap3A_621, %swap3A_622] {strides = array<i32>} : memref<2x128xi32, #tpu.memory_space<vmem>>, vector<1x16xi32>,
      %swap3A_624 = vector.shape_cast %swap3A_623 : vector<1x16xi32> to vector<16xi32>
      %swap3A_625 = vector.shape_cast %and3A_619 : vector<16xi32> to vector<1x16xi32>
      tpu.vector_store %arg6[%swap3A_621, %swap3A_622], %swap3A_625 {strides = array<i32>} : memref<2x128xi32, #tpu.memory_space<vmem>>, vector<1x16xi32>,
      %shift_right_arithmetic3A_626 = arith.constant 16 : i32
      %shift_right_arithmetic3A_627 = vector.broadcast %shift_right_arithmetic3A_626 : i32 to vector<16xi32>
      %shift_right_arithmetic3A_628 = arith.shrsi %get3A_616, %shift_right_arithmetic3A_627 : vector<16xi32>
      %swap3A_629 = arith.constant 0 : i32
      %swap3A_630 = arith.index_cast %swap3A_629 : i32 to index
      %swap3A_631 = arith.constant 112 : index
      %swap3A_632 = tpu.vector_load %arg7[%swap3A_630, %swap3A_631] {strides = array<i32>} : memref<2x128xi32, #tpu.memory_space<vmem>>, vector<1x16xi32>,
      %swap3A_633 = vector.shape_cast %swap3A_632 : vector<1x16xi32> to vector<16xi32>
      %swap3A_634 = vector.shape_cast %shift_right_arithmetic3A_628 : vector<16xi32> to vector<1x16xi32>
      tpu.vector_store %arg7[%swap3A_630, %swap3A_631], %swap3A_634 {strides = array<i32>} : memref<2x128xi32, #tpu.memory_space<vmem>>, vector<1x16xi32>,
      %dma_start3A_635 = arith.constant 0 : i32
      %dma_start3A_636 = arith.constant 0 : i32
      %dma_start3A_637 = arith.constant 0 : i32
      %dma_start3A_638 = arith.constant 0 : i32
      %dma_start3A_639 = tpu.memref_slice %arg8[%dma_start3A_636, %dma_start3A_637, %dma_start3A_638] : memref<2x128x128xf32, #tpu.memory_space<vmem>> -> memref<1x128x128xf32, #tpu.memory_space<vmem>>
      %dma_start3A_640 = tpu.memref_squeeze %dma_start3A_639 : memref<1x128x128xf32, #tpu.memory_space<vmem>> -> memref<128x128xf32, #tpu.memory_space<vmem>>
      %dma_start3A_641 = arith.constant 0 : i32
      %dma_start3A_642 = tpu.memref_slice %arg6[%dma_start3A_635, %dma_start3A_641] : memref<2x128xi32, #tpu.memory_space<vmem>> -> memref<1x128xi32, #tpu.memory_space<vmem>>
      %dma_start3A_643 = tpu.memref_squeeze %dma_start3A_642 : memref<1x128xi32, #tpu.memory_space<vmem>> -> memref<128xi32, #tpu.memory_space<vmem>>
      %dma_start3A_644 = arith.constant 0 : i32
      %dma_start3A_645 = arith.constant 0 : i32
      %dma_start3A_646 = tpu.memref_slice %arg2[%dma_start3A_644, %dma_start3A_645] : memref<10000x128xf32, #tpu.memory_space<hbm>> -> memref<10000x128xf32, #tpu.memory_space<hbm>>
      tpu.enqueue_indirect_dma source(%dma_start3A_646 : memref<10000x128xf32, #tpu.memory_space<hbm>>) target(%dma_start3A_640 : memref<128x128xf32, #tpu.memory_space<vmem>>) offsets(%dma_start3A_643 : memref<128xi32, #tpu.memory_space<vmem>>) semaphore(%arg10 : memref<!tpu.dma_semaphore, #tpu.memory_space<semaphore_mem>>)
      %dma_wait3A_647 = arith.constant 1 : i32
      %dma_wait3A_648 = arith.constant 1 : i32
      %dma_wait3A_649 = arith.constant 0 : i32
      %dma_wait3A_650 = arith.constant 0 : i32
      %dma_wait3A_651 = tpu.memref_slice %arg8[%dma_wait3A_648, %dma_wait3A_649, %dma_wait3A_650] : memref<2x128x128xf32, #tpu.memory_space<vmem>> -> memref<1x128x128xf32, #tpu.memory_space<vmem>>
      %dma_wait3A_652 = tpu.memref_squeeze %dma_wait3A_651 : memref<1x128x128xf32, #tpu.memory_space<vmem>> -> memref<128x128xf32, #tpu.memory_space<vmem>>
      %dma_wait3A_653 = arith.constant 0 : i32
      %dma_wait3A_654 = tpu.memref_slice %arg6[%dma_wait3A_647, %dma_wait3A_653] : memref<2x128xi32, #tpu.memory_space<vmem>> -> memref<1x128xi32, #tpu.memory_space<vmem>>
      %dma_wait3A_655 = tpu.memref_squeeze %dma_wait3A_654 : memref<1x128xi32, #tpu.memory_space<vmem>> -> memref<128xi32, #tpu.memory_space<vmem>>
      %dma_wait3A_656 = arith.constant 0 : i32
      %dma_wait3A_657 = arith.constant 0 : i32
      %dma_wait3A_658 = tpu.memref_slice %arg2[%dma_wait3A_656, %dma_wait3A_657] : memref<10000x128xf32, #tpu.memory_space<hbm>> -> memref<10000x128xf32, #tpu.memory_space<hbm>>
      tpu.wait_indirect_dma semaphore(%arg11 : memref<!tpu.dma_semaphore, #tpu.memory_space<semaphore_mem>>) src(%dma_wait3A_658 : memref<10000x128xf32, #tpu.memory_space<hbm>>) dst(%dma_wait3A_652 : memref<128x128xf32, #tpu.memory_space<vmem>>)
      %run_scoped3A_659 = arith.constant 1 : i32
      %run_scoped3A_660 = arith.constant 1 : i32
      "tpu.region"() ({
        %run_scoped3A_853 = tpu.sem_alloc : memref<!tpu.dma_semaphore, #tpu.memory_space<semaphore_mem>>
        %dma_start3A_854 = arith.constant 0 : i32
        %dma_start3A_855 = arith.constant 0 : i32
        %dma_start3A_856 = tpu.memref_slice %arg8[%run_scoped3A_659, %dma_start3A_854, %dma_start3A_855] : memref<2x128x128xf32, #tpu.memory_space<vmem>> -> memref<1x128x128xf32, #tpu.memory_space<vmem>>
        %dma_start3A_857 = tpu.memref_squeeze %dma_start3A_856 : memref<1x128x128xf32, #tpu.memory_space<vmem>> -> memref<128x128xf32, #tpu.memory_space<vmem>>
        %dma_start3A_858 = arith.constant 0 : i32
        %dma_start3A_859 = tpu.memref_slice %arg7[%run_scoped3A_660, %dma_start3A_858] : memref<2x128xi32, #tpu.memory_space<vmem>> -> memref<1x128xi32, #tpu.memory_space<vmem>>
        %dma_start3A_860 = tpu.memref_squeeze %dma_start3A_859 : memref<1x128xi32, #tpu.memory_space<vmem>> -> memref<128xi32, #tpu.memory_space<vmem>>
        %dma_start3A_861 = arith.constant 0 : i32
        %dma_start3A_862 = arith.constant 0 : i32
        %dma_start3A_863 = tpu.memref_slice %arg9[%dma_start3A_861, %dma_start3A_862] : memref<10112x128xf32, #tpu.memory_space<vmem_shared>> -> memref<10112x128xf32, #tpu.memory_space<vmem_shared>>
        tpu.enqueue_indirect_dma source(%dma_start3A_857 : memref<128x128xf32, #tpu.memory_space<vmem>>) target(%dma_start3A_863 : memref<10112x128xf32, #tpu.memory_space<vmem_shared>>) offsets(%dma_start3A_860 : memref<128xi32, #tpu.memory_space<vmem>>) semaphore(%run_scoped3A_853 : memref<!tpu.dma_semaphore, #tpu.memory_space<semaphore_mem>>) {add = true}
        %dma_wait3A_864 = arith.constant 0 : i32
        %dma_wait3A_865 = arith.constant 0 : i32
        %dma_wait3A_866 = tpu.memref_slice %arg8[%run_scoped3A_659, %dma_wait3A_864, %dma_wait3A_865] : memref<2x128x128xf32, #tpu.memory_space<vmem>> -> memref<1x128x128xf32, #tpu.memory_space<vmem>>
        %dma_wait3A_867 = tpu.memref_squeeze %dma_wait3A_866 : memref<1x128x128xf32, #tpu.memory_space<vmem>> -> memref<128x128xf32, #tpu.memory_space<vmem>>
        %dma_wait3A_868 = arith.constant 0 : i32
        %dma_wait3A_869 = tpu.memref_slice %arg7[%run_scoped3A_660, %dma_wait3A_868] : memref<2x128xi32, #tpu.memory_space<vmem>> -> memref<1x128xi32, #tpu.memory_space<vmem>>
        %dma_wait3A_870 = tpu.memref_squeeze %dma_wait3A_869 : memref<1x128xi32, #tpu.memory_space<vmem>> -> memref<128xi32, #tpu.memory_space<vmem>>
        %dma_wait3A_871 = arith.constant 0 : i32
        %dma_wait3A_872 = arith.constant 0 : i32
        %dma_wait3A_873 = tpu.memref_slice %arg9[%dma_wait3A_871, %dma_wait3A_872] : memref<10112x128xf32, #tpu.memory_space<vmem_shared>> -> memref<10112x128xf32, #tpu.memory_space<vmem_shared>>
        tpu.wait_indirect_dma semaphore(%run_scoped3A_853 : memref<!tpu.dma_semaphore, #tpu.memory_space<semaphore_mem>>) src(%dma_wait3A_867 : memref<128x128xf32, #tpu.memory_space<vmem>>) dst(%dma_wait3A_873 : memref<10112x128xf32, #tpu.memory_space<vmem_shared>>)
        tpu.yield
      }) : () -> ()
      %add3A_661 = arith.constant 1 : i32
      %add3A_662 = arith.addi %mul3A_440, %add3A_661 : i32
      %add3A_663 = arith.constant 2 : i32
      %add3A_664 = arith.addi %add3A_662, %add3A_663 : i32
      %get3A_665 = arith.index_cast %add3A_664 : i32 to index
      %get3A_666 = arith.constant 0 : index
      %get3A_667 = tpu.vector_load %arg5[%get3A_665, %get3A_666] {strides = array<i32>} : memref<80x128xi32, #tpu.memory_space<vmem>>, vector<1x16xi32>,
      %get3A_668 = vector.shape_cast %get3A_667 : vector<1x16xi32> to vector<16xi32>
      %and3A_669 = arith.constant 65535 : i32
      %and3A_670 = vector.broadcast %and3A_669 : i32 to vector<16xi32>
      %and3A_671 = arith.andi %get3A_668, %and3A_670 : vector<16xi32>
      %swap3A_672 = arith.constant 1 : i32
      %swap3A_673 = arith.index_cast %swap3A_672 : i32 to index
      %swap3A_674 = arith.constant 0 : index
      %swap3A_675 = tpu.vector_load %arg6[%swap3A_673, %swap3A_674] {strides = array<i32>} : memref<2x128xi32, #tpu.memory_space<vmem>>, vector<1x16xi32>,
      %swap3A_676 = vector.shape_cast %swap3A_675 : vector<1x16xi32> to vector<16xi32>
      %swap3A_677 = vector.shape_cast %and3A_671 : vector<16xi32> to vector<1x16xi32>
      tpu.vector_store %arg6[%swap3A_673, %swap3A_674], %swap3A_677 {strides = array<i32>} : memref<2x128xi32, #tpu.memory_space<vmem>>, vector<1x16xi32>,
      %shift_right_arithmetic3A_678 = arith.constant 16 : i32
      %shift_right_arithmetic3A_679 = vector.broadcast %shift_right_arithmetic3A_678 : i32 to vector<16xi32>
      %shift_right_arithmetic3A_680 = arith.shrsi %get3A_668, %shift_right_arithmetic3A_679 : vector<16xi32>
      %swap3A_681 = arith.constant 1 : i32
      %swap3A_682 = arith.index_cast %swap3A_681 : i32 to index
      %swap3A_683 = arith.constant 0 : index
      %swap3A_684 = tpu.vector_load %arg7[%swap3A_682, %swap3A_683] {strides = array<i32>} : memref<2x128xi32, #tpu.memory_space<vmem>>, vector<1x16xi32>,
      %swap3A_685 = vector.shape_cast %swap3A_684 : vector<1x16xi32> to vector<16xi32>
      %swap3A_686 = vector.shape_cast %shift_right_arithmetic3A_680 : vector<16xi32> to vector<1x16xi32>
      tpu.vector_store %arg7[%swap3A_682, %swap3A_683], %swap3A_686 {strides = array<i32>} : memref<2x128xi32, #tpu.memory_space<vmem>>, vector<1x16xi32>,
      %get3A_687 = arith.index_cast %add3A_664 : i32 to index
      %get3A_688 = arith.constant 16 : index
      %get3A_689 = tpu.vector_load %arg5[%get3A_687, %get3A_688] {strides = array<i32>} : memref<80x128xi32, #tpu.memory_space<vmem>>, vector<1x16xi32>,
      %get3A_690 = vector.shape_cast %get3A_689 : vector<1x16xi32> to vector<16xi32>
      %and3A_691 = arith.constant 65535 : i32
      %and3A_692 = vector.broadcast %and3A_691 : i32 to vector<16xi32>
      %and3A_693 = arith.andi %get3A_690, %and3A_692 : vector<16xi32>
      %swap3A_694 = arith.constant 1 : i32
      %swap3A_695 = arith.index_cast %swap3A_694 : i32 to index
      %swap3A_696 = arith.constant 16 : index
      %swap3A_697 = tpu.vector_load %arg6[%swap3A_695, %swap3A_696] {strides = array<i32>} : memref<2x128xi32, #tpu.memory_space<vmem>>, vector<1x16xi32>,
      %swap3A_698 = vector.shape_cast %swap3A_697 : vector<1x16xi32> to vector<16xi32>
      %swap3A_699 = vector.shape_cast %and3A_693 : vector<16xi32> to vector<1x16xi32>
      tpu.vector_store %arg6[%swap3A_695, %swap3A_696], %swap3A_699 {strides = array<i32>} : memref<2x128xi32, #tpu.memory_space<vmem>>, vector<1x16xi32>,
      %shift_right_arithmetic3A_700 = arith.constant 16 : i32
      %shift_right_arithmetic3A_701 = vector.broadcast %shift_right_arithmetic3A_700 : i32 to vector<16xi32>
      %shift_right_arithmetic3A_702 = arith.shrsi %get3A_690, %shift_right_arithmetic3A_701 : vector<16xi32>
      %swap3A_703 = arith.constant 1 : i32
      %swap3A_704 = arith.index_cast %swap3A_703 : i32 to index
      %swap3A_705 = arith.constant 16 : index
      %swap3A_706 = tpu.vector_load %arg7[%swap3A_704, %swap3A_705] {strides = array<i32>} : memref<2x128xi32, #tpu.memory_space<vmem>>, vector<1x16xi32>,
      %swap3A_707 = vector.shape_cast %swap3A_706 : vector<1x16xi32> to vector<16xi32>
      %swap3A_708 = vector.shape_cast %shift_right_arithmetic3A_702 : vector<16xi32> to vector<1x16xi32>
      tpu.vector_store %arg7[%swap3A_704, %swap3A_705], %swap3A_708 {strides = array<i32>} : memref<2x128xi32, #tpu.memory_space<vmem>>, vector<1x16xi32>,
      %get3A_709 = arith.index_cast %add3A_664 : i32 to index
      %get3A_710 = arith.constant 32 : index
      %get3A_711 = tpu.vector_load %arg5[%get3A_709, %get3A_710] {strides = array<i32>} : memref<80x128xi32, #tpu.memory_space<vmem>>, vector<1x16xi32>,
      %get3A_712 = vector.shape_cast %get3A_711 : vector<1x16xi32> to vector<16xi32>
      %and3A_713 = arith.constant 65535 : i32
      %and3A_714 = vector.broadcast %and3A_713 : i32 to vector<16xi32>
      %and3A_715 = arith.andi %get3A_712, %and3A_714 : vector<16xi32>
      %swap3A_716 = arith.constant 1 : i32
      %swap3A_717 = arith.index_cast %swap3A_716 : i32 to index
      %swap3A_718 = arith.constant 32 : index
      %swap3A_719 = tpu.vector_load %arg6[%swap3A_717, %swap3A_718] {strides = array<i32>} : memref<2x128xi32, #tpu.memory_space<vmem>>, vector<1x16xi32>,
      %swap3A_720 = vector.shape_cast %swap3A_719 : vector<1x16xi32> to vector<16xi32>
      %swap3A_721 = vector.shape_cast %and3A_715 : vector<16xi32> to vector<1x16xi32>
      tpu.vector_store %arg6[%swap3A_717, %swap3A_718], %swap3A_721 {strides = array<i32>} : memref<2x128xi32, #tpu.memory_space<vmem>>, vector<1x16xi32>,
      %shift_right_arithmetic3A_722 = arith.constant 16 : i32
      %shift_right_arithmetic3A_723 = vector.broadcast %shift_right_arithmetic3A_722 : i32 to vector<16xi32>
      %shift_right_arithmetic3A_724 = arith.shrsi %get3A_712, %shift_right_arithmetic3A_723 : vector<16xi32>
      %swap3A_725 = arith.constant 1 : i32
      %swap3A_726 = arith.index_cast %swap3A_725 : i32 to index
      %swap3A_727 = arith.constant 32 : index
      %swap3A_728 = tpu.vector_load %arg7[%swap3A_726, %swap3A_727] {strides = array<i32>} : memref<2x128xi32, #tpu.memory_space<vmem>>, vector<1x16xi32>,
      %swap3A_729 = vector.shape_cast %swap3A_728 : vector<1x16xi32> to vector<16xi32>
      %swap3A_730 = vector.shape_cast %shift_right_arithmetic3A_724 : vector<16xi32> to vector<1x16xi32>
      tpu.vector_store %arg7[%swap3A_726, %swap3A_727], %swap3A_730 {strides = array<i32>} : memref<2x128xi32, #tpu.memory_space<vmem>>, vector<1x16xi32>,
      %get3A_731 = arith.index_cast %add3A_664 : i32 to index
      %get3A_732 = arith.constant 48 : index
      %get3A_733 = tpu.vector_load %arg5[%get3A_731, %get3A_732] {strides = array<i32>} : memref<80x128xi32, #tpu.memory_space<vmem>>, vector<1x16xi32>,
      %get3A_734 = vector.shape_cast %get3A_733 : vector<1x16xi32> to vector<16xi32>
      %and3A_735 = arith.constant 65535 : i32
      %and3A_736 = vector.broadcast %and3A_735 : i32 to vector<16xi32>
      %and3A_737 = arith.andi %get3A_734, %and3A_736 : vector<16xi32>
      %swap3A_738 = arith.constant 1 : i32
      %swap3A_739 = arith.index_cast %swap3A_738 : i32 to index
      %swap3A_740 = arith.constant 48 : index
      %swap3A_741 = tpu.vector_load %arg6[%swap3A_739, %swap3A_740] {strides = array<i32>} : memref<2x128xi32, #tpu.memory_space<vmem>>, vector<1x16xi32>,
      %swap3A_742 = vector.shape_cast %swap3A_741 : vector<1x16xi32> to vector<16xi32>
      %swap3A_743 = vector.shape_cast %and3A_737 : vector<16xi32> to vector<1x16xi32>
      tpu.vector_store %arg6[%swap3A_739, %swap3A_740], %swap3A_743 {strides = array<i32>} : memref<2x128xi32, #tpu.memory_space<vmem>>, vector<1x16xi32>,
      %shift_right_arithmetic3A_744 = arith.constant 16 : i32
      %shift_right_arithmetic3A_745 = vector.broadcast %shift_right_arithmetic3A_744 : i32 to vector<16xi32>
      %shift_right_arithmetic3A_746 = arith.shrsi %get3A_734, %shift_right_arithmetic3A_745 : vector<16xi32>
      %swap3A_747 = arith.constant 1 : i32
      %swap3A_748 = arith.index_cast %swap3A_747 : i32 to index
      %swap3A_749 = arith.constant 48 : index
      %swap3A_750 = tpu.vector_load %arg7[%swap3A_748, %swap3A_749] {strides = array<i32>} : memref<2x128xi32, #tpu.memory_space<vmem>>, vector<1x16xi32>,
      %swap3A_751 = vector.shape_cast %swap3A_750 : vector<1x16xi32> to vector<16xi32>
      %swap3A_752 = vector.shape_cast %shift_right_arithmetic3A_746 : vector<16xi32> to vector<1x16xi32>
      tpu.vector_store %arg7[%swap3A_748, %swap3A_749], %swap3A_752 {strides = array<i32>} : memref<2x128xi32, #tpu.memory_space<vmem>>, vector<1x16xi32>,
      %get3A_753 = arith.index_cast %add3A_664 : i32 to index
      %get3A_754 = arith.constant 64 : index
      %get3A_755 = tpu.vector_load %arg5[%get3A_753, %get3A_754] {strides = array<i32>} : memref<80x128xi32, #tpu.memory_space<vmem>>, vector<1x16xi32>,
      %get3A_756 = vector.shape_cast %get3A_755 : vector<1x16xi32> to vector<16xi32>
      %and3A_757 = arith.constant 65535 : i32
      %and3A_758 = vector.broadcast %and3A_757 : i32 to vector<16xi32>
      %and3A_759 = arith.andi %get3A_756, %and3A_758 : vector<16xi32>
      %swap3A_760 = arith.constant 1 : i32
      %swap3A_761 = arith.index_cast %swap3A_760 : i32 to index
      %swap3A_762 = arith.constant 64 : index
      %swap3A_763 = tpu.vector_load %arg6[%swap3A_761, %swap3A_762] {strides = array<i32>} : memref<2x128xi32, #tpu.memory_space<vmem>>, vector<1x16xi32>,
      %swap3A_764 = vector.shape_cast %swap3A_763 : vector<1x16xi32> to vector<16xi32>
      %swap3A_765 = vector.shape_cast %and3A_759 : vector<16xi32> to vector<1x16xi32>
      tpu.vector_store %arg6[%swap3A_761, %swap3A_762], %swap3A_765 {strides = array<i32>} : memref<2x128xi32, #tpu.memory_space<vmem>>, vector<1x16xi32>,
      %shift_right_arithmetic3A_766 = arith.constant 16 : i32
      %shift_right_arithmetic3A_767 = vector.broadcast %shift_right_arithmetic3A_766 : i32 to vector<16xi32>
      %shift_right_arithmetic3A_768 = arith.shrsi %get3A_756, %shift_right_arithmetic3A_767 : vector<16xi32>
      %swap3A_769 = arith.constant 1 : i32
      %swap3A_770 = arith.index_cast %swap3A_769 : i32 to index
      %swap3A_771 = arith.constant 64 : index
      %swap3A_772 = tpu.vector_load %arg7[%swap3A_770, %swap3A_771] {strides = array<i32>} : memref<2x128xi32, #tpu.memory_space<vmem>>, vector<1x16xi32>,
      %swap3A_773 = vector.shape_cast %swap3A_772 : vector<1x16xi32> to vector<16xi32>
      %swap3A_774 = vector.shape_cast %shift_right_arithmetic3A_768 : vector<16xi32> to vector<1x16xi32>
      tpu.vector_store %arg7[%swap3A_770, %swap3A_771], %swap3A_774 {strides = array<i32>} : memref<2x128xi32, #tpu.memory_space<vmem>>, vector<1x16xi32>,
      %get3A_775 = arith.index_cast %add3A_664 : i32 to index
      %get3A_776 = arith.constant 80 : index
      %get3A_777 = tpu.vector_load %arg5[%get3A_775, %get3A_776] {strides = array<i32>} : memref<80x128xi32, #tpu.memory_space<vmem>>, vector<1x16xi32>,
      %get3A_778 = vector.shape_cast %get3A_777 : vector<1x16xi32> to vector<16xi32>
      %and3A_779 = arith.constant 65535 : i32
      %and3A_780 = vector.broadcast %and3A_779 : i32 to vector<16xi32>
      %and3A_781 = arith.andi %get3A_778, %and3A_780 : vector<16xi32>
      %swap3A_782 = arith.constant 1 : i32
      %swap3A_783 = arith.index_cast %swap3A_782 : i32 to index
      %swap3A_784 = arith.constant 80 : index
      %swap3A_785 = tpu.vector_load %arg6[%swap3A_783, %swap3A_784] {strides = array<i32>} : memref<2x128xi32, #tpu.memory_space<vmem>>, vector<1x16xi32>,
      %swap3A_786 = vector.shape_cast %swap3A_785 : vector<1x16xi32> to vector<16xi32>
      %swap3A_787 = vector.shape_cast %and3A_781 : vector<16xi32> to vector<1x16xi32>
      tpu.vector_store %arg6[%swap3A_783, %swap3A_784], %swap3A_787 {strides = array<i32>} : memref<2x128xi32, #tpu.memory_space<vmem>>, vector<1x16xi32>,
      %shift_right_arithmetic3A_788 = arith.constant 16 : i32
      %shift_right_arithmetic3A_789 = vector.broadcast %shift_right_arithmetic3A_788 : i32 to vector<16xi32>
      %shift_right_arithmetic3A_790 = arith.shrsi %get3A_778, %shift_right_arithmetic3A_789 : vector<16xi32>
      %swap3A_791 = arith.constant 1 : i32
      %swap3A_792 = arith.index_cast %swap3A_791 : i32 to index
      %swap3A_793 = arith.constant 80 : index
      %swap3A_794 = tpu.vector_load %arg7[%swap3A_792, %swap3A_793] {strides = array<i32>} : memref<2x128xi32, #tpu.memory_space<vmem>>, vector<1x16xi32>,
      %swap3A_795 = vector.shape_cast %swap3A_794 : vector<1x16xi32> to vector<16xi32>
      %swap3A_796 = vector.shape_cast %shift_right_arithmetic3A_790 : vector<16xi32> to vector<1x16xi32>
      tpu.vector_store %arg7[%swap3A_792, %swap3A_793], %swap3A_796 {strides = array<i32>} : memref<2x128xi32, #tpu.memory_space<vmem>>, vector<1x16xi32>,
      %get3A_797 = arith.index_cast %add3A_664 : i32 to index
      %get3A_798 = arith.constant 96 : index
      %get3A_799 = tpu.vector_load %arg5[%get3A_797, %get3A_798] {strides = array<i32>} : memref<80x128xi32, #tpu.memory_space<vmem>>, vector<1x16xi32>,
      %get3A_800 = vector.shape_cast %get3A_799 : vector<1x16xi32> to vector<16xi32>
      %and3A_801 = arith.constant 65535 : i32
      %and3A_802 = vector.broadcast %and3A_801 : i32 to vector<16xi32>
      %and3A_803 = arith.andi %get3A_800, %and3A_802 : vector<16xi32>
      %swap3A_804 = arith.constant 1 : i32
      %swap3A_805 = arith.index_cast %swap3A_804 : i32 to index
      %swap3A_806 = arith.constant 96 : index
      %swap3A_807 = tpu.vector_load %arg6[%swap3A_805, %swap3A_806] {strides = array<i32>} : memref<2x128xi32, #tpu.memory_space<vmem>>, vector<1x16xi32>,
      %swap3A_808 = vector.shape_cast %swap3A_807 : vector<1x16xi32> to vector<16xi32>
      %swap3A_809 = vector.shape_cast %and3A_803 : vector<16xi32> to vector<1x16xi32>
      tpu.vector_store %arg6[%swap3A_805, %swap3A_806], %swap3A_809 {strides = array<i32>} : memref<2x128xi32, #tpu.memory_space<vmem>>, vector<1x16xi32>,
      %shift_right_arithmetic3A_810 = arith.constant 16 : i32
      %shift_right_arithmetic3A_811 = vector.broadcast %shift_right_arithmetic3A_810 : i32 to vector<16xi32>
      %shift_right_arithmetic3A_812 = arith.shrsi %get3A_800, %shift_right_arithmetic3A_811 : vector<16xi32>
      %swap3A_813 = arith.constant 1 : i32
      %swap3A_814 = arith.index_cast %swap3A_813 : i32 to index
      %swap3A_815 = arith.constant 96 : index
      %swap3A_816 = tpu.vector_load %arg7[%swap3A_814, %swap3A_815] {strides = array<i32>} : memref<2x128xi32, #tpu.memory_space<vmem>>, vector<1x16xi32>,
      %swap3A_817 = vector.shape_cast %swap3A_816 : vector<1x16xi32> to vector<16xi32>
      %swap3A_818 = vector.shape_cast %shift_right_arithmetic3A_812 : vector<16xi32> to vector<1x16xi32>
      tpu.vector_store %arg7[%swap3A_814, %swap3A_815], %swap3A_818 {strides = array<i32>} : memref<2x128xi32, #tpu.memory_space<vmem>>, vector<1x16xi32>,
      %get3A_819 = arith.index_cast %add3A_664 : i32 to index
      %get3A_820 = arith.constant 112 : index
      %get3A_821 = tpu.vector_load %arg5[%get3A_819, %get3A_820] {strides = array<i32>} : memref<80x128xi32, #tpu.memory_space<vmem>>, vector<1x16xi32>,
      %get3A_822 = vector.shape_cast %get3A_821 : vector<1x16xi32> to vector<16xi32>
      %and3A_823 = arith.constant 65535 : i32
      %and3A_824 = vector.broadcast %and3A_823 : i32 to vector<16xi32>
      %and3A_825 = arith.andi %get3A_822, %and3A_824 : vector<16xi32>
      %swap3A_826 = arith.constant 1 : i32
      %swap3A_827 = arith.index_cast %swap3A_826 : i32 to index
      %swap3A_828 = arith.constant 112 : index
      %swap3A_829 = tpu.vector_load %arg6[%swap3A_827, %swap3A_828] {strides = array<i32>} : memref<2x128xi32, #tpu.memory_space<vmem>>, vector<1x16xi32>,
      %swap3A_830 = vector.shape_cast %swap3A_829 : vector<1x16xi32> to vector<16xi32>
      %swap3A_831 = vector.shape_cast %and3A_825 : vector<16xi32> to vector<1x16xi32>
      tpu.vector_store %arg6[%swap3A_827, %swap3A_828], %swap3A_831 {strides = array<i32>} : memref<2x128xi32, #tpu.memory_space<vmem>>, vector<1x16xi32>,
      %shift_right_arithmetic3A_832 = arith.constant 16 : i32
      %shift_right_arithmetic3A_833 = vector.broadcast %shift_right_arithmetic3A_832 : i32 to vector<16xi32>
      %shift_right_arithmetic3A_834 = arith.shrsi %get3A_822, %shift_right_arithmetic3A_833 : vector<16xi32>
      %swap3A_835 = arith.constant 1 : i32
      %swap3A_836 = arith.index_cast %swap3A_835 : i32 to index
      %swap3A_837 = arith.constant 112 : index
      %swap3A_838 = tpu.vector_load %arg7[%swap3A_836, %swap3A_837] {strides = array<i32>} : memref<2x128xi32, #tpu.memory_space<vmem>>, vector<1x16xi32>,
      %swap3A_839 = vector.shape_cast %swap3A_838 : vector<1x16xi32> to vector<16xi32>
      %swap3A_840 = vector.shape_cast %shift_right_arithmetic3A_834 : vector<16xi32> to vector<1x16xi32>
      tpu.vector_store %arg7[%swap3A_836, %swap3A_837], %swap3A_840 {strides = array<i32>} : memref<2x128xi32, #tpu.memory_space<vmem>>, vector<1x16xi32>,
      %dma_start3A_841 = arith.constant 1 : i32
      %dma_start3A_842 = arith.constant 1 : i32
      %dma_start3A_843 = arith.constant 0 : i32
      %dma_start3A_844 = arith.constant 0 : i32
      %dma_start3A_845 = tpu.memref_slice %arg8[%dma_start3A_842, %dma_start3A_843, %dma_start3A_844] : memref<2x128x128xf32, #tpu.memory_space<vmem>> -> memref<1x128x128xf32, #tpu.memory_space<vmem>>
      %dma_start3A_846 = tpu.memref_squeeze %dma_start3A_845 : memref<1x128x128xf32, #tpu.memory_space<vmem>> -> memref<128x128xf32, #tpu.memory_space<vmem>>
      %dma_start3A_847 = arith.constant 0 : i32
      %dma_start3A_848 = tpu.memref_slice %arg6[%dma_start3A_841, %dma_start3A_847] : memref<2x128xi32, #tpu.memory_space<vmem>> -> memref<1x128xi32, #tpu.memory_space<vmem>>
      %dma_start3A_849 = tpu.memref_squeeze %dma_start3A_848 : memref<1x128xi32, #tpu.memory_space<vmem>> -> memref<128xi32, #tpu.memory_space<vmem>>
      %dma_start3A_850 = arith.constant 0 : i32
      %dma_start3A_851 = arith.constant 0 : i32
      %dma_start3A_852 = tpu.memref_slice %arg2[%dma_start3A_850, %dma_start3A_851] : memref<10000x128xf32, #tpu.memory_space<hbm>> -> memref<10000x128xf32, #tpu.memory_space<hbm>>
      tpu.enqueue_indirect_dma source(%dma_start3A_852 : memref<10000x128xf32, #tpu.memory_space<hbm>>) target(%dma_start3A_846 : memref<128x128xf32, #tpu.memory_space<vmem>>) offsets(%dma_start3A_849 : memref<128xi32, #tpu.memory_space<vmem>>) semaphore(%arg11 : memref<!tpu.dma_semaphore, #tpu.memory_space<semaphore_mem>>)
    }
    %scan3A_409 = arith.constant 39 : i32
    %dma_wait3A = arith.constant 0 : i32
    %dma_wait3A_410 = arith.constant 0 : i32
    %dma_wait3A_411 = arith.constant 0 : i32
    %dma_wait3A_412 = arith.constant 0 : i32
    %dma_wait3A_413 = tpu.memref_slice %arg8[%dma_wait3A_410, %dma_wait3A_411, %dma_wait3A_412] : memref<2x128x128xf32, #tpu.memory_space<vmem>> -> memref<1x128x128xf32, #tpu.memory_space<vmem>>
    %dma_wait3A_414 = tpu.memref_squeeze %dma_wait3A_413 : memref<1x128x128xf32, #tpu.memory_space<vmem>> -> memref<128x128xf32, #tpu.memory_space<vmem>>
    %dma_wait3A_415 = arith.constant 0 : i32
    %dma_wait3A_416 = tpu.memref_slice %arg6[%dma_wait3A, %dma_wait3A_415] : memref<2x128xi32, #tpu.memory_space<vmem>> -> memref<1x128xi32, #tpu.memory_space<vmem>>
    %dma_wait3A_417 = tpu.memref_squeeze %dma_wait3A_416 : memref<1x128xi32, #tpu.memory_space<vmem>> -> memref<128xi32, #tpu.memory_space<vmem>>
    %dma_wait3A_418 = arith.constant 0 : i32
    %dma_wait3A_419 = arith.constant 0 : i32
    %dma_wait3A_420 = tpu.memref_slice %arg2[%dma_wait3A_418, %dma_wait3A_419] : memref<10000x128xf32, #tpu.memory_space<hbm>> -> memref<10000x128xf32, #tpu.memory_space<hbm>>
    tpu.wait_indirect_dma semaphore(%arg10 : memref<!tpu.dma_semaphore, #tpu.memory_space<semaphore_mem>>) src(%dma_wait3A_420 : memref<10000x128xf32, #tpu.memory_space<hbm>>) dst(%dma_wait3A_414 : memref<128x128xf32, #tpu.memory_space<vmem>>)
    %run_scoped3A_421 = arith.constant 0 : i32
    %run_scoped3A_422 = arith.constant 0 : i32
    "tpu.region"() ({
      %run_scoped3A_438 = tpu.sem_alloc : memref<!tpu.dma_semaphore, #tpu.memory_space<semaphore_mem>>
      %dma_start3A_439 = arith.constant 0 : i32
      %dma_start3A_440 = arith.constant 0 : i32
      %dma_start3A_441 = tpu.memref_slice %arg8[%run_scoped3A_421, %dma_start3A_439, %dma_start3A_440] : memref<2x128x128xf32, #tpu.memory_space<vmem>> -> memref<1x128x128xf32, #tpu.memory_space<vmem>>
      %dma_start3A_442 = tpu.memref_squeeze %dma_start3A_441 : memref<1x128x128xf32, #tpu.memory_space<vmem>> -> memref<128x128xf32, #tpu.memory_space<vmem>>
      %dma_start3A_443 = arith.constant 0 : i32
      %dma_start3A_444 = tpu.memref_slice %arg7[%run_scoped3A_422, %dma_start3A_443] : memref<2x128xi32, #tpu.memory_space<vmem>> -> memref<1x128xi32, #tpu.memory_space<vmem>>
      %dma_start3A_445 = tpu.memref_squeeze %dma_start3A_444 : memref<1x128xi32, #tpu.memory_space<vmem>> -> memref<128xi32, #tpu.memory_space<vmem>>
      %dma_start3A_446 = arith.constant 0 : i32
      %dma_start3A_447 = arith.constant 0 : i32
      %dma_start3A_448 = tpu.memref_slice %arg9[%dma_start3A_446, %dma_start3A_447] : memref<10112x128xf32, #tpu.memory_space<vmem_shared>> -> memref<10112x128xf32, #tpu.memory_space<vmem_shared>>
      tpu.enqueue_indirect_dma source(%dma_start3A_442 : memref<128x128xf32, #tpu.memory_space<vmem>>) target(%dma_start3A_448 : memref<10112x128xf32, #tpu.memory_space<vmem_shared>>) offsets(%dma_start3A_445 : memref<128xi32, #tpu.memory_space<vmem>>) semaphore(%run_scoped3A_438 : memref<!tpu.dma_semaphore, #tpu.memory_space<semaphore_mem>>) {add = true}
      %dma_wait3A_449 = arith.constant 0 : i32
      %dma_wait3A_450 = arith.constant 0 : i32
      %dma_wait3A_451 = tpu.memref_slice %arg8[%run_scoped3A_421, %dma_wait3A_449, %dma_wait3A_450] : memref<2x128x128xf32, #tpu.memory_space<vmem>> -> memref<1x128x128xf32, #tpu.memory_space<vmem>>
      %dma_wait3A_452 = tpu.memref_squeeze %dma_wait3A_451 : memref<1x128x128xf32, #tpu.memory_space<vmem>> -> memref<128x128xf32, #tpu.memory_space<vmem>>
      %dma_wait3A_453 = arith.constant 0 : i32
      %dma_wait3A_454 = tpu.memref_slice %arg7[%run_scoped3A_422, %dma_wait3A_453] : memref<2x128xi32, #tpu.memory_space<vmem>> -> memref<1x128xi32, #tpu.memory_space<vmem>>
      %dma_wait3A_455 = tpu.memref_squeeze %dma_wait3A_454 : memref<1x128xi32, #tpu.memory_space<vmem>> -> memref<128xi32, #tpu.memory_space<vmem>>
      %dma_wait3A_456 = arith.constant 0 : i32
      %dma_wait3A_457 = arith.constant 0 : i32
      %dma_wait3A_458 = tpu.memref_slice %arg9[%dma_wait3A_456, %dma_wait3A_457] : memref<10112x128xf32, #tpu.memory_space<vmem_shared>> -> memref<10112x128xf32, #tpu.memory_space<vmem_shared>>
      tpu.wait_indirect_dma semaphore(%run_scoped3A_438 : memref<!tpu.dma_semaphore, #tpu.memory_space<semaphore_mem>>) src(%dma_wait3A_452 : memref<128x128xf32, #tpu.memory_space<vmem>>) dst(%dma_wait3A_458 : memref<10112x128xf32, #tpu.memory_space<vmem_shared>>)
      tpu.yield
    }) : () -> ()
    %dma_wait3A_423 = arith.constant 1 : i32
    %dma_wait3A_424 = arith.constant 1 : i32
    %dma_wait3A_425 = arith.constant 0 : i32
    %dma_wait3A_426 = arith.constant 0 : i32
    %dma_wait3A_427 = tpu.memref_slice %arg8[%dma_wait3A_424, %dma_wait3A_425, %dma_wait3A_426] : memref<2x128x128xf32, #tpu.memory_space<vmem>> -> memref<1x128x128xf32, #tpu.memory_space<vmem>>
    %dma_wait3A_428 = tpu.memref_squeeze %dma_wait3A_427 : memref<1x128x128xf32, #tpu.memory_space<vmem>> -> memref<128x128xf32, #tpu.memory_space<vmem>>
    %dma_wait3A_429 = arith.constant 0 : i32
    %dma_wait3A_430 = tpu.memref_slice %arg6[%dma_wait3A_423, %dma_wait3A_429] : memref<2x128xi32, #tpu.memory_space<vmem>> -> memref<1x128xi32, #tpu.memory_space<vmem>>
    %dma_wait3A_431 = tpu.memref_squeeze %dma_wait3A_430 : memref<1x128xi32, #tpu.memory_space<vmem>> -> memref<128xi32, #tpu.memory_space<vmem>>
    %dma_wait3A_432 = arith.constant 0 : i32
    %dma_wait3A_433 = arith.constant 0 : i32
    %dma_wait3A_434 = tpu.memref_slice %arg2[%dma_wait3A_432, %dma_wait3A_433] : memref<10000x128xf32, #tpu.memory_space<hbm>> -> memref<10000x128xf32, #tpu.memory_space<hbm>>
    tpu.wait_indirect_dma semaphore(%arg11 : memref<!tpu.dma_semaphore, #tpu.memory_space<semaphore_mem>>) src(%dma_wait3A_434 : memref<10000x128xf32, #tpu.memory_space<hbm>>) dst(%dma_wait3A_428 : memref<128x128xf32, #tpu.memory_space<vmem>>)
    %run_scoped3A_435 = arith.constant 1 : i32
    %run_scoped3A_436 = arith.constant 1 : i32
    "tpu.region"() ({
      %run_scoped3A_438 = tpu.sem_alloc : memref<!tpu.dma_semaphore, #tpu.memory_space<semaphore_mem>>
      %dma_start3A_439 = arith.constant 0 : i32
      %dma_start3A_440 = arith.constant 0 : i32
      %dma_start3A_441 = tpu.memref_slice %arg8[%run_scoped3A_435, %dma_start3A_439, %dma_start3A_440] : memref<2x128x128xf32, #tpu.memory_space<vmem>> -> memref<1x128x128xf32, #tpu.memory_space<vmem>>
      %dma_start3A_442 = tpu.memref_squeeze %dma_start3A_441 : memref<1x128x128xf32, #tpu.memory_space<vmem>> -> memref<128x128xf32, #tpu.memory_space<vmem>>
      %dma_start3A_443 = arith.constant 0 : i32
      %dma_start3A_444 = tpu.memref_slice %arg7[%run_scoped3A_436, %dma_start3A_443] : memref<2x128xi32, #tpu.memory_space<vmem>> -> memref<1x128xi32, #tpu.memory_space<vmem>>
      %dma_start3A_445 = tpu.memref_squeeze %dma_start3A_444 : memref<1x128xi32, #tpu.memory_space<vmem>> -> memref<128xi32, #tpu.memory_space<vmem>>
      %dma_start3A_446 = arith.constant 0 : i32
      %dma_start3A_447 = arith.constant 0 : i32
      %dma_start3A_448 = tpu.memref_slice %arg9[%dma_start3A_446, %dma_start3A_447] : memref<10112x128xf32, #tpu.memory_space<vmem_shared>> -> memref<10112x128xf32, #tpu.memory_space<vmem_shared>>
      tpu.enqueue_indirect_dma source(%dma_start3A_442 : memref<128x128xf32, #tpu.memory_space<vmem>>) target(%dma_start3A_448 : memref<10112x128xf32, #tpu.memory_space<vmem_shared>>) offsets(%dma_start3A_445 : memref<128xi32, #tpu.memory_space<vmem>>) semaphore(%run_scoped3A_438 : memref<!tpu.dma_semaphore, #tpu.memory_space<semaphore_mem>>) {add = true}
      %dma_wait3A_449 = arith.constant 0 : i32
      %dma_wait3A_450 = arith.constant 0 : i32
      %dma_wait3A_451 = tpu.memref_slice %arg8[%run_scoped3A_435, %dma_wait3A_449, %dma_wait3A_450] : memref<2x128x128xf32, #tpu.memory_space<vmem>> -> memref<1x128x128xf32, #tpu.memory_space<vmem>>
      %dma_wait3A_452 = tpu.memref_squeeze %dma_wait3A_451 : memref<1x128x128xf32, #tpu.memory_space<vmem>> -> memref<128x128xf32, #tpu.memory_space<vmem>>
      %dma_wait3A_453 = arith.constant 0 : i32
      %dma_wait3A_454 = tpu.memref_slice %arg7[%run_scoped3A_436, %dma_wait3A_453] : memref<2x128xi32, #tpu.memory_space<vmem>> -> memref<1x128xi32, #tpu.memory_space<vmem>>
      %dma_wait3A_455 = tpu.memref_squeeze %dma_wait3A_454 : memref<1x128xi32, #tpu.memory_space<vmem>> -> memref<128xi32, #tpu.memory_space<vmem>>
      %dma_wait3A_456 = arith.constant 0 : i32
      %dma_wait3A_457 = arith.constant 0 : i32
      %dma_wait3A_458 = tpu.memref_slice %arg9[%dma_wait3A_456, %dma_wait3A_457] : memref<10112x128xf32, #tpu.memory_space<vmem_shared>> -> memref<10112x128xf32, #tpu.memory_space<vmem_shared>>
      tpu.wait_indirect_dma semaphore(%run_scoped3A_438 : memref<!tpu.dma_semaphore, #tpu.memory_space<semaphore_mem>>) src(%dma_wait3A_452 : memref<128x128xf32, #tpu.memory_space<vmem>>) dst(%dma_wait3A_458 : memref<10112x128xf32, #tpu.memory_space<vmem_shared>>)
      tpu.yield
    }) : () -> ()
    %barrier3A_437 = arith.constant 0 : index
    tpu.barrier barrier_id(%barrier3A_437)
    "tpu.region"() ({
      %run_scoped3A_438 = tpu.sem_alloc : memref<!tpu.dma_semaphore, #tpu.memory_space<semaphore_mem>>
      %dma_start3A_439 = arith.constant 0 : i32
      %dma_start3A_440 = tpu.memref_slice %arg4[%arg0, %mul3A_2, %dma_start3A_439] : memref<2x10112x128xf32, #tpu.memory_space<hbm>> -> memref<1x632x128xf32, #tpu.memory_space<hbm>>
      %dma_start3A_441 = tpu.memref_squeeze %dma_start3A_440 : memref<1x632x128xf32, #tpu.memory_space<hbm>> -> memref<632x128xf32, #tpu.memory_space<hbm>>
      %dma_start3A_442 = arith.constant 0 : i32
      %dma_start3A_443 = tpu.memref_slice %arg9[%mul3A_2, %dma_start3A_442] : memref<10112x128xf32, #tpu.memory_space<vmem_shared>> -> memref<632x128xf32, #tpu.memory_space<vmem_shared>>
      tpu.enqueue_dma source(%dma_start3A_443 : memref<632x128xf32, #tpu.memory_space<vmem_shared>>) target(%dma_start3A_441 : memref<632x128xf32, #tpu.memory_space<hbm>>) target_semaphore(%run_scoped3A_438 : memref<!tpu.dma_semaphore, #tpu.memory_space<semaphore_mem>>)
      %dma_wait3A_444 = arith.constant 0 : i32
      %dma_wait3A_445 = tpu.memref_slice %arg4[%arg0, %mul3A_2, %dma_wait3A_444] : memref<2x10112x128xf32, #tpu.memory_space<hbm>> -> memref<1x632x128xf32, #tpu.memory_space<hbm>>
      %dma_wait3A_446 = tpu.memref_squeeze %dma_wait3A_445 : memref<1x632x128xf32, #tpu.memory_space<hbm>> -> memref<632x128xf32, #tpu.memory_space<hbm>>
      %dma_wait3A_447 = arith.constant 0 : i32
      %dma_wait3A_448 = tpu.memref_slice %arg9[%mul3A_2, %dma_wait3A_447] : memref<10112x128xf32, #tpu.memory_space<vmem_shared>> -> memref<632x128xf32, #tpu.memory_space<vmem_shared>>
      tpu.wait_dma2 semaphore(%run_scoped3A_438 : memref<!tpu.dma_semaphore, #tpu.memory_space<semaphore_mem>>) src(%dma_wait3A_448 : memref<632x128xf32, #tpu.memory_space<vmem_shared>>) dst(%dma_wait3A_446 : memref<632x128xf32, #tpu.memory_space<hbm>>)
      tpu.yield
    }) : () -> ()
    return
  }
}

module attributes {stable_mosaic.version = 14 : i64} {
  func.func @body(%arg0: i32, %arg1: memref<400x128xf32, #tpu.memory_space<vmem>>, %arg2: memref<128x128xf32, #tpu.memory_space<vmem>>, %arg3: memref<1x128xf32, #tpu.memory_space<vmem>>, %arg4: memref<400x128xf32, #tpu.memory_space<vmem>>) attributes {dimension_semantics = [#tpu.dimension_semantics<arbitrary>], iteration_bounds = array<i64: 25>, scalar_prefetch = 0 : i64, scratch_operands = 0 : i64, tpu.core_type = #tpu.core_type<tc>, window_params = [{transform_indices = @transform_0, window_bounds = array<i64: 400, 128>}, {pipeline_mode = #tpu.pipeline_mode<synchronous>, transform_indices = @transform_1, window_bounds = array<i64: 128, 128>}, {pipeline_mode = #tpu.pipeline_mode<synchronous>, transform_indices = @transform_2, window_bounds = array<i64: 1, 128>}, {transform_indices = @transform_3, window_bounds = array<i64: 400, 128>}]} {
    %get3A = arith.constant 0 : index
    %get3A_0 = arith.constant 0 : index
    %get3A_1 = vector.load %arg1[%get3A, %get3A_0] : memref<400x128xf32, #tpu.memory_space<vmem>>, vector<400x128xf32>
    %get3A_2 = arith.constant 0 : index
    %get3A_3 = arith.constant 0 : index
    %get3A_4 = vector.load %arg2[%get3A_2, %get3A_3] : memref<128x128xf32, #tpu.memory_space<vmem>>, vector<128x128xf32>
    %dot_general3A = arith.constant dense<0.000000e+00> : vector<400x128xf32>
    %dot_general3A_5 = tpu.matmul %get3A_1, %get3A_4, %dot_general3A {dimension_numbers = #tpu.dot_dimension_numbers<[1], [0], [0], [1], [0, 0, 1, 1], [], []>, transpose_lhs_hint = false} : vector<400x128xf32>, vector<128x128xf32>, vector<400x128xf32> -> vector<400x128xf32>
    %get3A_6 = arith.constant 0 : index
    %get3A_7 = arith.constant 0 : index
    %get3A_8 = vector.load %arg3[%get3A_6, %get3A_7] : memref<1x128xf32, #tpu.memory_space<vmem>>, vector<1x128xf32>
    %add3A = vector.broadcast %get3A_8 : vector<1x128xf32> to vector<400x128xf32>
    %add3A_9 = arith.addf %dot_general3A_5, %add3A : vector<400x128xf32>
    %swap3A = arith.constant 0 : index
    %swap3A_10 = arith.constant 0 : index
    %swap3A_11 = vector.load %arg4[%swap3A, %swap3A_10] : memref<400x128xf32, #tpu.memory_space<vmem>>, vector<400x128xf32>
    tpu.vector_store %arg4[%swap3A, %swap3A_10], %add3A_9 {strides = array<i32>} : memref<400x128xf32, #tpu.memory_space<vmem>>, vector<400x128xf32>,
    return
  }
  func.func @transform_0(%arg0: i32) -> (i32, i32) {
    %c0_i32 = arith.constant 0 : i32
    %c0_i32_0 = arith.constant 0 : i32
    return %arg0, %c0_i32 : i32, i32
  }
  func.func @transform_1(%arg0: i32) -> (i32, i32) {
    %c0_i32 = arith.constant 0 : i32
    %c0_i32_0 = arith.constant 0 : i32
    %c0_i32_1 = arith.constant 0 : i32
    return %c0_i32, %c0_i32_0 : i32, i32
  }
  func.func @transform_2(%arg0: i32) -> (i32, i32) {
    %c0_i32 = arith.constant 0 : i32
    %c0_i32_0 = arith.constant 0 : i32
    %c0_i32_1 = arith.constant 0 : i32
    return %c0_i32, %c0_i32_0 : i32, i32
  }
  func.func @transform_3(%arg0: i32) -> (i32, i32) {
    %c0_i32 = arith.constant 0 : i32
    %c0_i32_0 = arith.constant 0 : i32
    return %arg0, %c0_i32 : i32, i32
  }
}

module attributes {stable_mosaic.version = 14 : i64} {
  func.func @body(%arg0: i32, %arg1: memref<400x128xf32, #tpu.memory_space<vmem>>, %arg2: memref<2x400x128xf32, #tpu.memory_space<vmem>>, %arg3: memref<2x400x128xf32, #tpu.memory_space<vmem>>, %arg4: memref<128x128xf32, #tpu.memory_space<vmem>>, %arg5: memref<1x128xf32, #tpu.memory_space<vmem>>, %arg6: memref<400x128xf32, #tpu.memory_space<vmem>>) attributes {dimension_semantics = [#tpu.dimension_semantics<arbitrary>], iteration_bounds = array<i64: 25>, scalar_prefetch = 0 : i64, scratch_operands = 0 : i64, tpu.core_type = #tpu.core_type<tc>, window_params = [{transform_indices = @transform_0, window_bounds = array<i64: 400, 128>}, {transform_indices = @transform_1, window_bounds = array<i64: 2, 400, 128>}, {transform_indices = @transform_2, window_bounds = array<i64: 2, 400, 128>}, {pipeline_mode = #tpu.pipeline_mode<synchronous>, transform_indices = @transform_3, window_bounds = array<i64: 128, 128>}, {pipeline_mode = #tpu.pipeline_mode<synchronous>, transform_indices = @transform_4, window_bounds = array<i64: 1, 128>}, {transform_indices = @transform_5, window_bounds = array<i64: 400, 128>}]} {
    %get3A = arith.constant 0 : index
    %get3A_0 = arith.constant 0 : index
    %get3A_1 = arith.constant 0 : index
    %get3A_2 = vector.load %arg2[%get3A, %get3A_0, %get3A_1] : memref<2x400x128xf32, #tpu.memory_space<vmem>>, vector<2x400x128xf32>
    %slice3A = vector.extract_strided_slice %get3A_2 {offsets = [0, 0, 0], sizes = [1, 400, 128], strides = [1, 1, 1]} : vector<2x400x128xf32> to vector<1x400x128xf32>
    %squeeze3A = vector.shape_cast %slice3A : vector<1x400x128xf32> to vector<400x128xf32>
    %slice3A_3 = vector.extract_strided_slice %get3A_2 {offsets = [1, 0, 0], sizes = [1, 400, 128], strides = [1, 1, 1]} : vector<2x400x128xf32> to vector<1x400x128xf32>
    %squeeze3A_4 = vector.shape_cast %slice3A_3 : vector<1x400x128xf32> to vector<400x128xf32>
    %add3A = arith.addf %squeeze3A, %squeeze3A_4 : vector<400x128xf32>
    %get3A_5 = arith.constant 0 : index
    %get3A_6 = arith.constant 0 : index
    %get3A_7 = arith.constant 0 : index
    %get3A_8 = vector.load %arg3[%get3A_5, %get3A_6, %get3A_7] : memref<2x400x128xf32, #tpu.memory_space<vmem>>, vector<2x400x128xf32>
    %slice3A_9 = vector.extract_strided_slice %get3A_8 {offsets = [0, 0, 0], sizes = [1, 400, 1], strides = [1, 1, 1]} : vector<2x400x128xf32> to vector<1x400x1xf32>
    %squeeze3A_10 = vector.shape_cast %slice3A_9 : vector<1x400x1xf32> to vector<400x1xf32>
    %slice3A_11 = vector.extract_strided_slice %get3A_8 {offsets = [1, 0, 0], sizes = [1, 400, 1], strides = [1, 1, 1]} : vector<2x400x128xf32> to vector<1x400x1xf32>
    %squeeze3A_12 = vector.shape_cast %slice3A_11 : vector<1x400x1xf32> to vector<400x1xf32>
    %add3A_13 = arith.addf %squeeze3A_10, %squeeze3A_12 : vector<400x1xf32>
    %max3A = arith.constant 1.000000e+00 : f32
    %max3A_14 = vector.broadcast %max3A : f32 to vector<400x1xf32>
    %max3A_15 = arith.maximumf %add3A_13, %max3A_14 : vector<400x1xf32>
    %div3A = vector.broadcast %max3A_15 : vector<400x1xf32> to vector<400x128xf32>
    %div3A_16 = arith.divf %add3A, %div3A : vector<400x128xf32>
    %get3A_17 = arith.constant 0 : index
    %get3A_18 = arith.constant 0 : index
    %get3A_19 = vector.load %arg1[%get3A_17, %get3A_18] : memref<400x128xf32, #tpu.memory_space<vmem>>, vector<400x128xf32>
    %get3A_20 = arith.constant 0 : index
    %get3A_21 = arith.constant 0 : index
    %get3A_22 = vector.load %arg4[%get3A_20, %get3A_21] : memref<128x128xf32, #tpu.memory_space<vmem>>, vector<128x128xf32>
    %dot_general3A = arith.constant dense<0.000000e+00> : vector<400x128xf32>
    %dot_general3A_23 = tpu.matmul %div3A_16, %get3A_22, %dot_general3A {dimension_numbers = #tpu.dot_dimension_numbers<[1], [0], [0], [1], [0, 0, 1, 1], [], []>, transpose_lhs_hint = false} : vector<400x128xf32>, vector<128x128xf32>, vector<400x128xf32> -> vector<400x128xf32>
    %add3A_24 = arith.addf %get3A_19, %dot_general3A_23 : vector<400x128xf32>
    %get3A_25 = arith.constant 0 : index
    %get3A_26 = arith.constant 0 : index
    %get3A_27 = vector.load %arg5[%get3A_25, %get3A_26] : memref<1x128xf32, #tpu.memory_space<vmem>>, vector<1x128xf32>
    %gt3A = arith.constant 0.000000e+00 : f32
    %gt3A_28 = vector.broadcast %gt3A : f32 to vector<400x1xf32>
    %gt3A_29 = arith.cmpf ogt, %add3A_13, %gt3A_28 : vector<400x1xf32>
    %jit3A = arith.constant 1.000000e+00 : f32
    %jit3A_30 = arith.constant 0.000000e+00 : f32
    %broadcast_in_dim3A = vector.broadcast %jit3A : f32 to vector<400x1xf32>
    %broadcast_in_dim3A_31 = vector.broadcast %jit3A_30 : f32 to vector<400x1xf32>
    %select_n3A = arith.select %gt3A_29, %broadcast_in_dim3A, %broadcast_in_dim3A_31 : vector<400x1xi1>, vector<400x1xf32>
    %mul3A = vector.broadcast %get3A_27 : vector<1x128xf32> to vector<400x128xf32>
    %mul3A_32 = vector.broadcast %select_n3A : vector<400x1xf32> to vector<400x128xf32>
    %mul3A_33 = arith.mulf %mul3A, %mul3A_32 : vector<400x128xf32>
    %add3A_34 = arith.addf %add3A_24, %mul3A_33 : vector<400x128xf32>
    %swap3A = arith.constant 0 : index
    %swap3A_35 = arith.constant 0 : index
    %swap3A_36 = vector.load %arg6[%swap3A, %swap3A_35] : memref<400x128xf32, #tpu.memory_space<vmem>>, vector<400x128xf32>
    tpu.vector_store %arg6[%swap3A, %swap3A_35], %add3A_34 {strides = array<i32>} : memref<400x128xf32, #tpu.memory_space<vmem>>, vector<400x128xf32>,
    return
  }
  func.func @transform_0(%arg0: i32) -> (i32, i32) {
    %c0_i32 = arith.constant 0 : i32
    %c0_i32_0 = arith.constant 0 : i32
    return %arg0, %c0_i32 : i32, i32
  }
  func.func @transform_1(%arg0: i32) -> (i32, i32, i32) {
    %c0_i32 = arith.constant 0 : i32
    %c0_i32_0 = arith.constant 0 : i32
    %c0_i32_1 = arith.constant 0 : i32
    return %c0_i32, %arg0, %c0_i32_0 : i32, i32, i32
  }
  func.func @transform_2(%arg0: i32) -> (i32, i32, i32) {
    %c0_i32 = arith.constant 0 : i32
    %c0_i32_0 = arith.constant 0 : i32
    %c0_i32_1 = arith.constant 0 : i32
    return %c0_i32, %arg0, %c0_i32_0 : i32, i32, i32
  }
  func.func @transform_3(%arg0: i32) -> (i32, i32) {
    %c0_i32 = arith.constant 0 : i32
    %c0_i32_0 = arith.constant 0 : i32
    %c0_i32_1 = arith.constant 0 : i32
    return %c0_i32, %c0_i32_0 : i32, i32
  }
  func.func @transform_4(%arg0: i32) -> (i32, i32) {
    %c0_i32 = arith.constant 0 : i32
    %c0_i32_0 = arith.constant 0 : i32
    %c0_i32_1 = arith.constant 0 : i32
    return %c0_i32, %c0_i32_0 : i32, i32
  }
  func.func @transform_5(%arg0: i32) -> (i32, i32) {
    %c0_i32 = arith.constant 0 : i32
    %c0_i32_0 = arith.constant 0 : i32
    return %arg0, %c0_i32 : i32, i32
  }
}

module attributes {stable_mosaic.version = 14 : i64} {
  func.func @body(%arg0: i32, %arg1: memref<400x128xf32, #tpu.memory_space<vmem>>, %arg2: memref<2x400x128xf32, #tpu.memory_space<vmem>>, %arg3: memref<2x400x128xf32, #tpu.memory_space<vmem>>, %arg4: memref<128x128xf32, #tpu.memory_space<vmem>>, %arg5: memref<1x128xf32, #tpu.memory_space<vmem>>, %arg6: memref<400x128xf32, #tpu.memory_space<vmem>>) attributes {dimension_semantics = [#tpu.dimension_semantics<arbitrary>], iteration_bounds = array<i64: 25>, scalar_prefetch = 0 : i64, scratch_operands = 0 : i64, tpu.core_type = #tpu.core_type<tc>, window_params = [{transform_indices = @transform_0, window_bounds = array<i64: 400, 128>}, {transform_indices = @transform_1, window_bounds = array<i64: 2, 400, 128>}, {transform_indices = @transform_2, window_bounds = array<i64: 2, 400, 128>}, {pipeline_mode = #tpu.pipeline_mode<synchronous>, transform_indices = @transform_3, window_bounds = array<i64: 128, 128>}, {pipeline_mode = #tpu.pipeline_mode<synchronous>, transform_indices = @transform_4, window_bounds = array<i64: 1, 128>}, {transform_indices = @transform_5, window_bounds = array<i64: 400, 128>}]} {
    %get3A = arith.constant 0 : index
    %get3A_0 = arith.constant 0 : index
    %get3A_1 = arith.constant 0 : index
    %get3A_2 = vector.load %arg2[%get3A, %get3A_0, %get3A_1] : memref<2x400x128xf32, #tpu.memory_space<vmem>>, vector<2x400x128xf32>
    %slice3A = vector.extract_strided_slice %get3A_2 {offsets = [0, 0, 0], sizes = [1, 400, 128], strides = [1, 1, 1]} : vector<2x400x128xf32> to vector<1x400x128xf32>
    %squeeze3A = vector.shape_cast %slice3A : vector<1x400x128xf32> to vector<400x128xf32>
    %slice3A_3 = vector.extract_strided_slice %get3A_2 {offsets = [1, 0, 0], sizes = [1, 400, 128], strides = [1, 1, 1]} : vector<2x400x128xf32> to vector<1x400x128xf32>
    %squeeze3A_4 = vector.shape_cast %slice3A_3 : vector<1x400x128xf32> to vector<400x128xf32>
    %add3A = arith.addf %squeeze3A, %squeeze3A_4 : vector<400x128xf32>
    %get3A_5 = arith.constant 0 : index
    %get3A_6 = arith.constant 0 : index
    %get3A_7 = arith.constant 0 : index
    %get3A_8 = vector.load %arg3[%get3A_5, %get3A_6, %get3A_7] : memref<2x400x128xf32, #tpu.memory_space<vmem>>, vector<2x400x128xf32>
    %slice3A_9 = vector.extract_strided_slice %get3A_8 {offsets = [0, 0, 0], sizes = [1, 400, 1], strides = [1, 1, 1]} : vector<2x400x128xf32> to vector<1x400x1xf32>
    %squeeze3A_10 = vector.shape_cast %slice3A_9 : vector<1x400x1xf32> to vector<400x1xf32>
    %slice3A_11 = vector.extract_strided_slice %get3A_8 {offsets = [1, 0, 0], sizes = [1, 400, 1], strides = [1, 1, 1]} : vector<2x400x128xf32> to vector<1x400x1xf32>
    %squeeze3A_12 = vector.shape_cast %slice3A_11 : vector<1x400x1xf32> to vector<400x1xf32>
    %add3A_13 = arith.addf %squeeze3A_10, %squeeze3A_12 : vector<400x1xf32>
    %max3A = arith.constant 1.000000e+00 : f32
    %max3A_14 = vector.broadcast %max3A : f32 to vector<400x1xf32>
    %max3A_15 = arith.maximumf %add3A_13, %max3A_14 : vector<400x1xf32>
    %div3A = vector.broadcast %max3A_15 : vector<400x1xf32> to vector<400x128xf32>
    %div3A_16 = arith.divf %add3A, %div3A : vector<400x128xf32>
    %get3A_17 = arith.constant 0 : index
    %get3A_18 = arith.constant 0 : index
    %get3A_19 = vector.load %arg1[%get3A_17, %get3A_18] : memref<400x128xf32, #tpu.memory_space<vmem>>, vector<400x128xf32>
    %get3A_20 = arith.constant 0 : index
    %get3A_21 = arith.constant 0 : index
    %get3A_22 = vector.load %arg4[%get3A_20, %get3A_21] : memref<128x128xf32, #tpu.memory_space<vmem>>, vector<128x128xf32>
    %dot_general3A = arith.constant dense<0.000000e+00> : vector<400x128xf32>
    %dot_general3A_23 = tpu.matmul %div3A_16, %get3A_22, %dot_general3A {dimension_numbers = #tpu.dot_dimension_numbers<[1], [0], [0], [1], [0, 0, 1, 1], [], []>, transpose_lhs_hint = false} : vector<400x128xf32>, vector<128x128xf32>, vector<400x128xf32> -> vector<400x128xf32>
    %add3A_24 = arith.addf %get3A_19, %dot_general3A_23 : vector<400x128xf32>
    %get3A_25 = arith.constant 0 : index
    %get3A_26 = arith.constant 0 : index
    %get3A_27 = vector.load %arg5[%get3A_25, %get3A_26] : memref<1x128xf32, #tpu.memory_space<vmem>>, vector<1x128xf32>
    %gt3A = arith.constant 0.000000e+00 : f32
    %gt3A_28 = vector.broadcast %gt3A : f32 to vector<400x1xf32>
    %gt3A_29 = arith.cmpf ogt, %add3A_13, %gt3A_28 : vector<400x1xf32>
    %jit3A = arith.constant 1.000000e+00 : f32
    %jit3A_30 = arith.constant 0.000000e+00 : f32
    %broadcast_in_dim3A = vector.broadcast %jit3A : f32 to vector<400x1xf32>
    %broadcast_in_dim3A_31 = vector.broadcast %jit3A_30 : f32 to vector<400x1xf32>
    %select_n3A = arith.select %gt3A_29, %broadcast_in_dim3A, %broadcast_in_dim3A_31 : vector<400x1xi1>, vector<400x1xf32>
    %mul3A = vector.broadcast %get3A_27 : vector<1x128xf32> to vector<400x128xf32>
    %mul3A_32 = vector.broadcast %select_n3A : vector<400x1xf32> to vector<400x128xf32>
    %mul3A_33 = arith.mulf %mul3A, %mul3A_32 : vector<400x128xf32>
    %add3A_34 = arith.addf %add3A_24, %mul3A_33 : vector<400x128xf32>
    %max3A_35 = arith.constant 0.000000e+00 : f32
    %max3A_36 = vector.broadcast %max3A_35 : f32 to vector<400x128xf32>
    %max3A_37 = arith.maximumf %add3A_34, %max3A_36 : vector<400x128xf32>
    %swap3A = arith.constant 0 : index
    %swap3A_38 = arith.constant 0 : index
    %swap3A_39 = vector.load %arg6[%swap3A, %swap3A_38] : memref<400x128xf32, #tpu.memory_space<vmem>>, vector<400x128xf32>
    tpu.vector_store %arg6[%swap3A, %swap3A_38], %max3A_37 {strides = array<i32>} : memref<400x128xf32, #tpu.memory_space<vmem>>, vector<400x128xf32>,
    return
  }
  func.func @transform_0(%arg0: i32) -> (i32, i32) {
    %c0_i32 = arith.constant 0 : i32
    %c0_i32_0 = arith.constant 0 : i32
    return %arg0, %c0_i32 : i32, i32
  }
  func.func @transform_1(%arg0: i32) -> (i32, i32, i32) {
    %c0_i32 = arith.constant 0 : i32
    %c0_i32_0 = arith.constant 0 : i32
    %c0_i32_1 = arith.constant 0 : i32
    return %c0_i32, %arg0, %c0_i32_0 : i32, i32, i32
  }
  func.func @transform_2(%arg0: i32) -> (i32, i32, i32) {
    %c0_i32 = arith.constant 0 : i32
    %c0_i32_0 = arith.constant 0 : i32
    %c0_i32_1 = arith.constant 0 : i32
    return %c0_i32, %arg0, %c0_i32_0 : i32, i32, i32
  }
  func.func @transform_3(%arg0: i32) -> (i32, i32) {
    %c0_i32 = arith.constant 0 : i32
    %c0_i32_0 = arith.constant 0 : i32
    %c0_i32_1 = arith.constant 0 : i32
    return %c0_i32, %c0_i32_0 : i32, i32
  }
  func.func @transform_4(%arg0: i32) -> (i32, i32) {
    %c0_i32 = arith.constant 0 : i32
    %c0_i32_0 = arith.constant 0 : i32
    %c0_i32_1 = arith.constant 0 : i32
    return %c0_i32, %c0_i32_0 : i32, i32
  }
  func.func @transform_5(%arg0: i32) -> (i32, i32) {
    %c0_i32 = arith.constant 0 : i32
    %c0_i32_0 = arith.constant 0 : i32
    return %arg0, %c0_i32 : i32, i32
  }
}

module attributes {stable_mosaic.version = 14 : i64} {
  func.func @body(%arg0: i32, %arg1: memref<400x128xf32, #tpu.memory_space<vmem>>, %arg2: memref<2x400x128xf32, #tpu.memory_space<vmem>>, %arg3: memref<2x400x128xf32, #tpu.memory_space<vmem>>, %arg4: memref<128x128xf32, #tpu.memory_space<vmem>>, %arg5: memref<1x128xf32, #tpu.memory_space<vmem>>, %arg6: memref<400x128xf32, #tpu.memory_space<vmem>>, %arg7: memref<400x128xf32, #tpu.memory_space<vmem>>) attributes {dimension_semantics = [#tpu.dimension_semantics<arbitrary>], iteration_bounds = array<i64: 25>, scalar_prefetch = 0 : i64, scratch_operands = 0 : i64, tpu.core_type = #tpu.core_type<tc>, window_params = [{transform_indices = @transform_0, window_bounds = array<i64: 400, 128>}, {transform_indices = @transform_1, window_bounds = array<i64: 2, 400, 128>}, {transform_indices = @transform_2, window_bounds = array<i64: 2, 400, 128>}, {pipeline_mode = #tpu.pipeline_mode<synchronous>, transform_indices = @transform_3, window_bounds = array<i64: 128, 128>}, {pipeline_mode = #tpu.pipeline_mode<synchronous>, transform_indices = @transform_4, window_bounds = array<i64: 1, 128>}, {transform_indices = @transform_5, window_bounds = array<i64: 400, 128>}, {transform_indices = @transform_6, window_bounds = array<i64: 400, 128>}]} {
    %get3A = arith.constant 0 : index
    %get3A_0 = arith.constant 0 : index
    %get3A_1 = arith.constant 0 : index
    %get3A_2 = vector.load %arg2[%get3A, %get3A_0, %get3A_1] : memref<2x400x128xf32, #tpu.memory_space<vmem>>, vector<2x400x128xf32>
    %slice3A = vector.extract_strided_slice %get3A_2 {offsets = [0, 0, 0], sizes = [1, 400, 128], strides = [1, 1, 1]} : vector<2x400x128xf32> to vector<1x400x128xf32>
    %squeeze3A = vector.shape_cast %slice3A : vector<1x400x128xf32> to vector<400x128xf32>
    %slice3A_3 = vector.extract_strided_slice %get3A_2 {offsets = [1, 0, 0], sizes = [1, 400, 128], strides = [1, 1, 1]} : vector<2x400x128xf32> to vector<1x400x128xf32>
    %squeeze3A_4 = vector.shape_cast %slice3A_3 : vector<1x400x128xf32> to vector<400x128xf32>
    %add3A = arith.addf %squeeze3A, %squeeze3A_4 : vector<400x128xf32>
    %get3A_5 = arith.constant 0 : index
    %get3A_6 = arith.constant 0 : index
    %get3A_7 = arith.constant 0 : index
    %get3A_8 = vector.load %arg3[%get3A_5, %get3A_6, %get3A_7] : memref<2x400x128xf32, #tpu.memory_space<vmem>>, vector<2x400x128xf32>
    %slice3A_9 = vector.extract_strided_slice %get3A_8 {offsets = [0, 0, 0], sizes = [1, 400, 1], strides = [1, 1, 1]} : vector<2x400x128xf32> to vector<1x400x1xf32>
    %squeeze3A_10 = vector.shape_cast %slice3A_9 : vector<1x400x1xf32> to vector<400x1xf32>
    %slice3A_11 = vector.extract_strided_slice %get3A_8 {offsets = [1, 0, 0], sizes = [1, 400, 1], strides = [1, 1, 1]} : vector<2x400x128xf32> to vector<1x400x1xf32>
    %squeeze3A_12 = vector.shape_cast %slice3A_11 : vector<1x400x1xf32> to vector<400x1xf32>
    %add3A_13 = arith.addf %squeeze3A_10, %squeeze3A_12 : vector<400x1xf32>
    %max3A = arith.constant 1.000000e+00 : f32
    %max3A_14 = vector.broadcast %max3A : f32 to vector<400x1xf32>
    %max3A_15 = arith.maximumf %add3A_13, %max3A_14 : vector<400x1xf32>
    %div3A = vector.broadcast %max3A_15 : vector<400x1xf32> to vector<400x128xf32>
    %div3A_16 = arith.divf %add3A, %div3A : vector<400x128xf32>
    %get3A_17 = arith.constant 0 : index
    %get3A_18 = arith.constant 0 : index
    %get3A_19 = vector.load %arg1[%get3A_17, %get3A_18] : memref<400x128xf32, #tpu.memory_space<vmem>>, vector<400x128xf32>
    %get3A_20 = arith.constant 0 : index
    %get3A_21 = arith.constant 0 : index
    %get3A_22 = vector.load %arg4[%get3A_20, %get3A_21] : memref<128x128xf32, #tpu.memory_space<vmem>>, vector<128x128xf32>
    %dot_general3A = arith.constant dense<0.000000e+00> : vector<400x128xf32>
    %dot_general3A_23 = tpu.matmul %div3A_16, %get3A_22, %dot_general3A {dimension_numbers = #tpu.dot_dimension_numbers<[1], [0], [0], [1], [0, 0, 1, 1], [], []>, transpose_lhs_hint = false} : vector<400x128xf32>, vector<128x128xf32>, vector<400x128xf32> -> vector<400x128xf32>
    %add3A_24 = arith.addf %get3A_19, %dot_general3A_23 : vector<400x128xf32>
    %get3A_25 = arith.constant 0 : index
    %get3A_26 = arith.constant 0 : index
    %get3A_27 = vector.load %arg5[%get3A_25, %get3A_26] : memref<1x128xf32, #tpu.memory_space<vmem>>, vector<1x128xf32>
    %gt3A = arith.constant 0.000000e+00 : f32
    %gt3A_28 = vector.broadcast %gt3A : f32 to vector<400x1xf32>
    %gt3A_29 = arith.cmpf ogt, %add3A_13, %gt3A_28 : vector<400x1xf32>
    %jit3A = arith.constant 1.000000e+00 : f32
    %jit3A_30 = arith.constant 0.000000e+00 : f32
    %broadcast_in_dim3A = vector.broadcast %jit3A : f32 to vector<400x1xf32>
    %broadcast_in_dim3A_31 = vector.broadcast %jit3A_30 : f32 to vector<400x1xf32>
    %select_n3A = arith.select %gt3A_29, %broadcast_in_dim3A, %broadcast_in_dim3A_31 : vector<400x1xi1>, vector<400x1xf32>
    %mul3A = vector.broadcast %get3A_27 : vector<1x128xf32> to vector<400x128xf32>
    %mul3A_32 = vector.broadcast %select_n3A : vector<400x1xf32> to vector<400x128xf32>
    %mul3A_33 = arith.mulf %mul3A, %mul3A_32 : vector<400x128xf32>
    %add3A_34 = arith.addf %add3A_24, %mul3A_33 : vector<400x128xf32>
    %get3A_35 = arith.constant 0 : index
    %get3A_36 = arith.constant 0 : index
    %get3A_37 = vector.load %arg6[%get3A_35, %get3A_36] : memref<400x128xf32, #tpu.memory_space<vmem>>, vector<400x128xf32>
    %add3A_38 = arith.addf %add3A_34, %get3A_37 : vector<400x128xf32>
    %max3A_39 = arith.constant 0.000000e+00 : f32
    %max3A_40 = vector.broadcast %max3A_39 : f32 to vector<400x128xf32>
    %max3A_41 = arith.maximumf %add3A_38, %max3A_40 : vector<400x128xf32>
    %swap3A = arith.constant 0 : index
    %swap3A_42 = arith.constant 0 : index
    %swap3A_43 = vector.load %arg7[%swap3A, %swap3A_42] : memref<400x128xf32, #tpu.memory_space<vmem>>, vector<400x128xf32>
    tpu.vector_store %arg7[%swap3A, %swap3A_42], %max3A_41 {strides = array<i32>} : memref<400x128xf32, #tpu.memory_space<vmem>>, vector<400x128xf32>,
    return
  }
  func.func @transform_0(%arg0: i32) -> (i32, i32) {
    %c0_i32 = arith.constant 0 : i32
    %c0_i32_0 = arith.constant 0 : i32
    return %arg0, %c0_i32 : i32, i32
  }
  func.func @transform_1(%arg0: i32) -> (i32, i32, i32) {
    %c0_i32 = arith.constant 0 : i32
    %c0_i32_0 = arith.constant 0 : i32
    %c0_i32_1 = arith.constant 0 : i32
    return %c0_i32, %arg0, %c0_i32_0 : i32, i32, i32
  }
  func.func @transform_2(%arg0: i32) -> (i32, i32, i32) {
    %c0_i32 = arith.constant 0 : i32
    %c0_i32_0 = arith.constant 0 : i32
    %c0_i32_1 = arith.constant 0 : i32
    return %c0_i32, %arg0, %c0_i32_0 : i32, i32, i32
  }
  func.func @transform_3(%arg0: i32) -> (i32, i32) {
    %c0_i32 = arith.constant 0 : i32
    %c0_i32_0 = arith.constant 0 : i32
    %c0_i32_1 = arith.constant 0 : i32
    return %c0_i32, %c0_i32_0 : i32, i32
  }
  func.func @transform_4(%arg0: i32) -> (i32, i32) {
    %c0_i32 = arith.constant 0 : i32
    %c0_i32_0 = arith.constant 0 : i32
    %c0_i32_1 = arith.constant 0 : i32
    return %c0_i32, %c0_i32_0 : i32, i32
  }
  func.func @transform_5(%arg0: i32) -> (i32, i32) {
    %c0_i32 = arith.constant 0 : i32
    %c0_i32_0 = arith.constant 0 : i32
    return %arg0, %c0_i32 : i32, i32
  }
  func.func @transform_6(%arg0: i32) -> (i32, i32) {
    %c0_i32 = arith.constant 0 : i32
    %c0_i32_0 = arith.constant 0 : i32
    return %arg0, %c0_i32 : i32, i32
  }
}

</mosaic_0001>

<sc_bundles>
// kernel: kernel.11.cloned.1.call-start
scs
__scs_entry_jumppad:
0x0: {  	(pc) =	sbr.rel $0x88, $3  }
0x1: {  	(tag) =	ssettag $0x0;
	lr =	simm.s32 $0x1  }
0x2: {  	[smem:$0x3F93] =	sst lr;
	_ =	strace $0xD0000000  }
0x3: {  	_ = 	snop  }
0x4: {  	_ = 	snop  }
0x5: {  	_ = 	snop  }
0x6: {  	_ = 	snop  }
0x7: {  	_ = 	snop  }
__scs_overlays_trampoline_lowered:
0x8: {  	[smem:$0x3FA2] =	sst s0  }
0x9: {  	[smem:$0x3FA3] =	sst s1  }
0xa: {  	[smem:$0x3FA4] =	sst s2  }
0xb: {  	[smem:$0x3FA5] =	sst s3  }
0xc: {  	[smem:$0x3FA6] =	sst s4  }
0xd: {  	[smem:$0x3FA7] =	sst s5  }
0xe: {  	[smem:$0x3FA8] =	sst s6  }
0xf: {  	[smem:$0x3FA9] =	sst s7  }
0x10: {  	[smem:$0x3FAA] =	sst s8  }
0x11: {  	[smem:$0x3FAB] =	sst s9;
	s0 =	simm.s32 @!p0 $0x0  }
0x12: {  	s1 =	sld [smem:$0x3F91];
	s0 =	simm.s32 @p0 $0x1  }
0x13: {  	[smem:$0x3FAC] =	sst s0;
	s0 =	simm.s32 @!p1 $0x0  }
0x14: {  	s2 =	sld [smem:$0x3F90];
	s0 =	simm.s32 @p1 $0x1  }
0x15: {  	[smem:$0x3FAD] =	sst s0;
	s0 =	simm.s32 @!p2 $0x0  }
0x16: {  	s3 =	sld [smem:$0x3FDB];
	s0 =	simm.s32 @p2 $0x1  }
0x17: {  	s4 =	simm.s32 $0x1BF5;
	[smem:$0x3FAF] =	sst s0  }
0x18: {  	s0 =	sld [smem:$0x3F92];
	_ =	swait.ge [sflag:s4], $0x0  }
0x19: {  	s7 =	sld [smem:$0x3F93]  }
0x1a: {  	s8 =	sadd.s32 $0xFFFFE003, lr  }
0x1b: {  	s9 =	sadd.s32 $0xFFFFFEF7, lr;
	s5 =	simm.s32 $0xFFFFFFFF;
	p2 =	slt.u32 s8, $0xFFFFF086  }
0x1c: {  	p1 =	slt.u32 s9, $0xF7A;
	s5 =	simm.s32 @!p2 $0x0  }
0x1d: {  	s5 =	simm.s32 @p1 $0x1;
	p0 =	seq.s32 s7, s2  }
0x1e: {  	s7 =	smul.u32 @!p0 $0xF7A, s2;
	p2 =	seq.s32 @!p0 s5, $0x0  }
0x1f: {  	s9 =	smul.u32 $0xF7A, s1;
	s8 =	simm.s32 @!p0 $0x1BF5;
	p2 =	por !p2, p0  }
0x20: {  	[sflag:s8] =	ssyncset.s32 @!p0 $0xFFFFF086;
	s6 =	sadd.s32 @!p0 s3, s7;
	s7 =	simm.s32 @!p0 $0x108  }
0x21: {  	s3 =	sadd.s32 s3, s9;
	s6 =	sadd.s32 @!p0 $0x88, s6;
	s7 =	simm.s32 @p2 $0x1082  }
0x22: {  	[simem:s7], [sflag:s8] =	dma.local @!p0 [hbm:s6], $0xF7A  }
0x23: {  	s9 =	sor.u32 $0xD0000000, s2;
	s6 =	simm.s32 $0x108;
	_ =	swait.ge @!p0 [sflag:s8], $0x0  }
0x24: {  	s3 =	sadd.s32 $0x88, s3;
	s6 =	simm.s32 @!p1 $0x1082;
	[sflag:s4] =	ssyncset.s32 $0xFFFFF086  }
0x25: {  	[simem:s6], [sflag:s4] =	dma.local [hbm:s3], $0xF7A  }
0x26: {  	[smem:$0x3F93] =	sst s1;
	(tag) =	ssettag s2;
	_ =	strace s9  }
0x27: {  	s1 =	sld [smem:$0x3FA3]  }
0x28: {  	s2 =	sld [smem:$0x3FA4]  }
0x29: {  	s4 =	sld [smem:$0x3FA6]  }
0x2a: {  	p0 =	seq.s32 s5, $0x0;
	s5 =	sld [smem:$0x3FA7]  }
0x2b: {  	s6 =	sld [smem:$0x3FA8]  }
0x2c: {  	s7 =	sld [smem:$0x3FA9]  }
0x2d: {  	s3 =	simm.s32 $0x108;
	s8 =	sld [smem:$0x3FAA]  }
0x2e: {  	s3 =	simm.s32 @!p0 $0x1082;
	s9 =	sld [smem:$0x3FAB]  }
0x2f: {  	lr =	sadd.s32 s0, s3;
	s0 =	sld [smem:$0x3FA2]  }
0x30: {  	s3 =	sld [smem:$0x3FA5]  }
0x31: {  	[smem:$0x3FAE] =	sst s10  }
0x32: {  	s10 =	sld [smem:$0x3FAC];
	_ =	sdelay $0x3  }
0x33: {  	p0 =	seq.s32 s10, $0x1;
	s10 =	sld [smem:$0x3FAE];
	_ =	sdelay $0x3  }
0x34: {  	[smem:$0x3FAE] =	sst s10  }
0x35: {  	s10 =	sld [smem:$0x3FAD];
	_ =	sdelay $0x3  }
0x36: {  	p1 =	seq.s32 s10, $0x1;
	s10 =	sld [smem:$0x3FAE];
	_ =	sdelay $0x3  }
0x37: {  	[smem:$0x3FAE] =	sst s10  }
0x38: {  	s10 =	sld [smem:$0x3FAF]  }
0x39: {  	_ = 	snop;
	(pc) =	sbr.ind lr, $3  }
0x3a: {  	_ = 	snop  }
0x3b: {  	_ = 	snop  }
0x3c: {  	p2 =	seq.s32 s10, $0x1;
	s10 =	sld [smem:$0x3FAE]  }
0x3d: {  	_ =	shalt  }
0x3e: {  	_ =	shalt  }
0x3f: {  	_ =	shalt  }
0x40: {  	_ =	shalt  }
0x41: {  	_ =	shalt  }
0x42: {  	_ =	shalt  }
0x43: {  	_ =	shalt  }
0x44: {  	_ =	shalt  }
0x45: {  	_ =	shalt  }
0x46: {  	_ =	shalt  }
0x47: {  	_ =	shalt  }
0x48: {  	_ =	shalt  }
0x49: {  	_ =	shalt  }
0x4a: {  	_ =	shalt  }
0x4b: {  	_ =	shalt  }
0x4c: {  	_ =	shalt  }
0x4d: {  	_ =	shalt  }
0x4e: {  	_ =	shalt  }
0x4f: {  	_ =	shalt  }
0x50: {  	_ =	shalt  }
0x51: {  	_ =	shalt  }
0x52: {  	_ =	shalt  }
0x53: {  	_ =	shalt  }
0x54: {  	_ =	shalt  }
0x55: {  	_ =	shalt  }
0x56: {  	_ =	shalt  }
0x57: {  	_ =	shalt  }
0x58: {  	_ =	shalt  }
0x59: {  	_ =	shalt  }
0x5a: {  	_ =	shalt  }
0x5b: {  	_ =	shalt  }
0x5c: {  	_ =	shalt  }
0x5d: {  	_ =	shalt  }
0x5e: {  	_ =	shalt  }
0x5f: {  	_ =	shalt  }
0x60: {  	_ =	shalt  }
0x61: {  	_ =	shalt  }
0x62: {  	_ =	shalt  }
0x63: {  	_ =	shalt  }
0x64: {  	_ =	shalt  }
0x65: {  	_ =	shalt  }
0x66: {  	_ =	shalt  }
0x67: {  	_ =	shalt  }
0x68: {  	_ =	shalt  }
0x69: {  	_ =	shalt  }
0x6a: {  	_ =	shalt  }
0x6b: {  	_ =	shalt  }
0x6c: {  	_ =	shalt  }
0x6d: {  	_ =	shalt  }
0x6e: {  	_ =	shalt  }
0x6f: {  	_ =	shalt  }
0x70: {  	_ =	shalt  }
0x71: {  	_ =	shalt  }
0x72: {  	_ =	shalt  }
0x73: {  	_ =	shalt  }
0x74: {  	_ =	shalt  }
0x75: {  	_ =	shalt  }
0x76: {  	_ =	shalt  }
0x77: {  	_ =	shalt  }
0x78: {  	_ =	shalt  }
0x79: {  	_ =	shalt  }
0x7a: {  	_ =	shalt  }
0x7b: {  	_ =	shalt  }
0x7c: {  	_ =	shalt  }
0x7d: {  	_ =	shalt  }
0x7e: {  	_ =	shalt  }
0x7f: {  	_ =	shalt  }
0x80: {  	_ =	shalt  }
0x81: {  	_ =	shalt  }
0x82: {  	_ =	shalt  }
0x83: {  	_ =	shalt  }
0x84: {  	_ =	shalt  }
0x85: {  	_ =	shalt  }
0x86: {  	_ =	shalt  }
0x87: {  	_ =	shalt  }
.Lfunc_end0:
.L_simem_size_0:
called_computation_lowered:
.L_overlay_start_0:
0x88: {  	s2 =	sld [smem:$0x3FD9]  }
0x89: {  	s3 =	sld [smem:$0x3FFE];
	_ =	sdelay $0x1  }
0x8a: {  	s1 =	srdreg.scid  }
0x8b: {  	s0 =	sand.u32 $0x1, s1  }
0x8c: {  	s17 =	sshll.u32 s0, $0xA;
	s2 =	sadd.s32 s3, s2  }
0x8d: {  	s2 =	sadd.s32 s2, s17  }
0x8e: {  	[smem:$0x3FBA] =	sst s2  }
0x8f: {  	_ = 	snop  }
0x90: {  	s2 =	sld [smem:$0x3FC9];
	(tm) =	ssettm $0x1  }
0x91: {  	s18 =	sld [smem:$0x3FFB];
	_ =	sdelay $0x3  }
0x92: {  	_ =	strace s18  }
0x93: {  	s3 =	sld [smem:$0x3FFC];
	_ =	sdelay $0x3  }
0x94: {  	_ =	strace s3  }
0x95: {  	s3 =	sld [smem:$0x3FFD];
	_ =	sdelay $0x3  }
0x96: {  	_ =	strace s3  }
0x97: {  	_ =	strace $0x8FFFFFFF  }
0x98: {  	s19 =	sld [smem:$0x3FDB];
	_ =	sdelay $0x1  }
0x99: {  	s4 =	simm.s32 $_scs_section_size  }
0x9a: {  	s5 =	simm.s32 $_size__tile_overlayer_lowered;
	s6 =	simm.s32 $_tile_overlayer_lowered  }
0x9b: {  	s22 =	simm.s32 $0x1BFF;
	s21 =	sshll.u32 s6, $0x1;
	s3 =	sadd.s32 s4, s19  }
0x9c: {  	s7 =	simm.s32 $0x0;
	s20 =	sshll.u32 s5, $0x1;
	s5 =	sadd.s32 s21, s3  }
0x9d: {  	[timem:s7], [sflag:s22] =	dma.local [hbm:s5], s20  }
0x9e: {  	_ =	swait.ge [sflag:s22], s20  }
0x9f: {  	s4 =	ssub.s32 $0x0, s20;
	[sflag:s22] =	ssyncset.done $0x0  }
0xa0: {  	[sflag:s22] =	ssyncadd.s32 s4;
	_ =	sdelay $0x1  }
0xa1: {  	s23 =	simm.s32 $0x1B8B  }
0xa2: {  	_ =	swait.ge [sflag:s23], $0x1  }
0xa3: {  	[sflag:s23] =	ssyncset.done $0x0  }
0xa4: {  	s25 =	simm.s32 $0x1B8E;
	s24 =	sld [smem:$0x3FFE];
	[sflag:s23] =	ssyncadd.s32 $0xFFFFFFFF  }
0xa5: {  	s26 =	simm.s32 $execute0_lowered;
	[smem:$0x3FD2] =	sst s25  }
0xa6: {  	s5 =	sshll.u32 s26, $0x1;
	_ =	strace $0x80000046;
	[dreg:$0x1] =	wrdreg $0xFFFFFFFF  }
0xa7: {  	s28 =	simm.s32 $_size_execute0_lowered;
	s3 =	sadd.s32 s3, s5;
	[dreg:$0x0] =	wrdreg $0x0  }
0xa8: {  	s5 =	sshll.u32 s28, $0x1;
	[dreg:$0x2] =	wrdreg s3  }
0xa9: {  	[dreg:$0x3] =	wrdreg s5  }
0xaa: {  	[dreg:$0x4] =	wrdreg $0xC0  }
0xab: {  	_ =	task [dreg:s7], $0x5FFFF  }
0xac: {  	[dreg:$0x1] =	wrdreg $0xFFFFFFFF  }
0xad: {  	[dreg:$0x0] =	wrdreg $0x60  }
0xae: {  	[dreg:$0x2] =	wrdreg s2  }
0xaf: {  	[dreg:$0x3] =	wrdreg s24  }
0xb0: {  	[dreg:$0x4] =	wrdreg $0xAA000  }
0xb1: {  	[dreg:$0x5] =	wrdreg $0x9  }
0xb2: {  	_ =	task.clear_ibuf [dreg:s7], $0x6FFFF;
	_ =	strace $0x90000046  }
0xb3: {  	s29 =	simm.s32 $0x9;
	_ =	strace $0x80000048  }
0xb4: {  	_ =	swait.ge [sflag:s29], $0x1  }
0xb5: {  	[sflag:s29] =	ssyncadd.s32 $0xFFFFFFFF  }
0xb6: {  	_ =	strace $0x90000048  }
0xb7: {  	_ =	sfence  }
0xb8: {  	s30 =	sld [smem:$0x0];
	_ =	sdelay $0x2  }
0xb9: {  	s31 =	sshll.u32 s1, $0xD;
	s1 =	sshrl.u32 s1, $0x2  }
0xba: {  	s3 =	sand.u32 $0x4000, s31;
	s1 =	sadd.s32 s1, s30  }
0xbb: {  	s0 =	sor.u32 s3, s0;
	s1 =	sshll.u32 s1, $0x11  }
0xbc: {  	s0 =	sor.u32 s1, s0  }
0xbd: {  	s0 =	sadd.s32 $0x8F2B, s0  }
0xbe: {  	[sflag:s0] =	ssyncadd.remote.s32 $0x1  }
0xbf: {  	_ =	sfence.sel $0xFFFF  }
0xc0: {  	[dreg:$0x0] =	wrdreg $0xFFFFFFFF;
	(pc) =	sbr.abs _section_cstart, $3  }
0xc1: {  	[dreg:$0x1] =	wrdreg $0xFFFFFFFF  }
0xc2: {  	_ =	task.clear_ibuf [dreg:s7], $0x2FFFF;
	_ =	strace $0x9FFFFFFF  }
0xc3: {  	(tm) =	ssettm $0x7FFFFFFF  }
tec
execute0_lowered:
.L_overlay_start_1:
0x0: {  	(tag) =	ssettag $0x1  }
0x1: {  	s2 =	rddreg [dreg:$0x0]  }
0x2: {  	s5 =	rddreg [dreg:$0x1];
	s0 =	srdreg.scid  }
0x3: {  	s3 =	rddreg [dreg:$0x2];
	s1 =	stileid.u32  }
0x4: {  	s4 =	simm.s32 $0x0;
	s14 =	simm.s32 $0x3;
	s15 =	simm.s32 $0x2A00  }
0x5: {  	s16 =	simm.s32 $0x80;
	s17 =	simm.s32 $0x2900;
	s18 =	simm.s32 $0x6A00  }
0x6: {  	s21 =	simm.s32 $0x2800;
	s22 =	simm.s32 $0x2880;
	s23 =	simm.s32 $0x1  }
0x7: {  	s24 =	simm.s32 $0x2;
	s25 =	simm.s32 $0x2980;
	s26 =	simm.s32 $0x0  }
0x8: {  	s6 =	sand.u32 $0x1, s0;
	s0 =	rddreg [dreg:$0x3];
	s9 =	smul.u32 $0x13C00, s1  }
0x9: {  	s7 =	sshll.u32 s1, $0x1;
	[smem:$0x7FF] =	sst s4;
	s29 =	smul.u32 $0x4F000, s1  }
0xa: {  	s19 =	sshll.u32 s1, $0x6;
	s8 =	smul.u32 $0x13C000, s6;
	s7 =	sor.u32 s6, s7  }
0xb: {  	_ =	strace $0x80000047;
	s6 =	ssub.s32 $0x2, s6;
	s19 =	sor.u32 $0x1C03, s19  }
0xc: {  	s7 =	smul.u32 $0x500, s7;
	s30 =	sshrl.u32 s6, $0x1;
	s31 =	sshrl.u32 s29, $0x2  }
0xd: {  	s8 =	sadd.s32 s9, s8;
	s11 =	ssub.s32 s6, s30;
	s6 =	sadd.s32 s31, s3  }
0xe: {  	s7 =	sadd.s32 s7, s5;
	s8 =	sshrl.u32 s8, $0x3;
	s12 =	sadd.s32 $0x8000, s6  }
0xf: {  	s13 =	sadd.s32 $0xC000, s6;
	s20 =	sshrl.u32 s6, $0x3;
	s10 =	sadd.s32 s8, s5  }
0x10: {  	s5 =	sadd.s32 $0x3600, s7;
	s7 =	sadd.s32 $0x10000, s6;
	s8 =	sadd.s32 $0x5C600, s10  }
0x11: {  	v0 =	vimm.f32 $0.0e+00;
	v1 =	vimm.f32 $1.000000000e+00;
	s9 =	sadd.s32 $0xD600, s10;
	s10 =	smax.u32 s11, $0x1;
	s11 =	sadd.s32 $0x4000, s6  }
.LBB2_1:
0x12: {  	[tilespmem:s4], [sflag:$0x3] =	stream.linear.gather [hbm4b:s5+s4], $0x2800, $0x38;
	[tilespmem:$0x1E600] =	vst v63  }
0x13: {  	_ =	swait.ge [sflag:s14], $0x2800  }
0x14: {  	[sflag:s14] =	ssyncset.done $0x0  }
0x15: {  	s28 =	simm.s32 $0x0;
	s29 =	simm.s32 $0x200;
	[sflag:s14] =	ssyncadd.s32 $0xFFFFD800  }
.LBB2_2:
0x16: {  	p0 =	sne.s32 s29, $0xFE00;
	[tilespmem:s28+$0x6A70] =	vst v1  }
0x17: {  	[tilespmem:s28+$0x2A00] =	vst v0  }
0x18: {  	[tilespmem:s28+$0x6A00] =	vst v1  }
0x19: {  	[tilespmem:s28+$0x2A10] =	vst v0  }
0x1a: {  	[tilespmem:s28+$0x6A10] =	vst v1  }
0x1b: {  	[tilespmem:s28+$0x2A20] =	vst v0  }
0x1c: {  	[tilespmem:s28+$0x6A20] =	vst v1  }
0x1d: {  	[tilespmem:s28+$0x2A30] =	vst v0  }
0x1e: {  	[tilespmem:s28+$0x6A30] =	vst v1  }
0x1f: {  	[tilespmem:s28+$0x2A40] =	vst v0  }
0x20: {  	[tilespmem:s28+$0x6A40] =	vst v1  }
.Ltmp0:
0x21: {  	[tilespmem:s28+$0x2A50] =	vst v0;
	(pc) =	sbr.rel @p0 .LBB2_2-.Ltmp0, $4  }
0x22: {  	[tilespmem:s28+$0x6A50] =	vst v1  }
0x23: {  	[tilespmem:s28+$0x2A60] =	vst v0  }
0x24: {  	[tilespmem:s28+$0x6A60] =	vst v1  }
0x25: {  	[tilespmem:s28+$0x2A70] =	vst v0;
	s28 =	sshra.s32 s29, $0x2;
	s29 =	sadd.s32 $0x200, s29  }
0x26: {  	[tilespmem:s28+$0x6A70] =	vst v1  }
0x27: {  	[tilespmem:s28+$0x2A00] =	vst v0  }
0x28: {  	[tilespmem:s28+$0x6A00] =	vst v1  }
0x29: {  	[tilespmem:s28+$0x2A10] =	vst v0  }
0x2a: {  	[tilespmem:s28+$0x6A10] =	vst v1  }
0x2b: {  	[tilespmem:s28+$0x2A20] =	vst v0  }
0x2c: {  	[tilespmem:s28+$0x6A20] =	vst v1  }
0x2d: {  	[tilespmem:s28+$0x2A30] =	vst v0  }
0x2e: {  	[tilespmem:s28+$0x6A30] =	vst v1  }
0x2f: {  	[tilespmem:s28+$0x2A40] =	vst v0  }
0x30: {  	[tilespmem:s28+$0x6A40] =	vst v1  }
0x31: {  	[tilespmem:s28+$0x2A50] =	vst v0  }
0x32: {  	[tilespmem:s28+$0x6A50] =	vst v1  }
0x33: {  	[tilespmem:s28+$0x2A60] =	vst v0  }
0x34: {  	[tilespmem:s28+$0x6A60] =	vst v1  }
0x35: {  	[tilespmem:s28+$0x2A70] =	vst v0  }
0x36: {  	[spmem:s6] =	stream.linear.scatter [tilespmem:s15], [sflag:$0x3], $0x4000, $0x38;
	[tilespmem:$0x1E600] =	vst v63  }
0x37: {  	_ =	swait.ge [sflag:s14], $0x4000  }
0x38: {  	[sflag:s14] =	ssyncset.done $0x0  }
0x39: {  	[sflag:s14] =	ssyncadd.s32 $0xFFFFC000  }
0x3a: {  	[spmem:s11] =	stream.linear.scatter [tilespmem:s15], [sflag:$0x3], $0x4000, $0x38;
	[tilespmem:$0x1E600] =	vst v63  }
0x3b: {  	_ =	swait.ge [sflag:s14], $0x4000  }
0x3c: {  	[sflag:s14] =	ssyncset.done $0x0  }
0x3d: {  	[sflag:s14] =	ssyncadd.s32 $0xFFFFC000  }
0x3e: {  	[spmem:s12] =	stream.linear.scatter [tilespmem:s15], [sflag:$0x3], $0x4000, $0x38;
	[tilespmem:$0x1E600] =	vst v63  }
0x3f: {  	_ =	swait.ge [sflag:s14], $0x4000  }
0x40: {  	[sflag:s14] =	ssyncset.done $0x0  }
0x41: {  	[sflag:s14] =	ssyncadd.s32 $0xFFFFC000  }
0x42: {  	[spmem:s13] =	stream.linear.scatter [tilespmem:s15], [sflag:$0x3], $0x4000, $0x38;
	[tilespmem:$0x1E600] =	vst v63  }
0x43: {  	_ =	swait.ge [sflag:s14], $0x4000  }
0x44: {  	[sflag:s14] =	ssyncset.done $0x0  }
0x45: {  	[sflag:s14] =	ssyncadd.s32 $0xFFFFC000  }
0x46: {  	[spmem:s7] =	stream.linear.scatter [tilespmem:s15], [sflag:$0x3], $0x3C00, $0x38;
	[tilespmem:$0x1E600] =	vst v63  }
0x47: {  	_ =	swait.ge [sflag:s14], $0x3C00  }
0x48: {  	[sflag:s14] =	ssyncset.done $0x0  }
0x49: {  	[sflag:s14] =	ssyncadd.s32 $0xFFFFC400  }
0x4a: {  	s28 =	simm.s32 $0x0;
	[bflag:$0x0] =	sbarrier.arrive $0xFFFF  }
0x4b: {  	v2 =	vld [tilespmem:s28+$0x0];
	_ =	sdelay $0x4  }
0x4c: {  	v2 =	vshra.s32 v2, $0x10  }
0x4d: {  	[tilespmem:$0x2900] =	vst v2  }
0x4e: {  	v2 =	vld [tilespmem:s28+$0x10];
	_ =	sdelay $0x4  }
0x4f: {  	v2 =	vshra.s32 v2, $0x10  }
0x50: {  	[tilespmem:$0x2910] =	vst v2  }
0x51: {  	v2 =	vld [tilespmem:s28+$0x20];
	_ =	sdelay $0x4  }
0x52: {  	v2 =	vshra.s32 v2, $0x10  }
0x53: {  	[tilespmem:$0x2920] =	vst v2  }
0x54: {  	v2 =	vld [tilespmem:s28+$0x30];
	_ =	sdelay $0x4  }
0x55: {  	v2 =	vshra.s32 v2, $0x10  }
0x56: {  	[tilespmem:$0x2930] =	vst v2  }
0x57: {  	v2 =	vld [tilespmem:s28+$0x40];
	_ =	sdelay $0x4  }
0x58: {  	v2 =	vshra.s32 v2, $0x10  }
0x59: {  	[tilespmem:$0x2940] =	vst v2  }
0x5a: {  	v2 =	vld [tilespmem:s28+$0x50];
	_ =	sdelay $0x4  }
0x5b: {  	v2 =	vshra.s32 v2, $0x10  }
0x5c: {  	[tilespmem:$0x2950] =	vst v2  }
0x5d: {  	v2 =	vld [tilespmem:s28+$0x60];
	_ =	sdelay $0x4  }
0x5e: {  	v2 =	vshra.s32 v2, $0x10  }
0x5f: {  	[tilespmem:$0x2960] =	vst v2  }
0x60: {  	v2 =	vld [tilespmem:s28+$0x70];
	_ =	sdelay $0x4  }
0x61: {  	v2 =	vshra.s32 v2, $0x10  }
0x62: {  	[tilespmem:$0x2970] =	vst v2  }
0x63: {  	[spmem:s3] =	stream.indirect.scatter.add.f32 [tilespmem:s18], [sflag:$0x3], $0x80, s17, s16, $0xb8;
	[tilespmem:$0x1E600] =	vst v63  }
0x64: {  	_ =	swait.ge [sflag:s14], $0x4000  }
0x65: {  	s31 =	simm.s32 $0x400;
	s28 =	simm.s32 $0x200;
	[sflag:s14] =	ssyncset.done $0x0  }
.LBB2_4:
0x66: {  	s30 =	sshra.s32 s28, $0x2  }
0x67: {  	[sflag:s14] =	ssyncadd.s32 $0xFFFFC000;
	s28 =	smov.u32 s31;
	s29 =	sadd.s32 $0x200, s31  }
0x68: {  	p0 =	sne.s32 s31, $0x9E00;
	v2 =	vld [tilespmem:s30+$0x0];
	_ =	sdelay $0x4  }
0x69: {  	v2 =	vshra.s32 v2, $0x10  }
0x6a: {  	[tilespmem:$0x2900] =	vst v2  }
0x6b: {  	v2 =	vld [tilespmem:s30+$0x10];
	_ =	sdelay $0x4  }
0x6c: {  	v2 =	vshra.s32 v2, $0x10  }
0x6d: {  	[tilespmem:$0x2910] =	vst v2  }
0x6e: {  	v2 =	vld [tilespmem:s30+$0x20];
	_ =	sdelay $0x4  }
0x6f: {  	v2 =	vshra.s32 v2, $0x10  }
0x70: {  	[tilespmem:$0x2920] =	vst v2  }
0x71: {  	v2 =	vld [tilespmem:s30+$0x30];
	_ =	sdelay $0x4  }
0x72: {  	v2 =	vshra.s32 v2, $0x10  }
0x73: {  	[tilespmem:$0x2930] =	vst v2  }
0x74: {  	v2 =	vld [tilespmem:s30+$0x40];
	_ =	sdelay $0x4  }
0x75: {  	v2 =	vshra.s32 v2, $0x10  }
0x76: {  	[tilespmem:$0x2940] =	vst v2  }
0x77: {  	v2 =	vld [tilespmem:s30+$0x50];
	_ =	sdelay $0x4  }
0x78: {  	v2 =	vshra.s32 v2, $0x10  }
0x79: {  	[tilespmem:$0x2950] =	vst v2  }
0x7a: {  	v2 =	vld [tilespmem:s30+$0x60];
	_ =	sdelay $0x4  }
0x7b: {  	v2 =	vshra.s32 v2, $0x10  }
0x7c: {  	[tilespmem:$0x2960] =	vst v2  }
0x7d: {  	v2 =	vld [tilespmem:s30+$0x70];
	_ =	sdelay $0x4  }
.Ltmp1:
0x7e: {  	v2 =	vshra.s32 v2, $0x10;
	(pc) =	sbr.rel @p0 .LBB2_4-.Ltmp1, $4  }
0x7f: {  	[tilespmem:$0x2970] =	vst v2  }
0x80: {  	[spmem:s3] =	stream.indirect.scatter.add.f32 [tilespmem:s18], [sflag:$0x3], $0x80, s17, s16, $0xb8;
	[tilespmem:$0x1E600] =	vst v63  }
0x81: {  	_ =	swait.ge [sflag:s14], $0x4000  }
0x82: {  	s31 =	smov.u32 s29;
	[sflag:s14] =	ssyncset.done $0x0  }
0x83: {  	s28 =	sshra.s32 s28, $0x2;
	[sflag:s14] =	ssyncadd.s32 $0xFFFFC000  }
0x84: {  	v2 =	vld [tilespmem:s28+$0x0];
	_ =	sdelay $0x4  }
0x85: {  	v2 =	vshra.s32 v2, $0x10  }
0x86: {  	[tilespmem:$0x2900] =	vst v2  }
0x87: {  	v2 =	vld [tilespmem:s28+$0x10];
	_ =	sdelay $0x4  }
0x88: {  	v2 =	vshra.s32 v2, $0x10  }
0x89: {  	[tilespmem:$0x2910] =	vst v2  }
0x8a: {  	v2 =	vld [tilespmem:s28+$0x20];
	_ =	sdelay $0x4  }
0x8b: {  	v2 =	vshra.s32 v2, $0x10  }
0x8c: {  	[tilespmem:$0x2920] =	vst v2  }
0x8d: {  	v2 =	vld [tilespmem:s28+$0x30];
	_ =	sdelay $0x4  }
0x8e: {  	v2 =	vshra.s32 v2, $0x10  }
0x8f: {  	[tilespmem:$0x2930] =	vst v2  }
0x90: {  	v2 =	vld [tilespmem:s28+$0x40];
	_ =	sdelay $0x4  }
0x91: {  	v2 =	vshra.s32 v2, $0x10  }
0x92: {  	[tilespmem:$0x2940] =	vst v2  }
0x93: {  	v2 =	vld [tilespmem:s28+$0x50];
	_ =	sdelay $0x4  }
0x94: {  	v2 =	vshra.s32 v2, $0x10  }
0x95: {  	[tilespmem:$0x2950] =	vst v2  }
0x96: {  	v2 =	vld [tilespmem:s28+$0x60];
	_ =	sdelay $0x4  }
0x97: {  	v2 =	vshra.s32 v2, $0x10  }
0x98: {  	[tilespmem:$0x2960] =	vst v2  }
0x99: {  	v2 =	vld [tilespmem:s28+$0x70];
	_ =	sdelay $0x4  }
0x9a: {  	v2 =	vshra.s32 v2, $0x10  }
0x9b: {  	[tilespmem:$0x2970] =	vst v2  }
0x9c: {  	[spmem:s3] =	stream.indirect.scatter.add.f32 [tilespmem:s18], [sflag:$0x3], $0x80, s17, s16, $0xb8;
	[tilespmem:$0x1E600] =	vst v63  }
0x9d: {  	_ =	swait.ge [sflag:s14], $0x4000  }
0x9e: {  	[sflag:s14] =	ssyncset.done $0x0  }
0x9f: {  	[sflag:s14] =	ssyncadd.s32 $0xFFFFC000  }
0xa0: {  	[bflag:$0x0] =	sbarrier.arrive $0xFFFF  }
0xa1: {  	[hbm:s8], [sflag:s19] =	dma.local [spmem:s20], $0x2780  }
0xa2: {  	_ =	swait.ge [sflag:s14], $0x2780  }
0xa3: {  	[sflag:s14] =	ssyncset.done $0x0  }
0xa4: {  	[sflag:s14] =	ssyncadd.s32 $0xFFFFD880  }
0xa5: {  	[spmem:s6] =	stream.linear.scatter [tilespmem:s15], [sflag:$0x3], $0x4000, $0x38;
	[tilespmem:$0x1E600] =	vst v63  }
0xa6: {  	_ =	swait.ge [sflag:s14], $0x4000  }
0xa7: {  	[sflag:s14] =	ssyncset.done $0x0  }
0xa8: {  	[sflag:s14] =	ssyncadd.s32 $0xFFFFC000  }
0xa9: {  	[spmem:s11] =	stream.linear.scatter [tilespmem:s15], [sflag:$0x3], $0x4000, $0x38;
	[tilespmem:$0x1E600] =	vst v63  }
0xaa: {  	_ =	swait.ge [sflag:s14], $0x4000  }
0xab: {  	[sflag:s14] =	ssyncset.done $0x0  }
0xac: {  	[sflag:s14] =	ssyncadd.s32 $0xFFFFC000  }
0xad: {  	[spmem:s12] =	stream.linear.scatter [tilespmem:s15], [sflag:$0x3], $0x4000, $0x38;
	[tilespmem:$0x1E600] =	vst v63  }
0xae: {  	_ =	swait.ge [sflag:s14], $0x4000  }
0xaf: {  	[sflag:s14] =	ssyncset.done $0x0  }
0xb0: {  	[sflag:s14] =	ssyncadd.s32 $0xFFFFC000  }
0xb1: {  	[spmem:s13] =	stream.linear.scatter [tilespmem:s15], [sflag:$0x3], $0x4000, $0x38;
	[tilespmem:$0x1E600] =	vst v63  }
0xb2: {  	_ =	swait.ge [sflag:s14], $0x4000  }
0xb3: {  	[sflag:s14] =	ssyncset.done $0x0  }
0xb4: {  	[sflag:s14] =	ssyncadd.s32 $0xFFFFC000  }
0xb5: {  	[spmem:s7] =	stream.linear.scatter [tilespmem:s15], [sflag:$0x3], $0x3C00, $0x38;
	[tilespmem:$0x1E600] =	vst v63  }
0xb6: {  	_ =	swait.ge [sflag:s14], $0x3C00  }
0xb7: {  	[sflag:s14] =	ssyncset.done $0x0  }
0xb8: {  	[sflag:s14] =	ssyncadd.s32 $0xFFFFC400  }
0xb9: {  	[bflag:$0x0] =	sbarrier.arrive $0xFFFF  }
0xba: {  	v2 =	vld [tilespmem:$0x0];
	_ =	sdelay $0x1  }
0xbb: {  	v3 =	vld [tilespmem:$0x10];
	_ =	sdelay $0x1  }
0xbc: {  	v4 =	vld [tilespmem:$0x20]  }
0xbd: {  	v5 =	vand.u32 $0xFFFF, v2  }
0xbe: {  	v56 =	vld [tilespmem:$0x30];
	v2 =	vshra.s32 v2, $0x10;
	[tilespmem:$0x2800] =	vst v5  }
0xbf: {  	[tilespmem:$0x2900] =	vst v2;
	v2 =	vand.u32 $0xFFFF, v3  }
0xc0: {  	[tilespmem:$0x2810] =	vst v2;
	v2 =	vshra.s32 v3, $0x10;
	v3 =	vld [tilespmem:$0x40]  }
0xc1: {  	[tilespmem:$0x2910] =	vst v2;
	v2 =	vand.u32 $0xFFFF, v4  }
0xc2: {  	v57 =	vld [tilespmem:$0x50];
	[tilespmem:$0x2820] =	vst v2;
	v2 =	vshra.s32 v4, $0x10  }
0xc3: {  	[tilespmem:$0x2920] =	vst v2;
	v2 =	vand.u32 $0xFFFF, v56  }
0xc4: {  	v58 =	vld [tilespmem:$0x60];
	[tilespmem:$0x2830] =	vst v2;
	v2 =	vshra.s32 v56, $0x10  }
0xc5: {  	[tilespmem:$0x2930] =	vst v2;
	v2 =	vand.u32 $0xFFFF, v3  }
0xc6: {  	[tilespmem:$0x2840] =	vst v2;
	v2 =	vshra.s32 v3, $0x10;
	v3 =	vld [tilespmem:$0x70]  }
0xc7: {  	[tilespmem:$0x2940] =	vst v2;
	v2 =	vand.u32 $0xFFFF, v57  }
0xc8: {  	[tilespmem:$0x2850] =	vst v2;
	v2 =	vshra.s32 v57, $0x10  }
0xc9: {  	[tilespmem:$0x2950] =	vst v2;
	v2 =	vand.u32 $0xFFFF, v58  }
0xca: {  	[tilespmem:$0x2860] =	vst v2;
	v2 =	vshra.s32 v58, $0x10  }
0xcb: {  	[tilespmem:$0x2960] =	vst v2;
	v2 =	vand.u32 $0xFFFF, v3  }
0xcc: {  	[tilespmem:$0x2870] =	vst v2;
	v2 =	vshra.s32 v3, $0x10  }
0xcd: {  	[tilespmem:$0x2970] =	vst v2  }
0xce: {  	[tilespmem:s15], [sflag:$0x1] =	stream.indirect.gather [hbm4b:s2+s16], $0x80, s21, s16, $0xb8;
	[tilespmem:$0x1E600] =	vst v63  }
0xcf: {  	v2 =	vld [tilespmem:$0x80];
	_ =	sdelay $0x1  }
0xd0: {  	v3 =	vld [tilespmem:$0x90];
	_ =	sdelay $0x1  }
0xd1: {  	v59 =	vld [tilespmem:$0xA0]  }
0xd2: {  	v60 =	vand.u32 $0xFFFF, v2  }
0xd3: {  	v61 =	vld [tilespmem:$0xB0];
	v2 =	vshra.s32 v2, $0x10;
	[tilespmem:$0x2880] =	vst v60  }
0xd4: {  	[tilespmem:$0x2980] =	vst v2;
	v2 =	vand.u32 $0xFFFF, v3  }
0xd5: {  	[tilespmem:$0x2890] =	vst v2;
	v2 =	vshra.s32 v3, $0x10;
	v3 =	vld [tilespmem:$0xC0]  }
0xd6: {  	[tilespmem:$0x2990] =	vst v2;
	v2 =	vand.u32 $0xFFFF, v59  }
0xd7: {  	v62 =	vld [tilespmem:$0xD0];
	[tilespmem:$0x28A0] =	vst v2;
	v2 =	vshra.s32 v59, $0x10  }
0xd8: {  	[tilespmem:$0x29A0] =	vst v2;
	v2 =	vand.u32 $0xFFFF, v61  }
0xd9: {  	v63 =	vld [tilespmem:$0xE0];
	[tilespmem:$0x28B0] =	vst v2;
	v2 =	vshra.s32 v61, $0x10  }
0xda: {  	[tilespmem:$0x29B0] =	vst v2;
	v2 =	vand.u32 $0xFFFF, v3  }
0xdb: {  	[tilespmem:$0x28C0] =	vst v2;
	v2 =	vshra.s32 v3, $0x10;
	v3 =	vld [tilespmem:$0xF0]  }
0xdc: {  	[tilespmem:$0x29C0] =	vst v2;
	v2 =	vand.u32 $0xFFFF, v62  }
0xdd: {  	[tilespmem:$0x28D0] =	vst v2;
	v2 =	vshra.s32 v62, $0x10  }
0xde: {  	[tilespmem:$0x29D0] =	vst v2;
	v2 =	vand.u32 $0xFFFF, v63  }
0xdf: {  	[tilespmem:$0x28E0] =	vst v2;
	v2 =	vshra.s32 v63, $0x10  }
0xe0: {  	[tilespmem:$0x29E0] =	vst v2;
	v2 =	vand.u32 $0xFFFF, v3  }
0xe1: {  	[tilespmem:$0x28F0] =	vst v2;
	v2 =	vshra.s32 v3, $0x10  }
0xe2: {  	[tilespmem:$0x29F0] =	vst v2  }
0xe3: {  	[tilespmem:s18], [sflag:$0x2] =	stream.indirect.gather [hbm4b:s2+s16], $0x80, s22, s16, $0xb8;
	[tilespmem:$0x1E600] =	vst v63  }
0xe4: {  	_ =	swait.ge [sflag:s23], $0x4000  }
0xe5: {  	[sflag:s23] =	ssyncset.done $0x0  }
0xe6: {  	[sflag:s23] =	ssyncadd.s32 $0xFFFFC000  }
0xe7: {  	[spmem:s3] =	stream.indirect.scatter.add.f32 [tilespmem:s15], [sflag:$0x3], $0x80, s17, s16, $0xb8;
	[tilespmem:$0x1E600] =	vst v63  }
0xe8: {  	_ =	swait.ge [sflag:s14], $0x4000  }
0xe9: {  	[sflag:s14] =	ssyncset.done $0x0  }
0xea: {  	s28 =	simm.s32 $0x1F0;
	[sflag:s14] =	ssyncadd.s32 $0xFFFFC000  }
0xeb: {  	v2 =	vld [tilespmem:s28+$0xFFFFFF10];
	_ =	sdelay $0x4  }
0xec: {  	v3 =	vand.u32 $0xFFFF, v2  }
0xed: {  	v2 =	vshra.s32 v2, $0x10;
	[tilespmem:$0x2800] =	vst v3  }
0xee: {  	[tilespmem:$0x2900] =	vst v2  }
0xef: {  	v2 =	vld [tilespmem:s28+$0xFFFFFF20];
	_ =	sdelay $0x4  }
0xf0: {  	v3 =	vand.u32 $0xFFFF, v2  }
0xf1: {  	v2 =	vshra.s32 v2, $0x10;
	[tilespmem:$0x2810] =	vst v3  }
0xf2: {  	[tilespmem:$0x2910] =	vst v2  }
0xf3: {  	v2 =	vld [tilespmem:s28+$0xFFFFFF30];
	_ =	sdelay $0x4  }
0xf4: {  	v3 =	vand.u32 $0xFFFF, v2  }
0xf5: {  	v2 =	vshra.s32 v2, $0x10;
	[tilespmem:$0x2820] =	vst v3  }
0xf6: {  	[tilespmem:$0x2920] =	vst v2  }
0xf7: {  	v2 =	vld [tilespmem:s28+$0xFFFFFF40];
	_ =	sdelay $0x4  }
0xf8: {  	v3 =	vand.u32 $0xFFFF, v2  }
0xf9: {  	v2 =	vshra.s32 v2, $0x10;
	[tilespmem:$0x2830] =	vst v3  }
0xfa: {  	[tilespmem:$0x2930] =	vst v2  }
0xfb: {  	v2 =	vld [tilespmem:s28+$0xFFFFFF50];
	_ =	sdelay $0x4  }
0xfc: {  	v3 =	vand.u32 $0xFFFF, v2  }
0xfd: {  	v2 =	vshra.s32 v2, $0x10;
	[tilespmem:$0x2840] =	vst v3  }
0xfe: {  	[tilespmem:$0x2940] =	vst v2  }
0xff: {  	v2 =	vld [tilespmem:s28+$0xFFFFFF60];
	_ =	sdelay $0x4  }
0x100: {  	v3 =	vand.u32 $0xFFFF, v2  }
0x101: {  	v2 =	vshra.s32 v2, $0x10;
	[tilespmem:$0x2850] =	vst v3  }
0x102: {  	[tilespmem:$0x2950] =	vst v2  }
0x103: {  	v2 =	vld [tilespmem:s28+$0xFFFFFF70];
	_ =	sdelay $0x4  }
0x104: {  	v3 =	vand.u32 $0xFFFF, v2  }
0x105: {  	v2 =	vshra.s32 v2, $0x10;
	[tilespmem:$0x2860] =	vst v3  }
0x106: {  	[tilespmem:$0x2960] =	vst v2  }
0x107: {  	v2 =	vld [tilespmem:s28+$0xFFFFFF80];
	_ =	sdelay $0x4  }
0x108: {  	v3 =	vand.u32 $0xFFFF, v2  }
0x109: {  	v2 =	vshra.s32 v2, $0x10;
	[tilespmem:$0x2870] =	vst v3  }
0x10a: {  	[tilespmem:$0x2970] =	vst v2  }
0x10b: {  	[tilespmem:s15], [sflag:$0x1] =	stream.indirect.gather [hbm4b:s2+s16], $0x80, s21, s16, $0xb8;
	[tilespmem:$0x1E600] =	vst v63  }
0x10c: {  	_ =	swait.ge [sflag:s24], $0x4000  }
0x10d: {  	[sflag:s24] =	ssyncset.done $0x0  }
0x10e: {  	[sflag:s24] =	ssyncadd.s32 $0xFFFFC000  }
0x10f: {  	[spmem:s3] =	stream.indirect.scatter.add.f32 [tilespmem:s18], [sflag:$0x3], $0x80, s25, s16, $0xb8;
	[tilespmem:$0x1E600] =	vst v63  }
0x110: {  	_ =	swait.ge [sflag:s14], $0x4000  }
0x111: {  	[sflag:s14] =	ssyncset.done $0x0  }
0x112: {  	[sflag:s14] =	ssyncadd.s32 $0xFFFFC000  }
0x113: {  	v2 =	vld [tilespmem:s28+$0xFFFFFF90];
	_ =	sdelay $0x4  }
0x114: {  	v3 =	vand.u32 $0xFFFF, v2  }
0x115: {  	v2 =	vshra.s32 v2, $0x10;
	[tilespmem:$0x2880] =	vst v3  }
0x116: {  	[tilespmem:$0x2980] =	vst v2  }
0x117: {  	v2 =	vld [tilespmem:s28+$0xFFFFFFA0];
	_ =	sdelay $0x4  }
0x118: {  	v3 =	vand.u32 $0xFFFF, v2  }
0x119: {  	v2 =	vshra.s32 v2, $0x10;
	[tilespmem:$0x2890] =	vst v3  }
0x11a: {  	[tilespmem:$0x2990] =	vst v2  }
0x11b: {  	v2 =	vld [tilespmem:s28+$0xFFFFFFB0];
	_ =	sdelay $0x4  }
0x11c: {  	v3 =	vand.u32 $0xFFFF, v2  }
0x11d: {  	v2 =	vshra.s32 v2, $0x10;
	[tilespmem:$0x28A0] =	vst v3  }
0x11e: {  	[tilespmem:$0x29A0] =	vst v2  }
0x11f: {  	v2 =	vld [tilespmem:s28+$0xFFFFFFC0];
	_ =	sdelay $0x4  }
0x120: {  	v3 =	vand.u32 $0xFFFF, v2  }
0x121: {  	v2 =	vshra.s32 v2, $0x10;
	[tilespmem:$0x28B0] =	vst v3  }
0x122: {  	[tilespmem:$0x29B0] =	vst v2  }
0x123: {  	v2 =	vld [tilespmem:s28+$0xFFFFFFD0];
	_ =	sdelay $0x4  }
0x124: {  	v3 =	vand.u32 $0xFFFF, v2  }
0x125: {  	v2 =	vshra.s32 v2, $0x10;
	[tilespmem:$0x28C0] =	vst v3  }
0x126: {  	[tilespmem:$0x29C0] =	vst v2  }
0x127: {  	v2 =	vld [tilespmem:s28+$0xFFFFFFE0];
	_ =	sdelay $0x4  }
0x128: {  	v3 =	vand.u32 $0xFFFF, v2  }
0x129: {  	v2 =	vshra.s32 v2, $0x10;
	[tilespmem:$0x28D0] =	vst v3  }
0x12a: {  	s29 =	simm.s32 $0xBC0;
	[tilespmem:$0x29D0] =	vst v2  }
.LBB2_6:
0x12b: {  	p0 =	sne.s32 s29, $0x9FC0;
	v2 =	vld [tilespmem:s28+$0xFFFFFFF0];
	s30 =	smov.u32 s29;
	s29 =	sadd.s32 $0x400, s29  }
0x12c: {  	_ =	sdelay $0x3  }
0x12d: {  	v3 =	vand.u32 $0xFFFF, v2;
	v2 =	vshra.s32 v2, $0x10  }
0x12e: {  	[tilespmem:$0x28E0] =	vst v3  }
0x12f: {  	[tilespmem:$0x29E0] =	vst v2  }
0x130: {  	v2 =	vld [tilespmem:s28+$0x0];
	_ =	sdelay $0x4  }
0x131: {  	v3 =	vand.u32 $0xFFFF, v2;
	v2 =	vshra.s32 v2, $0x10  }
0x132: {  	[tilespmem:$0x28F0] =	vst v3  }
0x133: {  	[tilespmem:$0x29F0] =	vst v2  }
0x134: {  	[tilespmem:s18], [sflag:$0x2] =	stream.indirect.gather [hbm4b:s2+s16], $0x80, s22, s16, $0xb8;
	[tilespmem:$0x1E600] =	vst v63  }
0x135: {  	_ =	swait.ge [sflag:s23], $0x4000  }
0x136: {  	[sflag:s23] =	ssyncset.done $0x0  }
0x137: {  	[sflag:s23] =	ssyncadd.s32 $0xFFFFC000  }
0x138: {  	[spmem:s3] =	stream.indirect.scatter.add.f32 [tilespmem:s15], [sflag:$0x3], $0x80, s17, s16, $0xb8;
	[tilespmem:$0x1E600] =	vst v63  }
0x139: {  	_ =	swait.ge [sflag:s14], $0x4000  }
0x13a: {  	[sflag:s14] =	ssyncset.done $0x0  }
0x13b: {  	s28 =	sshra.s32 s30, $0x2;
	[sflag:s14] =	ssyncadd.s32 $0xFFFFC000  }
0x13c: {  	v2 =	vld [tilespmem:s28+$0xFFFFFF10];
	_ =	sdelay $0x4  }
0x13d: {  	v3 =	vand.u32 $0xFFFF, v2;
	v2 =	vshra.s32 v2, $0x10  }
0x13e: {  	[tilespmem:$0x2800] =	vst v3  }
0x13f: {  	[tilespmem:$0x2900] =	vst v2  }
0x140: {  	v2 =	vld [tilespmem:s28+$0xFFFFFF20];
	_ =	sdelay $0x4  }
0x141: {  	v3 =	vand.u32 $0xFFFF, v2;
	v2 =	vshra.s32 v2, $0x10  }
0x142: {  	[tilespmem:$0x2810] =	vst v3  }
0x143: {  	[tilespmem:$0x2910] =	vst v2  }
0x144: {  	v2 =	vld [tilespmem:s28+$0xFFFFFF30];
	_ =	sdelay $0x4  }
0x145: {  	v3 =	vand.u32 $0xFFFF, v2;
	v2 =	vshra.s32 v2, $0x10  }
0x146: {  	[tilespmem:$0x2820] =	vst v3  }
0x147: {  	[tilespmem:$0x2920] =	vst v2  }
0x148: {  	v2 =	vld [tilespmem:s28+$0xFFFFFF40];
	_ =	sdelay $0x4  }
0x149: {  	v3 =	vand.u32 $0xFFFF, v2;
	v2 =	vshra.s32 v2, $0x10  }
0x14a: {  	[tilespmem:$0x2830] =	vst v3  }
0x14b: {  	[tilespmem:$0x2930] =	vst v2  }
0x14c: {  	v2 =	vld [tilespmem:s28+$0xFFFFFF50];
	_ =	sdelay $0x4  }
0x14d: {  	v3 =	vand.u32 $0xFFFF, v2;
	v2 =	vshra.s32 v2, $0x10  }
0x14e: {  	[tilespmem:$0x2840] =	vst v3  }
0x14f: {  	[tilespmem:$0x2940] =	vst v2  }
0x150: {  	v2 =	vld [tilespmem:s28+$0xFFFFFF60];
	_ =	sdelay $0x4  }
0x151: {  	v3 =	vand.u32 $0xFFFF, v2;
	v2 =	vshra.s32 v2, $0x10  }
0x152: {  	[tilespmem:$0x2850] =	vst v3  }
0x153: {  	[tilespmem:$0x2950] =	vst v2  }
0x154: {  	v2 =	vld [tilespmem:s28+$0xFFFFFF70];
	_ =	sdelay $0x4  }
0x155: {  	v3 =	vand.u32 $0xFFFF, v2;
	v2 =	vshra.s32 v2, $0x10  }
0x156: {  	[tilespmem:$0x2860] =	vst v3  }
0x157: {  	[tilespmem:$0x2960] =	vst v2  }
0x158: {  	v2 =	vld [tilespmem:s28+$0xFFFFFF80];
	_ =	sdelay $0x4  }
0x159: {  	v3 =	vand.u32 $0xFFFF, v2;
	v2 =	vshra.s32 v2, $0x10  }
0x15a: {  	[tilespmem:$0x2870] =	vst v3  }
0x15b: {  	[tilespmem:$0x2970] =	vst v2  }
0x15c: {  	[tilespmem:s15], [sflag:$0x1] =	stream.indirect.gather [hbm4b:s2+s16], $0x80, s21, s16, $0xb8;
	[tilespmem:$0x1E600] =	vst v63  }
0x15d: {  	_ =	swait.ge [sflag:s24], $0x4000  }
0x15e: {  	[sflag:s24] =	ssyncset.done $0x0  }
0x15f: {  	[sflag:s24] =	ssyncadd.s32 $0xFFFFC000  }
0x160: {  	[spmem:s3] =	stream.indirect.scatter.add.f32 [tilespmem:s18], [sflag:$0x3], $0x80, s25, s16, $0xb8;
	[tilespmem:$0x1E600] =	vst v63  }
0x161: {  	_ =	swait.ge [sflag:s14], $0x4000  }
0x162: {  	[sflag:s14] =	ssyncset.done $0x0  }
0x163: {  	[sflag:s14] =	ssyncadd.s32 $0xFFFFC000  }
0x164: {  	v2 =	vld [tilespmem:s28+$0xFFFFFF90];
	_ =	sdelay $0x4  }
0x165: {  	v3 =	vand.u32 $0xFFFF, v2;
	v2 =	vshra.s32 v2, $0x10  }
0x166: {  	[tilespmem:$0x2880] =	vst v3  }
0x167: {  	[tilespmem:$0x2980] =	vst v2  }
0x168: {  	v2 =	vld [tilespmem:s28+$0xFFFFFFA0];
	_ =	sdelay $0x4  }
0x169: {  	v3 =	vand.u32 $0xFFFF, v2;
	v2 =	vshra.s32 v2, $0x10  }
0x16a: {  	[tilespmem:$0x2890] =	vst v3  }
0x16b: {  	[tilespmem:$0x2990] =	vst v2  }
0x16c: {  	v2 =	vld [tilespmem:s28+$0xFFFFFFB0];
	_ =	sdelay $0x4  }
0x16d: {  	v3 =	vand.u32 $0xFFFF, v2;
	v2 =	vshra.s32 v2, $0x10  }
0x16e: {  	[tilespmem:$0x28A0] =	vst v3  }
0x16f: {  	[tilespmem:$0x29A0] =	vst v2  }
0x170: {  	v2 =	vld [tilespmem:s28+$0xFFFFFFC0];
	_ =	sdelay $0x4  }
0x171: {  	v3 =	vand.u32 $0xFFFF, v2;
	v2 =	vshra.s32 v2, $0x10  }
0x172: {  	[tilespmem:$0x28B0] =	vst v3  }
0x173: {  	[tilespmem:$0x29B0] =	vst v2  }
0x174: {  	v2 =	vld [tilespmem:s28+$0xFFFFFFD0];
	_ =	sdelay $0x4  }
0x175: {  	v3 =	vand.u32 $0xFFFF, v2;
	v2 =	vshra.s32 v2, $0x10  }
0x176: {  	[tilespmem:$0x28C0] =	vst v3  }
0x177: {  	[tilespmem:$0x29C0] =	vst v2  }
0x178: {  	v2 =	vld [tilespmem:s28+$0xFFFFFFE0];
	_ =	sdelay $0x2  }
.Ltmp2:
0x179: {  	(pc) =	sbr.rel @p0 .LBB2_6-.Ltmp2, $4  }
0x17a: {  	_ = 	snop  }
0x17b: {  	v3 =	vand.u32 $0xFFFF, v2;
	v2 =	vshra.s32 v2, $0x10  }
0x17c: {  	[tilespmem:$0x28D0] =	vst v3  }
0x17d: {  	[tilespmem:$0x29D0] =	vst v2  }
0x17e: {  	v2 =	vld [tilespmem:s28+$0xFFFFFFF0];
	_ =	sdelay $0x4  }
0x17f: {  	v3 =	vand.u32 $0xFFFF, v2  }
0x180: {  	v2 =	vshra.s32 v2, $0x10;
	[tilespmem:$0x28E0] =	vst v3  }
0x181: {  	[tilespmem:$0x29E0] =	vst v2  }
0x182: {  	v2 =	vld [tilespmem:s28+$0x0];
	_ =	sdelay $0x4  }
0x183: {  	v3 =	vand.u32 $0xFFFF, v2  }
0x184: {  	v2 =	vshra.s32 v2, $0x10;
	[tilespmem:$0x28F0] =	vst v3  }
0x185: {  	[tilespmem:$0x29F0] =	vst v2  }
0x186: {  	[tilespmem:s18], [sflag:$0x2] =	stream.indirect.gather [hbm4b:s2+s16], $0x80, s22, s16, $0xb8;
	[tilespmem:$0x1E600] =	vst v63  }
0x187: {  	_ =	swait.ge [sflag:s23], $0x4000  }
0x188: {  	[sflag:s23] =	ssyncset.done $0x0  }
0x189: {  	[sflag:s23] =	ssyncadd.s32 $0xFFFFC000  }
0x18a: {  	[spmem:s3] =	stream.indirect.scatter.add.f32 [tilespmem:s15], [sflag:$0x3], $0x80, s17, s16, $0xb8;
	[tilespmem:$0x1E600] =	vst v63  }
0x18b: {  	_ =	swait.ge [sflag:s14], $0x4000  }
0x18c: {  	[sflag:s14] =	ssyncset.done $0x0  }
0x18d: {  	[sflag:s14] =	ssyncadd.s32 $0xFFFFC000  }
0x18e: {  	_ =	swait.ge [sflag:s24], $0x4000  }
0x18f: {  	[sflag:s24] =	ssyncset.done $0x0  }
0x190: {  	[sflag:s24] =	ssyncadd.s32 $0xFFFFC000  }
0x191: {  	[spmem:s3] =	stream.indirect.scatter.add.f32 [tilespmem:s18], [sflag:$0x3], $0x80, s25, s16, $0xb8;
	[tilespmem:$0x1E600] =	vst v63  }
0x192: {  	_ =	swait.ge [sflag:s14], $0x4000  }
0x193: {  	s26 =	sadd.s32 $0x1, s26;
	[sflag:s14] =	ssyncset.done $0x0  }
0x194: {  	p0 =	sne.s32 s26, s10;
	[sflag:s14] =	ssyncadd.s32 $0xFFFFC000  }
.Ltmp3:
0x195: {  	[bflag:$0x0] =	sbarrier.arrive $0xFFFF;
	(pc) =	sbr.rel @p0 .LBB2_1-.Ltmp3, $4  }
0x196: {  	[hbm:s9], [sflag:s19] =	dma.local [spmem:s20], $0x2780  }
0x197: {  	_ =	swait.ge [sflag:s14], $0x2780  }
0x198: {  	[sflag:s14] =	ssyncset.done $0x0  }
0x199: {  	[sflag:s14] =	ssyncadd.s32 $0xFFFFD880  }
0x19a: {  	_ =	sfence.sel $0x180000  }
0x19b: {  	[bflag:$0x0] =	sbarrier.arrive $0xFFFF  }
0x19c: {  	p0 =	sne.s32 s1, $0x0;
	_ =	strace $0x90000047  }
0x19d: {  	s0 =	sadd.s32 @!p0 $0x100000, s0;
	[bflag:$0x2] =	sbarrier.arrive $0xFFFF  }
0x19e: {  	[sflag:s0] =	ssyncadd.tile.s32 @!p0 $0x1;
	_ =	shalt  }
.Lfunc_end2:
_tile_overlayer_lowered:
.L_overlay_start_2:
0x19f: {  	(tag) =	ssettag $0x2  }
0x1a0: {  	s0 =	rddreg [dreg:$0x0];
	s2 =	stileid.u32  }
0x1a1: {  	s1 =	rddreg [dreg:$0x1];
	p0 =	sne.s32 s2, $0x0  }
0x1a2: {  	s3 =	rddreg [dreg:$0x2];
	[bflag:$0x3] =	sbarrier.arrive $0xFFFF;
	s2 =	simm.s32 @!p0 $0x1C03  }
0x1a3: {  	[timem:s3], [sflag:s2] =	dma.local @!p0 [hbm:s0], s1  }
0x1a4: {  	s0 =	simm.s32 @!p0 $0x3  }
0x1a5: {  	_ =	swait.ge @!p0 [sflag:s0], s1  }
0x1a6: {  	s1 =	ssub.s32 @!p0 $0x0, s1;
	[sflag:s0] =	ssyncset.done @!p0 $0x0  }
0x1a7: {  	[sflag:s0] =	ssyncadd.s32 @!p0 s1  }
0x1a8: {  	[bflag:$0x3] =	sbarrier.arrive $0xFFFF  }
0x1a9: {  	_ =	shalt  }

// kernel: kernel.14.cloned.1.call-start
scs
__scs_entry_jumppad:
0x0: {  	(pc) =	sbr.rel $0x88, $3  }
0x1: {  	(tag) =	ssettag $0x0;
	lr =	simm.s32 $0x1  }
0x2: {  	[smem:$0x3F93] =	sst lr;
	_ =	strace $0xD0000000  }
0x3: {  	_ = 	snop  }
0x4: {  	_ = 	snop  }
0x5: {  	_ = 	snop  }
0x6: {  	_ = 	snop  }
0x7: {  	_ = 	snop  }
__scs_overlays_trampoline_lowered:
0x8: {  	[smem:$0x3FA2] =	sst s0  }
0x9: {  	[smem:$0x3FA3] =	sst s1  }
0xa: {  	[smem:$0x3FA4] =	sst s2  }
0xb: {  	[smem:$0x3FA5] =	sst s3  }
0xc: {  	[smem:$0x3FA6] =	sst s4  }
0xd: {  	[smem:$0x3FA7] =	sst s5  }
0xe: {  	[smem:$0x3FA8] =	sst s6  }
0xf: {  	[smem:$0x3FA9] =	sst s7  }
0x10: {  	[smem:$0x3FAA] =	sst s8  }
0x11: {  	[smem:$0x3FAB] =	sst s9;
	s0 =	simm.s32 @!p0 $0x0  }
0x12: {  	s1 =	sld [smem:$0x3F91];
	s0 =	simm.s32 @p0 $0x1  }
0x13: {  	[smem:$0x3FAC] =	sst s0;
	s0 =	simm.s32 @!p1 $0x0  }
0x14: {  	s2 =	sld [smem:$0x3F90];
	s0 =	simm.s32 @p1 $0x1  }
0x15: {  	[smem:$0x3FAD] =	sst s0;
	s0 =	simm.s32 @!p2 $0x0  }
0x16: {  	s3 =	sld [smem:$0x3FDB];
	s0 =	simm.s32 @p2 $0x1  }
0x17: {  	s4 =	simm.s32 $0x1BF5;
	[smem:$0x3FAF] =	sst s0  }
0x18: {  	s0 =	sld [smem:$0x3F92];
	_ =	swait.ge [sflag:s4], $0x0  }
0x19: {  	s7 =	sld [smem:$0x3F93]  }
0x1a: {  	s8 =	sadd.s32 $0xFFFFE003, lr  }
0x1b: {  	s9 =	sadd.s32 $0xFFFFFEF7, lr;
	s5 =	simm.s32 $0xFFFFFFFF;
	p2 =	slt.u32 s8, $0xFFFFF086  }
0x1c: {  	p1 =	slt.u32 s9, $0xF7A;
	s5 =	simm.s32 @!p2 $0x0  }
0x1d: {  	s5 =	simm.s32 @p1 $0x1;
	p0 =	seq.s32 s7, s2  }
0x1e: {  	s7 =	smul.u32 @!p0 $0xF7A, s2;
	p2 =	seq.s32 @!p0 s5, $0x0  }
0x1f: {  	s9 =	smul.u32 $0xF7A, s1;
	s8 =	simm.s32 @!p0 $0x1BF5;
	p2 =	por !p2, p0  }
0x20: {  	[sflag:s8] =	ssyncset.s32 @!p0 $0xFFFFF086;
	s6 =	sadd.s32 @!p0 s3, s7;
	s7 =	simm.s32 @!p0 $0x108  }
0x21: {  	s3 =	sadd.s32 s3, s9;
	s6 =	sadd.s32 @!p0 $0x88, s6;
	s7 =	simm.s32 @p2 $0x1082  }
0x22: {  	[simem:s7], [sflag:s8] =	dma.local @!p0 [hbm:s6], $0xF7A  }
0x23: {  	s9 =	sor.u32 $0xD0000000, s2;
	s6 =	simm.s32 $0x108;
	_ =	swait.ge @!p0 [sflag:s8], $0x0  }
0x24: {  	s3 =	sadd.s32 $0x88, s3;
	s6 =	simm.s32 @!p1 $0x1082;
	[sflag:s4] =	ssyncset.s32 $0xFFFFF086  }
0x25: {  	[simem:s6], [sflag:s4] =	dma.local [hbm:s3], $0xF7A  }
0x26: {  	[smem:$0x3F93] =	sst s1;
	(tag) =	ssettag s2;
	_ =	strace s9  }
0x27: {  	s1 =	sld [smem:$0x3FA3]  }
0x28: {  	s2 =	sld [smem:$0x3FA4]  }
0x29: {  	s4 =	sld [smem:$0x3FA6]  }
0x2a: {  	p0 =	seq.s32 s5, $0x0;
	s5 =	sld [smem:$0x3FA7]  }
0x2b: {  	s6 =	sld [smem:$0x3FA8]  }
0x2c: {  	s7 =	sld [smem:$0x3FA9]  }
0x2d: {  	s3 =	simm.s32 $0x108;
	s8 =	sld [smem:$0x3FAA]  }
0x2e: {  	s3 =	simm.s32 @!p0 $0x1082;
	s9 =	sld [smem:$0x3FAB]  }
0x2f: {  	lr =	sadd.s32 s0, s3;
	s0 =	sld [smem:$0x3FA2]  }
0x30: {  	s3 =	sld [smem:$0x3FA5]  }
0x31: {  	[smem:$0x3FAE] =	sst s10  }
0x32: {  	s10 =	sld [smem:$0x3FAC];
	_ =	sdelay $0x3  }
0x33: {  	p0 =	seq.s32 s10, $0x1;
	s10 =	sld [smem:$0x3FAE];
	_ =	sdelay $0x3  }
0x34: {  	[smem:$0x3FAE] =	sst s10  }
0x35: {  	s10 =	sld [smem:$0x3FAD];
	_ =	sdelay $0x3  }
0x36: {  	p1 =	seq.s32 s10, $0x1;
	s10 =	sld [smem:$0x3FAE];
	_ =	sdelay $0x3  }
0x37: {  	[smem:$0x3FAE] =	sst s10  }
0x38: {  	s10 =	sld [smem:$0x3FAF]  }
0x39: {  	_ = 	snop;
	(pc) =	sbr.ind lr, $3  }
0x3a: {  	_ = 	snop  }
0x3b: {  	_ = 	snop  }
0x3c: {  	p2 =	seq.s32 s10, $0x1;
	s10 =	sld [smem:$0x3FAE]  }
0x3d: {  	_ =	shalt  }
0x3e: {  	_ =	shalt  }
0x3f: {  	_ =	shalt  }
0x40: {  	_ =	shalt  }
0x41: {  	_ =	shalt  }
0x42: {  	_ =	shalt  }
0x43: {  	_ =	shalt  }
0x44: {  	_ =	shalt  }
0x45: {  	_ =	shalt  }
0x46: {  	_ =	shalt  }
0x47: {  	_ =	shalt  }
0x48: {  	_ =	shalt  }
0x49: {  	_ =	shalt  }
0x4a: {  	_ =	shalt  }
0x4b: {  	_ =	shalt  }
0x4c: {  	_ =	shalt  }
0x4d: {  	_ =	shalt  }
0x4e: {  	_ =	shalt  }
0x4f: {  	_ =	shalt  }
0x50: {  	_ =	shalt  }
0x51: {  	_ =	shalt  }
0x52: {  	_ =	shalt  }
0x53: {  	_ =	shalt  }
0x54: {  	_ =	shalt  }
0x55: {  	_ =	shalt  }
0x56: {  	_ =	shalt  }
0x57: {  	_ =	shalt  }
0x58: {  	_ =	shalt  }
0x59: {  	_ =	shalt  }
0x5a: {  	_ =	shalt  }
0x5b: {  	_ =	shalt  }
0x5c: {  	_ =	shalt  }
0x5d: {  	_ =	shalt  }
0x5e: {  	_ =	shalt  }
0x5f: {  	_ =	shalt  }
0x60: {  	_ =	shalt  }
0x61: {  	_ =	shalt  }
0x62: {  	_ =	shalt  }
0x63: {  	_ =	shalt  }
0x64: {  	_ =	shalt  }
0x65: {  	_ =	shalt  }
0x66: {  	_ =	shalt  }
0x67: {  	_ =	shalt  }
0x68: {  	_ =	shalt  }
0x69: {  	_ =	shalt  }
0x6a: {  	_ =	shalt  }
0x6b: {  	_ =	shalt  }
0x6c: {  	_ =	shalt  }
0x6d: {  	_ =	shalt  }
0x6e: {  	_ =	shalt  }
0x6f: {  	_ =	shalt  }
0x70: {  	_ =	shalt  }
0x71: {  	_ =	shalt  }
0x72: {  	_ =	shalt  }
0x73: {  	_ =	shalt  }
0x74: {  	_ =	shalt  }
0x75: {  	_ =	shalt  }
0x76: {  	_ =	shalt  }
0x77: {  	_ =	shalt  }
0x78: {  	_ =	shalt  }
0x79: {  	_ =	shalt  }
0x7a: {  	_ =	shalt  }
0x7b: {  	_ =	shalt  }
0x7c: {  	_ =	shalt  }
0x7d: {  	_ =	shalt  }
0x7e: {  	_ =	shalt  }
0x7f: {  	_ =	shalt  }
0x80: {  	_ =	shalt  }
0x81: {  	_ =	shalt  }
0x82: {  	_ =	shalt  }
0x83: {  	_ =	shalt  }
0x84: {  	_ =	shalt  }
0x85: {  	_ =	shalt  }
0x86: {  	_ =	shalt  }
0x87: {  	_ =	shalt  }
.Lfunc_end0:
.L_simem_size_0:
called_computation.1_lowered:
.L_overlay_start_0:
0x88: {  	s2 =	sld [smem:$0x3FD9]  }
0x89: {  	s3 =	sld [smem:$0x3FFE];
	_ =	sdelay $0x1  }
0x8a: {  	s1 =	srdreg.scid  }
0x8b: {  	s0 =	sand.u32 $0x1, s1  }
0x8c: {  	s17 =	sshll.u32 s0, $0xA;
	s2 =	sadd.s32 s3, s2  }
0x8d: {  	s2 =	sadd.s32 s2, s17  }
0x8e: {  	[smem:$0x3FBA] =	sst s2  }
0x8f: {  	_ = 	snop  }
0x90: {  	s2 =	sld [smem:$0x3FD0];
	(tm) =	ssettm $0x1  }
0x91: {  	s18 =	sld [smem:$0x3FFB];
	_ =	sdelay $0x3  }
0x92: {  	_ =	strace s18  }
0x93: {  	s3 =	sld [smem:$0x3FFC];
	_ =	sdelay $0x3  }
0x94: {  	_ =	strace s3  }
0x95: {  	s3 =	sld [smem:$0x3FFD];
	_ =	sdelay $0x3  }
0x96: {  	_ =	strace s3  }
0x97: {  	_ =	strace $0x8FFFFFFF  }
0x98: {  	s19 =	sld [smem:$0x3FDB];
	_ =	sdelay $0x1  }
0x99: {  	s4 =	simm.s32 $_scs_section_size  }
0x9a: {  	s5 =	simm.s32 $_size__tile_overlayer_lowered;
	s6 =	simm.s32 $_tile_overlayer_lowered  }
0x9b: {  	s22 =	simm.s32 $0x1BFF;
	s21 =	sshll.u32 s6, $0x1;
	s3 =	sadd.s32 s4, s19  }
0x9c: {  	s7 =	simm.s32 $0x0;
	s20 =	sshll.u32 s5, $0x1;
	s5 =	sadd.s32 s21, s3  }
0x9d: {  	[timem:s7], [sflag:s22] =	dma.local [hbm:s5], s20  }
0x9e: {  	_ =	swait.ge [sflag:s22], s20  }
0x9f: {  	s4 =	ssub.s32 $0x0, s20;
	[sflag:s22] =	ssyncset.done $0x0  }
0xa0: {  	[sflag:s22] =	ssyncadd.s32 s4;
	_ =	sdelay $0x1  }
0xa1: {  	s23 =	simm.s32 $0x1B8B  }
0xa2: {  	_ =	swait.ge [sflag:s23], $0x1  }
0xa3: {  	[sflag:s23] =	ssyncset.done $0x0  }
0xa4: {  	s25 =	simm.s32 $0x1B8E;
	s24 =	sld [smem:$0x3FFE];
	[sflag:s23] =	ssyncadd.s32 $0xFFFFFFFF  }
0xa5: {  	s26 =	simm.s32 $execute0_lowered;
	[smem:$0x3FD2] =	sst s25  }
0xa6: {  	s5 =	sshll.u32 s26, $0x1;
	_ =	strace $0x80000049;
	[dreg:$0x1] =	wrdreg $0xFFFFFFFF  }
0xa7: {  	s28 =	simm.s32 $_size_execute0_lowered;
	s3 =	sadd.s32 s3, s5;
	[dreg:$0x0] =	wrdreg $0x0  }
0xa8: {  	s5 =	sshll.u32 s28, $0x1;
	[dreg:$0x2] =	wrdreg s3  }
0xa9: {  	[dreg:$0x3] =	wrdreg s5  }
0xaa: {  	[dreg:$0x4] =	wrdreg $0xC0  }
0xab: {  	_ =	task [dreg:s7], $0x5FFFF  }
0xac: {  	[dreg:$0x1] =	wrdreg $0xFFFFFFFF  }
0xad: {  	[dreg:$0x0] =	wrdreg $0x60  }
0xae: {  	[dreg:$0x2] =	wrdreg s2  }
0xaf: {  	[dreg:$0x3] =	wrdreg s24  }
0xb0: {  	[dreg:$0x4] =	wrdreg $0xAA000  }
0xb1: {  	[dreg:$0x5] =	wrdreg $0x9  }
0xb2: {  	_ =	task.clear_ibuf [dreg:s7], $0x6FFFF;
	_ =	strace $0x90000049  }
0xb3: {  	s29 =	simm.s32 $0x9;
	_ =	strace $0x8000004B  }
0xb4: {  	_ =	swait.ge [sflag:s29], $0x1  }
0xb5: {  	[sflag:s29] =	ssyncadd.s32 $0xFFFFFFFF  }
0xb6: {  	_ =	strace $0x9000004B  }
0xb7: {  	_ =	sfence  }
0xb8: {  	s30 =	sld [smem:$0x0];
	_ =	sdelay $0x2  }
0xb9: {  	s31 =	sshll.u32 s1, $0xD;
	s1 =	sshrl.u32 s1, $0x2  }
0xba: {  	s3 =	sand.u32 $0x4000, s31;
	s1 =	sadd.s32 s1, s30  }
0xbb: {  	s0 =	sor.u32 s3, s0;
	s1 =	sshll.u32 s1, $0x11  }
0xbc: {  	s0 =	sor.u32 s1, s0  }
0xbd: {  	s0 =	sadd.s32 $0x8F2B, s0  }
0xbe: {  	[sflag:s0] =	ssyncadd.remote.s32 $0x1  }
0xbf: {  	_ =	sfence.sel $0xFFFF  }
0xc0: {  	[dreg:$0x0] =	wrdreg $0xFFFFFFFF;
	(pc) =	sbr.abs _section_cstart, $3  }
0xc1: {  	[dreg:$0x1] =	wrdreg $0xFFFFFFFF  }
0xc2: {  	_ =	task.clear_ibuf [dreg:s7], $0x2FFFF;
	_ =	strace $0x9FFFFFFF  }
0xc3: {  	(tm) =	ssettm $0x7FFFFFFF  }
tec
execute0_lowered:
.L_overlay_start_1:
0x0: {  	(tag) =	ssettag $0x1  }
0x1: {  	s2 =	rddreg [dreg:$0x0]  }
0x2: {  	s1 =	srdreg.scid;
	s6 =	rddreg [dreg:$0x1]  }
0x3: {  	s0 =	stileid.u32;
	s3 =	rddreg [dreg:$0x2];
	s4 =	simm.s32 $0x0  }
0x4: {  	s13 =	simm.s32 $0x3;
	s14 =	simm.s32 $0x2A00;
	s15 =	simm.s32 $0x80  }
0x5: {  	s16 =	simm.s32 $0x2800;
	s17 =	simm.s32 $0x2880;
	s18 =	simm.s32 $0x6A00  }
0x6: {  	s19 =	simm.s32 $0x1;
	s20 =	simm.s32 $0x2900;
	s21 =	simm.s32 $0x2  }
0x7: {  	s22 =	simm.s32 $0x2980;
	s24 =	simm.s32 $0x0;
	s5 =	sand.u32 $0x1, s1  }
0x8: {  	s28 =	sshll.u32 s0, $0x1;
	s9 =	smul.u32 $0x13C00, s0;
	[smem:$0x7FF] =	sst s4  }
0x9: {  	s10 =	smul.u32 $0x4F000, s0;
	s23 =	sshll.u32 s0, $0x6;
	s1 =	sor.u32 s5, s28  }
0xa: {  	s8 =	smul.u32 $0x13C000, s5;
	s29 =	ssub.s32 $0x2, s5;
	s23 =	sor.u32 $0x1C03, s23  }
0xb: {  	s7 =	smul.u32 $0x500, s1;
	s1 =	rddreg [dreg:$0x3];
	_ =	strace $0x8000004A  }
0xc: {  	s30 =	sshrl.u32 s10, $0x2;
	s31 =	sshrl.u32 s29, $0x1;
	s8 =	sadd.s32 s9, s8  }
0xd: {  	s5 =	sadd.s32 s30, s3;
	s9 =	ssub.s32 s29, s31;
	s7 =	sadd.s32 s7, s6  }
0xe: {  	s8 =	sshrl.u32 s8, $0x3;
	s9 =	smax.u32 s9, $0x1;
	s10 =	sadd.s32 $0x4000, s5  }
0xf: {  	s11 =	sadd.s32 $0x8000, s5;
	s12 =	sadd.s32 $0xC000, s5;
	s8 =	sadd.s32 s8, s6  }
0x10: {  	v0 =	vimm.f32 $0.0e+00;
	s6 =	sadd.s32 $0x3600, s7;
	s7 =	sadd.s32 $0x10000, s5;
	s8 =	sadd.s32 $0xD600, s8  }
.LBB2_1:
0x11: {  	[tilespmem:s4], [sflag:$0x3] =	stream.linear.gather [hbm4b:s6+s4], $0x2800, $0x38;
	[tilespmem:$0x1E600] =	vst v63  }
0x12: {  	_ =	swait.ge [sflag:s13], $0x2800  }
0x13: {  	[sflag:s13] =	ssyncset.done $0x0  }
0x14: {  	s25 =	simm.s32 $0x0;
	s26 =	simm.s32 $0x200;
	[sflag:s13] =	ssyncadd.s32 $0xFFFFD800  }
.LBB2_2:
0x15: {  	p0 =	sne.s32 s26, $0xFE00;
	[tilespmem:s25+$0x2A70] =	vst v0  }
0x16: {  	[tilespmem:s25+$0x2A00] =	vst v0  }
0x17: {  	[tilespmem:s25+$0x2A10] =	vst v0  }
.Ltmp0:
0x18: {  	[tilespmem:s25+$0x2A20] =	vst v0;
	(pc) =	sbr.rel @p0 .LBB2_2-.Ltmp0, $4  }
0x19: {  	[tilespmem:s25+$0x2A30] =	vst v0  }
0x1a: {  	[tilespmem:s25+$0x2A40] =	vst v0  }
0x1b: {  	[tilespmem:s25+$0x2A50] =	vst v0  }
0x1c: {  	[tilespmem:s25+$0x2A60] =	vst v0;
	s25 =	sshra.s32 s26, $0x2;
	s26 =	sadd.s32 $0x200, s26  }
0x1d: {  	[tilespmem:s25+$0x2A70] =	vst v0  }
0x1e: {  	[tilespmem:s25+$0x2A00] =	vst v0  }
0x1f: {  	[tilespmem:s25+$0x2A10] =	vst v0  }
0x20: {  	[tilespmem:s25+$0x2A20] =	vst v0  }
0x21: {  	[tilespmem:s25+$0x2A30] =	vst v0  }
0x22: {  	[tilespmem:s25+$0x2A40] =	vst v0  }
0x23: {  	[tilespmem:s25+$0x2A50] =	vst v0  }
0x24: {  	[tilespmem:s25+$0x2A60] =	vst v0  }
0x25: {  	[spmem:s5] =	stream.linear.scatter [tilespmem:s14], [sflag:$0x3], $0x4000, $0x38;
	[tilespmem:$0x1E600] =	vst v63  }
0x26: {  	_ =	swait.ge [sflag:s13], $0x4000  }
0x27: {  	[sflag:s13] =	ssyncset.done $0x0  }
0x28: {  	[sflag:s13] =	ssyncadd.s32 $0xFFFFC000  }
0x29: {  	[spmem:s10] =	stream.linear.scatter [tilespmem:s14], [sflag:$0x3], $0x4000, $0x38;
	[tilespmem:$0x1E600] =	vst v63  }
0x2a: {  	_ =	swait.ge [sflag:s13], $0x4000  }
0x2b: {  	[sflag:s13] =	ssyncset.done $0x0  }
0x2c: {  	[sflag:s13] =	ssyncadd.s32 $0xFFFFC000  }
0x2d: {  	[spmem:s11] =	stream.linear.scatter [tilespmem:s14], [sflag:$0x3], $0x4000, $0x38;
	[tilespmem:$0x1E600] =	vst v63  }
0x2e: {  	_ =	swait.ge [sflag:s13], $0x4000  }
0x2f: {  	[sflag:s13] =	ssyncset.done $0x0  }
0x30: {  	[sflag:s13] =	ssyncadd.s32 $0xFFFFC000  }
0x31: {  	[spmem:s12] =	stream.linear.scatter [tilespmem:s14], [sflag:$0x3], $0x4000, $0x38;
	[tilespmem:$0x1E600] =	vst v63  }
0x32: {  	_ =	swait.ge [sflag:s13], $0x4000  }
0x33: {  	[sflag:s13] =	ssyncset.done $0x0  }
0x34: {  	[sflag:s13] =	ssyncadd.s32 $0xFFFFC000  }
0x35: {  	[spmem:s7] =	stream.linear.scatter [tilespmem:s14], [sflag:$0x3], $0x3C00, $0x38;
	[tilespmem:$0x1E600] =	vst v63  }
0x36: {  	_ =	swait.ge [sflag:s13], $0x3C00  }
0x37: {  	[sflag:s13] =	ssyncset.done $0x0  }
0x38: {  	[sflag:s13] =	ssyncadd.s32 $0xFFFFC400  }
0x39: {  	[bflag:$0x0] =	sbarrier.arrive $0xFFFF  }
0x3a: {  	v1 =	vld [tilespmem:$0x0];
	_ =	sdelay $0x1  }
0x3b: {  	v2 =	vld [tilespmem:$0x10];
	_ =	sdelay $0x1  }
0x3c: {  	v3 =	vld [tilespmem:$0x20]  }
0x3d: {  	v4 =	vand.u32 $0xFFFF, v1  }
0x3e: {  	v59 =	vld [tilespmem:$0x30];
	v1 =	vshra.s32 v1, $0x10;
	[tilespmem:$0x2800] =	vst v4  }
0x3f: {  	[tilespmem:$0x2900] =	vst v1;
	v1 =	vand.u32 $0xFFFF, v2  }
0x40: {  	[tilespmem:$0x2810] =	vst v1;
	v1 =	vshra.s32 v2, $0x10;
	v2 =	vld [tilespmem:$0x40]  }
0x41: {  	[tilespmem:$0x2910] =	vst v1;
	v1 =	vand.u32 $0xFFFF, v3  }
0x42: {  	[tilespmem:$0x2820] =	vst v1;
	v1 =	vshra.s32 v3, $0x10;
	v3 =	vld [tilespmem:$0x50]  }
0x43: {  	[tilespmem:$0x2920] =	vst v1;
	v1 =	vand.u32 $0xFFFF, v59  }
0x44: {  	v60 =	vld [tilespmem:$0x60];
	[tilespmem:$0x2830] =	vst v1;
	v1 =	vshra.s32 v59, $0x10  }
0x45: {  	[tilespmem:$0x2930] =	vst v1;
	v1 =	vand.u32 $0xFFFF, v2  }
0x46: {  	[tilespmem:$0x2840] =	vst v1;
	v1 =	vshra.s32 v2, $0x10;
	v2 =	vld [tilespmem:$0x70]  }
0x47: {  	[tilespmem:$0x2940] =	vst v1;
	v1 =	vand.u32 $0xFFFF, v3  }
0x48: {  	[tilespmem:$0x2850] =	vst v1;
	v1 =	vshra.s32 v3, $0x10  }
0x49: {  	[tilespmem:$0x2950] =	vst v1;
	v1 =	vand.u32 $0xFFFF, v60  }
0x4a: {  	[tilespmem:$0x2860] =	vst v1;
	v1 =	vshra.s32 v60, $0x10  }
0x4b: {  	[tilespmem:$0x2960] =	vst v1;
	v1 =	vand.u32 $0xFFFF, v2  }
0x4c: {  	[tilespmem:$0x2870] =	vst v1;
	v1 =	vshra.s32 v2, $0x10  }
0x4d: {  	[tilespmem:$0x2970] =	vst v1  }
0x4e: {  	[tilespmem:s14], [sflag:$0x1] =	stream.indirect.gather [hbm4b:s2+s15], $0x80, s16, s15, $0xb8;
	[tilespmem:$0x1E600] =	vst v63  }
0x4f: {  	v1 =	vld [tilespmem:$0x80];
	_ =	sdelay $0x1  }
0x50: {  	v2 =	vld [tilespmem:$0x90];
	_ =	sdelay $0x1  }
0x51: {  	v3 =	vld [tilespmem:$0xA0]  }
0x52: {  	v61 =	vand.u32 $0xFFFF, v1  }
0x53: {  	v62 =	vld [tilespmem:$0xB0];
	v1 =	vshra.s32 v1, $0x10;
	[tilespmem:$0x2880] =	vst v61  }
0x54: {  	[tilespmem:$0x2980] =	vst v1;
	v1 =	vand.u32 $0xFFFF, v2  }
0x55: {  	[tilespmem:$0x2890] =	vst v1;
	v1 =	vshra.s32 v2, $0x10;
	v2 =	vld [tilespmem:$0xC0]  }
0x56: {  	[tilespmem:$0x2990] =	vst v1;
	v1 =	vand.u32 $0xFFFF, v3  }
0x57: {  	[tilespmem:$0x28A0] =	vst v1;
	v1 =	vshra.s32 v3, $0x10;
	v3 =	vld [tilespmem:$0xD0]  }
0x58: {  	[tilespmem:$0x29A0] =	vst v1;
	v1 =	vand.u32 $0xFFFF, v62  }
0x59: {  	v63 =	vld [tilespmem:$0xE0];
	[tilespmem:$0x28B0] =	vst v1;
	v1 =	vshra.s32 v62, $0x10  }
0x5a: {  	[tilespmem:$0x29B0] =	vst v1;
	v1 =	vand.u32 $0xFFFF, v2  }
0x5b: {  	[tilespmem:$0x28C0] =	vst v1;
	v1 =	vshra.s32 v2, $0x10;
	v2 =	vld [tilespmem:$0xF0]  }
0x5c: {  	[tilespmem:$0x29C0] =	vst v1;
	v1 =	vand.u32 $0xFFFF, v3  }
0x5d: {  	[tilespmem:$0x28D0] =	vst v1;
	v1 =	vshra.s32 v3, $0x10  }
0x5e: {  	[tilespmem:$0x29D0] =	vst v1;
	v1 =	vand.u32 $0xFFFF, v63  }
0x5f: {  	[tilespmem:$0x28E0] =	vst v1;
	v1 =	vshra.s32 v63, $0x10  }
0x60: {  	[tilespmem:$0x29E0] =	vst v1;
	v1 =	vand.u32 $0xFFFF, v2  }
0x61: {  	[tilespmem:$0x28F0] =	vst v1;
	v1 =	vshra.s32 v2, $0x10  }
0x62: {  	[tilespmem:$0x29F0] =	vst v1  }
0x63: {  	[tilespmem:s18], [sflag:$0x2] =	stream.indirect.gather [hbm4b:s2+s15], $0x80, s17, s15, $0xb8;
	[tilespmem:$0x1E600] =	vst v63  }
0x64: {  	_ =	swait.ge [sflag:s19], $0x4000  }
0x65: {  	[sflag:s19] =	ssyncset.done $0x0  }
0x66: {  	[sflag:s19] =	ssyncadd.s32 $0xFFFFC000  }
0x67: {  	[spmem:s3] =	stream.indirect.scatter.add.f32 [tilespmem:s14], [sflag:$0x3], $0x80, s20, s15, $0xb8;
	[tilespmem:$0x1E600] =	vst v63  }
0x68: {  	_ =	swait.ge [sflag:s13], $0x4000  }
0x69: {  	[sflag:s13] =	ssyncset.done $0x0  }
0x6a: {  	s25 =	simm.s32 $0x1F0;
	[sflag:s13] =	ssyncadd.s32 $0xFFFFC000  }
0x6b: {  	v1 =	vld [tilespmem:s25+$0xFFFFFF10];
	_ =	sdelay $0x4  }
0x6c: {  	v2 =	vand.u32 $0xFFFF, v1  }
0x6d: {  	v1 =	vshra.s32 v1, $0x10;
	[tilespmem:$0x2800] =	vst v2  }
0x6e: {  	[tilespmem:$0x2900] =	vst v1  }
0x6f: {  	v1 =	vld [tilespmem:s25+$0xFFFFFF20];
	_ =	sdelay $0x4  }
0x70: {  	v2 =	vand.u32 $0xFFFF, v1  }
0x71: {  	v1 =	vshra.s32 v1, $0x10;
	[tilespmem:$0x2810] =	vst v2  }
0x72: {  	[tilespmem:$0x2910] =	vst v1  }
0x73: {  	v1 =	vld [tilespmem:s25+$0xFFFFFF30];
	_ =	sdelay $0x4  }
0x74: {  	v2 =	vand.u32 $0xFFFF, v1  }
0x75: {  	v1 =	vshra.s32 v1, $0x10;
	[tilespmem:$0x2820] =	vst v2  }
0x76: {  	[tilespmem:$0x2920] =	vst v1  }
0x77: {  	v1 =	vld [tilespmem:s25+$0xFFFFFF40];
	_ =	sdelay $0x4  }
0x78: {  	v2 =	vand.u32 $0xFFFF, v1  }
0x79: {  	v1 =	vshra.s32 v1, $0x10;
	[tilespmem:$0x2830] =	vst v2  }
0x7a: {  	[tilespmem:$0x2930] =	vst v1  }
0x7b: {  	v1 =	vld [tilespmem:s25+$0xFFFFFF50];
	_ =	sdelay $0x4  }
0x7c: {  	v2 =	vand.u32 $0xFFFF, v1  }
0x7d: {  	v1 =	vshra.s32 v1, $0x10;
	[tilespmem:$0x2840] =	vst v2  }
0x7e: {  	[tilespmem:$0x2940] =	vst v1  }
0x7f: {  	v1 =	vld [tilespmem:s25+$0xFFFFFF60];
	_ =	sdelay $0x4  }
0x80: {  	v2 =	vand.u32 $0xFFFF, v1  }
0x81: {  	v1 =	vshra.s32 v1, $0x10;
	[tilespmem:$0x2850] =	vst v2  }
0x82: {  	[tilespmem:$0x2950] =	vst v1  }
0x83: {  	v1 =	vld [tilespmem:s25+$0xFFFFFF70];
	_ =	sdelay $0x4  }
0x84: {  	v2 =	vand.u32 $0xFFFF, v1  }
0x85: {  	v1 =	vshra.s32 v1, $0x10;
	[tilespmem:$0x2860] =	vst v2  }
0x86: {  	[tilespmem:$0x2960] =	vst v1  }
0x87: {  	v1 =	vld [tilespmem:s25+$0xFFFFFF80];
	_ =	sdelay $0x4  }
0x88: {  	v2 =	vand.u32 $0xFFFF, v1  }
0x89: {  	v1 =	vshra.s32 v1, $0x10;
	[tilespmem:$0x2870] =	vst v2  }
0x8a: {  	[tilespmem:$0x2970] =	vst v1  }
0x8b: {  	[tilespmem:s14], [sflag:$0x1] =	stream.indirect.gather [hbm4b:s2+s15], $0x80, s16, s15, $0xb8;
	[tilespmem:$0x1E600] =	vst v63  }
0x8c: {  	_ =	swait.ge [sflag:s21], $0x4000  }
0x8d: {  	[sflag:s21] =	ssyncset.done $0x0  }
0x8e: {  	[sflag:s21] =	ssyncadd.s32 $0xFFFFC000  }
0x8f: {  	[spmem:s3] =	stream.indirect.scatter.add.f32 [tilespmem:s18], [sflag:$0x3], $0x80, s22, s15, $0xb8;
	[tilespmem:$0x1E600] =	vst v63  }
0x90: {  	_ =	swait.ge [sflag:s13], $0x4000  }
0x91: {  	[sflag:s13] =	ssyncset.done $0x0  }
0x92: {  	[sflag:s13] =	ssyncadd.s32 $0xFFFFC000  }
0x93: {  	v1 =	vld [tilespmem:s25+$0xFFFFFF90];
	_ =	sdelay $0x4  }
0x94: {  	v2 =	vand.u32 $0xFFFF, v1  }
0x95: {  	v1 =	vshra.s32 v1, $0x10;
	[tilespmem:$0x2880] =	vst v2  }
0x96: {  	[tilespmem:$0x2980] =	vst v1  }
0x97: {  	v1 =	vld [tilespmem:s25+$0xFFFFFFA0];
	_ =	sdelay $0x4  }
0x98: {  	v2 =	vand.u32 $0xFFFF, v1  }
0x99: {  	v1 =	vshra.s32 v1, $0x10;
	[tilespmem:$0x2890] =	vst v2  }
0x9a: {  	[tilespmem:$0x2990] =	vst v1  }
0x9b: {  	v1 =	vld [tilespmem:s25+$0xFFFFFFB0];
	_ =	sdelay $0x4  }
0x9c: {  	v2 =	vand.u32 $0xFFFF, v1  }
0x9d: {  	v1 =	vshra.s32 v1, $0x10;
	[tilespmem:$0x28A0] =	vst v2  }
0x9e: {  	[tilespmem:$0x29A0] =	vst v1  }
0x9f: {  	v1 =	vld [tilespmem:s25+$0xFFFFFFC0];
	_ =	sdelay $0x4  }
0xa0: {  	v2 =	vand.u32 $0xFFFF, v1  }
0xa1: {  	v1 =	vshra.s32 v1, $0x10;
	[tilespmem:$0x28B0] =	vst v2  }
0xa2: {  	[tilespmem:$0x29B0] =	vst v1  }
0xa3: {  	v1 =	vld [tilespmem:s25+$0xFFFFFFD0];
	_ =	sdelay $0x4  }
0xa4: {  	v2 =	vand.u32 $0xFFFF, v1  }
0xa5: {  	v1 =	vshra.s32 v1, $0x10;
	[tilespmem:$0x28C0] =	vst v2  }
0xa6: {  	[tilespmem:$0x29C0] =	vst v1  }
0xa7: {  	v1 =	vld [tilespmem:s25+$0xFFFFFFE0];
	_ =	sdelay $0x4  }
0xa8: {  	v2 =	vand.u32 $0xFFFF, v1  }
0xa9: {  	v1 =	vshra.s32 v1, $0x10;
	[tilespmem:$0x28D0] =	vst v2  }
0xaa: {  	s26 =	simm.s32 $0xBC0;
	[tilespmem:$0x29D0] =	vst v1  }
.LBB2_4:
0xab: {  	p0 =	sne.s32 s26, $0x9FC0;
	v1 =	vld [tilespmem:s25+$0xFFFFFFF0];
	s28 =	smov.u32 s26;
	s26 =	sadd.s32 $0x400, s26  }
0xac: {  	_ =	sdelay $0x3  }
0xad: {  	v2 =	vand.u32 $0xFFFF, v1;
	v1 =	vshra.s32 v1, $0x10  }
0xae: {  	[tilespmem:$0x28E0] =	vst v2  }
0xaf: {  	[tilespmem:$0x29E0] =	vst v1  }
0xb0: {  	v1 =	vld [tilespmem:s25+$0x0];
	_ =	sdelay $0x4  }
0xb1: {  	v2 =	vand.u32 $0xFFFF, v1;
	v1 =	vshra.s32 v1, $0x10  }
0xb2: {  	[tilespmem:$0x28F0] =	vst v2  }
0xb3: {  	[tilespmem:$0x29F0] =	vst v1  }
0xb4: {  	[tilespmem:s18], [sflag:$0x2] =	stream.indirect.gather [hbm4b:s2+s15], $0x80, s17, s15, $0xb8;
	[tilespmem:$0x1E600] =	vst v63  }
0xb5: {  	_ =	swait.ge [sflag:s19], $0x4000  }
0xb6: {  	[sflag:s19] =	ssyncset.done $0x0  }
0xb7: {  	[sflag:s19] =	ssyncadd.s32 $0xFFFFC000  }
0xb8: {  	[spmem:s3] =	stream.indirect.scatter.add.f32 [tilespmem:s14], [sflag:$0x3], $0x80, s20, s15, $0xb8;
	[tilespmem:$0x1E600] =	vst v63  }
0xb9: {  	_ =	swait.ge [sflag:s13], $0x4000  }
0xba: {  	[sflag:s13] =	ssyncset.done $0x0  }
0xbb: {  	s25 =	sshra.s32 s28, $0x2;
	[sflag:s13] =	ssyncadd.s32 $0xFFFFC000  }
0xbc: {  	v1 =	vld [tilespmem:s25+$0xFFFFFF10];
	_ =	sdelay $0x4  }
0xbd: {  	v2 =	vand.u32 $0xFFFF, v1;
	v1 =	vshra.s32 v1, $0x10  }
0xbe: {  	[tilespmem:$0x2800] =	vst v2  }
0xbf: {  	[tilespmem:$0x2900] =	vst v1  }
0xc0: {  	v1 =	vld [tilespmem:s25+$0xFFFFFF20];
	_ =	sdelay $0x4  }
0xc1: {  	v2 =	vand.u32 $0xFFFF, v1;
	v1 =	vshra.s32 v1, $0x10  }
0xc2: {  	[tilespmem:$0x2810] =	vst v2  }
0xc3: {  	[tilespmem:$0x2910] =	vst v1  }
0xc4: {  	v1 =	vld [tilespmem:s25+$0xFFFFFF30];
	_ =	sdelay $0x4  }
0xc5: {  	v2 =	vand.u32 $0xFFFF, v1;
	v1 =	vshra.s32 v1, $0x10  }
0xc6: {  	[tilespmem:$0x2820] =	vst v2  }
0xc7: {  	[tilespmem:$0x2920] =	vst v1  }
0xc8: {  	v1 =	vld [tilespmem:s25+$0xFFFFFF40];
	_ =	sdelay $0x4  }
0xc9: {  	v2 =	vand.u32 $0xFFFF, v1;
	v1 =	vshra.s32 v1, $0x10  }
0xca: {  	[tilespmem:$0x2830] =	vst v2  }
0xcb: {  	[tilespmem:$0x2930] =	vst v1  }
0xcc: {  	v1 =	vld [tilespmem:s25+$0xFFFFFF50];
	_ =	sdelay $0x4  }
0xcd: {  	v2 =	vand.u32 $0xFFFF, v1;
	v1 =	vshra.s32 v1, $0x10  }
0xce: {  	[tilespmem:$0x2840] =	vst v2  }
0xcf: {  	[tilespmem:$0x2940] =	vst v1  }
0xd0: {  	v1 =	vld [tilespmem:s25+$0xFFFFFF60];
	_ =	sdelay $0x4  }
0xd1: {  	v2 =	vand.u32 $0xFFFF, v1;
	v1 =	vshra.s32 v1, $0x10  }
0xd2: {  	[tilespmem:$0x2850] =	vst v2  }
0xd3: {  	[tilespmem:$0x2950] =	vst v1  }
0xd4: {  	v1 =	vld [tilespmem:s25+$0xFFFFFF70];
	_ =	sdelay $0x4  }
0xd5: {  	v2 =	vand.u32 $0xFFFF, v1;
	v1 =	vshra.s32 v1, $0x10  }
0xd6: {  	[tilespmem:$0x2860] =	vst v2  }
0xd7: {  	[tilespmem:$0x2960] =	vst v1  }
0xd8: {  	v1 =	vld [tilespmem:s25+$0xFFFFFF80];
	_ =	sdelay $0x4  }
0xd9: {  	v2 =	vand.u32 $0xFFFF, v1;
	v1 =	vshra.s32 v1, $0x10  }
0xda: {  	[tilespmem:$0x2870] =	vst v2  }
0xdb: {  	[tilespmem:$0x2970] =	vst v1  }
0xdc: {  	[tilespmem:s14], [sflag:$0x1] =	stream.indirect.gather [hbm4b:s2+s15], $0x80, s16, s15, $0xb8;
	[tilespmem:$0x1E600] =	vst v63  }
0xdd: {  	_ =	swait.ge [sflag:s21], $0x4000  }
0xde: {  	[sflag:s21] =	ssyncset.done $0x0  }
0xdf: {  	[sflag:s21] =	ssyncadd.s32 $0xFFFFC000  }
0xe0: {  	[spmem:s3] =	stream.indirect.scatter.add.f32 [tilespmem:s18], [sflag:$0x3], $0x80, s22, s15, $0xb8;
	[tilespmem:$0x1E600] =	vst v63  }
0xe1: {  	_ =	swait.ge [sflag:s13], $0x4000  }
0xe2: {  	[sflag:s13] =	ssyncset.done $0x0  }
0xe3: {  	[sflag:s13] =	ssyncadd.s32 $0xFFFFC000  }
0xe4: {  	v1 =	vld [tilespmem:s25+$0xFFFFFF90];
	_ =	sdelay $0x4  }
0xe5: {  	v2 =	vand.u32 $0xFFFF, v1;
	v1 =	vshra.s32 v1, $0x10  }
0xe6: {  	[tilespmem:$0x2880] =	vst v2  }
0xe7: {  	[tilespmem:$0x2980] =	vst v1  }
0xe8: {  	v1 =	vld [tilespmem:s25+$0xFFFFFFA0];
	_ =	sdelay $0x4  }
0xe9: {  	v2 =	vand.u32 $0xFFFF, v1;
	v1 =	vshra.s32 v1, $0x10  }
0xea: {  	[tilespmem:$0x2890] =	vst v2  }
0xeb: {  	[tilespmem:$0x2990] =	vst v1  }
0xec: {  	v1 =	vld [tilespmem:s25+$0xFFFFFFB0];
	_ =	sdelay $0x4  }
0xed: {  	v2 =	vand.u32 $0xFFFF, v1;
	v1 =	vshra.s32 v1, $0x10  }
0xee: {  	[tilespmem:$0x28A0] =	vst v2  }
0xef: {  	[tilespmem:$0x29A0] =	vst v1  }
0xf0: {  	v1 =	vld [tilespmem:s25+$0xFFFFFFC0];
	_ =	sdelay $0x4  }
0xf1: {  	v2 =	vand.u32 $0xFFFF, v1;
	v1 =	vshra.s32 v1, $0x10  }
0xf2: {  	[tilespmem:$0x28B0] =	vst v2  }
0xf3: {  	[tilespmem:$0x29B0] =	vst v1  }
0xf4: {  	v1 =	vld [tilespmem:s25+$0xFFFFFFD0];
	_ =	sdelay $0x4  }
0xf5: {  	v2 =	vand.u32 $0xFFFF, v1;
	v1 =	vshra.s32 v1, $0x10  }
0xf6: {  	[tilespmem:$0x28C0] =	vst v2  }
0xf7: {  	[tilespmem:$0x29C0] =	vst v1  }
0xf8: {  	v1 =	vld [tilespmem:s25+$0xFFFFFFE0];
	_ =	sdelay $0x2  }
.Ltmp1:
0xf9: {  	(pc) =	sbr.rel @p0 .LBB2_4-.Ltmp1, $4  }
0xfa: {  	_ = 	snop  }
0xfb: {  	v2 =	vand.u32 $0xFFFF, v1;
	v1 =	vshra.s32 v1, $0x10  }
0xfc: {  	[tilespmem:$0x28D0] =	vst v2  }
0xfd: {  	[tilespmem:$0x29D0] =	vst v1  }
0xfe: {  	v1 =	vld [tilespmem:s25+$0xFFFFFFF0];
	_ =	sdelay $0x4  }
0xff: {  	v2 =	vand.u32 $0xFFFF, v1  }
0x100: {  	v1 =	vshra.s32 v1, $0x10;
	[tilespmem:$0x28E0] =	vst v2  }
0x101: {  	[tilespmem:$0x29E0] =	vst v1  }
0x102: {  	v1 =	vld [tilespmem:s25+$0x0];
	_ =	sdelay $0x4  }
0x103: {  	v2 =	vand.u32 $0xFFFF, v1  }
0x104: {  	v1 =	vshra.s32 v1, $0x10;
	[tilespmem:$0x28F0] =	vst v2  }
0x105: {  	[tilespmem:$0x29F0] =	vst v1  }
0x106: {  	[tilespmem:s18], [sflag:$0x2] =	stream.indirect.gather [hbm4b:s2+s15], $0x80, s17, s15, $0xb8;
	[tilespmem:$0x1E600] =	vst v63  }
0x107: {  	_ =	swait.ge [sflag:s19], $0x4000  }
0x108: {  	[sflag:s19] =	ssyncset.done $0x0  }
0x109: {  	[sflag:s19] =	ssyncadd.s32 $0xFFFFC000  }
0x10a: {  	[spmem:s3] =	stream.indirect.scatter.add.f32 [tilespmem:s14], [sflag:$0x3], $0x80, s20, s15, $0xb8;
	[tilespmem:$0x1E600] =	vst v63  }
0x10b: {  	_ =	swait.ge [sflag:s13], $0x4000  }
0x10c: {  	[sflag:s13] =	ssyncset.done $0x0  }
0x10d: {  	[sflag:s13] =	ssyncadd.s32 $0xFFFFC000  }
0x10e: {  	_ =	swait.ge [sflag:s21], $0x4000  }
0x10f: {  	[sflag:s21] =	ssyncset.done $0x0  }
0x110: {  	[sflag:s21] =	ssyncadd.s32 $0xFFFFC000  }
0x111: {  	[spmem:s3] =	stream.indirect.scatter.add.f32 [tilespmem:s18], [sflag:$0x3], $0x80, s22, s15, $0xb8;
	[tilespmem:$0x1E600] =	vst v63  }
0x112: {  	_ =	swait.ge [sflag:s13], $0x4000  }
0x113: {  	s24 =	sadd.s32 $0x1, s24;
	[sflag:s13] =	ssyncset.done $0x0  }
0x114: {  	p0 =	sne.s32 s24, s9;
	[sflag:s13] =	ssyncadd.s32 $0xFFFFC000  }
.Ltmp2:
0x115: {  	s31 =	sshrl.u32 s5, $0x3;
	[bflag:$0x0] =	sbarrier.arrive $0xFFFF;
	(pc) =	sbr.rel @p0 .LBB2_1-.Ltmp2, $4  }
0x116: {  	[hbm:s8], [sflag:s23] =	dma.local [spmem:s31], $0x2780  }
0x117: {  	_ =	swait.ge [sflag:s13], $0x2780  }
0x118: {  	[sflag:s13] =	ssyncset.done $0x0  }
0x119: {  	[sflag:s13] =	ssyncadd.s32 $0xFFFFD880  }
0x11a: {  	_ =	sfence.sel $0x180000  }
0x11b: {  	[bflag:$0x0] =	sbarrier.arrive $0xFFFF  }
0x11c: {  	p0 =	sne.s32 s0, $0x0;
	_ =	strace $0x9000004A  }
0x11d: {  	s0 =	sadd.s32 @!p0 $0x100000, s1;
	[bflag:$0x2] =	sbarrier.arrive $0xFFFF  }
0x11e: {  	[sflag:s0] =	ssyncadd.tile.s32 @!p0 $0x1;
	_ =	shalt  }
.Lfunc_end2:
_tile_overlayer_lowered:
.L_overlay_start_2:
0x11f: {  	(tag) =	ssettag $0x2  }
0x120: {  	s0 =	rddreg [dreg:$0x0];
	s2 =	stileid.u32  }
0x121: {  	s1 =	rddreg [dreg:$0x1];
	p0 =	sne.s32 s2, $0x0  }
0x122: {  	s3 =	rddreg [dreg:$0x2];
	[bflag:$0x3] =	sbarrier.arrive $0xFFFF;
	s2 =	simm.s32 @!p0 $0x1C03  }
0x123: {  	[timem:s3], [sflag:s2] =	dma.local @!p0 [hbm:s0], s1  }
0x124: {  	s0 =	simm.s32 @!p0 $0x3  }
0x125: {  	_ =	swait.ge @!p0 [sflag:s0], s1  }
0x126: {  	s1 =	ssub.s32 @!p0 $0x0, s1;
	[sflag:s0] =	ssyncset.done @!p0 $0x0  }
0x127: {  	[sflag:s0] =	ssyncadd.s32 @!p0 s1  }
0x128: {  	[bflag:$0x3] =	sbarrier.arrive $0xFFFF  }
0x129: {  	_ =	shalt  }

// kernel: kernel.17.cloned.1.call-start
scs
__scs_entry_jumppad:
0x0: {  	(pc) =	sbr.rel $0x88, $3  }
0x1: {  	(tag) =	ssettag $0x0;
	lr =	simm.s32 $0x1  }
0x2: {  	[smem:$0x3F93] =	sst lr;
	_ =	strace $0xD0000000  }
0x3: {  	_ = 	snop  }
0x4: {  	_ = 	snop  }
0x5: {  	_ = 	snop  }
0x6: {  	_ = 	snop  }
0x7: {  	_ = 	snop  }
__scs_overlays_trampoline_lowered:
0x8: {  	[smem:$0x3FA2] =	sst s0  }
0x9: {  	[smem:$0x3FA3] =	sst s1  }
0xa: {  	[smem:$0x3FA4] =	sst s2  }
0xb: {  	[smem:$0x3FA5] =	sst s3  }
0xc: {  	[smem:$0x3FA6] =	sst s4  }
0xd: {  	[smem:$0x3FA7] =	sst s5  }
0xe: {  	[smem:$0x3FA8] =	sst s6  }
0xf: {  	[smem:$0x3FA9] =	sst s7  }
0x10: {  	[smem:$0x3FAA] =	sst s8  }
0x11: {  	[smem:$0x3FAB] =	sst s9;
	s0 =	simm.s32 @!p0 $0x0  }
0x12: {  	s1 =	sld [smem:$0x3F91];
	s0 =	simm.s32 @p0 $0x1  }
0x13: {  	[smem:$0x3FAC] =	sst s0;
	s0 =	simm.s32 @!p1 $0x0  }
0x14: {  	s2 =	sld [smem:$0x3F90];
	s0 =	simm.s32 @p1 $0x1  }
0x15: {  	[smem:$0x3FAD] =	sst s0;
	s0 =	simm.s32 @!p2 $0x0  }
0x16: {  	s3 =	sld [smem:$0x3FDB];
	s0 =	simm.s32 @p2 $0x1  }
0x17: {  	s4 =	simm.s32 $0x1BF5;
	[smem:$0x3FAF] =	sst s0  }
0x18: {  	s0 =	sld [smem:$0x3F92];
	_ =	swait.ge [sflag:s4], $0x0  }
0x19: {  	s7 =	sld [smem:$0x3F93]  }
0x1a: {  	s8 =	sadd.s32 $0xFFFFE003, lr  }
0x1b: {  	s9 =	sadd.s32 $0xFFFFFEF7, lr;
	s5 =	simm.s32 $0xFFFFFFFF;
	p2 =	slt.u32 s8, $0xFFFFF086  }
0x1c: {  	p1 =	slt.u32 s9, $0xF7A;
	s5 =	simm.s32 @!p2 $0x0  }
0x1d: {  	s5 =	simm.s32 @p1 $0x1;
	p0 =	seq.s32 s7, s2  }
0x1e: {  	s7 =	smul.u32 @!p0 $0xF7A, s2;
	p2 =	seq.s32 @!p0 s5, $0x0  }
0x1f: {  	s9 =	smul.u32 $0xF7A, s1;
	s8 =	simm.s32 @!p0 $0x1BF5;
	p2 =	por !p2, p0  }
0x20: {  	[sflag:s8] =	ssyncset.s32 @!p0 $0xFFFFF086;
	s6 =	sadd.s32 @!p0 s3, s7;
	s7 =	simm.s32 @!p0 $0x108  }
0x21: {  	s3 =	sadd.s32 s3, s9;
	s6 =	sadd.s32 @!p0 $0x88, s6;
	s7 =	simm.s32 @p2 $0x1082  }
0x22: {  	[simem:s7], [sflag:s8] =	dma.local @!p0 [hbm:s6], $0xF7A  }
0x23: {  	s9 =	sor.u32 $0xD0000000, s2;
	s6 =	simm.s32 $0x108;
	_ =	swait.ge @!p0 [sflag:s8], $0x0  }
0x24: {  	s3 =	sadd.s32 $0x88, s3;
	s6 =	simm.s32 @!p1 $0x1082;
	[sflag:s4] =	ssyncset.s32 $0xFFFFF086  }
0x25: {  	[simem:s6], [sflag:s4] =	dma.local [hbm:s3], $0xF7A  }
0x26: {  	[smem:$0x3F93] =	sst s1;
	(tag) =	ssettag s2;
	_ =	strace s9  }
0x27: {  	s1 =	sld [smem:$0x3FA3]  }
0x28: {  	s2 =	sld [smem:$0x3FA4]  }
0x29: {  	s4 =	sld [smem:$0x3FA6]  }
0x2a: {  	p0 =	seq.s32 s5, $0x0;
	s5 =	sld [smem:$0x3FA7]  }
0x2b: {  	s6 =	sld [smem:$0x3FA8]  }
0x2c: {  	s7 =	sld [smem:$0x3FA9]  }
0x2d: {  	s3 =	simm.s32 $0x108;
	s8 =	sld [smem:$0x3FAA]  }
0x2e: {  	s3 =	simm.s32 @!p0 $0x1082;
	s9 =	sld [smem:$0x3FAB]  }
0x2f: {  	lr =	sadd.s32 s0, s3;
	s0 =	sld [smem:$0x3FA2]  }
0x30: {  	s3 =	sld [smem:$0x3FA5]  }
0x31: {  	[smem:$0x3FAE] =	sst s10  }
0x32: {  	s10 =	sld [smem:$0x3FAC];
	_ =	sdelay $0x3  }
0x33: {  	p0 =	seq.s32 s10, $0x1;
	s10 =	sld [smem:$0x3FAE];
	_ =	sdelay $0x3  }
0x34: {  	[smem:$0x3FAE] =	sst s10  }
0x35: {  	s10 =	sld [smem:$0x3FAD];
	_ =	sdelay $0x3  }
0x36: {  	p1 =	seq.s32 s10, $0x1;
	s10 =	sld [smem:$0x3FAE];
	_ =	sdelay $0x3  }
0x37: {  	[smem:$0x3FAE] =	sst s10  }
0x38: {  	s10 =	sld [smem:$0x3FAF]  }
0x39: {  	_ = 	snop;
	(pc) =	sbr.ind lr, $3  }
0x3a: {  	_ = 	snop  }
0x3b: {  	_ = 	snop  }
0x3c: {  	p2 =	seq.s32 s10, $0x1;
	s10 =	sld [smem:$0x3FAE]  }
0x3d: {  	_ =	shalt  }
0x3e: {  	_ =	shalt  }
0x3f: {  	_ =	shalt  }
0x40: {  	_ =	shalt  }
0x41: {  	_ =	shalt  }
0x42: {  	_ =	shalt  }
0x43: {  	_ =	shalt  }
0x44: {  	_ =	shalt  }
0x45: {  	_ =	shalt  }
0x46: {  	_ =	shalt  }
0x47: {  	_ =	shalt  }
0x48: {  	_ =	shalt  }
0x49: {  	_ =	shalt  }
0x4a: {  	_ =	shalt  }
0x4b: {  	_ =	shalt  }
0x4c: {  	_ =	shalt  }
0x4d: {  	_ =	shalt  }
0x4e: {  	_ =	shalt  }
0x4f: {  	_ =	shalt  }
0x50: {  	_ =	shalt  }
0x51: {  	_ =	shalt  }
0x52: {  	_ =	shalt  }
0x53: {  	_ =	shalt  }
0x54: {  	_ =	shalt  }
0x55: {  	_ =	shalt  }
0x56: {  	_ =	shalt  }
0x57: {  	_ =	shalt  }
0x58: {  	_ =	shalt  }
0x59: {  	_ =	shalt  }
0x5a: {  	_ =	shalt  }
0x5b: {  	_ =	shalt  }
0x5c: {  	_ =	shalt  }
0x5d: {  	_ =	shalt  }
0x5e: {  	_ =	shalt  }
0x5f: {  	_ =	shalt  }
0x60: {  	_ =	shalt  }
0x61: {  	_ =	shalt  }
0x62: {  	_ =	shalt  }
0x63: {  	_ =	shalt  }
0x64: {  	_ =	shalt  }
0x65: {  	_ =	shalt  }
0x66: {  	_ =	shalt  }
0x67: {  	_ =	shalt  }
0x68: {  	_ =	shalt  }
0x69: {  	_ =	shalt  }
0x6a: {  	_ =	shalt  }
0x6b: {  	_ =	shalt  }
0x6c: {  	_ =	shalt  }
0x6d: {  	_ =	shalt  }
0x6e: {  	_ =	shalt  }
0x6f: {  	_ =	shalt  }
0x70: {  	_ =	shalt  }
0x71: {  	_ =	shalt  }
0x72: {  	_ =	shalt  }
0x73: {  	_ =	shalt  }
0x74: {  	_ =	shalt  }
0x75: {  	_ =	shalt  }
0x76: {  	_ =	shalt  }
0x77: {  	_ =	shalt  }
0x78: {  	_ =	shalt  }
0x79: {  	_ =	shalt  }
0x7a: {  	_ =	shalt  }
0x7b: {  	_ =	shalt  }
0x7c: {  	_ =	shalt  }
0x7d: {  	_ =	shalt  }
0x7e: {  	_ =	shalt  }
0x7f: {  	_ =	shalt  }
0x80: {  	_ =	shalt  }
0x81: {  	_ =	shalt  }
0x82: {  	_ =	shalt  }
0x83: {  	_ =	shalt  }
0x84: {  	_ =	shalt  }
0x85: {  	_ =	shalt  }
0x86: {  	_ =	shalt  }
0x87: {  	_ =	shalt  }
.Lfunc_end0:
.L_simem_size_0:
called_computation.2_lowered:
.L_overlay_start_0:
0x88: {  	s2 =	sld [smem:$0x3FD9]  }
0x89: {  	s3 =	sld [smem:$0x3FFE];
	_ =	sdelay $0x1  }
0x8a: {  	s1 =	srdreg.scid  }
0x8b: {  	s0 =	sand.u32 $0x1, s1  }
0x8c: {  	s17 =	sshll.u32 s0, $0xA;
	s2 =	sadd.s32 s3, s2  }
0x8d: {  	s2 =	sadd.s32 s2, s17  }
0x8e: {  	[smem:$0x3FBA] =	sst s2  }
0x8f: {  	_ = 	snop  }
0x90: {  	s2 =	sld [smem:$0x3FD0];
	(tm) =	ssettm $0x1  }
0x91: {  	s18 =	sld [smem:$0x3FFB];
	_ =	sdelay $0x3  }
0x92: {  	_ =	strace s18  }
0x93: {  	s3 =	sld [smem:$0x3FFC];
	_ =	sdelay $0x3  }
0x94: {  	_ =	strace s3  }
0x95: {  	s3 =	sld [smem:$0x3FFD];
	_ =	sdelay $0x3  }
0x96: {  	_ =	strace s3  }
0x97: {  	_ =	strace $0x8FFFFFFF  }
0x98: {  	s19 =	sld [smem:$0x3FDB];
	_ =	sdelay $0x1  }
0x99: {  	s4 =	simm.s32 $_scs_section_size  }
0x9a: {  	s5 =	simm.s32 $_size__tile_overlayer_lowered;
	s6 =	simm.s32 $_tile_overlayer_lowered  }
0x9b: {  	s22 =	simm.s32 $0x1BFF;
	s21 =	sshll.u32 s6, $0x1;
	s3 =	sadd.s32 s4, s19  }
0x9c: {  	s7 =	simm.s32 $0x0;
	s20 =	sshll.u32 s5, $0x1;
	s5 =	sadd.s32 s21, s3  }
0x9d: {  	[timem:s7], [sflag:s22] =	dma.local [hbm:s5], s20  }
0x9e: {  	_ =	swait.ge [sflag:s22], s20  }
0x9f: {  	s4 =	ssub.s32 $0x0, s20;
	[sflag:s22] =	ssyncset.done $0x0  }
0xa0: {  	[sflag:s22] =	ssyncadd.s32 s4;
	_ =	sdelay $0x1  }
0xa1: {  	s23 =	simm.s32 $0x1B8B  }
0xa2: {  	_ =	swait.ge [sflag:s23], $0x1  }
0xa3: {  	[sflag:s23] =	ssyncset.done $0x0  }
0xa4: {  	s25 =	simm.s32 $0x1B8E;
	s24 =	sld [smem:$0x3FFE];
	[sflag:s23] =	ssyncadd.s32 $0xFFFFFFFF  }
0xa5: {  	s26 =	simm.s32 $execute0_lowered;
	[smem:$0x3FD2] =	sst s25  }
0xa6: {  	s5 =	sshll.u32 s26, $0x1;
	_ =	strace $0x8000004C;
	[dreg:$0x1] =	wrdreg $0xFFFFFFFF  }
0xa7: {  	s28 =	simm.s32 $_size_execute0_lowered;
	s3 =	sadd.s32 s3, s5;
	[dreg:$0x0] =	wrdreg $0x0  }
0xa8: {  	s5 =	sshll.u32 s28, $0x1;
	[dreg:$0x2] =	wrdreg s3  }
0xa9: {  	[dreg:$0x3] =	wrdreg s5  }
0xaa: {  	[dreg:$0x4] =	wrdreg $0xC0  }
0xab: {  	_ =	task [dreg:s7], $0x5FFFF  }
0xac: {  	[dreg:$0x1] =	wrdreg $0xFFFFFFFF  }
0xad: {  	[dreg:$0x0] =	wrdreg $0x60  }
0xae: {  	[dreg:$0x2] =	wrdreg s2  }
0xaf: {  	[dreg:$0x3] =	wrdreg s24  }
0xb0: {  	[dreg:$0x4] =	wrdreg $0xAA000  }
0xb1: {  	[dreg:$0x5] =	wrdreg $0x9  }
0xb2: {  	_ =	task.clear_ibuf [dreg:s7], $0x6FFFF;
	_ =	strace $0x9000004C  }
0xb3: {  	s29 =	simm.s32 $0x9;
	_ =	strace $0x8000004E  }
0xb4: {  	_ =	swait.ge [sflag:s29], $0x1  }
0xb5: {  	[sflag:s29] =	ssyncadd.s32 $0xFFFFFFFF  }
0xb6: {  	_ =	strace $0x9000004E  }
0xb7: {  	_ =	sfence  }
0xb8: {  	s30 =	sld [smem:$0x0];
	_ =	sdelay $0x2  }
0xb9: {  	s31 =	sshll.u32 s1, $0xD;
	s1 =	sshrl.u32 s1, $0x2  }
0xba: {  	s3 =	sand.u32 $0x4000, s31;
	s1 =	sadd.s32 s1, s30  }
0xbb: {  	s0 =	sor.u32 s3, s0;
	s1 =	sshll.u32 s1, $0x11  }
0xbc: {  	s0 =	sor.u32 s1, s0  }
0xbd: {  	s0 =	sadd.s32 $0x8F2B, s0  }
0xbe: {  	[sflag:s0] =	ssyncadd.remote.s32 $0x1  }
0xbf: {  	_ =	sfence.sel $0xFFFF  }
0xc0: {  	[dreg:$0x0] =	wrdreg $0xFFFFFFFF;
	(pc) =	sbr.abs _section_cstart, $3  }
0xc1: {  	[dreg:$0x1] =	wrdreg $0xFFFFFFFF  }
0xc2: {  	_ =	task.clear_ibuf [dreg:s7], $0x2FFFF;
	_ =	strace $0x9FFFFFFF  }
0xc3: {  	(tm) =	ssettm $0x7FFFFFFF  }
tec
execute0_lowered:
.L_overlay_start_1:
0x0: {  	(tag) =	ssettag $0x1  }
0x1: {  	s2 =	rddreg [dreg:$0x0]  }
0x2: {  	s1 =	srdreg.scid;
	s6 =	rddreg [dreg:$0x1]  }
0x3: {  	s0 =	stileid.u32;
	s3 =	rddreg [dreg:$0x2];
	s4 =	simm.s32 $0x0  }
0x4: {  	s13 =	simm.s32 $0x3;
	s14 =	simm.s32 $0x2A00;
	s15 =	simm.s32 $0x80  }
0x5: {  	s16 =	simm.s32 $0x2800;
	s17 =	simm.s32 $0x2880;
	s18 =	simm.s32 $0x6A00  }
0x6: {  	s19 =	simm.s32 $0x1;
	s20 =	simm.s32 $0x2900;
	s21 =	simm.s32 $0x2  }
0x7: {  	s22 =	simm.s32 $0x2980;
	s24 =	simm.s32 $0x0;
	s5 =	sand.u32 $0x1, s1  }
0x8: {  	s28 =	sshll.u32 s0, $0x1;
	s9 =	smul.u32 $0x13C00, s0;
	[smem:$0x7FF] =	sst s4  }
0x9: {  	s10 =	smul.u32 $0x4F000, s0;
	s23 =	sshll.u32 s0, $0x6;
	s1 =	sor.u32 s5, s28  }
0xa: {  	s8 =	smul.u32 $0x13C000, s5;
	s29 =	ssub.s32 $0x2, s5;
	s23 =	sor.u32 $0x1C03, s23  }
0xb: {  	s7 =	smul.u32 $0x500, s1;
	s1 =	rddreg [dreg:$0x3];
	_ =	strace $0x8000004D  }
0xc: {  	s30 =	sshrl.u32 s10, $0x2;
	s31 =	sshrl.u32 s29, $0x1;
	s8 =	sadd.s32 s9, s8  }
0xd: {  	s5 =	sadd.s32 s30, s3;
	s9 =	ssub.s32 s29, s31;
	s7 =	sadd.s32 s7, s6  }
0xe: {  	s8 =	sshrl.u32 s8, $0x3;
	s9 =	smax.u32 s9, $0x1;
	s10 =	sadd.s32 $0x4000, s5  }
0xf: {  	s11 =	sadd.s32 $0x8000, s5;
	s12 =	sadd.s32 $0xC000, s5;
	s8 =	sadd.s32 s8, s6  }
0x10: {  	v0 =	vimm.f32 $0.0e+00;
	s6 =	sadd.s32 $0x3600, s7;
	s7 =	sadd.s32 $0x10000, s5;
	s8 =	sadd.s32 $0xD600, s8  }
.LBB2_1:
0x11: {  	[tilespmem:s4], [sflag:$0x3] =	stream.linear.gather [hbm4b:s6+s4], $0x2800, $0x38;
	[tilespmem:$0x1E600] =	vst v63  }
0x12: {  	_ =	swait.ge [sflag:s13], $0x2800  }
0x13: {  	[sflag:s13] =	ssyncset.done $0x0  }
0x14: {  	s25 =	simm.s32 $0x0;
	s26 =	simm.s32 $0x200;
	[sflag:s13] =	ssyncadd.s32 $0xFFFFD800  }
.LBB2_2:
0x15: {  	p0 =	sne.s32 s26, $0xFE00;
	[tilespmem:s25+$0x2A70] =	vst v0  }
0x16: {  	[tilespmem:s25+$0x2A00] =	vst v0  }
0x17: {  	[tilespmem:s25+$0x2A10] =	vst v0  }
.Ltmp0:
0x18: {  	[tilespmem:s25+$0x2A20] =	vst v0;
	(pc) =	sbr.rel @p0 .LBB2_2-.Ltmp0, $4  }
0x19: {  	[tilespmem:s25+$0x2A30] =	vst v0  }
0x1a: {  	[tilespmem:s25+$0x2A40] =	vst v0  }
0x1b: {  	[tilespmem:s25+$0x2A50] =	vst v0  }
0x1c: {  	[tilespmem:s25+$0x2A60] =	vst v0;
	s25 =	sshra.s32 s26, $0x2;
	s26 =	sadd.s32 $0x200, s26  }
0x1d: {  	[tilespmem:s25+$0x2A70] =	vst v0  }
0x1e: {  	[tilespmem:s25+$0x2A00] =	vst v0  }
0x1f: {  	[tilespmem:s25+$0x2A10] =	vst v0  }
0x20: {  	[tilespmem:s25+$0x2A20] =	vst v0  }
0x21: {  	[tilespmem:s25+$0x2A30] =	vst v0  }
0x22: {  	[tilespmem:s25+$0x2A40] =	vst v0  }
0x23: {  	[tilespmem:s25+$0x2A50] =	vst v0  }
0x24: {  	[tilespmem:s25+$0x2A60] =	vst v0  }
0x25: {  	[spmem:s5] =	stream.linear.scatter [tilespmem:s14], [sflag:$0x3], $0x4000, $0x38;
	[tilespmem:$0x1E600] =	vst v63  }
0x26: {  	_ =	swait.ge [sflag:s13], $0x4000  }
0x27: {  	[sflag:s13] =	ssyncset.done $0x0  }
0x28: {  	[sflag:s13] =	ssyncadd.s32 $0xFFFFC000  }
0x29: {  	[spmem:s10] =	stream.linear.scatter [tilespmem:s14], [sflag:$0x3], $0x4000, $0x38;
	[tilespmem:$0x1E600] =	vst v63  }
0x2a: {  	_ =	swait.ge [sflag:s13], $0x4000  }
0x2b: {  	[sflag:s13] =	ssyncset.done $0x0  }
0x2c: {  	[sflag:s13] =	ssyncadd.s32 $0xFFFFC000  }
0x2d: {  	[spmem:s11] =	stream.linear.scatter [tilespmem:s14], [sflag:$0x3], $0x4000, $0x38;
	[tilespmem:$0x1E600] =	vst v63  }
0x2e: {  	_ =	swait.ge [sflag:s13], $0x4000  }
0x2f: {  	[sflag:s13] =	ssyncset.done $0x0  }
0x30: {  	[sflag:s13] =	ssyncadd.s32 $0xFFFFC000  }
0x31: {  	[spmem:s12] =	stream.linear.scatter [tilespmem:s14], [sflag:$0x3], $0x4000, $0x38;
	[tilespmem:$0x1E600] =	vst v63  }
0x32: {  	_ =	swait.ge [sflag:s13], $0x4000  }
0x33: {  	[sflag:s13] =	ssyncset.done $0x0  }
0x34: {  	[sflag:s13] =	ssyncadd.s32 $0xFFFFC000  }
0x35: {  	[spmem:s7] =	stream.linear.scatter [tilespmem:s14], [sflag:$0x3], $0x3C00, $0x38;
	[tilespmem:$0x1E600] =	vst v63  }
0x36: {  	_ =	swait.ge [sflag:s13], $0x3C00  }
0x37: {  	[sflag:s13] =	ssyncset.done $0x0  }
0x38: {  	[sflag:s13] =	ssyncadd.s32 $0xFFFFC400  }
0x39: {  	[bflag:$0x0] =	sbarrier.arrive $0xFFFF  }
0x3a: {  	v1 =	vld [tilespmem:$0x0];
	_ =	sdelay $0x1  }
0x3b: {  	v2 =	vld [tilespmem:$0x10];
	_ =	sdelay $0x1  }
0x3c: {  	v3 =	vld [tilespmem:$0x20]  }
0x3d: {  	v4 =	vand.u32 $0xFFFF, v1  }
0x3e: {  	v59 =	vld [tilespmem:$0x30];
	v1 =	vshra.s32 v1, $0x10;
	[tilespmem:$0x2800] =	vst v4  }
0x3f: {  	[tilespmem:$0x2900] =	vst v1;
	v1 =	vand.u32 $0xFFFF, v2  }
0x40: {  	[tilespmem:$0x2810] =	vst v1;
	v1 =	vshra.s32 v2, $0x10;
	v2 =	vld [tilespmem:$0x40]  }
0x41: {  	[tilespmem:$0x2910] =	vst v1;
	v1 =	vand.u32 $0xFFFF, v3  }
0x42: {  	[tilespmem:$0x2820] =	vst v1;
	v1 =	vshra.s32 v3, $0x10;
	v3 =	vld [tilespmem:$0x50]  }
0x43: {  	[tilespmem:$0x2920] =	vst v1;
	v1 =	vand.u32 $0xFFFF, v59  }
0x44: {  	v60 =	vld [tilespmem:$0x60];
	[tilespmem:$0x2830] =	vst v1;
	v1 =	vshra.s32 v59, $0x10  }
0x45: {  	[tilespmem:$0x2930] =	vst v1;
	v1 =	vand.u32 $0xFFFF, v2  }
0x46: {  	[tilespmem:$0x2840] =	vst v1;
	v1 =	vshra.s32 v2, $0x10;
	v2 =	vld [tilespmem:$0x70]  }
0x47: {  	[tilespmem:$0x2940] =	vst v1;
	v1 =	vand.u32 $0xFFFF, v3  }
0x48: {  	[tilespmem:$0x2850] =	vst v1;
	v1 =	vshra.s32 v3, $0x10  }
0x49: {  	[tilespmem:$0x2950] =	vst v1;
	v1 =	vand.u32 $0xFFFF, v60  }
0x4a: {  	[tilespmem:$0x2860] =	vst v1;
	v1 =	vshra.s32 v60, $0x10  }
0x4b: {  	[tilespmem:$0x2960] =	vst v1;
	v1 =	vand.u32 $0xFFFF, v2  }
0x4c: {  	[tilespmem:$0x2870] =	vst v1;
	v1 =	vshra.s32 v2, $0x10  }
0x4d: {  	[tilespmem:$0x2970] =	vst v1  }
0x4e: {  	[tilespmem:s14], [sflag:$0x1] =	stream.indirect.gather [hbm4b:s2+s15], $0x80, s16, s15, $0xb8;
	[tilespmem:$0x1E600] =	vst v63  }
0x4f: {  	v1 =	vld [tilespmem:$0x80];
	_ =	sdelay $0x1  }
0x50: {  	v2 =	vld [tilespmem:$0x90];
	_ =	sdelay $0x1  }
0x51: {  	v3 =	vld [tilespmem:$0xA0]  }
0x52: {  	v61 =	vand.u32 $0xFFFF, v1  }
0x53: {  	v62 =	vld [tilespmem:$0xB0];
	v1 =	vshra.s32 v1, $0x10;
	[tilespmem:$0x2880] =	vst v61  }
0x54: {  	[tilespmem:$0x2980] =	vst v1;
	v1 =	vand.u32 $0xFFFF, v2  }
0x55: {  	[tilespmem:$0x2890] =	vst v1;
	v1 =	vshra.s32 v2, $0x10;
	v2 =	vld [tilespmem:$0xC0]  }
0x56: {  	[tilespmem:$0x2990] =	vst v1;
	v1 =	vand.u32 $0xFFFF, v3  }
0x57: {  	[tilespmem:$0x28A0] =	vst v1;
	v1 =	vshra.s32 v3, $0x10;
	v3 =	vld [tilespmem:$0xD0]  }
0x58: {  	[tilespmem:$0x29A0] =	vst v1;
	v1 =	vand.u32 $0xFFFF, v62  }
0x59: {  	v63 =	vld [tilespmem:$0xE0];
	[tilespmem:$0x28B0] =	vst v1;
	v1 =	vshra.s32 v62, $0x10  }
0x5a: {  	[tilespmem:$0x29B0] =	vst v1;
	v1 =	vand.u32 $0xFFFF, v2  }
0x5b: {  	[tilespmem:$0x28C0] =	vst v1;
	v1 =	vshra.s32 v2, $0x10;
	v2 =	vld [tilespmem:$0xF0]  }
0x5c: {  	[tilespmem:$0x29C0] =	vst v1;
	v1 =	vand.u32 $0xFFFF, v3  }
0x5d: {  	[tilespmem:$0x28D0] =	vst v1;
	v1 =	vshra.s32 v3, $0x10  }
0x5e: {  	[tilespmem:$0x29D0] =	vst v1;
	v1 =	vand.u32 $0xFFFF, v63  }
0x5f: {  	[tilespmem:$0x28E0] =	vst v1;
	v1 =	vshra.s32 v63, $0x10  }
0x60: {  	[tilespmem:$0x29E0] =	vst v1;
	v1 =	vand.u32 $0xFFFF, v2  }
0x61: {  	[tilespmem:$0x28F0] =	vst v1;
	v1 =	vshra.s32 v2, $0x10  }
0x62: {  	[tilespmem:$0x29F0] =	vst v1  }
0x63: {  	[tilespmem:s18], [sflag:$0x2] =	stream.indirect.gather [hbm4b:s2+s15], $0x80, s17, s15, $0xb8;
	[tilespmem:$0x1E600] =	vst v63  }
0x64: {  	_ =	swait.ge [sflag:s19], $0x4000  }
0x65: {  	[sflag:s19] =	ssyncset.done $0x0  }
0x66: {  	[sflag:s19] =	ssyncadd.s32 $0xFFFFC000  }
0x67: {  	[spmem:s3] =	stream.indirect.scatter.add.f32 [tilespmem:s14], [sflag:$0x3], $0x80, s20, s15, $0xb8;
	[tilespmem:$0x1E600] =	vst v63  }
0x68: {  	_ =	swait.ge [sflag:s13], $0x4000  }
0x69: {  	[sflag:s13] =	ssyncset.done $0x0  }
0x6a: {  	s25 =	simm.s32 $0x1F0;
	[sflag:s13] =	ssyncadd.s32 $0xFFFFC000  }
0x6b: {  	v1 =	vld [tilespmem:s25+$0xFFFFFF10];
	_ =	sdelay $0x4  }
0x6c: {  	v2 =	vand.u32 $0xFFFF, v1  }
0x6d: {  	v1 =	vshra.s32 v1, $0x10;
	[tilespmem:$0x2800] =	vst v2  }
0x6e: {  	[tilespmem:$0x2900] =	vst v1  }
0x6f: {  	v1 =	vld [tilespmem:s25+$0xFFFFFF20];
	_ =	sdelay $0x4  }
0x70: {  	v2 =	vand.u32 $0xFFFF, v1  }
0x71: {  	v1 =	vshra.s32 v1, $0x10;
	[tilespmem:$0x2810] =	vst v2  }
0x72: {  	[tilespmem:$0x2910] =	vst v1  }
0x73: {  	v1 =	vld [tilespmem:s25+$0xFFFFFF30];
	_ =	sdelay $0x4  }
0x74: {  	v2 =	vand.u32 $0xFFFF, v1  }
0x75: {  	v1 =	vshra.s32 v1, $0x10;
	[tilespmem:$0x2820] =	vst v2  }
0x76: {  	[tilespmem:$0x2920] =	vst v1  }
0x77: {  	v1 =	vld [tilespmem:s25+$0xFFFFFF40];
	_ =	sdelay $0x4  }
0x78: {  	v2 =	vand.u32 $0xFFFF, v1  }
0x79: {  	v1 =	vshra.s32 v1, $0x10;
	[tilespmem:$0x2830] =	vst v2  }
0x7a: {  	[tilespmem:$0x2930] =	vst v1  }
0x7b: {  	v1 =	vld [tilespmem:s25+$0xFFFFFF50];
	_ =	sdelay $0x4  }
0x7c: {  	v2 =	vand.u32 $0xFFFF, v1  }
0x7d: {  	v1 =	vshra.s32 v1, $0x10;
	[tilespmem:$0x2840] =	vst v2  }
0x7e: {  	[tilespmem:$0x2940] =	vst v1  }
0x7f: {  	v1 =	vld [tilespmem:s25+$0xFFFFFF60];
	_ =	sdelay $0x4  }
0x80: {  	v2 =	vand.u32 $0xFFFF, v1  }
0x81: {  	v1 =	vshra.s32 v1, $0x10;
	[tilespmem:$0x2850] =	vst v2  }
0x82: {  	[tilespmem:$0x2950] =	vst v1  }
0x83: {  	v1 =	vld [tilespmem:s25+$0xFFFFFF70];
	_ =	sdelay $0x4  }
0x84: {  	v2 =	vand.u32 $0xFFFF, v1  }
0x85: {  	v1 =	vshra.s32 v1, $0x10;
	[tilespmem:$0x2860] =	vst v2  }
0x86: {  	[tilespmem:$0x2960] =	vst v1  }
0x87: {  	v1 =	vld [tilespmem:s25+$0xFFFFFF80];
	_ =	sdelay $0x4  }
0x88: {  	v2 =	vand.u32 $0xFFFF, v1  }
0x89: {  	v1 =	vshra.s32 v1, $0x10;
	[tilespmem:$0x2870] =	vst v2  }
0x8a: {  	[tilespmem:$0x2970] =	vst v1  }
0x8b: {  	[tilespmem:s14], [sflag:$0x1] =	stream.indirect.gather [hbm4b:s2+s15], $0x80, s16, s15, $0xb8;
	[tilespmem:$0x1E600] =	vst v63  }
0x8c: {  	_ =	swait.ge [sflag:s21], $0x4000  }
0x8d: {  	[sflag:s21] =	ssyncset.done $0x0  }
0x8e: {  	[sflag:s21] =	ssyncadd.s32 $0xFFFFC000  }
0x8f: {  	[spmem:s3] =	stream.indirect.scatter.add.f32 [tilespmem:s18], [sflag:$0x3], $0x80, s22, s15, $0xb8;
	[tilespmem:$0x1E600] =	vst v63  }
0x90: {  	_ =	swait.ge [sflag:s13], $0x4000  }
0x91: {  	[sflag:s13] =	ssyncset.done $0x0  }
0x92: {  	[sflag:s13] =	ssyncadd.s32 $0xFFFFC000  }
0x93: {  	v1 =	vld [tilespmem:s25+$0xFFFFFF90];
	_ =	sdelay $0x4  }
0x94: {  	v2 =	vand.u32 $0xFFFF, v1  }
0x95: {  	v1 =	vshra.s32 v1, $0x10;
	[tilespmem:$0x2880] =	vst v2  }
0x96: {  	[tilespmem:$0x2980] =	vst v1  }
0x97: {  	v1 =	vld [tilespmem:s25+$0xFFFFFFA0];
	_ =	sdelay $0x4  }
0x98: {  	v2 =	vand.u32 $0xFFFF, v1  }
0x99: {  	v1 =	vshra.s32 v1, $0x10;
	[tilespmem:$0x2890] =	vst v2  }
0x9a: {  	[tilespmem:$0x2990] =	vst v1  }
0x9b: {  	v1 =	vld [tilespmem:s25+$0xFFFFFFB0];
	_ =	sdelay $0x4  }
0x9c: {  	v2 =	vand.u32 $0xFFFF, v1  }
0x9d: {  	v1 =	vshra.s32 v1, $0x10;
	[tilespmem:$0x28A0] =	vst v2  }
0x9e: {  	[tilespmem:$0x29A0] =	vst v1  }
0x9f: {  	v1 =	vld [tilespmem:s25+$0xFFFFFFC0];
	_ =	sdelay $0x4  }
0xa0: {  	v2 =	vand.u32 $0xFFFF, v1  }
0xa1: {  	v1 =	vshra.s32 v1, $0x10;
	[tilespmem:$0x28B0] =	vst v2  }
0xa2: {  	[tilespmem:$0x29B0] =	vst v1  }
0xa3: {  	v1 =	vld [tilespmem:s25+$0xFFFFFFD0];
	_ =	sdelay $0x4  }
0xa4: {  	v2 =	vand.u32 $0xFFFF, v1  }
0xa5: {  	v1 =	vshra.s32 v1, $0x10;
	[tilespmem:$0x28C0] =	vst v2  }
0xa6: {  	[tilespmem:$0x29C0] =	vst v1  }
0xa7: {  	v1 =	vld [tilespmem:s25+$0xFFFFFFE0];
	_ =	sdelay $0x4  }
0xa8: {  	v2 =	vand.u32 $0xFFFF, v1  }
0xa9: {  	v1 =	vshra.s32 v1, $0x10;
	[tilespmem:$0x28D0] =	vst v2  }
0xaa: {  	s26 =	simm.s32 $0xBC0;
	[tilespmem:$0x29D0] =	vst v1  }
.LBB2_4:
0xab: {  	p0 =	sne.s32 s26, $0x9FC0;
	v1 =	vld [tilespmem:s25+$0xFFFFFFF0];
	s28 =	smov.u32 s26;
	s26 =	sadd.s32 $0x400, s26  }
0xac: {  	_ =	sdelay $0x3  }
0xad: {  	v2 =	vand.u32 $0xFFFF, v1;
	v1 =	vshra.s32 v1, $0x10  }
0xae: {  	[tilespmem:$0x28E0] =	vst v2  }
0xaf: {  	[tilespmem:$0x29E0] =	vst v1  }
0xb0: {  	v1 =	vld [tilespmem:s25+$0x0];
	_ =	sdelay $0x4  }
0xb1: {  	v2 =	vand.u32 $0xFFFF, v1;
	v1 =	vshra.s32 v1, $0x10  }
0xb2: {  	[tilespmem:$0x28F0] =	vst v2  }
0xb3: {  	[tilespmem:$0x29F0] =	vst v1  }
0xb4: {  	[tilespmem:s18], [sflag:$0x2] =	stream.indirect.gather [hbm4b:s2+s15], $0x80, s17, s15, $0xb8;
	[tilespmem:$0x1E600] =	vst v63  }
0xb5: {  	_ =	swait.ge [sflag:s19], $0x4000  }
0xb6: {  	[sflag:s19] =	ssyncset.done $0x0  }
0xb7: {  	[sflag:s19] =	ssyncadd.s32 $0xFFFFC000  }
0xb8: {  	[spmem:s3] =	stream.indirect.scatter.add.f32 [tilespmem:s14], [sflag:$0x3], $0x80, s20, s15, $0xb8;
	[tilespmem:$0x1E600] =	vst v63  }
0xb9: {  	_ =	swait.ge [sflag:s13], $0x4000  }
0xba: {  	[sflag:s13] =	ssyncset.done $0x0  }
0xbb: {  	s25 =	sshra.s32 s28, $0x2;
	[sflag:s13] =	ssyncadd.s32 $0xFFFFC000  }
0xbc: {  	v1 =	vld [tilespmem:s25+$0xFFFFFF10];
	_ =	sdelay $0x4  }
0xbd: {  	v2 =	vand.u32 $0xFFFF, v1;
	v1 =	vshra.s32 v1, $0x10  }
0xbe: {  	[tilespmem:$0x2800] =	vst v2  }
0xbf: {  	[tilespmem:$0x2900] =	vst v1  }
0xc0: {  	v1 =	vld [tilespmem:s25+$0xFFFFFF20];
	_ =	sdelay $0x4  }
0xc1: {  	v2 =	vand.u32 $0xFFFF, v1;
	v1 =	vshra.s32 v1, $0x10  }
0xc2: {  	[tilespmem:$0x2810] =	vst v2  }
0xc3: {  	[tilespmem:$0x2910] =	vst v1  }
0xc4: {  	v1 =	vld [tilespmem:s25+$0xFFFFFF30];
	_ =	sdelay $0x4  }
0xc5: {  	v2 =	vand.u32 $0xFFFF, v1;
	v1 =	vshra.s32 v1, $0x10  }
0xc6: {  	[tilespmem:$0x2820] =	vst v2  }
0xc7: {  	[tilespmem:$0x2920] =	vst v1  }
0xc8: {  	v1 =	vld [tilespmem:s25+$0xFFFFFF40];
	_ =	sdelay $0x4  }
0xc9: {  	v2 =	vand.u32 $0xFFFF, v1;
	v1 =	vshra.s32 v1, $0x10  }
0xca: {  	[tilespmem:$0x2830] =	vst v2  }
0xcb: {  	[tilespmem:$0x2930] =	vst v1  }
0xcc: {  	v1 =	vld [tilespmem:s25+$0xFFFFFF50];
	_ =	sdelay $0x4  }
0xcd: {  	v2 =	vand.u32 $0xFFFF, v1;
	v1 =	vshra.s32 v1, $0x10  }
0xce: {  	[tilespmem:$0x2840] =	vst v2  }
0xcf: {  	[tilespmem:$0x2940] =	vst v1  }
0xd0: {  	v1 =	vld [tilespmem:s25+$0xFFFFFF60];
	_ =	sdelay $0x4  }
0xd1: {  	v2 =	vand.u32 $0xFFFF, v1;
	v1 =	vshra.s32 v1, $0x10  }
0xd2: {  	[tilespmem:$0x2850] =	vst v2  }
0xd3: {  	[tilespmem:$0x2950] =	vst v1  }
0xd4: {  	v1 =	vld [tilespmem:s25+$0xFFFFFF70];
	_ =	sdelay $0x4  }
0xd5: {  	v2 =	vand.u32 $0xFFFF, v1;
	v1 =	vshra.s32 v1, $0x10  }
0xd6: {  	[tilespmem:$0x2860] =	vst v2  }
0xd7: {  	[tilespmem:$0x2960] =	vst v1  }
0xd8: {  	v1 =	vld [tilespmem:s25+$0xFFFFFF80];
	_ =	sdelay $0x4  }
0xd9: {  	v2 =	vand.u32 $0xFFFF, v1;
	v1 =	vshra.s32 v1, $0x10  }
0xda: {  	[tilespmem:$0x2870] =	vst v2  }
0xdb: {  	[tilespmem:$0x2970] =	vst v1  }
0xdc: {  	[tilespmem:s14], [sflag:$0x1] =	stream.indirect.gather [hbm4b:s2+s15], $0x80, s16, s15, $0xb8;
	[tilespmem:$0x1E600] =	vst v63  }
0xdd: {  	_ =	swait.ge [sflag:s21], $0x4000  }
0xde: {  	[sflag:s21] =	ssyncset.done $0x0  }
0xdf: {  	[sflag:s21] =	ssyncadd.s32 $0xFFFFC000  }
0xe0: {  	[spmem:s3] =	stream.indirect.scatter.add.f32 [tilespmem:s18], [sflag:$0x3], $0x80, s22, s15, $0xb8;
	[tilespmem:$0x1E600] =	vst v63  }
0xe1: {  	_ =	swait.ge [sflag:s13], $0x4000  }
0xe2: {  	[sflag:s13] =	ssyncset.done $0x0  }
0xe3: {  	[sflag:s13] =	ssyncadd.s32 $0xFFFFC000  }
0xe4: {  	v1 =	vld [tilespmem:s25+$0xFFFFFF90];
	_ =	sdelay $0x4  }
0xe5: {  	v2 =	vand.u32 $0xFFFF, v1;
	v1 =	vshra.s32 v1, $0x10  }
0xe6: {  	[tilespmem:$0x2880] =	vst v2  }
0xe7: {  	[tilespmem:$0x2980] =	vst v1  }
0xe8: {  	v1 =	vld [tilespmem:s25+$0xFFFFFFA0];
	_ =	sdelay $0x4  }
0xe9: {  	v2 =	vand.u32 $0xFFFF, v1;
	v1 =	vshra.s32 v1, $0x10  }
0xea: {  	[tilespmem:$0x2890] =	vst v2  }
0xeb: {  	[tilespmem:$0x2990] =	vst v1  }
0xec: {  	v1 =	vld [tilespmem:s25+$0xFFFFFFB0];
	_ =	sdelay $0x4  }
0xed: {  	v2 =	vand.u32 $0xFFFF, v1;
	v1 =	vshra.s32 v1, $0x10  }
0xee: {  	[tilespmem:$0x28A0] =	vst v2  }
0xef: {  	[tilespmem:$0x29A0] =	vst v1  }
0xf0: {  	v1 =	vld [tilespmem:s25+$0xFFFFFFC0];
	_ =	sdelay $0x4  }
0xf1: {  	v2 =	vand.u32 $0xFFFF, v1;
	v1 =	vshra.s32 v1, $0x10  }
0xf2: {  	[tilespmem:$0x28B0] =	vst v2  }
0xf3: {  	[tilespmem:$0x29B0] =	vst v1  }
0xf4: {  	v1 =	vld [tilespmem:s25+$0xFFFFFFD0];
	_ =	sdelay $0x4  }
0xf5: {  	v2 =	vand.u32 $0xFFFF, v1;
	v1 =	vshra.s32 v1, $0x10  }
0xf6: {  	[tilespmem:$0x28C0] =	vst v2  }
0xf7: {  	[tilespmem:$0x29C0] =	vst v1  }
0xf8: {  	v1 =	vld [tilespmem:s25+$0xFFFFFFE0];
	_ =	sdelay $0x2  }
.Ltmp1:
0xf9: {  	(pc) =	sbr.rel @p0 .LBB2_4-.Ltmp1, $4  }
0xfa: {  	_ = 	snop  }
0xfb: {  	v2 =	vand.u32 $0xFFFF, v1;
	v1 =	vshra.s32 v1, $0x10  }
0xfc: {  	[tilespmem:$0x28D0] =	vst v2  }
0xfd: {  	[tilespmem:$0x29D0] =	vst v1  }
0xfe: {  	v1 =	vld [tilespmem:s25+$0xFFFFFFF0];
	_ =	sdelay $0x4  }
0xff: {  	v2 =	vand.u32 $0xFFFF, v1  }
0x100: {  	v1 =	vshra.s32 v1, $0x10;
	[tilespmem:$0x28E0] =	vst v2  }
0x101: {  	[tilespmem:$0x29E0] =	vst v1  }
0x102: {  	v1 =	vld [tilespmem:s25+$0x0];
	_ =	sdelay $0x4  }
0x103: {  	v2 =	vand.u32 $0xFFFF, v1  }
0x104: {  	v1 =	vshra.s32 v1, $0x10;
	[tilespmem:$0x28F0] =	vst v2  }
0x105: {  	[tilespmem:$0x29F0] =	vst v1  }
0x106: {  	[tilespmem:s18], [sflag:$0x2] =	stream.indirect.gather [hbm4b:s2+s15], $0x80, s17, s15, $0xb8;
	[tilespmem:$0x1E600] =	vst v63  }
0x107: {  	_ =	swait.ge [sflag:s19], $0x4000  }
0x108: {  	[sflag:s19] =	ssyncset.done $0x0  }
0x109: {  	[sflag:s19] =	ssyncadd.s32 $0xFFFFC000  }
0x10a: {  	[spmem:s3] =	stream.indirect.scatter.add.f32 [tilespmem:s14], [sflag:$0x3], $0x80, s20, s15, $0xb8;
	[tilespmem:$0x1E600] =	vst v63  }
0x10b: {  	_ =	swait.ge [sflag:s13], $0x4000  }
0x10c: {  	[sflag:s13] =	ssyncset.done $0x0  }
0x10d: {  	[sflag:s13] =	ssyncadd.s32 $0xFFFFC000  }
0x10e: {  	_ =	swait.ge [sflag:s21], $0x4000  }
0x10f: {  	[sflag:s21] =	ssyncset.done $0x0  }
0x110: {  	[sflag:s21] =	ssyncadd.s32 $0xFFFFC000  }
0x111: {  	[spmem:s3] =	stream.indirect.scatter.add.f32 [tilespmem:s18], [sflag:$0x3], $0x80, s22, s15, $0xb8;
	[tilespmem:$0x1E600] =	vst v63  }
0x112: {  	_ =	swait.ge [sflag:s13], $0x4000  }
0x113: {  	s24 =	sadd.s32 $0x1, s24;
	[sflag:s13] =	ssyncset.done $0x0  }
0x114: {  	p0 =	sne.s32 s24, s9;
	[sflag:s13] =	ssyncadd.s32 $0xFFFFC000  }
.Ltmp2:
0x115: {  	s31 =	sshrl.u32 s5, $0x3;
	[bflag:$0x0] =	sbarrier.arrive $0xFFFF;
	(pc) =	sbr.rel @p0 .LBB2_1-.Ltmp2, $4  }
0x116: {  	[hbm:s8], [sflag:s23] =	dma.local [spmem:s31], $0x2780  }
0x117: {  	_ =	swait.ge [sflag:s13], $0x2780  }
0x118: {  	[sflag:s13] =	ssyncset.done $0x0  }
0x119: {  	[sflag:s13] =	ssyncadd.s32 $0xFFFFD880  }
0x11a: {  	_ =	sfence.sel $0x180000  }
0x11b: {  	[bflag:$0x0] =	sbarrier.arrive $0xFFFF  }
0x11c: {  	p0 =	sne.s32 s0, $0x0;
	_ =	strace $0x9000004D  }
0x11d: {  	s0 =	sadd.s32 @!p0 $0x100000, s1;
	[bflag:$0x2] =	sbarrier.arrive $0xFFFF  }
0x11e: {  	[sflag:s0] =	ssyncadd.tile.s32 @!p0 $0x1;
	_ =	shalt  }
.Lfunc_end2:
_tile_overlayer_lowered:
.L_overlay_start_2:
0x11f: {  	(tag) =	ssettag $0x2  }
0x120: {  	s0 =	rddreg [dreg:$0x0];
	s2 =	stileid.u32  }
0x121: {  	s1 =	rddreg [dreg:$0x1];
	p0 =	sne.s32 s2, $0x0  }
0x122: {  	s3 =	rddreg [dreg:$0x2];
	[bflag:$0x3] =	sbarrier.arrive $0xFFFF;
	s2 =	simm.s32 @!p0 $0x1C03  }
0x123: {  	[timem:s3], [sflag:s2] =	dma.local @!p0 [hbm:s0], s1  }
0x124: {  	s0 =	simm.s32 @!p0 $0x3  }
0x125: {  	_ =	swait.ge @!p0 [sflag:s0], s1  }
0x126: {  	s1 =	ssub.s32 @!p0 $0x0, s1;
	[sflag:s0] =	ssyncset.done @!p0 $0x0  }
0x127: {  	[sflag:s0] =	ssyncadd.s32 @!p0 s1  }
0x128: {  	[bflag:$0x3] =	sbarrier.arrive $0xFFFF  }
0x129: {  	_ =	shalt  }

</sc_bundles>
